<compile_context>
chip_gen: v7x
topology: tpu7x:2x2x1
jax: 0.10.2.dev20260603
libtpu: 0.0.44.dev20260713+nightly
codegen_flags: <defaults>
</compile_context>

<pallas_src>
import functools

import jax
import jax.numpy as jnp
from jax import lax
from jax.experimental import pallas as pl
from jax.experimental.pallas import tpu as pltpu
from jax.experimental.pallas import tpu_sc as plsc

N = 100000
E = 100000
IN_C = 70
HID = 128
OUT_C = 70
ED = 4

NW = 32
GB = 128
EPW = 3200
EP = NW * EPW
NBG = EPW // GB

ROW_BLK = 2000
EBLK = 2048
CB = 1024

_f32 = jnp.float32


def _ln(t, g, b):
    m = jnp.mean(t, axis=-1, keepdims=True)
    v = jnp.mean(jnp.square(t - m), axis=-1, keepdims=True)
    return (t - m) * lax.rsqrt(v + 1e-5) * g + b


def _silu(t):
    return t * jax.nn.sigmoid(t)


def _dot(a, b):
    return jnp.dot(a, b, preferred_element_type=_f32)


def _full(shape):
    return pl.BlockSpec(shape, lambda i: (0, 0))




def _enc_body(x_ref, w_ref, b_ref, g_ref, bt_ref, o_ref):
    t = _dot(x_ref[...], w_ref[...]) + b_ref[...]
    o_ref[...] = _silu(_ln(t, g_ref[...], bt_ref[...]))


def _tc_encoder(x, w, b, g, bt):
    return pl.pallas_call(
        _enc_body,
        grid=(N // ROW_BLK,),
        in_specs=[
            pl.BlockSpec((ROW_BLK, IN_C), lambda i: (i, 0)),
            _full((IN_C, HID)),
            _full((1, HID)),
            _full((1, HID)),
            _full((1, HID)),
        ],
        out_specs=pl.BlockSpec((ROW_BLK, HID), lambda i: (i, 0)),
        out_shape=jax.ShapeDtypeStruct((N, HID), _f32),
    )(x, w, b.reshape(1, HID), g.reshape(1, HID), bt.reshape(1, HID))


def _send_body(g_ref, ea_ref, w1_ref, w2_ref, b_ref, gg_ref, bt_ref, o_ref):
    t = _dot(g_ref[...], w1_ref[...]) + _dot(ea_ref[...], w2_ref[...]) + b_ref[...]
    o_ref[...] = _silu(_ln(t, gg_ref[...], bt_ref[...]))


def _tc_sender(g, ea, lp):
    return pl.pallas_call(
        _send_body,
        grid=(EP // EBLK,),
        in_specs=[
            pl.BlockSpec((EBLK, HID), lambda i: (i, 0)),
            pl.BlockSpec((EBLK, ED), lambda i: (i, 0)),
            _full((HID, HID)),
            _full((ED, HID)),
            _full((1, HID)),
            _full((1, HID)),
            _full((1, HID)),
        ],
        out_specs=pl.BlockSpec((EBLK, HID), lambda i: (i, 0)),
        out_shape=jax.ShapeDtypeStruct((EP, HID), _f32),
    )(
        g, ea, lp["s_W"][:HID], lp["s_W"][HID:],
        lp["s_b"].reshape(1, HID), lp["s_g"].reshape(1, HID),
        lp["s_beta"].reshape(1, HID),
    )


def _cum_body(x_ref, l_ref, o_ref, carry_ref):
    @pl.when(pl.program_id(0) == 0)
    def _():
        carry_ref[...] = jnp.zeros_like(carry_ref)

    c = carry_ref[...]
    blk = x_ref[...]
    o_ref[...] = c + _dot(l_ref[...], blk)
    carry_ref[...] = c + jnp.sum(blk, axis=0, keepdims=True)


def _tc_exclusive_prefix(s_out, ltri):
    return pl.pallas_call(
        _cum_body,
        grid=(EP // CB,),
        in_specs=[
            pl.BlockSpec((CB, HID), lambda i: (i, 0)),
            _full((CB, CB)),
        ],
        out_specs=pl.BlockSpec((CB, HID), lambda i: (i, 0)),
        out_shape=jax.ShapeDtypeStruct((EP, HID), _f32),
        scratch_shapes=[pltpu.VMEM((1, HID), _f32)],
    )(s_out, ltri)


def _comb_body(h_ref, glu_ref, deg_ref, ea_ref, r1_ref, r2_ref,
               r3_ref, rb_ref, rg_ref, rbt_ref, n1g_ref, n1b_ref, o_ref):
    h = h_ref[...]
    agg = glu_ref[1] - glu_ref[0]
    invd = 1.0 / jnp.maximum(deg_ref[...], 1.0)
    t = (_dot(h, r1_ref[...]) + _dot(agg, r2_ref[...]) * invd
         + _dot(ea_ref[...], r3_ref[...]) + rb_ref[...])
    u = _silu(_ln(t, rg_ref[...], rbt_ref[...]))
    o_ref[...] = _ln(h + _silu(u), n1g_ref[...], n1b_ref[...])


def _tc_combined(h, glu, deg, ea, lp):
    rw = lp["r_W"]
    return pl.pallas_call(
        _comb_body,
        grid=(N // ROW_BLK,),
        in_specs=[
            pl.BlockSpec((ROW_BLK, HID), lambda i: (i, 0)),
            pl.BlockSpec((2, ROW_BLK, HID), lambda i: (0, i, 0)),
            pl.BlockSpec((ROW_BLK, 1), lambda i: (i, 0)),
            pl.BlockSpec((ROW_BLK, ED), lambda i: (i, 0)),
            _full((HID, HID)),
            _full((HID, HID)),
            _full((ED, HID)),
            _full((1, HID)),
            _full((1, HID)),
            _full((1, HID)),
            _full((1, HID)),
            _full((1, HID)),
        ],
        out_specs=pl.BlockSpec((ROW_BLK, HID), lambda i: (i, 0)),
        out_shape=jax.ShapeDtypeStruct((N, HID), _f32),
    )(
        h, glu, deg, ea, rw[:HID], rw[HID:2 * HID], rw[2 * HID:],
        lp["r_b"].reshape(1, HID), lp["r_g"].reshape(1, HID),
        lp["r_beta"].reshape(1, HID), lp["n1_g"].reshape(1, HID),
        lp["n1_beta"].reshape(1, HID),
    )


def _dec_body(h_ref, x_ref, w1_ref, b1_ref, g_ref, bt_ref, w2_ref, b2_ref,
              rw_ref, rb_ref, o_ref):
    d1 = _silu(_ln(_dot(h_ref[...], w1_ref[...]) + b1_ref[...],
                   g_ref[...], bt_ref[...]))
    o_ref[...] = (_dot(d1, w2_ref[...]) + b2_ref[...]
                  + _dot(x_ref[...], rw_ref[...]) + rb_ref[...])


def _tc_decoder(h, x, p):
    return pl.pallas_call(
        _dec_body,
        grid=(N // ROW_BLK,),
        in_specs=[
            pl.BlockSpec((ROW_BLK, HID), lambda i: (i, 0)),
            pl.BlockSpec((ROW_BLK, IN_C), lambda i: (i, 0)),
            _full((HID, HID)),
            _full((1, HID)),
            _full((1, HID)),
            _full((1, HID)),
            _full((HID, OUT_C)),
            _full((1, OUT_C)),
            _full((IN_C, OUT_C)),
            _full((1, OUT_C)),
        ],
        out_specs=pl.BlockSpec((ROW_BLK, OUT_C), lambda i: (i, 0)),
        out_shape=jax.ShapeDtypeStruct((N, OUT_C), _f32),
    )(
        h, x, p["dec_W1"], p["dec_b1"].reshape(1, HID),
        p["dec_g"].reshape(1, HID), p["dec_beta"].reshape(1, HID),
        p["dec_W2"], p["dec_b2"].reshape(1, OUT_C),
        p["res_W"], p["res_b"].reshape(1, OUT_C),
    )




@functools.cache
def _sc_gather_kernel(table_rows):
    del table_rows
    mesh = plsc.VectorSubcoreMesh(core_axis_name="c", subcore_axis_name="s")

    @functools.partial(
        pl.kernel,
        out_type=jax.ShapeDtypeStruct((EP, HID), _f32),
        mesh=mesh,
        scratch_types=[
            pltpu.VMEM((GB,), jnp.int32),
            pltpu.VMEM((GB, HID), _f32),
            pltpu.SemaphoreType.DMA,
        ],
    )
    def gk(tab_hbm, idx_hbm, out_hbm, idx_v, rows_v, sem):
        wid = lax.axis_index("s") * 2 + lax.axis_index("c")
        base = wid * EPW

        def body(k, _):
            off = base + k * GB
            pltpu.sync_copy(idx_hbm.at[pl.ds(off, GB)], idx_v)
            pltpu.async_copy(tab_hbm.at[idx_v], rows_v, sem).wait()
            pltpu.sync_copy(rows_v, out_hbm.at[pl.ds(off, GB)])
            return 0

        lax.fori_loop(0, NBG, body, 0)

    return gk


def _sc_gather(table, idx_pad):
    return _sc_gather_kernel(table.shape[0])(table, idx_pad)


@functools.cache
def _sc_gather2_kernel():
    mesh = plsc.VectorSubcoreMesh(core_axis_name="c", subcore_axis_name="s")

    @functools.partial(
        pl.kernel,
        out_type=jax.ShapeDtypeStruct((2, EP, HID), _f32),
        mesh=mesh,
        scratch_types=[
            pltpu.VMEM((GB,), jnp.int32),
            pltpu.VMEM((GB, HID), _f32),
            pltpu.SemaphoreType.DMA,
        ],
    )
    def gk(tab_hbm, idx_hbm, out_hbm, idx_v, rows_v, sem):
        wid = lax.axis_index("s") * 2 + lax.axis_index("c")
        base = wid * EPW

        for p in range(2):
            def body(k, _, p=p):
                off = base + k * GB
                pltpu.sync_copy(idx_hbm.at[p, pl.ds(off, GB)], idx_v)
                pltpu.async_copy(tab_hbm.at[idx_v], rows_v, sem).wait()
                pltpu.sync_copy(rows_v, out_hbm.at[p, pl.ds(off, GB)])
                return 0

            lax.fori_loop(0, NBG, body, 0)

    return gk




def _pad_idx(idx):
    return jnp.concatenate(
        [idx.astype(jnp.int32), jnp.zeros((EP - idx.shape[0],), jnp.int32)])


def kernel(x, edge_index, edge_attr, params):
    src = edge_index[0]
    dst = edge_index[1]

    order = jnp.argsort(dst)
    dst_s = dst[order]
    srcp = src[order]
    ea_s = edge_attr[order]

    srcp_p = _pad_idx(srcp)
    ea_sp = jnp.concatenate([ea_s, jnp.zeros((EP - E, ED), _f32)])

    bnd = jnp.searchsorted(
        dst_s, jnp.arange(N + 1, dtype=jnp.int32)).astype(jnp.int32)
    idx2 = jnp.stack([_pad_idx(bnd[:N]), _pad_idx(bnd[1:])])
    deg = (bnd[1:] - bnd[:N]).astype(_f32).reshape(N, 1)

    ltri = jnp.tril(jnp.ones((CB, CB), _f32), -1)

    h = _tc_encoder(x, params["enc_W"], params["enc_b"],
                    params["enc_g"], params["enc_beta"])

    for lp in params["layers"]:
        g = _sc_gather(h, srcp_p)
        s_out = _tc_sender(g, ea_sp, lp)
        t_pref = _tc_exclusive_prefix(s_out, ltri)
        glu = _sc_gather2_kernel()(t_pref, idx2)
        h = _tc_combined(h, glu, deg, edge_attr, lp)

    return _tc_decoder(h, x, params)

# --- scband reference (transcript-rebuilt; emitter-appended) ---
"""Pipeline reference for scband-graph-cast-model-15006615733530 (READ-ONLY COPY).

The authoritative reference and input builder live on the scoring server;
editing this copy changes nothing except your own understanding.
"""

import jax, jax.numpy as jnp
import numpy as np

N = 100000
E = 100000
IN_C = 70
HID = 128
OUT_C = 70
NL = 4
ED = 4


def _ln(h, g, b, eps=1e-5):
    m = jnp.mean(h, axis=-1, keepdims=True)
    v = jnp.var(h, axis=-1, keepdims=True)
    return (h - m) / jnp.sqrt(v + eps) * g + b


def _silu(h):
    return h * jax.nn.sigmoid(h)


def setup_inputs(seed: int = 0):
    key = jax.random.key(seed)

    def nk(i):
        return jax.random.fold_in(key, i)

    x = jax.random.normal(nk(0), (N, IN_C), dtype=jnp.float32)
    edge_index = jax.random.randint(nk(1), (2, E), 0, N, dtype=jnp.int32)
    edge_attr = jax.random.normal(nk(2), (E, ED), dtype=jnp.float32)

    c = [10]

    def w(shape):
        c[0] += 1
        return jax.random.normal(nk(c[0]), shape, dtype=jnp.float32) * 0.02

    params = {
        "res_W": w((IN_C, OUT_C)), "res_b": jnp.zeros((OUT_C,), jnp.float32),
        "enc_W": w((IN_C, HID)), "enc_b": jnp.zeros((HID,), jnp.float32),
        "enc_g": jnp.ones((HID,), jnp.float32), "enc_beta": jnp.zeros((HID,), jnp.float32),
        "dec_W1": w((HID, HID)), "dec_b1": jnp.zeros((HID,), jnp.float32),
        "dec_g": jnp.ones((HID,), jnp.float32), "dec_beta": jnp.zeros((HID,), jnp.float32),
        "dec_W2": w((HID, OUT_C)), "dec_b2": jnp.zeros((OUT_C,), jnp.float32),
        "layers": [],
    }
    for _ in range(NL):
        params["layers"].append({
            "s_W": w((HID + ED, HID)), "s_b": jnp.zeros((HID,), jnp.float32),
            "s_g": jnp.ones((HID,), jnp.float32), "s_beta": jnp.zeros((HID,), jnp.float32),
            "r_W": w((HID * 2 + ED, HID)), "r_b": jnp.zeros((HID,), jnp.float32),
            "r_g": jnp.ones((HID,), jnp.float32), "r_beta": jnp.zeros((HID,), jnp.float32),
            "n1_g": jnp.ones((HID,), jnp.float32), "n1_beta": jnp.zeros((HID,), jnp.float32),
        })
    return {"x": x, "edge_index": edge_index, "edge_attr": edge_attr, "params": params}


def _forward(x, edge_attr, params, edge_index):
    src = edge_index[0]
    dst = edge_index[1]
    identity = x @ params["res_W"] + params["res_b"]
    h = _silu(_ln(x @ params["enc_W"] + params["enc_b"], params["enc_g"], params["enc_beta"]))
    # degree(dst, N).clamp(min=1) -- same for every layer
    deg = jnp.clip(jnp.bincount(dst, length=N).astype(jnp.float32), 1.0, None)[:, None]
    for lp in params["layers"]:
        sender_in = jnp.concatenate([h[src], edge_attr], axis=-1)
        sender_out = _silu(_ln(sender_in @ lp["s_W"] + lp["s_b"], lp["s_g"], lp["s_beta"]))
        agg = jnp.zeros_like(h).at[dst].add(sender_out)
        agg = agg / deg
        combined = jnp.concatenate([h, agg, edge_attr], axis=-1)
        updated = _silu(_ln(combined @ lp["r_W"] + lp["r_b"], lp["r_g"], lp["r_beta"]))
        h = _ln(h + _silu(updated), lp["n1_g"], lp["n1_beta"])
    d1 = _silu(_ln(h @ params["dec_W1"] + params["dec_b1"], params["dec_g"], params["dec_beta"]))
    out = d1 @ params["dec_W2"] + params["dec_b2"]
    return out + identity


def reference(x, edge_index, edge_attr, params):
    return _forward(x, edge_attr, params, edge_index)

if __name__ == "__main__":
    import jax
    _d = setup_inputs()
    print(jax.jit(kernel)(*tuple(_d.values())))

</pallas_src>

<mosaic_0001>
#map = affine_map<(d0, d1) -> (0, 0)>
#map1 = affine_map<(d0, d1) -> (0)>
module attributes {stable_mosaic.version = 14 : i64} {
  func.func @gk(%arg0: i32, %arg1: i32, %arg2: memref<100000x128xf32, #tpu.memory_space<hbm>>, %arg3: memref<102400xi32, #tpu.memory_space<hbm>>, %arg4: memref<102400x128xf32, #tpu.memory_space<hbm>>, %arg5: memref<128xi32, #tpu.memory_space<vmem>>, %arg6: memref<128x128xf32, #tpu.memory_space<vmem>>, %arg7: memref<!tpu.dma_semaphore, #tpu.memory_space<semaphore_mem>>) attributes {dimension_semantics = [#tpu.dimension_semantics<core_parallel>, #tpu.dimension_semantics<subcore_parallel>], iteration_bounds = array<i64: 2, 16>, scalar_prefetch = 0 : i64, scratch_operands = 3 : i64, tpu.core_type = #tpu.core_type<sc_vector_subcore>, window_params = [{transform_indices = #map}, {transform_indices = #map1}, {transform_indices = #map}]} {
    %mul3A = arith.constant 2 : i32
    %mul3A_0 = arith.muli %arg1, %mul3A : i32
    %add3A = arith.addi %mul3A_0, %arg0 : i32
    %mul3A_1 = arith.constant 3200 : i32
    %mul3A_2 = arith.muli %add3A, %mul3A_1 : i32
    %scan3A = arith.constant 0 : i32
    %scan3A_3 = arith.constant 0 : i32
    %scan3A_4 = arith.constant 25 : i32
    %scan3A_5 = arith.addi %scan3A_3, %scan3A_4 : i32
    %scan3A_6 = arith.constant 1 : i32
    %scan3A_7 = scf.for %scan3A_9 = %scan3A_3 to %scan3A_5 step %scan3A_6 iter_args(%scan3A_10 = %scan3A) -> (i32)  : i32 {
      %mul3A_11 = arith.constant 128 : i32
      %mul3A_12 = arith.muli %scan3A_9, %mul3A_11 : i32
      %add3A_13 = arith.addi %mul3A_2, %mul3A_12 : i32
      "tpu.region"() ({
        %run_scoped3A = tpu.sem_alloc : memref<!tpu.dma_semaphore, #tpu.memory_space<semaphore_mem>>
        %dma_start3A_19 = tpu.memref_slice %arg3[%add3A_13] : memref<102400xi32, #tpu.memory_space<hbm>> -> memref<128xi32, #tpu.memory_space<hbm>>
        %dma_start3A_20 = tpu.memref_slice %arg3[%add3A_13] : memref<102400xi32, #tpu.memory_space<hbm>> -> memref<128xi32, #tpu.memory_space<hbm>>
        tpu.enqueue_dma source(%dma_start3A_20 : memref<128xi32, #tpu.memory_space<hbm>>) target(%arg5 : memref<128xi32, #tpu.memory_space<vmem>>) target_semaphore(%run_scoped3A : memref<!tpu.dma_semaphore, #tpu.memory_space<semaphore_mem>>)
        %dma_wait3A_21 = tpu.memref_slice %arg3[%add3A_13] : memref<102400xi32, #tpu.memory_space<hbm>> -> memref<128xi32, #tpu.memory_space<hbm>>
        %dma_wait3A_22 = tpu.memref_slice %arg3[%add3A_13] : memref<102400xi32, #tpu.memory_space<hbm>> -> memref<128xi32, #tpu.memory_space<hbm>>
        tpu.wait_dma2 semaphore(%run_scoped3A : memref<!tpu.dma_semaphore, #tpu.memory_space<semaphore_mem>>) src(%dma_wait3A_22 : memref<128xi32, #tpu.memory_space<hbm>>) dst(%arg5 : memref<128xi32, #tpu.memory_space<vmem>>)
        tpu.yield
      }) : () -> ()
      %dma_start3A = arith.constant 0 : i32
      %dma_start3A_14 = arith.constant 0 : i32
      %dma_start3A_15 = tpu.memref_slice %arg2[%dma_start3A, %dma_start3A_14] : memref<100000x128xf32, #tpu.memory_space<hbm>> -> memref<100000x128xf32, #tpu.memory_space<hbm>>
      tpu.enqueue_indirect_dma source(%dma_start3A_15 : memref<100000x128xf32, #tpu.memory_space<hbm>>) target(%arg6 : memref<128x128xf32, #tpu.memory_space<vmem>>) offsets(%arg5 : memref<128xi32, #tpu.memory_space<vmem>>) semaphore(%arg7 : memref<!tpu.dma_semaphore, #tpu.memory_space<semaphore_mem>>)
      %dma_wait3A = arith.constant 0 : i32
      %dma_wait3A_16 = arith.constant 0 : i32
      %dma_wait3A_17 = tpu.memref_slice %arg2[%dma_wait3A, %dma_wait3A_16] : memref<100000x128xf32, #tpu.memory_space<hbm>> -> memref<100000x128xf32, #tpu.memory_space<hbm>>
      tpu.wait_indirect_dma semaphore(%arg7 : memref<!tpu.dma_semaphore, #tpu.memory_space<semaphore_mem>>) src(%dma_wait3A_17 : memref<100000x128xf32, #tpu.memory_space<hbm>>) dst(%arg6 : memref<128x128xf32, #tpu.memory_space<vmem>>)
      "tpu.region"() ({
        %run_scoped3A = tpu.sem_alloc : memref<!tpu.dma_semaphore, #tpu.memory_space<semaphore_mem>>
        %dma_start3A_19 = arith.constant 0 : i32
        %dma_start3A_20 = tpu.memref_slice %arg4[%add3A_13, %dma_start3A_19] : memref<102400x128xf32, #tpu.memory_space<hbm>> -> memref<128x128xf32, #tpu.memory_space<hbm>>
        %dma_start3A_21 = arith.constant 0 : i32
        %dma_start3A_22 = tpu.memref_slice %arg4[%add3A_13, %dma_start3A_21] : memref<102400x128xf32, #tpu.memory_space<hbm>> -> memref<128x128xf32, #tpu.memory_space<hbm>>
        tpu.enqueue_dma source(%arg6 : memref<128x128xf32, #tpu.memory_space<vmem>>) target(%dma_start3A_22 : memref<128x128xf32, #tpu.memory_space<hbm>>) target_semaphore(%run_scoped3A : memref<!tpu.dma_semaphore, #tpu.memory_space<semaphore_mem>>)
        %dma_wait3A_23 = arith.constant 0 : i32
        %dma_wait3A_24 = tpu.memref_slice %arg4[%add3A_13, %dma_wait3A_23] : memref<102400x128xf32, #tpu.memory_space<hbm>> -> memref<128x128xf32, #tpu.memory_space<hbm>>
        %dma_wait3A_25 = arith.constant 0 : i32
        %dma_wait3A_26 = tpu.memref_slice %arg4[%add3A_13, %dma_wait3A_25] : memref<102400x128xf32, #tpu.memory_space<hbm>> -> memref<128x128xf32, #tpu.memory_space<hbm>>
        tpu.wait_dma2 semaphore(%run_scoped3A : memref<!tpu.dma_semaphore, #tpu.memory_space<semaphore_mem>>) src(%arg6 : memref<128x128xf32, #tpu.memory_space<vmem>>) dst(%dma_wait3A_26 : memref<128x128xf32, #tpu.memory_space<hbm>>)
        tpu.yield
      }) : () -> ()
      %scan3A_18 = arith.constant 0 : i32
      scf.yield %scan3A_18 : i32
    }
    %scan3A_8 = arith.constant 25 : i32
    return
  }
}

#map = affine_map<(d0, d1) -> (0, 0)>
#map1 = affine_map<(d0, d1) -> (0, 0, 0)>
module attributes {stable_mosaic.version = 14 : i64} {
  func.func @gk(%arg0: i32, %arg1: i32, %arg2: memref<102400x128xf32, #tpu.memory_space<hbm>>, %arg3: memref<2x102400xi32, #tpu.memory_space<hbm>>, %arg4: memref<2x102400x128xf32, #tpu.memory_space<hbm>>, %arg5: memref<128xi32, #tpu.memory_space<vmem>>, %arg6: memref<128x128xf32, #tpu.memory_space<vmem>>, %arg7: memref<!tpu.dma_semaphore, #tpu.memory_space<semaphore_mem>>) attributes {dimension_semantics = [#tpu.dimension_semantics<core_parallel>, #tpu.dimension_semantics<subcore_parallel>], iteration_bounds = array<i64: 2, 16>, scalar_prefetch = 0 : i64, scratch_operands = 3 : i64, tpu.core_type = #tpu.core_type<sc_vector_subcore>, window_params = [{transform_indices = #map}, {transform_indices = #map}, {transform_indices = #map1}]} {
    %mul3A = arith.constant 2 : i32
    %mul3A_0 = arith.muli %arg1, %mul3A : i32
    %add3A = arith.addi %mul3A_0, %arg0 : i32
    %mul3A_1 = arith.constant 3200 : i32
    %mul3A_2 = arith.muli %add3A, %mul3A_1 : i32
    %scan3A = arith.constant 0 : i32
    %scan3A_3 = arith.constant 0 : i32
    %scan3A_4 = arith.constant 25 : i32
    %scan3A_5 = arith.addi %scan3A_3, %scan3A_4 : i32
    %scan3A_6 = arith.constant 1 : i32
    %scan3A_7 = scf.for %scan3A_16 = %scan3A_3 to %scan3A_5 step %scan3A_6 iter_args(%scan3A_17 = %scan3A) -> (i32)  : i32 {
      %mul3A_18 = arith.constant 128 : i32
      %mul3A_19 = arith.muli %scan3A_16, %mul3A_18 : i32
      %add3A_20 = arith.addi %mul3A_2, %mul3A_19 : i32
      %run_scoped3A = arith.constant 0 : i32
      "tpu.region"() ({
        %run_scoped3A_27 = tpu.sem_alloc : memref<!tpu.dma_semaphore, #tpu.memory_space<semaphore_mem>>
        %dma_start3A_28 = tpu.memref_slice %arg3[%run_scoped3A, %add3A_20] : memref<2x102400xi32, #tpu.memory_space<hbm>> -> memref<1x128xi32, #tpu.memory_space<hbm>>
        %dma_start3A_29 = tpu.memref_squeeze %dma_start3A_28 : memref<1x128xi32, #tpu.memory_space<hbm>> -> memref<128xi32, #tpu.memory_space<hbm>>
        %dma_start3A_30 = tpu.memref_slice %arg3[%run_scoped3A, %add3A_20] : memref<2x102400xi32, #tpu.memory_space<hbm>> -> memref<1x128xi32, #tpu.memory_space<hbm>>
        %dma_start3A_31 = tpu.memref_squeeze %dma_start3A_30 : memref<1x128xi32, #tpu.memory_space<hbm>> -> memref<128xi32, #tpu.memory_space<hbm>>
        tpu.enqueue_dma source(%dma_start3A_31 : memref<128xi32, #tpu.memory_space<hbm>>) target(%arg5 : memref<128xi32, #tpu.memory_space<vmem>>) target_semaphore(%run_scoped3A_27 : memref<!tpu.dma_semaphore, #tpu.memory_space<semaphore_mem>>)
        %dma_wait3A_32 = tpu.memref_slice %arg3[%run_scoped3A, %add3A_20] : memref<2x102400xi32, #tpu.memory_space<hbm>> -> memref<1x128xi32, #tpu.memory_space<hbm>>
        %dma_wait3A_33 = tpu.memref_squeeze %dma_wait3A_32 : memref<1x128xi32, #tpu.memory_space<hbm>> -> memref<128xi32, #tpu.memory_space<hbm>>
        %dma_wait3A_34 = tpu.memref_slice %arg3[%run_scoped3A, %add3A_20] : memref<2x102400xi32, #tpu.memory_space<hbm>> -> memref<1x128xi32, #tpu.memory_space<hbm>>
        %dma_wait3A_35 = tpu.memref_squeeze %dma_wait3A_34 : memref<1x128xi32, #tpu.memory_space<hbm>> -> memref<128xi32, #tpu.memory_space<hbm>>
        tpu.wait_dma2 semaphore(%run_scoped3A_27 : memref<!tpu.dma_semaphore, #tpu.memory_space<semaphore_mem>>) src(%dma_wait3A_35 : memref<128xi32, #tpu.memory_space<hbm>>) dst(%arg5 : memref<128xi32, #tpu.memory_space<vmem>>)
        tpu.yield
      }) : () -> ()
      %dma_start3A = arith.constant 0 : i32
      %dma_start3A_21 = arith.constant 0 : i32
      %dma_start3A_22 = tpu.memref_slice %arg2[%dma_start3A, %dma_start3A_21] : memref<102400x128xf32, #tpu.memory_space<hbm>> -> memref<102400x128xf32, #tpu.memory_space<hbm>>
      tpu.enqueue_indirect_dma source(%dma_start3A_22 : memref<102400x128xf32, #tpu.memory_space<hbm>>) target(%arg6 : memref<128x128xf32, #tpu.memory_space<vmem>>) offsets(%arg5 : memref<128xi32, #tpu.memory_space<vmem>>) semaphore(%arg7 : memref<!tpu.dma_semaphore, #tpu.memory_space<semaphore_mem>>)
      %dma_wait3A = arith.constant 0 : i32
      %dma_wait3A_23 = arith.constant 0 : i32
      %dma_wait3A_24 = tpu.memref_slice %arg2[%dma_wait3A, %dma_wait3A_23] : memref<102400x128xf32, #tpu.memory_space<hbm>> -> memref<102400x128xf32, #tpu.memory_space<hbm>>
      tpu.wait_indirect_dma semaphore(%arg7 : memref<!tpu.dma_semaphore, #tpu.memory_space<semaphore_mem>>) src(%dma_wait3A_24 : memref<102400x128xf32, #tpu.memory_space<hbm>>) dst(%arg6 : memref<128x128xf32, #tpu.memory_space<vmem>>)
      %run_scoped3A_25 = arith.constant 0 : i32
      "tpu.region"() ({
        %run_scoped3A_27 = tpu.sem_alloc : memref<!tpu.dma_semaphore, #tpu.memory_space<semaphore_mem>>
        %dma_start3A_28 = arith.constant 0 : i32
        %dma_start3A_29 = tpu.memref_slice %arg4[%run_scoped3A_25, %add3A_20, %dma_start3A_28] : memref<2x102400x128xf32, #tpu.memory_space<hbm>> -> memref<1x128x128xf32, #tpu.memory_space<hbm>>
        %dma_start3A_30 = tpu.memref_squeeze %dma_start3A_29 : memref<1x128x128xf32, #tpu.memory_space<hbm>> -> memref<128x128xf32, #tpu.memory_space<hbm>>
        %dma_start3A_31 = arith.constant 0 : i32
        %dma_start3A_32 = tpu.memref_slice %arg4[%run_scoped3A_25, %add3A_20, %dma_start3A_31] : memref<2x102400x128xf32, #tpu.memory_space<hbm>> -> memref<1x128x128xf32, #tpu.memory_space<hbm>>
        %dma_start3A_33 = tpu.memref_squeeze %dma_start3A_32 : memref<1x128x128xf32, #tpu.memory_space<hbm>> -> memref<128x128xf32, #tpu.memory_space<hbm>>
        tpu.enqueue_dma source(%arg6 : memref<128x128xf32, #tpu.memory_space<vmem>>) target(%dma_start3A_33 : memref<128x128xf32, #tpu.memory_space<hbm>>) target_semaphore(%run_scoped3A_27 : memref<!tpu.dma_semaphore, #tpu.memory_space<semaphore_mem>>)
        %dma_wait3A_34 = arith.constant 0 : i32
        %dma_wait3A_35 = tpu.memref_slice %arg4[%run_scoped3A_25, %add3A_20, %dma_wait3A_34] : memref<2x102400x128xf32, #tpu.memory_space<hbm>> -> memref<1x128x128xf32, #tpu.memory_space<hbm>>
        %dma_wait3A_36 = tpu.memref_squeeze %dma_wait3A_35 : memref<1x128x128xf32, #tpu.memory_space<hbm>> -> memref<128x128xf32, #tpu.memory_space<hbm>>
        %dma_wait3A_37 = arith.constant 0 : i32
        %dma_wait3A_38 = tpu.memref_slice %arg4[%run_scoped3A_25, %add3A_20, %dma_wait3A_37] : memref<2x102400x128xf32, #tpu.memory_space<hbm>> -> memref<1x128x128xf32, #tpu.memory_space<hbm>>
        %dma_wait3A_39 = tpu.memref_squeeze %dma_wait3A_38 : memref<1x128x128xf32, #tpu.memory_space<hbm>> -> memref<128x128xf32, #tpu.memory_space<hbm>>
        tpu.wait_dma2 semaphore(%run_scoped3A_27 : memref<!tpu.dma_semaphore, #tpu.memory_space<semaphore_mem>>) src(%arg6 : memref<128x128xf32, #tpu.memory_space<vmem>>) dst(%dma_wait3A_39 : memref<128x128xf32, #tpu.memory_space<hbm>>)
        tpu.yield
      }) : () -> ()
      %scan3A_26 = arith.constant 0 : i32
      scf.yield %scan3A_26 : i32
    }
    %scan3A_8 = arith.constant 25 : i32
    %scan3A_9 = arith.constant 0 : i32
    %scan3A_10 = arith.constant 0 : i32
    %scan3A_11 = arith.constant 25 : i32
    %scan3A_12 = arith.addi %scan3A_10, %scan3A_11 : i32
    %scan3A_13 = arith.constant 1 : i32
    %scan3A_14 = scf.for %scan3A_16 = %scan3A_10 to %scan3A_12 step %scan3A_13 iter_args(%scan3A_17 = %scan3A_9) -> (i32)  : i32 {
      %mul3A_18 = arith.constant 128 : i32
      %mul3A_19 = arith.muli %scan3A_16, %mul3A_18 : i32
      %add3A_20 = arith.addi %mul3A_2, %mul3A_19 : i32
      %run_scoped3A = arith.constant 1 : i32
      "tpu.region"() ({
        %run_scoped3A_27 = tpu.sem_alloc : memref<!tpu.dma_semaphore, #tpu.memory_space<semaphore_mem>>
        %dma_start3A_28 = tpu.memref_slice %arg3[%run_scoped3A, %add3A_20] : memref<2x102400xi32, #tpu.memory_space<hbm>> -> memref<1x128xi32, #tpu.memory_space<hbm>>
        %dma_start3A_29 = tpu.memref_squeeze %dma_start3A_28 : memref<1x128xi32, #tpu.memory_space<hbm>> -> memref<128xi32, #tpu.memory_space<hbm>>
        %dma_start3A_30 = tpu.memref_slice %arg3[%run_scoped3A, %add3A_20] : memref<2x102400xi32, #tpu.memory_space<hbm>> -> memref<1x128xi32, #tpu.memory_space<hbm>>
        %dma_start3A_31 = tpu.memref_squeeze %dma_start3A_30 : memref<1x128xi32, #tpu.memory_space<hbm>> -> memref<128xi32, #tpu.memory_space<hbm>>
        tpu.enqueue_dma source(%dma_start3A_31 : memref<128xi32, #tpu.memory_space<hbm>>) target(%arg5 : memref<128xi32, #tpu.memory_space<vmem>>) target_semaphore(%run_scoped3A_27 : memref<!tpu.dma_semaphore, #tpu.memory_space<semaphore_mem>>)
        %dma_wait3A_32 = tpu.memref_slice %arg3[%run_scoped3A, %add3A_20] : memref<2x102400xi32, #tpu.memory_space<hbm>> -> memref<1x128xi32, #tpu.memory_space<hbm>>
        %dma_wait3A_33 = tpu.memref_squeeze %dma_wait3A_32 : memref<1x128xi32, #tpu.memory_space<hbm>> -> memref<128xi32, #tpu.memory_space<hbm>>
        %dma_wait3A_34 = tpu.memref_slice %arg3[%run_scoped3A, %add3A_20] : memref<2x102400xi32, #tpu.memory_space<hbm>> -> memref<1x128xi32, #tpu.memory_space<hbm>>
        %dma_wait3A_35 = tpu.memref_squeeze %dma_wait3A_34 : memref<1x128xi32, #tpu.memory_space<hbm>> -> memref<128xi32, #tpu.memory_space<hbm>>
        tpu.wait_dma2 semaphore(%run_scoped3A_27 : memref<!tpu.dma_semaphore, #tpu.memory_space<semaphore_mem>>) src(%dma_wait3A_35 : memref<128xi32, #tpu.memory_space<hbm>>) dst(%arg5 : memref<128xi32, #tpu.memory_space<vmem>>)
        tpu.yield
      }) : () -> ()
      %dma_start3A = arith.constant 0 : i32
      %dma_start3A_21 = arith.constant 0 : i32
      %dma_start3A_22 = tpu.memref_slice %arg2[%dma_start3A, %dma_start3A_21] : memref<102400x128xf32, #tpu.memory_space<hbm>> -> memref<102400x128xf32, #tpu.memory_space<hbm>>
      tpu.enqueue_indirect_dma source(%dma_start3A_22 : memref<102400x128xf32, #tpu.memory_space<hbm>>) target(%arg6 : memref<128x128xf32, #tpu.memory_space<vmem>>) offsets(%arg5 : memref<128xi32, #tpu.memory_space<vmem>>) semaphore(%arg7 : memref<!tpu.dma_semaphore, #tpu.memory_space<semaphore_mem>>)
      %dma_wait3A = arith.constant 0 : i32
      %dma_wait3A_23 = arith.constant 0 : i32
      %dma_wait3A_24 = tpu.memref_slice %arg2[%dma_wait3A, %dma_wait3A_23] : memref<102400x128xf32, #tpu.memory_space<hbm>> -> memref<102400x128xf32, #tpu.memory_space<hbm>>
      tpu.wait_indirect_dma semaphore(%arg7 : memref<!tpu.dma_semaphore, #tpu.memory_space<semaphore_mem>>) src(%dma_wait3A_24 : memref<102400x128xf32, #tpu.memory_space<hbm>>) dst(%arg6 : memref<128x128xf32, #tpu.memory_space<vmem>>)
      %run_scoped3A_25 = arith.constant 1 : i32
      "tpu.region"() ({
        %run_scoped3A_27 = tpu.sem_alloc : memref<!tpu.dma_semaphore, #tpu.memory_space<semaphore_mem>>
        %dma_start3A_28 = arith.constant 0 : i32
        %dma_start3A_29 = tpu.memref_slice %arg4[%run_scoped3A_25, %add3A_20, %dma_start3A_28] : memref<2x102400x128xf32, #tpu.memory_space<hbm>> -> memref<1x128x128xf32, #tpu.memory_space<hbm>>
        %dma_start3A_30 = tpu.memref_squeeze %dma_start3A_29 : memref<1x128x128xf32, #tpu.memory_space<hbm>> -> memref<128x128xf32, #tpu.memory_space<hbm>>
        %dma_start3A_31 = arith.constant 0 : i32
        %dma_start3A_32 = tpu.memref_slice %arg4[%run_scoped3A_25, %add3A_20, %dma_start3A_31] : memref<2x102400x128xf32, #tpu.memory_space<hbm>> -> memref<1x128x128xf32, #tpu.memory_space<hbm>>
        %dma_start3A_33 = tpu.memref_squeeze %dma_start3A_32 : memref<1x128x128xf32, #tpu.memory_space<hbm>> -> memref<128x128xf32, #tpu.memory_space<hbm>>
        tpu.enqueue_dma source(%arg6 : memref<128x128xf32, #tpu.memory_space<vmem>>) target(%dma_start3A_33 : memref<128x128xf32, #tpu.memory_space<hbm>>) target_semaphore(%run_scoped3A_27 : memref<!tpu.dma_semaphore, #tpu.memory_space<semaphore_mem>>)
        %dma_wait3A_34 = arith.constant 0 : i32
        %dma_wait3A_35 = tpu.memref_slice %arg4[%run_scoped3A_25, %add3A_20, %dma_wait3A_34] : memref<2x102400x128xf32, #tpu.memory_space<hbm>> -> memref<1x128x128xf32, #tpu.memory_space<hbm>>
        %dma_wait3A_36 = tpu.memref_squeeze %dma_wait3A_35 : memref<1x128x128xf32, #tpu.memory_space<hbm>> -> memref<128x128xf32, #tpu.memory_space<hbm>>
        %dma_wait3A_37 = arith.constant 0 : i32
        %dma_wait3A_38 = tpu.memref_slice %arg4[%run_scoped3A_25, %add3A_20, %dma_wait3A_37] : memref<2x102400x128xf32, #tpu.memory_space<hbm>> -> memref<1x128x128xf32, #tpu.memory_space<hbm>>
        %dma_wait3A_39 = tpu.memref_squeeze %dma_wait3A_38 : memref<1x128x128xf32, #tpu.memory_space<hbm>> -> memref<128x128xf32, #tpu.memory_space<hbm>>
        tpu.wait_dma2 semaphore(%run_scoped3A_27 : memref<!tpu.dma_semaphore, #tpu.memory_space<semaphore_mem>>) src(%arg6 : memref<128x128xf32, #tpu.memory_space<vmem>>) dst(%dma_wait3A_39 : memref<128x128xf32, #tpu.memory_space<hbm>>)
        tpu.yield
      }) : () -> ()
      %scan3A_26 = arith.constant 0 : i32
      scf.yield %scan3A_26 : i32
    }
    %scan3A_15 = arith.constant 25 : i32
    return
  }
}

#map = affine_map<(d0, d1) -> (0, 0)>
#map1 = affine_map<(d0, d1) -> (0, 0, 0)>
module attributes {stable_mosaic.version = 14 : i64} {
  func.func @gk(%arg0: i32, %arg1: i32, %arg2: memref<102400x128xf32, #tpu.memory_space<hbm>>, %arg3: memref<2x102400xi32, #tpu.memory_space<hbm>>, %arg4: memref<2x102400x128xf32, #tpu.memory_space<hbm>>, %arg5: memref<128xi32, #tpu.memory_space<vmem>>, %arg6: memref<128x128xf32, #tpu.memory_space<vmem>>, %arg7: memref<!tpu.dma_semaphore, #tpu.memory_space<semaphore_mem>>) attributes {dimension_semantics = [#tpu.dimension_semantics<core_parallel>, #tpu.dimension_semantics<subcore_parallel>], iteration_bounds = array<i64: 2, 16>, scalar_prefetch = 0 : i64, scratch_operands = 3 : i64, tpu.core_type = #tpu.core_type<sc_vector_subcore>, window_params = [{transform_indices = #map}, {transform_indices = #map}, {transform_indices = #map1}]} {
    %mul3A = arith.constant 2 : i32
    %mul3A_0 = arith.muli %arg1, %mul3A : i32
    %add3A = arith.addi %mul3A_0, %arg0 : i32
    %mul3A_1 = arith.constant 3200 : i32
    %mul3A_2 = arith.muli %add3A, %mul3A_1 : i32
    %scan3A = arith.constant 0 : i32
    %scan3A_3 = arith.constant 0 : i32
    %scan3A_4 = arith.constant 25 : i32
    %scan3A_5 = arith.addi %scan3A_3, %scan3A_4 : i32
    %scan3A_6 = arith.constant 1 : i32
    %scan3A_7 = scf.for %scan3A_16 = %scan3A_3 to %scan3A_5 step %scan3A_6 iter_args(%scan3A_17 = %scan3A) -> (i32)  : i32 {
      %mul3A_18 = arith.constant 128 : i32
      %mul3A_19 = arith.muli %scan3A_16, %mul3A_18 : i32
      %add3A_20 = arith.addi %mul3A_2, %mul3A_19 : i32
      %run_scoped3A = arith.constant 0 : i32
      "tpu.region"() ({
        %run_scoped3A_27 = tpu.sem_alloc : memref<!tpu.dma_semaphore, #tpu.memory_space<semaphore_mem>>
        %dma_start3A_28 = tpu.memref_slice %arg3[%run_scoped3A, %add3A_20] : memref<2x102400xi32, #tpu.memory_space<hbm>> -> memref<1x128xi32, #tpu.memory_space<hbm>>
        %dma_start3A_29 = tpu.memref_squeeze %dma_start3A_28 : memref<1x128xi32, #tpu.memory_space<hbm>> -> memref<128xi32, #tpu.memory_space<hbm>>
        %dma_start3A_30 = tpu.memref_slice %arg3[%run_scoped3A, %add3A_20] : memref<2x102400xi32, #tpu.memory_space<hbm>> -> memref<1x128xi32, #tpu.memory_space<hbm>>
        %dma_start3A_31 = tpu.memref_squeeze %dma_start3A_30 : memref<1x128xi32, #tpu.memory_space<hbm>> -> memref<128xi32, #tpu.memory_space<hbm>>
        tpu.enqueue_dma source(%dma_start3A_31 : memref<128xi32, #tpu.memory_space<hbm>>) target(%arg5 : memref<128xi32, #tpu.memory_space<vmem>>) target_semaphore(%run_scoped3A_27 : memref<!tpu.dma_semaphore, #tpu.memory_space<semaphore_mem>>)
        %dma_wait3A_32 = tpu.memref_slice %arg3[%run_scoped3A, %add3A_20] : memref<2x102400xi32, #tpu.memory_space<hbm>> -> memref<1x128xi32, #tpu.memory_space<hbm>>
        %dma_wait3A_33 = tpu.memref_squeeze %dma_wait3A_32 : memref<1x128xi32, #tpu.memory_space<hbm>> -> memref<128xi32, #tpu.memory_space<hbm>>
        %dma_wait3A_34 = tpu.memref_slice %arg3[%run_scoped3A, %add3A_20] : memref<2x102400xi32, #tpu.memory_space<hbm>> -> memref<1x128xi32, #tpu.memory_space<hbm>>
        %dma_wait3A_35 = tpu.memref_squeeze %dma_wait3A_34 : memref<1x128xi32, #tpu.memory_space<hbm>> -> memref<128xi32, #tpu.memory_space<hbm>>
        tpu.wait_dma2 semaphore(%run_scoped3A_27 : memref<!tpu.dma_semaphore, #tpu.memory_space<semaphore_mem>>) src(%dma_wait3A_35 : memref<128xi32, #tpu.memory_space<hbm>>) dst(%arg5 : memref<128xi32, #tpu.memory_space<vmem>>)
        tpu.yield
      }) : () -> ()
      %dma_start3A = arith.constant 0 : i32
      %dma_start3A_21 = arith.constant 0 : i32
      %dma_start3A_22 = tpu.memref_slice %arg2[%dma_start3A, %dma_start3A_21] : memref<102400x128xf32, #tpu.memory_space<hbm>> -> memref<102400x128xf32, #tpu.memory_space<hbm>>
      tpu.enqueue_indirect_dma source(%dma_start3A_22 : memref<102400x128xf32, #tpu.memory_space<hbm>>) target(%arg6 : memref<128x128xf32, #tpu.memory_space<vmem>>) offsets(%arg5 : memref<128xi32, #tpu.memory_space<vmem>>) semaphore(%arg7 : memref<!tpu.dma_semaphore, #tpu.memory_space<semaphore_mem>>)
      %dma_wait3A = arith.constant 0 : i32
      %dma_wait3A_23 = arith.constant 0 : i32
      %dma_wait3A_24 = tpu.memref_slice %arg2[%dma_wait3A, %dma_wait3A_23] : memref<102400x128xf32, #tpu.memory_space<hbm>> -> memref<102400x128xf32, #tpu.memory_space<hbm>>
      tpu.wait_indirect_dma semaphore(%arg7 : memref<!tpu.dma_semaphore, #tpu.memory_space<semaphore_mem>>) src(%dma_wait3A_24 : memref<102400x128xf32, #tpu.memory_space<hbm>>) dst(%arg6 : memref<128x128xf32, #tpu.memory_space<vmem>>)
      %run_scoped3A_25 = arith.constant 0 : i32
      "tpu.region"() ({
        %run_scoped3A_27 = tpu.sem_alloc : memref<!tpu.dma_semaphore, #tpu.memory_space<semaphore_mem>>
        %dma_start3A_28 = arith.constant 0 : i32
        %dma_start3A_29 = tpu.memref_slice %arg4[%run_scoped3A_25, %add3A_20, %dma_start3A_28] : memref<2x102400x128xf32, #tpu.memory_space<hbm>> -> memref<1x128x128xf32, #tpu.memory_space<hbm>>
        %dma_start3A_30 = tpu.memref_squeeze %dma_start3A_29 : memref<1x128x128xf32, #tpu.memory_space<hbm>> -> memref<128x128xf32, #tpu.memory_space<hbm>>
        %dma_start3A_31 = arith.constant 0 : i32
        %dma_start3A_32 = tpu.memref_slice %arg4[%run_scoped3A_25, %add3A_20, %dma_start3A_31] : memref<2x102400x128xf32, #tpu.memory_space<hbm>> -> memref<1x128x128xf32, #tpu.memory_space<hbm>>
        %dma_start3A_33 = tpu.memref_squeeze %dma_start3A_32 : memref<1x128x128xf32, #tpu.memory_space<hbm>> -> memref<128x128xf32, #tpu.memory_space<hbm>>
        tpu.enqueue_dma source(%arg6 : memref<128x128xf32, #tpu.memory_space<vmem>>) target(%dma_start3A_33 : memref<128x128xf32, #tpu.memory_space<hbm>>) target_semaphore(%run_scoped3A_27 : memref<!tpu.dma_semaphore, #tpu.memory_space<semaphore_mem>>)
        %dma_wait3A_34 = arith.constant 0 : i32
        %dma_wait3A_35 = tpu.memref_slice %arg4[%run_scoped3A_25, %add3A_20, %dma_wait3A_34] : memref<2x102400x128xf32, #tpu.memory_space<hbm>> -> memref<1x128x128xf32, #tpu.memory_space<hbm>>
        %dma_wait3A_36 = tpu.memref_squeeze %dma_wait3A_35 : memref<1x128x128xf32, #tpu.memory_space<hbm>> -> memref<128x128xf32, #tpu.memory_space<hbm>>
        %dma_wait3A_37 = arith.constant 0 : i32
        %dma_wait3A_38 = tpu.memref_slice %arg4[%run_scoped3A_25, %add3A_20, %dma_wait3A_37] : memref<2x102400x128xf32, #tpu.memory_space<hbm>> -> memref<1x128x128xf32, #tpu.memory_space<hbm>>
        %dma_wait3A_39 = tpu.memref_squeeze %dma_wait3A_38 : memref<1x128x128xf32, #tpu.memory_space<hbm>> -> memref<128x128xf32, #tpu.memory_space<hbm>>
        tpu.wait_dma2 semaphore(%run_scoped3A_27 : memref<!tpu.dma_semaphore, #tpu.memory_space<semaphore_mem>>) src(%arg6 : memref<128x128xf32, #tpu.memory_space<vmem>>) dst(%dma_wait3A_39 : memref<128x128xf32, #tpu.memory_space<hbm>>)
        tpu.yield
      }) : () -> ()
      %scan3A_26 = arith.constant 0 : i32
      scf.yield %scan3A_26 : i32
    }
    %scan3A_8 = arith.constant 25 : i32
    %scan3A_9 = arith.constant 0 : i32
    %scan3A_10 = arith.constant 0 : i32
    %scan3A_11 = arith.constant 25 : i32
    %scan3A_12 = arith.addi %scan3A_10, %scan3A_11 : i32
    %scan3A_13 = arith.constant 1 : i32
    %scan3A_14 = scf.for %scan3A_16 = %scan3A_10 to %scan3A_12 step %scan3A_13 iter_args(%scan3A_17 = %scan3A_9) -> (i32)  : i32 {
      %mul3A_18 = arith.constant 128 : i32
      %mul3A_19 = arith.muli %scan3A_16, %mul3A_18 : i32
      %add3A_20 = arith.addi %mul3A_2, %mul3A_19 : i32
      %run_scoped3A = arith.constant 1 : i32
      "tpu.region"() ({
        %run_scoped3A_27 = tpu.sem_alloc : memref<!tpu.dma_semaphore, #tpu.memory_space<semaphore_mem>>
        %dma_start3A_28 = tpu.memref_slice %arg3[%run_scoped3A, %add3A_20] : memref<2x102400xi32, #tpu.memory_space<hbm>> -> memref<1x128xi32, #tpu.memory_space<hbm>>
        %dma_start3A_29 = tpu.memref_squeeze %dma_start3A_28 : memref<1x128xi32, #tpu.memory_space<hbm>> -> memref<128xi32, #tpu.memory_space<hbm>>
        %dma_start3A_30 = tpu.memref_slice %arg3[%run_scoped3A, %add3A_20] : memref<2x102400xi32, #tpu.memory_space<hbm>> -> memref<1x128xi32, #tpu.memory_space<hbm>>
        %dma_start3A_31 = tpu.memref_squeeze %dma_start3A_30 : memref<1x128xi32, #tpu.memory_space<hbm>> -> memref<128xi32, #tpu.memory_space<hbm>>
        tpu.enqueue_dma source(%dma_start3A_31 : memref<128xi32, #tpu.memory_space<hbm>>) target(%arg5 : memref<128xi32, #tpu.memory_space<vmem>>) target_semaphore(%run_scoped3A_27 : memref<!tpu.dma_semaphore, #tpu.memory_space<semaphore_mem>>)
        %dma_wait3A_32 = tpu.memref_slice %arg3[%run_scoped3A, %add3A_20] : memref<2x102400xi32, #tpu.memory_space<hbm>> -> memref<1x128xi32, #tpu.memory_space<hbm>>
        %dma_wait3A_33 = tpu.memref_squeeze %dma_wait3A_32 : memref<1x128xi32, #tpu.memory_space<hbm>> -> memref<128xi32, #tpu.memory_space<hbm>>
        %dma_wait3A_34 = tpu.memref_slice %arg3[%run_scoped3A, %add3A_20] : memref<2x102400xi32, #tpu.memory_space<hbm>> -> memref<1x128xi32, #tpu.memory_space<hbm>>
        %dma_wait3A_35 = tpu.memref_squeeze %dma_wait3A_34 : memref<1x128xi32, #tpu.memory_space<hbm>> -> memref<128xi32, #tpu.memory_space<hbm>>
        tpu.wait_dma2 semaphore(%run_scoped3A_27 : memref<!tpu.dma_semaphore, #tpu.memory_space<semaphore_mem>>) src(%dma_wait3A_35 : memref<128xi32, #tpu.memory_space<hbm>>) dst(%arg5 : memref<128xi32, #tpu.memory_space<vmem>>)
        tpu.yield
      }) : () -> ()
      %dma_start3A = arith.constant 0 : i32
      %dma_start3A_21 = arith.constant 0 : i32
      %dma_start3A_22 = tpu.memref_slice %arg2[%dma_start3A, %dma_start3A_21] : memref<102400x128xf32, #tpu.memory_space<hbm>> -> memref<102400x128xf32, #tpu.memory_space<hbm>>
      tpu.enqueue_indirect_dma source(%dma_start3A_22 : memref<102400x128xf32, #tpu.memory_space<hbm>>) target(%arg6 : memref<128x128xf32, #tpu.memory_space<vmem>>) offsets(%arg5 : memref<128xi32, #tpu.memory_space<vmem>>) semaphore(%arg7 : memref<!tpu.dma_semaphore, #tpu.memory_space<semaphore_mem>>)
      %dma_wait3A = arith.constant 0 : i32
      %dma_wait3A_23 = arith.constant 0 : i32
      %dma_wait3A_24 = tpu.memref_slice %arg2[%dma_wait3A, %dma_wait3A_23] : memref<102400x128xf32, #tpu.memory_space<hbm>> -> memref<102400x128xf32, #tpu.memory_space<hbm>>
      tpu.wait_indirect_dma semaphore(%arg7 : memref<!tpu.dma_semaphore, #tpu.memory_space<semaphore_mem>>) src(%dma_wait3A_24 : memref<102400x128xf32, #tpu.memory_space<hbm>>) dst(%arg6 : memref<128x128xf32, #tpu.memory_space<vmem>>)
      %run_scoped3A_25 = arith.constant 1 : i32
      "tpu.region"() ({
        %run_scoped3A_27 = tpu.sem_alloc : memref<!tpu.dma_semaphore, #tpu.memory_space<semaphore_mem>>
        %dma_start3A_28 = arith.constant 0 : i32
        %dma_start3A_29 = tpu.memref_slice %arg4[%run_scoped3A_25, %add3A_20, %dma_start3A_28] : memref<2x102400x128xf32, #tpu.memory_space<hbm>> -> memref<1x128x128xf32, #tpu.memory_space<hbm>>
        %dma_start3A_30 = tpu.memref_squeeze %dma_start3A_29 : memref<1x128x128xf32, #tpu.memory_space<hbm>> -> memref<128x128xf32, #tpu.memory_space<hbm>>
        %dma_start3A_31 = arith.constant 0 : i32
        %dma_start3A_32 = tpu.memref_slice %arg4[%run_scoped3A_25, %add3A_20, %dma_start3A_31] : memref<2x102400x128xf32, #tpu.memory_space<hbm>> -> memref<1x128x128xf32, #tpu.memory_space<hbm>>
        %dma_start3A_33 = tpu.memref_squeeze %dma_start3A_32 : memref<1x128x128xf32, #tpu.memory_space<hbm>> -> memref<128x128xf32, #tpu.memory_space<hbm>>
        tpu.enqueue_dma source(%arg6 : memref<128x128xf32, #tpu.memory_space<vmem>>) target(%dma_start3A_33 : memref<128x128xf32, #tpu.memory_space<hbm>>) target_semaphore(%run_scoped3A_27 : memref<!tpu.dma_semaphore, #tpu.memory_space<semaphore_mem>>)
        %dma_wait3A_34 = arith.constant 0 : i32
        %dma_wait3A_35 = tpu.memref_slice %arg4[%run_scoped3A_25, %add3A_20, %dma_wait3A_34] : memref<2x102400x128xf32, #tpu.memory_space<hbm>> -> memref<1x128x128xf32, #tpu.memory_space<hbm>>
        %dma_wait3A_36 = tpu.memref_squeeze %dma_wait3A_35 : memref<1x128x128xf32, #tpu.memory_space<hbm>> -> memref<128x128xf32, #tpu.memory_space<hbm>>
        %dma_wait3A_37 = arith.constant 0 : i32
        %dma_wait3A_38 = tpu.memref_slice %arg4[%run_scoped3A_25, %add3A_20, %dma_wait3A_37] : memref<2x102400x128xf32, #tpu.memory_space<hbm>> -> memref<1x128x128xf32, #tpu.memory_space<hbm>>
        %dma_wait3A_39 = tpu.memref_squeeze %dma_wait3A_38 : memref<1x128x128xf32, #tpu.memory_space<hbm>> -> memref<128x128xf32, #tpu.memory_space<hbm>>
        tpu.wait_dma2 semaphore(%run_scoped3A_27 : memref<!tpu.dma_semaphore, #tpu.memory_space<semaphore_mem>>) src(%arg6 : memref<128x128xf32, #tpu.memory_space<vmem>>) dst(%dma_wait3A_39 : memref<128x128xf32, #tpu.memory_space<hbm>>)
        tpu.yield
      }) : () -> ()
      %scan3A_26 = arith.constant 0 : i32
      scf.yield %scan3A_26 : i32
    }
    %scan3A_15 = arith.constant 25 : i32
    return
  }
}

#map = affine_map<(d0, d1) -> (0, 0)>
#map1 = affine_map<(d0, d1) -> (0)>
module attributes {stable_mosaic.version = 14 : i64} {
  func.func @gk(%arg0: i32, %arg1: i32, %arg2: memref<100000x128xf32, #tpu.memory_space<hbm>>, %arg3: memref<102400xi32, #tpu.memory_space<hbm>>, %arg4: memref<102400x128xf32, #tpu.memory_space<hbm>>, %arg5: memref<128xi32, #tpu.memory_space<vmem>>, %arg6: memref<128x128xf32, #tpu.memory_space<vmem>>, %arg7: memref<!tpu.dma_semaphore, #tpu.memory_space<semaphore_mem>>) attributes {dimension_semantics = [#tpu.dimension_semantics<core_parallel>, #tpu.dimension_semantics<subcore_parallel>], iteration_bounds = array<i64: 2, 16>, scalar_prefetch = 0 : i64, scratch_operands = 3 : i64, tpu.core_type = #tpu.core_type<sc_vector_subcore>, window_params = [{transform_indices = #map}, {transform_indices = #map1}, {transform_indices = #map}]} {
    %mul3A = arith.constant 2 : i32
    %mul3A_0 = arith.muli %arg1, %mul3A : i32
    %add3A = arith.addi %mul3A_0, %arg0 : i32
    %mul3A_1 = arith.constant 3200 : i32
    %mul3A_2 = arith.muli %add3A, %mul3A_1 : i32
    %scan3A = arith.constant 0 : i32
    %scan3A_3 = arith.constant 0 : i32
    %scan3A_4 = arith.constant 25 : i32
    %scan3A_5 = arith.addi %scan3A_3, %scan3A_4 : i32
    %scan3A_6 = arith.constant 1 : i32
    %scan3A_7 = scf.for %scan3A_9 = %scan3A_3 to %scan3A_5 step %scan3A_6 iter_args(%scan3A_10 = %scan3A) -> (i32)  : i32 {
      %mul3A_11 = arith.constant 128 : i32
      %mul3A_12 = arith.muli %scan3A_9, %mul3A_11 : i32
      %add3A_13 = arith.addi %mul3A_2, %mul3A_12 : i32
      "tpu.region"() ({
        %run_scoped3A = tpu.sem_alloc : memref<!tpu.dma_semaphore, #tpu.memory_space<semaphore_mem>>
        %dma_start3A_19 = tpu.memref_slice %arg3[%add3A_13] : memref<102400xi32, #tpu.memory_space<hbm>> -> memref<128xi32, #tpu.memory_space<hbm>>
        %dma_start3A_20 = tpu.memref_slice %arg3[%add3A_13] : memref<102400xi32, #tpu.memory_space<hbm>> -> memref<128xi32, #tpu.memory_space<hbm>>
        tpu.enqueue_dma source(%dma_start3A_20 : memref<128xi32, #tpu.memory_space<hbm>>) target(%arg5 : memref<128xi32, #tpu.memory_space<vmem>>) target_semaphore(%run_scoped3A : memref<!tpu.dma_semaphore, #tpu.memory_space<semaphore_mem>>)
        %dma_wait3A_21 = tpu.memref_slice %arg3[%add3A_13] : memref<102400xi32, #tpu.memory_space<hbm>> -> memref<128xi32, #tpu.memory_space<hbm>>
        %dma_wait3A_22 = tpu.memref_slice %arg3[%add3A_13] : memref<102400xi32, #tpu.memory_space<hbm>> -> memref<128xi32, #tpu.memory_space<hbm>>
        tpu.wait_dma2 semaphore(%run_scoped3A : memref<!tpu.dma_semaphore, #tpu.memory_space<semaphore_mem>>) src(%dma_wait3A_22 : memref<128xi32, #tpu.memory_space<hbm>>) dst(%arg5 : memref<128xi32, #tpu.memory_space<vmem>>)
        tpu.yield
      }) : () -> ()
      %dma_start3A = arith.constant 0 : i32
      %dma_start3A_14 = arith.constant 0 : i32
      %dma_start3A_15 = tpu.memref_slice %arg2[%dma_start3A, %dma_start3A_14] : memref<100000x128xf32, #tpu.memory_space<hbm>> -> memref<100000x128xf32, #tpu.memory_space<hbm>>
      tpu.enqueue_indirect_dma source(%dma_start3A_15 : memref<100000x128xf32, #tpu.memory_space<hbm>>) target(%arg6 : memref<128x128xf32, #tpu.memory_space<vmem>>) offsets(%arg5 : memref<128xi32, #tpu.memory_space<vmem>>) semaphore(%arg7 : memref<!tpu.dma_semaphore, #tpu.memory_space<semaphore_mem>>)
      %dma_wait3A = arith.constant 0 : i32
      %dma_wait3A_16 = arith.constant 0 : i32
      %dma_wait3A_17 = tpu.memref_slice %arg2[%dma_wait3A, %dma_wait3A_16] : memref<100000x128xf32, #tpu.memory_space<hbm>> -> memref<100000x128xf32, #tpu.memory_space<hbm>>
      tpu.wait_indirect_dma semaphore(%arg7 : memref<!tpu.dma_semaphore, #tpu.memory_space<semaphore_mem>>) src(%dma_wait3A_17 : memref<100000x128xf32, #tpu.memory_space<hbm>>) dst(%arg6 : memref<128x128xf32, #tpu.memory_space<vmem>>)
      "tpu.region"() ({
        %run_scoped3A = tpu.sem_alloc : memref<!tpu.dma_semaphore, #tpu.memory_space<semaphore_mem>>
        %dma_start3A_19 = arith.constant 0 : i32
        %dma_start3A_20 = tpu.memref_slice %arg4[%add3A_13, %dma_start3A_19] : memref<102400x128xf32, #tpu.memory_space<hbm>> -> memref<128x128xf32, #tpu.memory_space<hbm>>
        %dma_start3A_21 = arith.constant 0 : i32
        %dma_start3A_22 = tpu.memref_slice %arg4[%add3A_13, %dma_start3A_21] : memref<102400x128xf32, #tpu.memory_space<hbm>> -> memref<128x128xf32, #tpu.memory_space<hbm>>
        tpu.enqueue_dma source(%arg6 : memref<128x128xf32, #tpu.memory_space<vmem>>) target(%dma_start3A_22 : memref<128x128xf32, #tpu.memory_space<hbm>>) target_semaphore(%run_scoped3A : memref<!tpu.dma_semaphore, #tpu.memory_space<semaphore_mem>>)
        %dma_wait3A_23 = arith.constant 0 : i32
        %dma_wait3A_24 = tpu.memref_slice %arg4[%add3A_13, %dma_wait3A_23] : memref<102400x128xf32, #tpu.memory_space<hbm>> -> memref<128x128xf32, #tpu.memory_space<hbm>>
        %dma_wait3A_25 = arith.constant 0 : i32
        %dma_wait3A_26 = tpu.memref_slice %arg4[%add3A_13, %dma_wait3A_25] : memref<102400x128xf32, #tpu.memory_space<hbm>> -> memref<128x128xf32, #tpu.memory_space<hbm>>
        tpu.wait_dma2 semaphore(%run_scoped3A : memref<!tpu.dma_semaphore, #tpu.memory_space<semaphore_mem>>) src(%arg6 : memref<128x128xf32, #tpu.memory_space<vmem>>) dst(%dma_wait3A_26 : memref<128x128xf32, #tpu.memory_space<hbm>>)
        tpu.yield
      }) : () -> ()
      %scan3A_18 = arith.constant 0 : i32
      scf.yield %scan3A_18 : i32
    }
    %scan3A_8 = arith.constant 25 : i32
    return
  }
}

#map = affine_map<(d0, d1) -> (0, 0)>
#map1 = affine_map<(d0, d1) -> (0)>
module attributes {stable_mosaic.version = 14 : i64} {
  func.func @gk(%arg0: i32, %arg1: i32, %arg2: memref<100000x128xf32, #tpu.memory_space<hbm>>, %arg3: memref<102400xi32, #tpu.memory_space<hbm>>, %arg4: memref<102400x128xf32, #tpu.memory_space<hbm>>, %arg5: memref<128xi32, #tpu.memory_space<vmem>>, %arg6: memref<128x128xf32, #tpu.memory_space<vmem>>, %arg7: memref<!tpu.dma_semaphore, #tpu.memory_space<semaphore_mem>>) attributes {dimension_semantics = [#tpu.dimension_semantics<core_parallel>, #tpu.dimension_semantics<subcore_parallel>], iteration_bounds = array<i64: 2, 16>, scalar_prefetch = 0 : i64, scratch_operands = 3 : i64, tpu.core_type = #tpu.core_type<sc_vector_subcore>, window_params = [{transform_indices = #map}, {transform_indices = #map1}, {transform_indices = #map}]} {
    %mul3A = arith.constant 2 : i32
    %mul3A_0 = arith.muli %arg1, %mul3A : i32
    %add3A = arith.addi %mul3A_0, %arg0 : i32
    %mul3A_1 = arith.constant 3200 : i32
    %mul3A_2 = arith.muli %add3A, %mul3A_1 : i32
    %scan3A = arith.constant 0 : i32
    %scan3A_3 = arith.constant 0 : i32
    %scan3A_4 = arith.constant 25 : i32
    %scan3A_5 = arith.addi %scan3A_3, %scan3A_4 : i32
    %scan3A_6 = arith.constant 1 : i32
    %scan3A_7 = scf.for %scan3A_9 = %scan3A_3 to %scan3A_5 step %scan3A_6 iter_args(%scan3A_10 = %scan3A) -> (i32)  : i32 {
      %mul3A_11 = arith.constant 128 : i32
      %mul3A_12 = arith.muli %scan3A_9, %mul3A_11 : i32
      %add3A_13 = arith.addi %mul3A_2, %mul3A_12 : i32
      "tpu.region"() ({
        %run_scoped3A = tpu.sem_alloc : memref<!tpu.dma_semaphore, #tpu.memory_space<semaphore_mem>>
        %dma_start3A_19 = tpu.memref_slice %arg3[%add3A_13] : memref<102400xi32, #tpu.memory_space<hbm>> -> memref<128xi32, #tpu.memory_space<hbm>>
        %dma_start3A_20 = tpu.memref_slice %arg3[%add3A_13] : memref<102400xi32, #tpu.memory_space<hbm>> -> memref<128xi32, #tpu.memory_space<hbm>>
        tpu.enqueue_dma source(%dma_start3A_20 : memref<128xi32, #tpu.memory_space<hbm>>) target(%arg5 : memref<128xi32, #tpu.memory_space<vmem>>) target_semaphore(%run_scoped3A : memref<!tpu.dma_semaphore, #tpu.memory_space<semaphore_mem>>)
        %dma_wait3A_21 = tpu.memref_slice %arg3[%add3A_13] : memref<102400xi32, #tpu.memory_space<hbm>> -> memref<128xi32, #tpu.memory_space<hbm>>
        %dma_wait3A_22 = tpu.memref_slice %arg3[%add3A_13] : memref<102400xi32, #tpu.memory_space<hbm>> -> memref<128xi32, #tpu.memory_space<hbm>>
        tpu.wait_dma2 semaphore(%run_scoped3A : memref<!tpu.dma_semaphore, #tpu.memory_space<semaphore_mem>>) src(%dma_wait3A_22 : memref<128xi32, #tpu.memory_space<hbm>>) dst(%arg5 : memref<128xi32, #tpu.memory_space<vmem>>)
        tpu.yield
      }) : () -> ()
      %dma_start3A = arith.constant 0 : i32
      %dma_start3A_14 = arith.constant 0 : i32
      %dma_start3A_15 = tpu.memref_slice %arg2[%dma_start3A, %dma_start3A_14] : memref<100000x128xf32, #tpu.memory_space<hbm>> -> memref<100000x128xf32, #tpu.memory_space<hbm>>
      tpu.enqueue_indirect_dma source(%dma_start3A_15 : memref<100000x128xf32, #tpu.memory_space<hbm>>) target(%arg6 : memref<128x128xf32, #tpu.memory_space<vmem>>) offsets(%arg5 : memref<128xi32, #tpu.memory_space<vmem>>) semaphore(%arg7 : memref<!tpu.dma_semaphore, #tpu.memory_space<semaphore_mem>>)
      %dma_wait3A = arith.constant 0 : i32
      %dma_wait3A_16 = arith.constant 0 : i32
      %dma_wait3A_17 = tpu.memref_slice %arg2[%dma_wait3A, %dma_wait3A_16] : memref<100000x128xf32, #tpu.memory_space<hbm>> -> memref<100000x128xf32, #tpu.memory_space<hbm>>
      tpu.wait_indirect_dma semaphore(%arg7 : memref<!tpu.dma_semaphore, #tpu.memory_space<semaphore_mem>>) src(%dma_wait3A_17 : memref<100000x128xf32, #tpu.memory_space<hbm>>) dst(%arg6 : memref<128x128xf32, #tpu.memory_space<vmem>>)
      "tpu.region"() ({
        %run_scoped3A = tpu.sem_alloc : memref<!tpu.dma_semaphore, #tpu.memory_space<semaphore_mem>>
        %dma_start3A_19 = arith.constant 0 : i32
        %dma_start3A_20 = tpu.memref_slice %arg4[%add3A_13, %dma_start3A_19] : memref<102400x128xf32, #tpu.memory_space<hbm>> -> memref<128x128xf32, #tpu.memory_space<hbm>>
        %dma_start3A_21 = arith.constant 0 : i32
        %dma_start3A_22 = tpu.memref_slice %arg4[%add3A_13, %dma_start3A_21] : memref<102400x128xf32, #tpu.memory_space<hbm>> -> memref<128x128xf32, #tpu.memory_space<hbm>>
        tpu.enqueue_dma source(%arg6 : memref<128x128xf32, #tpu.memory_space<vmem>>) target(%dma_start3A_22 : memref<128x128xf32, #tpu.memory_space<hbm>>) target_semaphore(%run_scoped3A : memref<!tpu.dma_semaphore, #tpu.memory_space<semaphore_mem>>)
        %dma_wait3A_23 = arith.constant 0 : i32
        %dma_wait3A_24 = tpu.memref_slice %arg4[%add3A_13, %dma_wait3A_23] : memref<102400x128xf32, #tpu.memory_space<hbm>> -> memref<128x128xf32, #tpu.memory_space<hbm>>
        %dma_wait3A_25 = arith.constant 0 : i32
        %dma_wait3A_26 = tpu.memref_slice %arg4[%add3A_13, %dma_wait3A_25] : memref<102400x128xf32, #tpu.memory_space<hbm>> -> memref<128x128xf32, #tpu.memory_space<hbm>>
        tpu.wait_dma2 semaphore(%run_scoped3A : memref<!tpu.dma_semaphore, #tpu.memory_space<semaphore_mem>>) src(%arg6 : memref<128x128xf32, #tpu.memory_space<vmem>>) dst(%dma_wait3A_26 : memref<128x128xf32, #tpu.memory_space<hbm>>)
        tpu.yield
      }) : () -> ()
      %scan3A_18 = arith.constant 0 : i32
      scf.yield %scan3A_18 : i32
    }
    %scan3A_8 = arith.constant 25 : i32
    return
  }
}

#map = affine_map<(d0, d1) -> (0, 0)>
#map1 = affine_map<(d0, d1) -> (0, 0, 0)>
module attributes {stable_mosaic.version = 14 : i64} {
  func.func @gk(%arg0: i32, %arg1: i32, %arg2: memref<102400x128xf32, #tpu.memory_space<hbm>>, %arg3: memref<2x102400xi32, #tpu.memory_space<hbm>>, %arg4: memref<2x102400x128xf32, #tpu.memory_space<hbm>>, %arg5: memref<128xi32, #tpu.memory_space<vmem>>, %arg6: memref<128x128xf32, #tpu.memory_space<vmem>>, %arg7: memref<!tpu.dma_semaphore, #tpu.memory_space<semaphore_mem>>) attributes {dimension_semantics = [#tpu.dimension_semantics<core_parallel>, #tpu.dimension_semantics<subcore_parallel>], iteration_bounds = array<i64: 2, 16>, scalar_prefetch = 0 : i64, scratch_operands = 3 : i64, tpu.core_type = #tpu.core_type<sc_vector_subcore>, window_params = [{transform_indices = #map}, {transform_indices = #map}, {transform_indices = #map1}]} {
    %mul3A = arith.constant 2 : i32
    %mul3A_0 = arith.muli %arg1, %mul3A : i32
    %add3A = arith.addi %mul3A_0, %arg0 : i32
    %mul3A_1 = arith.constant 3200 : i32
    %mul3A_2 = arith.muli %add3A, %mul3A_1 : i32
    %scan3A = arith.constant 0 : i32
    %scan3A_3 = arith.constant 0 : i32
    %scan3A_4 = arith.constant 25 : i32
    %scan3A_5 = arith.addi %scan3A_3, %scan3A_4 : i32
    %scan3A_6 = arith.constant 1 : i32
    %scan3A_7 = scf.for %scan3A_16 = %scan3A_3 to %scan3A_5 step %scan3A_6 iter_args(%scan3A_17 = %scan3A) -> (i32)  : i32 {
      %mul3A_18 = arith.constant 128 : i32
      %mul3A_19 = arith.muli %scan3A_16, %mul3A_18 : i32
      %add3A_20 = arith.addi %mul3A_2, %mul3A_19 : i32
      %run_scoped3A = arith.constant 0 : i32
      "tpu.region"() ({
        %run_scoped3A_27 = tpu.sem_alloc : memref<!tpu.dma_semaphore, #tpu.memory_space<semaphore_mem>>
        %dma_start3A_28 = tpu.memref_slice %arg3[%run_scoped3A, %add3A_20] : memref<2x102400xi32, #tpu.memory_space<hbm>> -> memref<1x128xi32, #tpu.memory_space<hbm>>
        %dma_start3A_29 = tpu.memref_squeeze %dma_start3A_28 : memref<1x128xi32, #tpu.memory_space<hbm>> -> memref<128xi32, #tpu.memory_space<hbm>>
        %dma_start3A_30 = tpu.memref_slice %arg3[%run_scoped3A, %add3A_20] : memref<2x102400xi32, #tpu.memory_space<hbm>> -> memref<1x128xi32, #tpu.memory_space<hbm>>
        %dma_start3A_31 = tpu.memref_squeeze %dma_start3A_30 : memref<1x128xi32, #tpu.memory_space<hbm>> -> memref<128xi32, #tpu.memory_space<hbm>>
        tpu.enqueue_dma source(%dma_start3A_31 : memref<128xi32, #tpu.memory_space<hbm>>) target(%arg5 : memref<128xi32, #tpu.memory_space<vmem>>) target_semaphore(%run_scoped3A_27 : memref<!tpu.dma_semaphore, #tpu.memory_space<semaphore_mem>>)
        %dma_wait3A_32 = tpu.memref_slice %arg3[%run_scoped3A, %add3A_20] : memref<2x102400xi32, #tpu.memory_space<hbm>> -> memref<1x128xi32, #tpu.memory_space<hbm>>
        %dma_wait3A_33 = tpu.memref_squeeze %dma_wait3A_32 : memref<1x128xi32, #tpu.memory_space<hbm>> -> memref<128xi32, #tpu.memory_space<hbm>>
        %dma_wait3A_34 = tpu.memref_slice %arg3[%run_scoped3A, %add3A_20] : memref<2x102400xi32, #tpu.memory_space<hbm>> -> memref<1x128xi32, #tpu.memory_space<hbm>>
        %dma_wait3A_35 = tpu.memref_squeeze %dma_wait3A_34 : memref<1x128xi32, #tpu.memory_space<hbm>> -> memref<128xi32, #tpu.memory_space<hbm>>
        tpu.wait_dma2 semaphore(%run_scoped3A_27 : memref<!tpu.dma_semaphore, #tpu.memory_space<semaphore_mem>>) src(%dma_wait3A_35 : memref<128xi32, #tpu.memory_space<hbm>>) dst(%arg5 : memref<128xi32, #tpu.memory_space<vmem>>)
        tpu.yield
      }) : () -> ()
      %dma_start3A = arith.constant 0 : i32
      %dma_start3A_21 = arith.constant 0 : i32
      %dma_start3A_22 = tpu.memref_slice %arg2[%dma_start3A, %dma_start3A_21] : memref<102400x128xf32, #tpu.memory_space<hbm>> -> memref<102400x128xf32, #tpu.memory_space<hbm>>
      tpu.enqueue_indirect_dma source(%dma_start3A_22 : memref<102400x128xf32, #tpu.memory_space<hbm>>) target(%arg6 : memref<128x128xf32, #tpu.memory_space<vmem>>) offsets(%arg5 : memref<128xi32, #tpu.memory_space<vmem>>) semaphore(%arg7 : memref<!tpu.dma_semaphore, #tpu.memory_space<semaphore_mem>>)
      %dma_wait3A = arith.constant 0 : i32
      %dma_wait3A_23 = arith.constant 0 : i32
      %dma_wait3A_24 = tpu.memref_slice %arg2[%dma_wait3A, %dma_wait3A_23] : memref<102400x128xf32, #tpu.memory_space<hbm>> -> memref<102400x128xf32, #tpu.memory_space<hbm>>
      tpu.wait_indirect_dma semaphore(%arg7 : memref<!tpu.dma_semaphore, #tpu.memory_space<semaphore_mem>>) src(%dma_wait3A_24 : memref<102400x128xf32, #tpu.memory_space<hbm>>) dst(%arg6 : memref<128x128xf32, #tpu.memory_space<vmem>>)
      %run_scoped3A_25 = arith.constant 0 : i32
      "tpu.region"() ({
        %run_scoped3A_27 = tpu.sem_alloc : memref<!tpu.dma_semaphore, #tpu.memory_space<semaphore_mem>>
        %dma_start3A_28 = arith.constant 0 : i32
        %dma_start3A_29 = tpu.memref_slice %arg4[%run_scoped3A_25, %add3A_20, %dma_start3A_28] : memref<2x102400x128xf32, #tpu.memory_space<hbm>> -> memref<1x128x128xf32, #tpu.memory_space<hbm>>
        %dma_start3A_30 = tpu.memref_squeeze %dma_start3A_29 : memref<1x128x128xf32, #tpu.memory_space<hbm>> -> memref<128x128xf32, #tpu.memory_space<hbm>>
        %dma_start3A_31 = arith.constant 0 : i32
        %dma_start3A_32 = tpu.memref_slice %arg4[%run_scoped3A_25, %add3A_20, %dma_start3A_31] : memref<2x102400x128xf32, #tpu.memory_space<hbm>> -> memref<1x128x128xf32, #tpu.memory_space<hbm>>
        %dma_start3A_33 = tpu.memref_squeeze %dma_start3A_32 : memref<1x128x128xf32, #tpu.memory_space<hbm>> -> memref<128x128xf32, #tpu.memory_space<hbm>>
        tpu.enqueue_dma source(%arg6 : memref<128x128xf32, #tpu.memory_space<vmem>>) target(%dma_start3A_33 : memref<128x128xf32, #tpu.memory_space<hbm>>) target_semaphore(%run_scoped3A_27 : memref<!tpu.dma_semaphore, #tpu.memory_space<semaphore_mem>>)
        %dma_wait3A_34 = arith.constant 0 : i32
        %dma_wait3A_35 = tpu.memref_slice %arg4[%run_scoped3A_25, %add3A_20, %dma_wait3A_34] : memref<2x102400x128xf32, #tpu.memory_space<hbm>> -> memref<1x128x128xf32, #tpu.memory_space<hbm>>
        %dma_wait3A_36 = tpu.memref_squeeze %dma_wait3A_35 : memref<1x128x128xf32, #tpu.memory_space<hbm>> -> memref<128x128xf32, #tpu.memory_space<hbm>>
        %dma_wait3A_37 = arith.constant 0 : i32
        %dma_wait3A_38 = tpu.memref_slice %arg4[%run_scoped3A_25, %add3A_20, %dma_wait3A_37] : memref<2x102400x128xf32, #tpu.memory_space<hbm>> -> memref<1x128x128xf32, #tpu.memory_space<hbm>>
        %dma_wait3A_39 = tpu.memref_squeeze %dma_wait3A_38 : memref<1x128x128xf32, #tpu.memory_space<hbm>> -> memref<128x128xf32, #tpu.memory_space<hbm>>
        tpu.wait_dma2 semaphore(%run_scoped3A_27 : memref<!tpu.dma_semaphore, #tpu.memory_space<semaphore_mem>>) src(%arg6 : memref<128x128xf32, #tpu.memory_space<vmem>>) dst(%dma_wait3A_39 : memref<128x128xf32, #tpu.memory_space<hbm>>)
        tpu.yield
      }) : () -> ()
      %scan3A_26 = arith.constant 0 : i32
      scf.yield %scan3A_26 : i32
    }
    %scan3A_8 = arith.constant 25 : i32
    %scan3A_9 = arith.constant 0 : i32
    %scan3A_10 = arith.constant 0 : i32
    %scan3A_11 = arith.constant 25 : i32
    %scan3A_12 = arith.addi %scan3A_10, %scan3A_11 : i32
    %scan3A_13 = arith.constant 1 : i32
    %scan3A_14 = scf.for %scan3A_16 = %scan3A_10 to %scan3A_12 step %scan3A_13 iter_args(%scan3A_17 = %scan3A_9) -> (i32)  : i32 {
      %mul3A_18 = arith.constant 128 : i32
      %mul3A_19 = arith.muli %scan3A_16, %mul3A_18 : i32
      %add3A_20 = arith.addi %mul3A_2, %mul3A_19 : i32
      %run_scoped3A = arith.constant 1 : i32
      "tpu.region"() ({
        %run_scoped3A_27 = tpu.sem_alloc : memref<!tpu.dma_semaphore, #tpu.memory_space<semaphore_mem>>
        %dma_start3A_28 = tpu.memref_slice %arg3[%run_scoped3A, %add3A_20] : memref<2x102400xi32, #tpu.memory_space<hbm>> -> memref<1x128xi32, #tpu.memory_space<hbm>>
        %dma_start3A_29 = tpu.memref_squeeze %dma_start3A_28 : memref<1x128xi32, #tpu.memory_space<hbm>> -> memref<128xi32, #tpu.memory_space<hbm>>
        %dma_start3A_30 = tpu.memref_slice %arg3[%run_scoped3A, %add3A_20] : memref<2x102400xi32, #tpu.memory_space<hbm>> -> memref<1x128xi32, #tpu.memory_space<hbm>>
        %dma_start3A_31 = tpu.memref_squeeze %dma_start3A_30 : memref<1x128xi32, #tpu.memory_space<hbm>> -> memref<128xi32, #tpu.memory_space<hbm>>
        tpu.enqueue_dma source(%dma_start3A_31 : memref<128xi32, #tpu.memory_space<hbm>>) target(%arg5 : memref<128xi32, #tpu.memory_space<vmem>>) target_semaphore(%run_scoped3A_27 : memref<!tpu.dma_semaphore, #tpu.memory_space<semaphore_mem>>)
        %dma_wait3A_32 = tpu.memref_slice %arg3[%run_scoped3A, %add3A_20] : memref<2x102400xi32, #tpu.memory_space<hbm>> -> memref<1x128xi32, #tpu.memory_space<hbm>>
        %dma_wait3A_33 = tpu.memref_squeeze %dma_wait3A_32 : memref<1x128xi32, #tpu.memory_space<hbm>> -> memref<128xi32, #tpu.memory_space<hbm>>
        %dma_wait3A_34 = tpu.memref_slice %arg3[%run_scoped3A, %add3A_20] : memref<2x102400xi32, #tpu.memory_space<hbm>> -> memref<1x128xi32, #tpu.memory_space<hbm>>
        %dma_wait3A_35 = tpu.memref_squeeze %dma_wait3A_34 : memref<1x128xi32, #tpu.memory_space<hbm>> -> memref<128xi32, #tpu.memory_space<hbm>>
        tpu.wait_dma2 semaphore(%run_scoped3A_27 : memref<!tpu.dma_semaphore, #tpu.memory_space<semaphore_mem>>) src(%dma_wait3A_35 : memref<128xi32, #tpu.memory_space<hbm>>) dst(%arg5 : memref<128xi32, #tpu.memory_space<vmem>>)
        tpu.yield
      }) : () -> ()
      %dma_start3A = arith.constant 0 : i32
      %dma_start3A_21 = arith.constant 0 : i32
      %dma_start3A_22 = tpu.memref_slice %arg2[%dma_start3A, %dma_start3A_21] : memref<102400x128xf32, #tpu.memory_space<hbm>> -> memref<102400x128xf32, #tpu.memory_space<hbm>>
      tpu.enqueue_indirect_dma source(%dma_start3A_22 : memref<102400x128xf32, #tpu.memory_space<hbm>>) target(%arg6 : memref<128x128xf32, #tpu.memory_space<vmem>>) offsets(%arg5 : memref<128xi32, #tpu.memory_space<vmem>>) semaphore(%arg7 : memref<!tpu.dma_semaphore, #tpu.memory_space<semaphore_mem>>)
      %dma_wait3A = arith.constant 0 : i32
      %dma_wait3A_23 = arith.constant 0 : i32
      %dma_wait3A_24 = tpu.memref_slice %arg2[%dma_wait3A, %dma_wait3A_23] : memref<102400x128xf32, #tpu.memory_space<hbm>> -> memref<102400x128xf32, #tpu.memory_space<hbm>>
      tpu.wait_indirect_dma semaphore(%arg7 : memref<!tpu.dma_semaphore, #tpu.memory_space<semaphore_mem>>) src(%dma_wait3A_24 : memref<102400x128xf32, #tpu.memory_space<hbm>>) dst(%arg6 : memref<128x128xf32, #tpu.memory_space<vmem>>)
      %run_scoped3A_25 = arith.constant 1 : i32
      "tpu.region"() ({
        %run_scoped3A_27 = tpu.sem_alloc : memref<!tpu.dma_semaphore, #tpu.memory_space<semaphore_mem>>
        %dma_start3A_28 = arith.constant 0 : i32
        %dma_start3A_29 = tpu.memref_slice %arg4[%run_scoped3A_25, %add3A_20, %dma_start3A_28] : memref<2x102400x128xf32, #tpu.memory_space<hbm>> -> memref<1x128x128xf32, #tpu.memory_space<hbm>>
        %dma_start3A_30 = tpu.memref_squeeze %dma_start3A_29 : memref<1x128x128xf32, #tpu.memory_space<hbm>> -> memref<128x128xf32, #tpu.memory_space<hbm>>
        %dma_start3A_31 = arith.constant 0 : i32
        %dma_start3A_32 = tpu.memref_slice %arg4[%run_scoped3A_25, %add3A_20, %dma_start3A_31] : memref<2x102400x128xf32, #tpu.memory_space<hbm>> -> memref<1x128x128xf32, #tpu.memory_space<hbm>>
        %dma_start3A_33 = tpu.memref_squeeze %dma_start3A_32 : memref<1x128x128xf32, #tpu.memory_space<hbm>> -> memref<128x128xf32, #tpu.memory_space<hbm>>
        tpu.enqueue_dma source(%arg6 : memref<128x128xf32, #tpu.memory_space<vmem>>) target(%dma_start3A_33 : memref<128x128xf32, #tpu.memory_space<hbm>>) target_semaphore(%run_scoped3A_27 : memref<!tpu.dma_semaphore, #tpu.memory_space<semaphore_mem>>)
        %dma_wait3A_34 = arith.constant 0 : i32
        %dma_wait3A_35 = tpu.memref_slice %arg4[%run_scoped3A_25, %add3A_20, %dma_wait3A_34] : memref<2x102400x128xf32, #tpu.memory_space<hbm>> -> memref<1x128x128xf32, #tpu.memory_space<hbm>>
        %dma_wait3A_36 = tpu.memref_squeeze %dma_wait3A_35 : memref<1x128x128xf32, #tpu.memory_space<hbm>> -> memref<128x128xf32, #tpu.memory_space<hbm>>
        %dma_wait3A_37 = arith.constant 0 : i32
        %dma_wait3A_38 = tpu.memref_slice %arg4[%run_scoped3A_25, %add3A_20, %dma_wait3A_37] : memref<2x102400x128xf32, #tpu.memory_space<hbm>> -> memref<1x128x128xf32, #tpu.memory_space<hbm>>
        %dma_wait3A_39 = tpu.memref_squeeze %dma_wait3A_38 : memref<1x128x128xf32, #tpu.memory_space<hbm>> -> memref<128x128xf32, #tpu.memory_space<hbm>>
        tpu.wait_dma2 semaphore(%run_scoped3A_27 : memref<!tpu.dma_semaphore, #tpu.memory_space<semaphore_mem>>) src(%arg6 : memref<128x128xf32, #tpu.memory_space<vmem>>) dst(%dma_wait3A_39 : memref<128x128xf32, #tpu.memory_space<hbm>>)
        tpu.yield
      }) : () -> ()
      %scan3A_26 = arith.constant 0 : i32
      scf.yield %scan3A_26 : i32
    }
    %scan3A_15 = arith.constant 25 : i32
    return
  }
}

#map = affine_map<(d0, d1) -> (0, 0)>
#map1 = affine_map<(d0, d1) -> (0)>
module attributes {stable_mosaic.version = 14 : i64} {
  func.func @gk(%arg0: i32, %arg1: i32, %arg2: memref<100000x128xf32, #tpu.memory_space<hbm>>, %arg3: memref<102400xi32, #tpu.memory_space<hbm>>, %arg4: memref<102400x128xf32, #tpu.memory_space<hbm>>, %arg5: memref<128xi32, #tpu.memory_space<vmem>>, %arg6: memref<128x128xf32, #tpu.memory_space<vmem>>, %arg7: memref<!tpu.dma_semaphore, #tpu.memory_space<semaphore_mem>>) attributes {dimension_semantics = [#tpu.dimension_semantics<core_parallel>, #tpu.dimension_semantics<subcore_parallel>], iteration_bounds = array<i64: 2, 16>, scalar_prefetch = 0 : i64, scratch_operands = 3 : i64, tpu.core_type = #tpu.core_type<sc_vector_subcore>, window_params = [{transform_indices = #map}, {transform_indices = #map1}, {transform_indices = #map}]} {
    %mul3A = arith.constant 2 : i32
    %mul3A_0 = arith.muli %arg1, %mul3A : i32
    %add3A = arith.addi %mul3A_0, %arg0 : i32
    %mul3A_1 = arith.constant 3200 : i32
    %mul3A_2 = arith.muli %add3A, %mul3A_1 : i32
    %scan3A = arith.constant 0 : i32
    %scan3A_3 = arith.constant 0 : i32
    %scan3A_4 = arith.constant 25 : i32
    %scan3A_5 = arith.addi %scan3A_3, %scan3A_4 : i32
    %scan3A_6 = arith.constant 1 : i32
    %scan3A_7 = scf.for %scan3A_9 = %scan3A_3 to %scan3A_5 step %scan3A_6 iter_args(%scan3A_10 = %scan3A) -> (i32)  : i32 {
      %mul3A_11 = arith.constant 128 : i32
      %mul3A_12 = arith.muli %scan3A_9, %mul3A_11 : i32
      %add3A_13 = arith.addi %mul3A_2, %mul3A_12 : i32
      "tpu.region"() ({
        %run_scoped3A = tpu.sem_alloc : memref<!tpu.dma_semaphore, #tpu.memory_space<semaphore_mem>>
        %dma_start3A_19 = tpu.memref_slice %arg3[%add3A_13] : memref<102400xi32, #tpu.memory_space<hbm>> -> memref<128xi32, #tpu.memory_space<hbm>>
        %dma_start3A_20 = tpu.memref_slice %arg3[%add3A_13] : memref<102400xi32, #tpu.memory_space<hbm>> -> memref<128xi32, #tpu.memory_space<hbm>>
        tpu.enqueue_dma source(%dma_start3A_20 : memref<128xi32, #tpu.memory_space<hbm>>) target(%arg5 : memref<128xi32, #tpu.memory_space<vmem>>) target_semaphore(%run_scoped3A : memref<!tpu.dma_semaphore, #tpu.memory_space<semaphore_mem>>)
        %dma_wait3A_21 = tpu.memref_slice %arg3[%add3A_13] : memref<102400xi32, #tpu.memory_space<hbm>> -> memref<128xi32, #tpu.memory_space<hbm>>
        %dma_wait3A_22 = tpu.memref_slice %arg3[%add3A_13] : memref<102400xi32, #tpu.memory_space<hbm>> -> memref<128xi32, #tpu.memory_space<hbm>>
        tpu.wait_dma2 semaphore(%run_scoped3A : memref<!tpu.dma_semaphore, #tpu.memory_space<semaphore_mem>>) src(%dma_wait3A_22 : memref<128xi32, #tpu.memory_space<hbm>>) dst(%arg5 : memref<128xi32, #tpu.memory_space<vmem>>)
        tpu.yield
      }) : () -> ()
      %dma_start3A = arith.constant 0 : i32
      %dma_start3A_14 = arith.constant 0 : i32
      %dma_start3A_15 = tpu.memref_slice %arg2[%dma_start3A, %dma_start3A_14] : memref<100000x128xf32, #tpu.memory_space<hbm>> -> memref<100000x128xf32, #tpu.memory_space<hbm>>
      tpu.enqueue_indirect_dma source(%dma_start3A_15 : memref<100000x128xf32, #tpu.memory_space<hbm>>) target(%arg6 : memref<128x128xf32, #tpu.memory_space<vmem>>) offsets(%arg5 : memref<128xi32, #tpu.memory_space<vmem>>) semaphore(%arg7 : memref<!tpu.dma_semaphore, #tpu.memory_space<semaphore_mem>>)
      %dma_wait3A = arith.constant 0 : i32
      %dma_wait3A_16 = arith.constant 0 : i32
      %dma_wait3A_17 = tpu.memref_slice %arg2[%dma_wait3A, %dma_wait3A_16] : memref<100000x128xf32, #tpu.memory_space<hbm>> -> memref<100000x128xf32, #tpu.memory_space<hbm>>
      tpu.wait_indirect_dma semaphore(%arg7 : memref<!tpu.dma_semaphore, #tpu.memory_space<semaphore_mem>>) src(%dma_wait3A_17 : memref<100000x128xf32, #tpu.memory_space<hbm>>) dst(%arg6 : memref<128x128xf32, #tpu.memory_space<vmem>>)
      "tpu.region"() ({
        %run_scoped3A = tpu.sem_alloc : memref<!tpu.dma_semaphore, #tpu.memory_space<semaphore_mem>>
        %dma_start3A_19 = arith.constant 0 : i32
        %dma_start3A_20 = tpu.memref_slice %arg4[%add3A_13, %dma_start3A_19] : memref<102400x128xf32, #tpu.memory_space<hbm>> -> memref<128x128xf32, #tpu.memory_space<hbm>>
        %dma_start3A_21 = arith.constant 0 : i32
        %dma_start3A_22 = tpu.memref_slice %arg4[%add3A_13, %dma_start3A_21] : memref<102400x128xf32, #tpu.memory_space<hbm>> -> memref<128x128xf32, #tpu.memory_space<hbm>>
        tpu.enqueue_dma source(%arg6 : memref<128x128xf32, #tpu.memory_space<vmem>>) target(%dma_start3A_22 : memref<128x128xf32, #tpu.memory_space<hbm>>) target_semaphore(%run_scoped3A : memref<!tpu.dma_semaphore, #tpu.memory_space<semaphore_mem>>)
        %dma_wait3A_23 = arith.constant 0 : i32
        %dma_wait3A_24 = tpu.memref_slice %arg4[%add3A_13, %dma_wait3A_23] : memref<102400x128xf32, #tpu.memory_space<hbm>> -> memref<128x128xf32, #tpu.memory_space<hbm>>
        %dma_wait3A_25 = arith.constant 0 : i32
        %dma_wait3A_26 = tpu.memref_slice %arg4[%add3A_13, %dma_wait3A_25] : memref<102400x128xf32, #tpu.memory_space<hbm>> -> memref<128x128xf32, #tpu.memory_space<hbm>>
        tpu.wait_dma2 semaphore(%run_scoped3A : memref<!tpu.dma_semaphore, #tpu.memory_space<semaphore_mem>>) src(%arg6 : memref<128x128xf32, #tpu.memory_space<vmem>>) dst(%dma_wait3A_26 : memref<128x128xf32, #tpu.memory_space<hbm>>)
        tpu.yield
      }) : () -> ()
      %scan3A_18 = arith.constant 0 : i32
      scf.yield %scan3A_18 : i32
    }
    %scan3A_8 = arith.constant 25 : i32
    return
  }
}

#map = affine_map<(d0, d1) -> (0, 0)>
#map1 = affine_map<(d0, d1) -> (0, 0, 0)>
module attributes {stable_mosaic.version = 14 : i64} {
  func.func @gk(%arg0: i32, %arg1: i32, %arg2: memref<102400x128xf32, #tpu.memory_space<hbm>>, %arg3: memref<2x102400xi32, #tpu.memory_space<hbm>>, %arg4: memref<2x102400x128xf32, #tpu.memory_space<hbm>>, %arg5: memref<128xi32, #tpu.memory_space<vmem>>, %arg6: memref<128x128xf32, #tpu.memory_space<vmem>>, %arg7: memref<!tpu.dma_semaphore, #tpu.memory_space<semaphore_mem>>) attributes {dimension_semantics = [#tpu.dimension_semantics<core_parallel>, #tpu.dimension_semantics<subcore_parallel>], iteration_bounds = array<i64: 2, 16>, scalar_prefetch = 0 : i64, scratch_operands = 3 : i64, tpu.core_type = #tpu.core_type<sc_vector_subcore>, window_params = [{transform_indices = #map}, {transform_indices = #map}, {transform_indices = #map1}]} {
    %mul3A = arith.constant 2 : i32
    %mul3A_0 = arith.muli %arg1, %mul3A : i32
    %add3A = arith.addi %mul3A_0, %arg0 : i32
    %mul3A_1 = arith.constant 3200 : i32
    %mul3A_2 = arith.muli %add3A, %mul3A_1 : i32
    %scan3A = arith.constant 0 : i32
    %scan3A_3 = arith.constant 0 : i32
    %scan3A_4 = arith.constant 25 : i32
    %scan3A_5 = arith.addi %scan3A_3, %scan3A_4 : i32
    %scan3A_6 = arith.constant 1 : i32
    %scan3A_7 = scf.for %scan3A_16 = %scan3A_3 to %scan3A_5 step %scan3A_6 iter_args(%scan3A_17 = %scan3A) -> (i32)  : i32 {
      %mul3A_18 = arith.constant 128 : i32
      %mul3A_19 = arith.muli %scan3A_16, %mul3A_18 : i32
      %add3A_20 = arith.addi %mul3A_2, %mul3A_19 : i32
      %run_scoped3A = arith.constant 0 : i32
      "tpu.region"() ({
        %run_scoped3A_27 = tpu.sem_alloc : memref<!tpu.dma_semaphore, #tpu.memory_space<semaphore_mem>>
        %dma_start3A_28 = tpu.memref_slice %arg3[%run_scoped3A, %add3A_20] : memref<2x102400xi32, #tpu.memory_space<hbm>> -> memref<1x128xi32, #tpu.memory_space<hbm>>
        %dma_start3A_29 = tpu.memref_squeeze %dma_start3A_28 : memref<1x128xi32, #tpu.memory_space<hbm>> -> memref<128xi32, #tpu.memory_space<hbm>>
        %dma_start3A_30 = tpu.memref_slice %arg3[%run_scoped3A, %add3A_20] : memref<2x102400xi32, #tpu.memory_space<hbm>> -> memref<1x128xi32, #tpu.memory_space<hbm>>
        %dma_start3A_31 = tpu.memref_squeeze %dma_start3A_30 : memref<1x128xi32, #tpu.memory_space<hbm>> -> memref<128xi32, #tpu.memory_space<hbm>>
        tpu.enqueue_dma source(%dma_start3A_31 : memref<128xi32, #tpu.memory_space<hbm>>) target(%arg5 : memref<128xi32, #tpu.memory_space<vmem>>) target_semaphore(%run_scoped3A_27 : memref<!tpu.dma_semaphore, #tpu.memory_space<semaphore_mem>>)
        %dma_wait3A_32 = tpu.memref_slice %arg3[%run_scoped3A, %add3A_20] : memref<2x102400xi32, #tpu.memory_space<hbm>> -> memref<1x128xi32, #tpu.memory_space<hbm>>
        %dma_wait3A_33 = tpu.memref_squeeze %dma_wait3A_32 : memref<1x128xi32, #tpu.memory_space<hbm>> -> memref<128xi32, #tpu.memory_space<hbm>>
        %dma_wait3A_34 = tpu.memref_slice %arg3[%run_scoped3A, %add3A_20] : memref<2x102400xi32, #tpu.memory_space<hbm>> -> memref<1x128xi32, #tpu.memory_space<hbm>>
        %dma_wait3A_35 = tpu.memref_squeeze %dma_wait3A_34 : memref<1x128xi32, #tpu.memory_space<hbm>> -> memref<128xi32, #tpu.memory_space<hbm>>
        tpu.wait_dma2 semaphore(%run_scoped3A_27 : memref<!tpu.dma_semaphore, #tpu.memory_space<semaphore_mem>>) src(%dma_wait3A_35 : memref<128xi32, #tpu.memory_space<hbm>>) dst(%arg5 : memref<128xi32, #tpu.memory_space<vmem>>)
        tpu.yield
      }) : () -> ()
      %dma_start3A = arith.constant 0 : i32
      %dma_start3A_21 = arith.constant 0 : i32
      %dma_start3A_22 = tpu.memref_slice %arg2[%dma_start3A, %dma_start3A_21] : memref<102400x128xf32, #tpu.memory_space<hbm>> -> memref<102400x128xf32, #tpu.memory_space<hbm>>
      tpu.enqueue_indirect_dma source(%dma_start3A_22 : memref<102400x128xf32, #tpu.memory_space<hbm>>) target(%arg6 : memref<128x128xf32, #tpu.memory_space<vmem>>) offsets(%arg5 : memref<128xi32, #tpu.memory_space<vmem>>) semaphore(%arg7 : memref<!tpu.dma_semaphore, #tpu.memory_space<semaphore_mem>>)
      %dma_wait3A = arith.constant 0 : i32
      %dma_wait3A_23 = arith.constant 0 : i32
      %dma_wait3A_24 = tpu.memref_slice %arg2[%dma_wait3A, %dma_wait3A_23] : memref<102400x128xf32, #tpu.memory_space<hbm>> -> memref<102400x128xf32, #tpu.memory_space<hbm>>
      tpu.wait_indirect_dma semaphore(%arg7 : memref<!tpu.dma_semaphore, #tpu.memory_space<semaphore_mem>>) src(%dma_wait3A_24 : memref<102400x128xf32, #tpu.memory_space<hbm>>) dst(%arg6 : memref<128x128xf32, #tpu.memory_space<vmem>>)
      %run_scoped3A_25 = arith.constant 0 : i32
      "tpu.region"() ({
        %run_scoped3A_27 = tpu.sem_alloc : memref<!tpu.dma_semaphore, #tpu.memory_space<semaphore_mem>>
        %dma_start3A_28 = arith.constant 0 : i32
        %dma_start3A_29 = tpu.memref_slice %arg4[%run_scoped3A_25, %add3A_20, %dma_start3A_28] : memref<2x102400x128xf32, #tpu.memory_space<hbm>> -> memref<1x128x128xf32, #tpu.memory_space<hbm>>
        %dma_start3A_30 = tpu.memref_squeeze %dma_start3A_29 : memref<1x128x128xf32, #tpu.memory_space<hbm>> -> memref<128x128xf32, #tpu.memory_space<hbm>>
        %dma_start3A_31 = arith.constant 0 : i32
        %dma_start3A_32 = tpu.memref_slice %arg4[%run_scoped3A_25, %add3A_20, %dma_start3A_31] : memref<2x102400x128xf32, #tpu.memory_space<hbm>> -> memref<1x128x128xf32, #tpu.memory_space<hbm>>
        %dma_start3A_33 = tpu.memref_squeeze %dma_start3A_32 : memref<1x128x128xf32, #tpu.memory_space<hbm>> -> memref<128x128xf32, #tpu.memory_space<hbm>>
        tpu.enqueue_dma source(%arg6 : memref<128x128xf32, #tpu.memory_space<vmem>>) target(%dma_start3A_33 : memref<128x128xf32, #tpu.memory_space<hbm>>) target_semaphore(%run_scoped3A_27 : memref<!tpu.dma_semaphore, #tpu.memory_space<semaphore_mem>>)
        %dma_wait3A_34 = arith.constant 0 : i32
        %dma_wait3A_35 = tpu.memref_slice %arg4[%run_scoped3A_25, %add3A_20, %dma_wait3A_34] : memref<2x102400x128xf32, #tpu.memory_space<hbm>> -> memref<1x128x128xf32, #tpu.memory_space<hbm>>
        %dma_wait3A_36 = tpu.memref_squeeze %dma_wait3A_35 : memref<1x128x128xf32, #tpu.memory_space<hbm>> -> memref<128x128xf32, #tpu.memory_space<hbm>>
        %dma_wait3A_37 = arith.constant 0 : i32
        %dma_wait3A_38 = tpu.memref_slice %arg4[%run_scoped3A_25, %add3A_20, %dma_wait3A_37] : memref<2x102400x128xf32, #tpu.memory_space<hbm>> -> memref<1x128x128xf32, #tpu.memory_space<hbm>>
        %dma_wait3A_39 = tpu.memref_squeeze %dma_wait3A_38 : memref<1x128x128xf32, #tpu.memory_space<hbm>> -> memref<128x128xf32, #tpu.memory_space<hbm>>
        tpu.wait_dma2 semaphore(%run_scoped3A_27 : memref<!tpu.dma_semaphore, #tpu.memory_space<semaphore_mem>>) src(%arg6 : memref<128x128xf32, #tpu.memory_space<vmem>>) dst(%dma_wait3A_39 : memref<128x128xf32, #tpu.memory_space<hbm>>)
        tpu.yield
      }) : () -> ()
      %scan3A_26 = arith.constant 0 : i32
      scf.yield %scan3A_26 : i32
    }
    %scan3A_8 = arith.constant 25 : i32
    %scan3A_9 = arith.constant 0 : i32
    %scan3A_10 = arith.constant 0 : i32
    %scan3A_11 = arith.constant 25 : i32
    %scan3A_12 = arith.addi %scan3A_10, %scan3A_11 : i32
    %scan3A_13 = arith.constant 1 : i32
    %scan3A_14 = scf.for %scan3A_16 = %scan3A_10 to %scan3A_12 step %scan3A_13 iter_args(%scan3A_17 = %scan3A_9) -> (i32)  : i32 {
      %mul3A_18 = arith.constant 128 : i32
      %mul3A_19 = arith.muli %scan3A_16, %mul3A_18 : i32
      %add3A_20 = arith.addi %mul3A_2, %mul3A_19 : i32
      %run_scoped3A = arith.constant 1 : i32
      "tpu.region"() ({
        %run_scoped3A_27 = tpu.sem_alloc : memref<!tpu.dma_semaphore, #tpu.memory_space<semaphore_mem>>
        %dma_start3A_28 = tpu.memref_slice %arg3[%run_scoped3A, %add3A_20] : memref<2x102400xi32, #tpu.memory_space<hbm>> -> memref<1x128xi32, #tpu.memory_space<hbm>>
        %dma_start3A_29 = tpu.memref_squeeze %dma_start3A_28 : memref<1x128xi32, #tpu.memory_space<hbm>> -> memref<128xi32, #tpu.memory_space<hbm>>
        %dma_start3A_30 = tpu.memref_slice %arg3[%run_scoped3A, %add3A_20] : memref<2x102400xi32, #tpu.memory_space<hbm>> -> memref<1x128xi32, #tpu.memory_space<hbm>>
        %dma_start3A_31 = tpu.memref_squeeze %dma_start3A_30 : memref<1x128xi32, #tpu.memory_space<hbm>> -> memref<128xi32, #tpu.memory_space<hbm>>
        tpu.enqueue_dma source(%dma_start3A_31 : memref<128xi32, #tpu.memory_space<hbm>>) target(%arg5 : memref<128xi32, #tpu.memory_space<vmem>>) target_semaphore(%run_scoped3A_27 : memref<!tpu.dma_semaphore, #tpu.memory_space<semaphore_mem>>)
        %dma_wait3A_32 = tpu.memref_slice %arg3[%run_scoped3A, %add3A_20] : memref<2x102400xi32, #tpu.memory_space<hbm>> -> memref<1x128xi32, #tpu.memory_space<hbm>>
        %dma_wait3A_33 = tpu.memref_squeeze %dma_wait3A_32 : memref<1x128xi32, #tpu.memory_space<hbm>> -> memref<128xi32, #tpu.memory_space<hbm>>
        %dma_wait3A_34 = tpu.memref_slice %arg3[%run_scoped3A, %add3A_20] : memref<2x102400xi32, #tpu.memory_space<hbm>> -> memref<1x128xi32, #tpu.memory_space<hbm>>
        %dma_wait3A_35 = tpu.memref_squeeze %dma_wait3A_34 : memref<1x128xi32, #tpu.memory_space<hbm>> -> memref<128xi32, #tpu.memory_space<hbm>>
        tpu.wait_dma2 semaphore(%run_scoped3A_27 : memref<!tpu.dma_semaphore, #tpu.memory_space<semaphore_mem>>) src(%dma_wait3A_35 : memref<128xi32, #tpu.memory_space<hbm>>) dst(%arg5 : memref<128xi32, #tpu.memory_space<vmem>>)
        tpu.yield
      }) : () -> ()
      %dma_start3A = arith.constant 0 : i32
      %dma_start3A_21 = arith.constant 0 : i32
      %dma_start3A_22 = tpu.memref_slice %arg2[%dma_start3A, %dma_start3A_21] : memref<102400x128xf32, #tpu.memory_space<hbm>> -> memref<102400x128xf32, #tpu.memory_space<hbm>>
      tpu.enqueue_indirect_dma source(%dma_start3A_22 : memref<102400x128xf32, #tpu.memory_space<hbm>>) target(%arg6 : memref<128x128xf32, #tpu.memory_space<vmem>>) offsets(%arg5 : memref<128xi32, #tpu.memory_space<vmem>>) semaphore(%arg7 : memref<!tpu.dma_semaphore, #tpu.memory_space<semaphore_mem>>)
      %dma_wait3A = arith.constant 0 : i32
      %dma_wait3A_23 = arith.constant 0 : i32
      %dma_wait3A_24 = tpu.memref_slice %arg2[%dma_wait3A, %dma_wait3A_23] : memref<102400x128xf32, #tpu.memory_space<hbm>> -> memref<102400x128xf32, #tpu.memory_space<hbm>>
      tpu.wait_indirect_dma semaphore(%arg7 : memref<!tpu.dma_semaphore, #tpu.memory_space<semaphore_mem>>) src(%dma_wait3A_24 : memref<102400x128xf32, #tpu.memory_space<hbm>>) dst(%arg6 : memref<128x128xf32, #tpu.memory_space<vmem>>)
      %run_scoped3A_25 = arith.constant 1 : i32
      "tpu.region"() ({
        %run_scoped3A_27 = tpu.sem_alloc : memref<!tpu.dma_semaphore, #tpu.memory_space<semaphore_mem>>
        %dma_start3A_28 = arith.constant 0 : i32
        %dma_start3A_29 = tpu.memref_slice %arg4[%run_scoped3A_25, %add3A_20, %dma_start3A_28] : memref<2x102400x128xf32, #tpu.memory_space<hbm>> -> memref<1x128x128xf32, #tpu.memory_space<hbm>>
        %dma_start3A_30 = tpu.memref_squeeze %dma_start3A_29 : memref<1x128x128xf32, #tpu.memory_space<hbm>> -> memref<128x128xf32, #tpu.memory_space<hbm>>
        %dma_start3A_31 = arith.constant 0 : i32
        %dma_start3A_32 = tpu.memref_slice %arg4[%run_scoped3A_25, %add3A_20, %dma_start3A_31] : memref<2x102400x128xf32, #tpu.memory_space<hbm>> -> memref<1x128x128xf32, #tpu.memory_space<hbm>>
        %dma_start3A_33 = tpu.memref_squeeze %dma_start3A_32 : memref<1x128x128xf32, #tpu.memory_space<hbm>> -> memref<128x128xf32, #tpu.memory_space<hbm>>
        tpu.enqueue_dma source(%arg6 : memref<128x128xf32, #tpu.memory_space<vmem>>) target(%dma_start3A_33 : memref<128x128xf32, #tpu.memory_space<hbm>>) target_semaphore(%run_scoped3A_27 : memref<!tpu.dma_semaphore, #tpu.memory_space<semaphore_mem>>)
        %dma_wait3A_34 = arith.constant 0 : i32
        %dma_wait3A_35 = tpu.memref_slice %arg4[%run_scoped3A_25, %add3A_20, %dma_wait3A_34] : memref<2x102400x128xf32, #tpu.memory_space<hbm>> -> memref<1x128x128xf32, #tpu.memory_space<hbm>>
        %dma_wait3A_36 = tpu.memref_squeeze %dma_wait3A_35 : memref<1x128x128xf32, #tpu.memory_space<hbm>> -> memref<128x128xf32, #tpu.memory_space<hbm>>
        %dma_wait3A_37 = arith.constant 0 : i32
        %dma_wait3A_38 = tpu.memref_slice %arg4[%run_scoped3A_25, %add3A_20, %dma_wait3A_37] : memref<2x102400x128xf32, #tpu.memory_space<hbm>> -> memref<1x128x128xf32, #tpu.memory_space<hbm>>
        %dma_wait3A_39 = tpu.memref_squeeze %dma_wait3A_38 : memref<1x128x128xf32, #tpu.memory_space<hbm>> -> memref<128x128xf32, #tpu.memory_space<hbm>>
        tpu.wait_dma2 semaphore(%run_scoped3A_27 : memref<!tpu.dma_semaphore, #tpu.memory_space<semaphore_mem>>) src(%arg6 : memref<128x128xf32, #tpu.memory_space<vmem>>) dst(%dma_wait3A_39 : memref<128x128xf32, #tpu.memory_space<hbm>>)
        tpu.yield
      }) : () -> ()
      %scan3A_26 = arith.constant 0 : i32
      scf.yield %scan3A_26 : i32
    }
    %scan3A_15 = arith.constant 25 : i32
    return
  }
}

module attributes {stable_mosaic.version = 14 : i64} {
  func.func @_enc_body(%arg0: i32, %arg1: memref<2000x70xf32, #tpu.memory_space<vmem>>, %arg2: memref<70x128xf32, #tpu.memory_space<vmem>>, %arg3: memref<1x128xf32, #tpu.memory_space<vmem>>, %arg4: memref<1x128xf32, #tpu.memory_space<vmem>>, %arg5: memref<1x128xf32, #tpu.memory_space<vmem>>, %arg6: memref<2000x128xf32, #tpu.memory_space<vmem>>) attributes {dimension_semantics = [#tpu.dimension_semantics<arbitrary>], iteration_bounds = array<i64: 50>, scalar_prefetch = 0 : i64, scratch_operands = 0 : i64, tpu.core_type = #tpu.core_type<tc>, window_params = [{transform_indices = @transform_0, window_bounds = array<i64: 2000, 70>}, {pipeline_mode = #tpu.pipeline_mode<synchronous>, transform_indices = @transform_1, window_bounds = array<i64: 70, 128>}, {pipeline_mode = #tpu.pipeline_mode<synchronous>, transform_indices = @transform_2, window_bounds = array<i64: 1, 128>}, {pipeline_mode = #tpu.pipeline_mode<synchronous>, transform_indices = @transform_3, window_bounds = array<i64: 1, 128>}, {pipeline_mode = #tpu.pipeline_mode<synchronous>, transform_indices = @transform_4, window_bounds = array<i64: 1, 128>}, {transform_indices = @transform_5, window_bounds = array<i64: 2000, 128>}]} {
    %get3A = arith.constant 0 : index
    %get3A_0 = arith.constant 0 : index
    %get3A_1 = vector.load %arg1[%get3A, %get3A_0] : memref<2000x70xf32, #tpu.memory_space<vmem>>, vector<2000x70xf32>
    %get3A_2 = arith.constant 0 : index
    %get3A_3 = arith.constant 0 : index
    %get3A_4 = vector.load %arg2[%get3A_2, %get3A_3] : memref<70x128xf32, #tpu.memory_space<vmem>>, vector<70x128xf32>
    %dot_general3A = arith.constant dense<0.000000e+00> : vector<2000x128xf32>
    %dot_general3A_5 = tpu.matmul %get3A_1, %get3A_4, %dot_general3A {dimension_numbers = #tpu.dot_dimension_numbers<[1], [0], [0], [1], [0, 0, 1, 1], [], []>, transpose_lhs_hint = false} : vector<2000x70xf32>, vector<70x128xf32>, vector<2000x128xf32> -> vector<2000x128xf32>
    %get3A_6 = arith.constant 0 : index
    %get3A_7 = arith.constant 0 : index
    %get3A_8 = vector.load %arg3[%get3A_6, %get3A_7] : memref<1x128xf32, #tpu.memory_space<vmem>>, vector<1x128xf32>
    %add3A = vector.broadcast %get3A_8 : vector<1x128xf32> to vector<2000x128xf32>
    %add3A_9 = arith.addf %dot_general3A_5, %add3A : vector<2000x128xf32>
    %get3A_10 = arith.constant 0 : index
    %get3A_11 = arith.constant 0 : index
    %get3A_12 = vector.load %arg4[%get3A_10, %get3A_11] : memref<1x128xf32, #tpu.memory_space<vmem>>, vector<1x128xf32>
    %get3A_13 = arith.constant 0 : index
    %get3A_14 = arith.constant 0 : index
    %get3A_15 = vector.load %arg5[%get3A_13, %get3A_14] : memref<1x128xf32, #tpu.memory_space<vmem>>, vector<1x128xf32>
    %reduce_sum3A = arith.constant dense<0.000000e+00> : vector<2000xf32>
    %reduce_sum3A_16 = vector.multi_reduction <add>, %add3A_9, %reduce_sum3A [1] : vector<2000x128xf32> to vector<2000xf32>
    %broadcast_in_dim3A = vector.shape_cast %reduce_sum3A_16 : vector<2000xf32> to vector<2000x1xf32>
    %div3A = arith.constant 1.280000e+02 : f32
    %div3A_17 = vector.broadcast %div3A : f32 to vector<2000x1xf32>
    %div3A_18 = arith.divf %broadcast_in_dim3A, %div3A_17 : vector<2000x1xf32>
    %jit3A = arith.constant 0 : i32
    %reduce_sum3A_19 = arith.constant dense<0.000000e+00> : vector<2000xf32>
    %reduce_sum3A_20 = vector.multi_reduction <add>, %add3A_9, %reduce_sum3A_19 [1] : vector<2000x128xf32> to vector<2000xf32>
    %broadcast_in_dim3A_21 = vector.shape_cast %reduce_sum3A_20 : vector<2000xf32> to vector<2000x1xf32>
    %div3A_22 = arith.constant 1.280000e+02 : f32
    %div3A_23 = vector.broadcast %div3A_22 : f32 to vector<2000x1xf32>
    %div3A_24 = arith.divf %broadcast_in_dim3A_21, %div3A_23 : vector<2000x1xf32>
    %sub3A = vector.broadcast %div3A_24 : vector<2000x1xf32> to vector<2000x128xf32>
    %sub3A_25 = arith.subf %add3A_9, %sub3A : vector<2000x128xf32>
    %square3A = arith.mulf %sub3A_25, %sub3A_25 : vector<2000x128xf32>
    %convert_element_type3A = arith.sitofp %jit3A : i32 to f32
    %sub3A_26 = arith.constant 1.280000e+02 : f32
    %sub3A_27 = arith.subf %sub3A_26, %convert_element_type3A : f32
    %reduce_sum3A_28 = arith.constant dense<0.000000e+00> : vector<2000xf32>
    %reduce_sum3A_29 = vector.multi_reduction <add>, %square3A, %reduce_sum3A_28 [1] : vector<2000x128xf32> to vector<2000xf32>
    %broadcast_in_dim3A_30 = vector.shape_cast %reduce_sum3A_29 : vector<2000xf32> to vector<2000x1xf32>
    %div3A_31 = vector.broadcast %sub3A_27 : f32 to vector<2000x1xf32>
    %div3A_32 = arith.divf %broadcast_in_dim3A_30, %div3A_31 : vector<2000x1xf32>
    %gt3A = arith.constant 0.000000e+00 : f32
    %gt3A_33 = arith.cmpf ogt, %sub3A_27, %gt3A : f32
    %jit3A_34 = arith.constant 0x7FC00000 : f32
    %broadcast_in_dim3A_35 = vector.broadcast %jit3A_34 : f32 to vector<2000x1xf32>
    %select_n3A = arith.select %gt3A_33, %div3A_32, %broadcast_in_dim3A_35 : vector<2000x1xf32>
    %sub3A_36 = vector.broadcast %div3A_18 : vector<2000x1xf32> to vector<2000x128xf32>
    %sub3A_37 = arith.subf %add3A_9, %sub3A_36 : vector<2000x128xf32>
    %add3A_38 = arith.constant 9.99999974E-6 : f32
    %add3A_39 = vector.broadcast %add3A_38 : f32 to vector<2000x1xf32>
    %add3A_40 = arith.addf %select_n3A, %add3A_39 : vector<2000x1xf32>
    %sqrt3A = math.sqrt %add3A_40 : vector<2000x1xf32>
    %div3A_41 = vector.broadcast %sqrt3A : vector<2000x1xf32> to vector<2000x128xf32>
    %div3A_42 = arith.divf %sub3A_37, %div3A_41 : vector<2000x128xf32>
    %mul3A = vector.broadcast %get3A_12 : vector<1x128xf32> to vector<2000x128xf32>
    %mul3A_43 = arith.mulf %div3A_42, %mul3A : vector<2000x128xf32>
    %add3A_44 = vector.broadcast %get3A_15 : vector<1x128xf32> to vector<2000x128xf32>
    %add3A_45 = arith.addf %mul3A_43, %add3A_44 : vector<2000x128xf32>
    %logistic3A = arith.negf %add3A_45 : vector<2000x128xf32>
    %logistic3A_46 = math.exp %logistic3A : vector<2000x128xf32>
    %logistic3A_47 = arith.constant 1.000000e+00 : f32
    %logistic3A_48 = vector.broadcast %logistic3A_47 : f32 to vector<2000x128xf32>
    %logistic3A_49 = arith.addf %logistic3A_48, %logistic3A_46 : vector<2000x128xf32>
    %logistic3A_50 = arith.divf %logistic3A_48, %logistic3A_49 : vector<2000x128xf32>
    %mul3A_51 = arith.mulf %add3A_45, %logistic3A_50 : vector<2000x128xf32>
    %swap3A = arith.constant 0 : index
    %swap3A_52 = arith.constant 0 : index
    %swap3A_53 = vector.load %arg6[%swap3A, %swap3A_52] : memref<2000x128xf32, #tpu.memory_space<vmem>>, vector<2000x128xf32>
    tpu.vector_store %arg6[%swap3A, %swap3A_52], %mul3A_51 {strides = array<i32>} : memref<2000x128xf32, #tpu.memory_space<vmem>>, vector<2000x128xf32>,
    return
  }
  func.func @transform_0(%arg0: i32) -> (i32, i32) {
    %c0_i32 = arith.constant 0 : i32
    %c0_i32_0 = arith.constant 0 : i32
    return %arg0, %c0_i32 : i32, i32
  }
  func.func @transform_1(%arg0: i32) -> (i32, i32) {
    %c0_i32 = arith.constant 0 : i32
    %c0_i32_0 = arith.constant 0 : i32
    %c0_i32_1 = arith.constant 0 : i32
    return %c0_i32, %c0_i32_0 : i32, i32
  }
  func.func @transform_2(%arg0: i32) -> (i32, i32) {
    %c0_i32 = arith.constant 0 : i32
    %c0_i32_0 = arith.constant 0 : i32
    %c0_i32_1 = arith.constant 0 : i32
    return %c0_i32, %c0_i32_0 : i32, i32
  }
  func.func @transform_3(%arg0: i32) -> (i32, i32) {
    %c0_i32 = arith.constant 0 : i32
    %c0_i32_0 = arith.constant 0 : i32
    %c0_i32_1 = arith.constant 0 : i32
    return %c0_i32, %c0_i32_0 : i32, i32
  }
  func.func @transform_4(%arg0: i32) -> (i32, i32) {
    %c0_i32 = arith.constant 0 : i32
    %c0_i32_0 = arith.constant 0 : i32
    %c0_i32_1 = arith.constant 0 : i32
    return %c0_i32, %c0_i32_0 : i32, i32
  }
  func.func @transform_5(%arg0: i32) -> (i32, i32) {
    %c0_i32 = arith.constant 0 : i32
    %c0_i32_0 = arith.constant 0 : i32
    return %arg0, %c0_i32 : i32, i32
  }
}

module attributes {stable_mosaic.version = 14 : i64} {
  func.func @_send_body(%arg0: i32, %arg1: memref<2048x128xf32, #tpu.memory_space<vmem>>, %arg2: memref<2048x4xf32, #tpu.memory_space<vmem>>, %arg3: memref<128x128xf32, #tpu.memory_space<vmem>>, %arg4: memref<4x128xf32, #tpu.memory_space<vmem>>, %arg5: memref<1x128xf32, #tpu.memory_space<vmem>>, %arg6: memref<1x128xf32, #tpu.memory_space<vmem>>, %arg7: memref<1x128xf32, #tpu.memory_space<vmem>>, %arg8: memref<2048x128xf32, #tpu.memory_space<vmem>>) attributes {dimension_semantics = [#tpu.dimension_semantics<arbitrary>], iteration_bounds = array<i64: 50>, scalar_prefetch = 0 : i64, scratch_operands = 0 : i64, tpu.core_type = #tpu.core_type<tc>, window_params = [{transform_indices = @transform_0, window_bounds = array<i64: 2048, 128>}, {transform_indices = @transform_1, window_bounds = array<i64: 2048, 4>}, {pipeline_mode = #tpu.pipeline_mode<synchronous>, transform_indices = @transform_2, window_bounds = array<i64: 128, 128>}, {pipeline_mode = #tpu.pipeline_mode<synchronous>, transform_indices = @transform_3, window_bounds = array<i64: 4, 128>}, {pipeline_mode = #tpu.pipeline_mode<synchronous>, transform_indices = @transform_4, window_bounds = array<i64: 1, 128>}, {pipeline_mode = #tpu.pipeline_mode<synchronous>, transform_indices = @transform_5, window_bounds = array<i64: 1, 128>}, {pipeline_mode = #tpu.pipeline_mode<synchronous>, transform_indices = @transform_6, window_bounds = array<i64: 1, 128>}, {transform_indices = @transform_7, window_bounds = array<i64: 2048, 128>}]} {
    %get3A = arith.constant 0 : index
    %get3A_0 = arith.constant 0 : index
    %get3A_1 = vector.load %arg1[%get3A, %get3A_0] : memref<2048x128xf32, #tpu.memory_space<vmem>>, vector<2048x128xf32>
    %get3A_2 = arith.constant 0 : index
    %get3A_3 = arith.constant 0 : index
    %get3A_4 = vector.load %arg3[%get3A_2, %get3A_3] : memref<128x128xf32, #tpu.memory_space<vmem>>, vector<128x128xf32>
    %dot_general3A = arith.constant dense<0.000000e+00> : vector<2048x128xf32>
    %dot_general3A_5 = tpu.matmul %get3A_1, %get3A_4, %dot_general3A {dimension_numbers = #tpu.dot_dimension_numbers<[1], [0], [0], [1], [0, 0, 1, 1], [], []>, transpose_lhs_hint = false} : vector<2048x128xf32>, vector<128x128xf32>, vector<2048x128xf32> -> vector<2048x128xf32>
    %get3A_6 = arith.constant 0 : index
    %get3A_7 = arith.constant 0 : index
    %get3A_8 = vector.load %arg2[%get3A_6, %get3A_7] : memref<2048x4xf32, #tpu.memory_space<vmem>>, vector<2048x4xf32>
    %get3A_9 = arith.constant 0 : index
    %get3A_10 = arith.constant 0 : index
    %get3A_11 = vector.load %arg4[%get3A_9, %get3A_10] : memref<4x128xf32, #tpu.memory_space<vmem>>, vector<4x128xf32>
    %dot_general3A_12 = arith.constant dense<0.000000e+00> : vector<2048x128xf32>
    %dot_general3A_13 = tpu.matmul %get3A_8, %get3A_11, %dot_general3A_12 {dimension_numbers = #tpu.dot_dimension_numbers<[1], [0], [0], [1], [0, 0, 1, 1], [], []>, transpose_lhs_hint = false} : vector<2048x4xf32>, vector<4x128xf32>, vector<2048x128xf32> -> vector<2048x128xf32>
    %add3A = arith.addf %dot_general3A_5, %dot_general3A_13 : vector<2048x128xf32>
    %get3A_14 = arith.constant 0 : index
    %get3A_15 = arith.constant 0 : index
    %get3A_16 = vector.load %arg5[%get3A_14, %get3A_15] : memref<1x128xf32, #tpu.memory_space<vmem>>, vector<1x128xf32>
    %add3A_17 = vector.broadcast %get3A_16 : vector<1x128xf32> to vector<2048x128xf32>
    %add3A_18 = arith.addf %add3A, %add3A_17 : vector<2048x128xf32>
    %get3A_19 = arith.constant 0 : index
    %get3A_20 = arith.constant 0 : index
    %get3A_21 = vector.load %arg6[%get3A_19, %get3A_20] : memref<1x128xf32, #tpu.memory_space<vmem>>, vector<1x128xf32>
    %get3A_22 = arith.constant 0 : index
    %get3A_23 = arith.constant 0 : index
    %get3A_24 = vector.load %arg7[%get3A_22, %get3A_23] : memref<1x128xf32, #tpu.memory_space<vmem>>, vector<1x128xf32>
    %reduce_sum3A = arith.constant dense<0.000000e+00> : vector<2048xf32>
    %reduce_sum3A_25 = vector.multi_reduction <add>, %add3A_18, %reduce_sum3A [1] : vector<2048x128xf32> to vector<2048xf32>
    %broadcast_in_dim3A = vector.shape_cast %reduce_sum3A_25 : vector<2048xf32> to vector<2048x1xf32>
    %div3A = arith.constant 1.280000e+02 : f32
    %div3A_26 = vector.broadcast %div3A : f32 to vector<2048x1xf32>
    %div3A_27 = arith.divf %broadcast_in_dim3A, %div3A_26 : vector<2048x1xf32>
    %jit3A = arith.constant 0 : i32
    %reduce_sum3A_28 = arith.constant dense<0.000000e+00> : vector<2048xf32>
    %reduce_sum3A_29 = vector.multi_reduction <add>, %add3A_18, %reduce_sum3A_28 [1] : vector<2048x128xf32> to vector<2048xf32>
    %broadcast_in_dim3A_30 = vector.shape_cast %reduce_sum3A_29 : vector<2048xf32> to vector<2048x1xf32>
    %div3A_31 = arith.constant 1.280000e+02 : f32
    %div3A_32 = vector.broadcast %div3A_31 : f32 to vector<2048x1xf32>
    %div3A_33 = arith.divf %broadcast_in_dim3A_30, %div3A_32 : vector<2048x1xf32>
    %sub3A = vector.broadcast %div3A_33 : vector<2048x1xf32> to vector<2048x128xf32>
    %sub3A_34 = arith.subf %add3A_18, %sub3A : vector<2048x128xf32>
    %square3A = arith.mulf %sub3A_34, %sub3A_34 : vector<2048x128xf32>
    %convert_element_type3A = arith.sitofp %jit3A : i32 to f32
    %sub3A_35 = arith.constant 1.280000e+02 : f32
    %sub3A_36 = arith.subf %sub3A_35, %convert_element_type3A : f32
    %reduce_sum3A_37 = arith.constant dense<0.000000e+00> : vector<2048xf32>
    %reduce_sum3A_38 = vector.multi_reduction <add>, %square3A, %reduce_sum3A_37 [1] : vector<2048x128xf32> to vector<2048xf32>
    %broadcast_in_dim3A_39 = vector.shape_cast %reduce_sum3A_38 : vector<2048xf32> to vector<2048x1xf32>
    %div3A_40 = vector.broadcast %sub3A_36 : f32 to vector<2048x1xf32>
    %div3A_41 = arith.divf %broadcast_in_dim3A_39, %div3A_40 : vector<2048x1xf32>
    %gt3A = arith.constant 0.000000e+00 : f32
    %gt3A_42 = arith.cmpf ogt, %sub3A_36, %gt3A : f32
    %jit3A_43 = arith.constant 0x7FC00000 : f32
    %broadcast_in_dim3A_44 = vector.broadcast %jit3A_43 : f32 to vector<2048x1xf32>
    %select_n3A = arith.select %gt3A_42, %div3A_41, %broadcast_in_dim3A_44 : vector<2048x1xf32>
    %sub3A_45 = vector.broadcast %div3A_27 : vector<2048x1xf32> to vector<2048x128xf32>
    %sub3A_46 = arith.subf %add3A_18, %sub3A_45 : vector<2048x128xf32>
    %add3A_47 = arith.constant 9.99999974E-6 : f32
    %add3A_48 = vector.broadcast %add3A_47 : f32 to vector<2048x1xf32>
    %add3A_49 = arith.addf %select_n3A, %add3A_48 : vector<2048x1xf32>
    %sqrt3A = math.sqrt %add3A_49 : vector<2048x1xf32>
    %div3A_50 = vector.broadcast %sqrt3A : vector<2048x1xf32> to vector<2048x128xf32>
    %div3A_51 = arith.divf %sub3A_46, %div3A_50 : vector<2048x128xf32>
    %mul3A = vector.broadcast %get3A_21 : vector<1x128xf32> to vector<2048x128xf32>
    %mul3A_52 = arith.mulf %div3A_51, %mul3A : vector<2048x128xf32>
    %add3A_53 = vector.broadcast %get3A_24 : vector<1x128xf32> to vector<2048x128xf32>
    %add3A_54 = arith.addf %mul3A_52, %add3A_53 : vector<2048x128xf32>
    %logistic3A = arith.negf %add3A_54 : vector<2048x128xf32>
    %logistic3A_55 = math.exp %logistic3A : vector<2048x128xf32>
    %logistic3A_56 = arith.constant 1.000000e+00 : f32
    %logistic3A_57 = vector.broadcast %logistic3A_56 : f32 to vector<2048x128xf32>
    %logistic3A_58 = arith.addf %logistic3A_57, %logistic3A_55 : vector<2048x128xf32>
    %logistic3A_59 = arith.divf %logistic3A_57, %logistic3A_58 : vector<2048x128xf32>
    %mul3A_60 = arith.mulf %add3A_54, %logistic3A_59 : vector<2048x128xf32>
    %swap3A = arith.constant 0 : index
    %swap3A_61 = arith.constant 0 : index
    %swap3A_62 = vector.load %arg8[%swap3A, %swap3A_61] : memref<2048x128xf32, #tpu.memory_space<vmem>>, vector<2048x128xf32>
    tpu.vector_store %arg8[%swap3A, %swap3A_61], %mul3A_60 {strides = array<i32>} : memref<2048x128xf32, #tpu.memory_space<vmem>>, vector<2048x128xf32>,
    return
  }
  func.func @transform_0(%arg0: i32) -> (i32, i32) {
    %c0_i32 = arith.constant 0 : i32
    %c0_i32_0 = arith.constant 0 : i32
    return %arg0, %c0_i32 : i32, i32
  }
  func.func @transform_1(%arg0: i32) -> (i32, i32) {
    %c0_i32 = arith.constant 0 : i32
    %c0_i32_0 = arith.constant 0 : i32
    return %arg0, %c0_i32 : i32, i32
  }
  func.func @transform_2(%arg0: i32) -> (i32, i32) {
    %c0_i32 = arith.constant 0 : i32
    %c0_i32_0 = arith.constant 0 : i32
    %c0_i32_1 = arith.constant 0 : i32
    return %c0_i32, %c0_i32_0 : i32, i32
  }
  func.func @transform_3(%arg0: i32) -> (i32, i32) {
    %c0_i32 = arith.constant 0 : i32
    %c0_i32_0 = arith.constant 0 : i32
    %c0_i32_1 = arith.constant 0 : i32
    return %c0_i32, %c0_i32_0 : i32, i32
  }
  func.func @transform_4(%arg0: i32) -> (i32, i32) {
    %c0_i32 = arith.constant 0 : i32
    %c0_i32_0 = arith.constant 0 : i32
    %c0_i32_1 = arith.constant 0 : i32
    return %c0_i32, %c0_i32_0 : i32, i32
  }
  func.func @transform_5(%arg0: i32) -> (i32, i32) {
    %c0_i32 = arith.constant 0 : i32
    %c0_i32_0 = arith.constant 0 : i32
    %c0_i32_1 = arith.constant 0 : i32
    return %c0_i32, %c0_i32_0 : i32, i32
  }
  func.func @transform_6(%arg0: i32) -> (i32, i32) {
    %c0_i32 = arith.constant 0 : i32
    %c0_i32_0 = arith.constant 0 : i32
    %c0_i32_1 = arith.constant 0 : i32
    return %c0_i32, %c0_i32_0 : i32, i32
  }
  func.func @transform_7(%arg0: i32) -> (i32, i32) {
    %c0_i32 = arith.constant 0 : i32
    %c0_i32_0 = arith.constant 0 : i32
    return %arg0, %c0_i32 : i32, i32
  }
}

module attributes {stable_mosaic.version = 14 : i64} {
  func.func @_cum_body(%arg0: i32, %arg1: memref<1024x128xf32, #tpu.memory_space<vmem>>, %arg2: memref<1024x1024xf32, #tpu.memory_space<vmem>>, %arg3: memref<1024x128xf32, #tpu.memory_space<vmem>>, %arg4: memref<1x128xf32, #tpu.memory_space<vmem>>) attributes {dimension_semantics = [#tpu.dimension_semantics<arbitrary>], iteration_bounds = array<i64: 100>, scalar_prefetch = 0 : i64, scratch_operands = 1 : i64, tpu.core_type = #tpu.core_type<tc>, window_params = [{transform_indices = @transform_0, window_bounds = array<i64: 1024, 128>}, {pipeline_mode = #tpu.pipeline_mode<synchronous>, transform_indices = @transform_1, window_bounds = array<i64: 1024, 1024>}, {transform_indices = @transform_2, window_bounds = array<i64: 1024, 128>}]} {
    %eq3A = arith.constant 0 : i32
    %eq3A_0 = arith.cmpi eq, %arg0, %eq3A : i32
    %convert_element_type3A = arith.extui %eq3A_0 : i1 to i32
    %cond3A = arith.constant 0 : i32
    %cond3A_1 = arith.cmpi ne, %convert_element_type3A, %cond3A : i32
    scf.if %cond3A_1 {
      %broadcast_in_dim3A_19 = arith.constant 0.000000e+00 : f32
      %broadcast_in_dim3A_20 = vector.broadcast %broadcast_in_dim3A_19 : f32 to vector<1x128xf32>
      %swap3A_21 = arith.constant 0 : index
      %swap3A_22 = arith.constant 0 : index
      %swap3A_23 = vector.load %arg4[%swap3A_21, %swap3A_22] : memref<1x128xf32, #tpu.memory_space<vmem>>, vector<1x128xf32>
      tpu.vector_store %arg4[%swap3A_21, %swap3A_22], %broadcast_in_dim3A_20 {strides = array<i32>} : memref<1x128xf32, #tpu.memory_space<vmem>>, vector<1x128xf32>,
    } else {
    }
    %get3A = arith.constant 0 : index
    %get3A_2 = arith.constant 0 : index
    %get3A_3 = vector.load %arg4[%get3A, %get3A_2] : memref<1x128xf32, #tpu.memory_space<vmem>>, vector<1x128xf32>
    %get3A_4 = arith.constant 0 : index
    %get3A_5 = arith.constant 0 : index
    %get3A_6 = vector.load %arg1[%get3A_4, %get3A_5] : memref<1024x128xf32, #tpu.memory_space<vmem>>, vector<1024x128xf32>
    %get3A_7 = arith.constant 0 : index
    %get3A_8 = arith.constant 0 : index
    %get3A_9 = vector.load %arg2[%get3A_7, %get3A_8] : memref<1024x1024xf32, #tpu.memory_space<vmem>>, vector<1024x1024xf32>
    %dot_general3A = arith.constant dense<0.000000e+00> : vector<1024x128xf32>
    %dot_general3A_10 = tpu.matmul %get3A_9, %get3A_6, %dot_general3A {dimension_numbers = #tpu.dot_dimension_numbers<[1], [0], [0], [1], [0, 0, 1, 1], [], []>, transpose_lhs_hint = false} : vector<1024x1024xf32>, vector<1024x128xf32>, vector<1024x128xf32> -> vector<1024x128xf32>
    %add3A = vector.broadcast %get3A_3 : vector<1x128xf32> to vector<1024x128xf32>
    %add3A_11 = arith.addf %add3A, %dot_general3A_10 : vector<1024x128xf32>
    %swap3A = arith.constant 0 : index
    %swap3A_12 = arith.constant 0 : index
    %swap3A_13 = vector.load %arg3[%swap3A, %swap3A_12] : memref<1024x128xf32, #tpu.memory_space<vmem>>, vector<1024x128xf32>
    tpu.vector_store %arg3[%swap3A, %swap3A_12], %add3A_11 {strides = array<i32>} : memref<1024x128xf32, #tpu.memory_space<vmem>>, vector<1024x128xf32>,
    %reduce_sum3A = arith.constant dense<0.000000e+00> : vector<128xf32>
    %reduce_sum3A_14 = vector.multi_reduction <add>, %get3A_6, %reduce_sum3A [0] : vector<1024x128xf32> to vector<128xf32>
    %broadcast_in_dim3A = vector.shape_cast %reduce_sum3A_14 : vector<128xf32> to vector<1x128xf32>
    %add3A_15 = arith.addf %get3A_3, %broadcast_in_dim3A : vector<1x128xf32>
    %swap3A_16 = arith.constant 0 : index
    %swap3A_17 = arith.constant 0 : index
    %swap3A_18 = vector.load %arg4[%swap3A_16, %swap3A_17] : memref<1x128xf32, #tpu.memory_space<vmem>>, vector<1x128xf32>
    tpu.vector_store %arg4[%swap3A_16, %swap3A_17], %add3A_15 {strides = array<i32>} : memref<1x128xf32, #tpu.memory_space<vmem>>, vector<1x128xf32>,
    return
  }
  func.func @transform_0(%arg0: i32) -> (i32, i32) {
    %c0_i32 = arith.constant 0 : i32
    %c0_i32_0 = arith.constant 0 : i32
    return %arg0, %c0_i32 : i32, i32
  }
  func.func @transform_1(%arg0: i32) -> (i32, i32) {
    %c0_i32 = arith.constant 0 : i32
    %c0_i32_0 = arith.constant 0 : i32
    %c0_i32_1 = arith.constant 0 : i32
    return %c0_i32, %c0_i32_0 : i32, i32
  }
  func.func @transform_2(%arg0: i32) -> (i32, i32) {
    %c0_i32 = arith.constant 0 : i32
    %c0_i32_0 = arith.constant 0 : i32
    return %arg0, %c0_i32 : i32, i32
  }
}

module attributes {stable_mosaic.version = 14 : i64} {
  func.func @_comb_body(%arg0: i32, %arg1: memref<2000x128xf32, #tpu.memory_space<vmem>>, %arg2: memref<2x2000x128xf32, #tpu.memory_space<vmem>>, %arg3: memref<2000x1xf32, #tpu.memory_space<vmem>>, %arg4: memref<2000x4xf32, #tpu.memory_space<vmem>>, %arg5: memref<128x128xf32, #tpu.memory_space<vmem>>, %arg6: memref<128x128xf32, #tpu.memory_space<vmem>>, %arg7: memref<4x128xf32, #tpu.memory_space<vmem>>, %arg8: memref<1x128xf32, #tpu.memory_space<vmem>>, %arg9: memref<1x128xf32, #tpu.memory_space<vmem>>, %arg10: memref<1x128xf32, #tpu.memory_space<vmem>>, %arg11: memref<1x128xf32, #tpu.memory_space<vmem>>, %arg12: memref<1x128xf32, #tpu.memory_space<vmem>>, %arg13: memref<2000x128xf32, #tpu.memory_space<vmem>>) attributes {dimension_semantics = [#tpu.dimension_semantics<arbitrary>], iteration_bounds = array<i64: 50>, scalar_prefetch = 0 : i64, scratch_operands = 0 : i64, tpu.core_type = #tpu.core_type<tc>, window_params = [{transform_indices = @transform_0, window_bounds = array<i64: 2000, 128>}, {transform_indices = @transform_1, window_bounds = array<i64: 2, 2000, 128>}, {transform_indices = @transform_2, window_bounds = array<i64: 2000, 1>}, {transform_indices = @transform_3, window_bounds = array<i64: 2000, 4>}, {pipeline_mode = #tpu.pipeline_mode<synchronous>, transform_indices = @transform_4, window_bounds = array<i64: 128, 128>}, {pipeline_mode = #tpu.pipeline_mode<synchronous>, transform_indices = @transform_5, window_bounds = array<i64: 128, 128>}, {pipeline_mode = #tpu.pipeline_mode<synchronous>, transform_indices = @transform_6, window_bounds = array<i64: 4, 128>}, {pipeline_mode = #tpu.pipeline_mode<synchronous>, transform_indices = @transform_7, window_bounds = array<i64: 1, 128>}, {pipeline_mode = #tpu.pipeline_mode<synchronous>, transform_indices = @transform_8, window_bounds = array<i64: 1, 128>}, {pipeline_mode = #tpu.pipeline_mode<synchronous>, transform_indices = @transform_9, window_bounds = array<i64: 1, 128>}, {pipeline_mode = #tpu.pipeline_mode<synchronous>, transform_indices = @transform_10, window_bounds = array<i64: 1, 128>}, {pipeline_mode = #tpu.pipeline_mode<synchronous>, transform_indices = @transform_11, window_bounds = array<i64: 1, 128>}, {transform_indices = @transform_12, window_bounds = array<i64: 2000, 128>}]} {
    %get3A = arith.constant 0 : index
    %get3A_0 = arith.constant 0 : index
    %get3A_1 = vector.load %arg1[%get3A, %get3A_0] : memref<2000x128xf32, #tpu.memory_space<vmem>>, vector<2000x128xf32>
    %get3A_2 = arith.constant 1 : index
    %get3A_3 = arith.constant 0 : index
    %get3A_4 = arith.constant 0 : index
    %get3A_5 = vector.load %arg2[%get3A_2, %get3A_3, %get3A_4] : memref<2x2000x128xf32, #tpu.memory_space<vmem>>, vector<1x2000x128xf32>
    %get3A_6 = vector.shape_cast %get3A_5 : vector<1x2000x128xf32> to vector<2000x128xf32>
    %get3A_7 = arith.constant 0 : index
    %get3A_8 = arith.constant 0 : index
    %get3A_9 = arith.constant 0 : index
    %get3A_10 = vector.load %arg2[%get3A_7, %get3A_8, %get3A_9] : memref<2x2000x128xf32, #tpu.memory_space<vmem>>, vector<1x2000x128xf32>
    %get3A_11 = vector.shape_cast %get3A_10 : vector<1x2000x128xf32> to vector<2000x128xf32>
    %sub3A = arith.subf %get3A_6, %get3A_11 : vector<2000x128xf32>
    %get3A_12 = arith.constant 0 : index
    %get3A_13 = arith.constant 0 : index
    %get3A_14 = vector.load %arg3[%get3A_12, %get3A_13] : memref<2000x1xf32, #tpu.memory_space<vmem>>, vector<2000x1xf32>
    %max3A = arith.constant 1.000000e+00 : f32
    %max3A_15 = vector.broadcast %max3A : f32 to vector<2000x1xf32>
    %max3A_16 = arith.maximumf %get3A_14, %max3A_15 : vector<2000x1xf32>
    %div3A = arith.constant 1.000000e+00 : f32
    %div3A_17 = vector.broadcast %div3A : f32 to vector<2000x1xf32>
    %div3A_18 = arith.divf %div3A_17, %max3A_16 : vector<2000x1xf32>
    %get3A_19 = arith.constant 0 : index
    %get3A_20 = arith.constant 0 : index
    %get3A_21 = vector.load %arg5[%get3A_19, %get3A_20] : memref<128x128xf32, #tpu.memory_space<vmem>>, vector<128x128xf32>
    %dot_general3A = arith.constant dense<0.000000e+00> : vector<2000x128xf32>
    %dot_general3A_22 = tpu.matmul %get3A_1, %get3A_21, %dot_general3A {dimension_numbers = #tpu.dot_dimension_numbers<[1], [0], [0], [1], [0, 0, 1, 1], [], []>, transpose_lhs_hint = false} : vector<2000x128xf32>, vector<128x128xf32>, vector<2000x128xf32> -> vector<2000x128xf32>
    %get3A_23 = arith.constant 0 : index
    %get3A_24 = arith.constant 0 : index
    %get3A_25 = vector.load %arg6[%get3A_23, %get3A_24] : memref<128x128xf32, #tpu.memory_space<vmem>>, vector<128x128xf32>
    %dot_general3A_26 = arith.constant dense<0.000000e+00> : vector<2000x128xf32>
    %dot_general3A_27 = tpu.matmul %sub3A, %get3A_25, %dot_general3A_26 {dimension_numbers = #tpu.dot_dimension_numbers<[1], [0], [0], [1], [0, 0, 1, 1], [], []>, transpose_lhs_hint = false} : vector<2000x128xf32>, vector<128x128xf32>, vector<2000x128xf32> -> vector<2000x128xf32>
    %mul3A = vector.broadcast %div3A_18 : vector<2000x1xf32> to vector<2000x128xf32>
    %mul3A_28 = arith.mulf %dot_general3A_27, %mul3A : vector<2000x128xf32>
    %add3A = arith.addf %dot_general3A_22, %mul3A_28 : vector<2000x128xf32>
    %get3A_29 = arith.constant 0 : index
    %get3A_30 = arith.constant 0 : index
    %get3A_31 = vector.load %arg4[%get3A_29, %get3A_30] : memref<2000x4xf32, #tpu.memory_space<vmem>>, vector<2000x4xf32>
    %get3A_32 = arith.constant 0 : index
    %get3A_33 = arith.constant 0 : index
    %get3A_34 = vector.load %arg7[%get3A_32, %get3A_33] : memref<4x128xf32, #tpu.memory_space<vmem>>, vector<4x128xf32>
    %dot_general3A_35 = arith.constant dense<0.000000e+00> : vector<2000x128xf32>
    %dot_general3A_36 = tpu.matmul %get3A_31, %get3A_34, %dot_general3A_35 {dimension_numbers = #tpu.dot_dimension_numbers<[1], [0], [0], [1], [0, 0, 1, 1], [], []>, transpose_lhs_hint = false} : vector<2000x4xf32>, vector<4x128xf32>, vector<2000x128xf32> -> vector<2000x128xf32>
    %add3A_37 = arith.addf %add3A, %dot_general3A_36 : vector<2000x128xf32>
    %get3A_38 = arith.constant 0 : index
    %get3A_39 = arith.constant 0 : index
    %get3A_40 = vector.load %arg8[%get3A_38, %get3A_39] : memref<1x128xf32, #tpu.memory_space<vmem>>, vector<1x128xf32>
    %add3A_41 = vector.broadcast %get3A_40 : vector<1x128xf32> to vector<2000x128xf32>
    %add3A_42 = arith.addf %add3A_37, %add3A_41 : vector<2000x128xf32>
    %get3A_43 = arith.constant 0 : index
    %get3A_44 = arith.constant 0 : index
    %get3A_45 = vector.load %arg9[%get3A_43, %get3A_44] : memref<1x128xf32, #tpu.memory_space<vmem>>, vector<1x128xf32>
    %get3A_46 = arith.constant 0 : index
    %get3A_47 = arith.constant 0 : index
    %get3A_48 = vector.load %arg10[%get3A_46, %get3A_47] : memref<1x128xf32, #tpu.memory_space<vmem>>, vector<1x128xf32>
    %reduce_sum3A = arith.constant dense<0.000000e+00> : vector<2000xf32>
    %reduce_sum3A_49 = vector.multi_reduction <add>, %add3A_42, %reduce_sum3A [1] : vector<2000x128xf32> to vector<2000xf32>
    %broadcast_in_dim3A = vector.shape_cast %reduce_sum3A_49 : vector<2000xf32> to vector<2000x1xf32>
    %div3A_50 = arith.constant 1.280000e+02 : f32
    %div3A_51 = vector.broadcast %div3A_50 : f32 to vector<2000x1xf32>
    %div3A_52 = arith.divf %broadcast_in_dim3A, %div3A_51 : vector<2000x1xf32>
    %jit3A = arith.constant 0 : i32
    %reduce_sum3A_53 = arith.constant dense<0.000000e+00> : vector<2000xf32>
    %reduce_sum3A_54 = vector.multi_reduction <add>, %add3A_42, %reduce_sum3A_53 [1] : vector<2000x128xf32> to vector<2000xf32>
    %broadcast_in_dim3A_55 = vector.shape_cast %reduce_sum3A_54 : vector<2000xf32> to vector<2000x1xf32>
    %div3A_56 = arith.constant 1.280000e+02 : f32
    %div3A_57 = vector.broadcast %div3A_56 : f32 to vector<2000x1xf32>
    %div3A_58 = arith.divf %broadcast_in_dim3A_55, %div3A_57 : vector<2000x1xf32>
    %sub3A_59 = vector.broadcast %div3A_58 : vector<2000x1xf32> to vector<2000x128xf32>
    %sub3A_60 = arith.subf %add3A_42, %sub3A_59 : vector<2000x128xf32>
    %square3A = arith.mulf %sub3A_60, %sub3A_60 : vector<2000x128xf32>
    %convert_element_type3A = arith.sitofp %jit3A : i32 to f32
    %sub3A_61 = arith.constant 1.280000e+02 : f32
    %sub3A_62 = arith.subf %sub3A_61, %convert_element_type3A : f32
    %reduce_sum3A_63 = arith.constant dense<0.000000e+00> : vector<2000xf32>
    %reduce_sum3A_64 = vector.multi_reduction <add>, %square3A, %reduce_sum3A_63 [1] : vector<2000x128xf32> to vector<2000xf32>
    %broadcast_in_dim3A_65 = vector.shape_cast %reduce_sum3A_64 : vector<2000xf32> to vector<2000x1xf32>
    %div3A_66 = vector.broadcast %sub3A_62 : f32 to vector<2000x1xf32>
    %div3A_67 = arith.divf %broadcast_in_dim3A_65, %div3A_66 : vector<2000x1xf32>
    %gt3A = arith.constant 0.000000e+00 : f32
    %gt3A_68 = arith.cmpf ogt, %sub3A_62, %gt3A : f32
    %jit3A_69 = arith.constant 0x7FC00000 : f32
    %broadcast_in_dim3A_70 = vector.broadcast %jit3A_69 : f32 to vector<2000x1xf32>
    %select_n3A = arith.select %gt3A_68, %div3A_67, %broadcast_in_dim3A_70 : vector<2000x1xf32>
    %sub3A_71 = vector.broadcast %div3A_52 : vector<2000x1xf32> to vector<2000x128xf32>
    %sub3A_72 = arith.subf %add3A_42, %sub3A_71 : vector<2000x128xf32>
    %add3A_73 = arith.constant 9.99999974E-6 : f32
    %add3A_74 = vector.broadcast %add3A_73 : f32 to vector<2000x1xf32>
    %add3A_75 = arith.addf %select_n3A, %add3A_74 : vector<2000x1xf32>
    %sqrt3A = math.sqrt %add3A_75 : vector<2000x1xf32>
    %div3A_76 = vector.broadcast %sqrt3A : vector<2000x1xf32> to vector<2000x128xf32>
    %div3A_77 = arith.divf %sub3A_72, %div3A_76 : vector<2000x128xf32>
    %mul3A_78 = vector.broadcast %get3A_45 : vector<1x128xf32> to vector<2000x128xf32>
    %mul3A_79 = arith.mulf %div3A_77, %mul3A_78 : vector<2000x128xf32>
    %add3A_80 = vector.broadcast %get3A_48 : vector<1x128xf32> to vector<2000x128xf32>
    %add3A_81 = arith.addf %mul3A_79, %add3A_80 : vector<2000x128xf32>
    %logistic3A = arith.negf %add3A_81 : vector<2000x128xf32>
    %logistic3A_82 = math.exp %logistic3A : vector<2000x128xf32>
    %logistic3A_83 = arith.constant 1.000000e+00 : f32
    %logistic3A_84 = vector.broadcast %logistic3A_83 : f32 to vector<2000x128xf32>
    %logistic3A_85 = arith.addf %logistic3A_84, %logistic3A_82 : vector<2000x128xf32>
    %logistic3A_86 = arith.divf %logistic3A_84, %logistic3A_85 : vector<2000x128xf32>
    %mul3A_87 = arith.mulf %add3A_81, %logistic3A_86 : vector<2000x128xf32>
    %logistic3A_88 = arith.negf %mul3A_87 : vector<2000x128xf32>
    %logistic3A_89 = math.exp %logistic3A_88 : vector<2000x128xf32>
    %logistic3A_90 = arith.constant 1.000000e+00 : f32
    %logistic3A_91 = vector.broadcast %logistic3A_90 : f32 to vector<2000x128xf32>
    %logistic3A_92 = arith.addf %logistic3A_91, %logistic3A_89 : vector<2000x128xf32>
    %logistic3A_93 = arith.divf %logistic3A_91, %logistic3A_92 : vector<2000x128xf32>
    %mul3A_94 = arith.mulf %mul3A_87, %logistic3A_93 : vector<2000x128xf32>
    %add3A_95 = arith.addf %get3A_1, %mul3A_94 : vector<2000x128xf32>
    %get3A_96 = arith.constant 0 : index
    %get3A_97 = arith.constant 0 : index
    %get3A_98 = vector.load %arg11[%get3A_96, %get3A_97] : memref<1x128xf32, #tpu.memory_space<vmem>>, vector<1x128xf32>
    %get3A_99 = arith.constant 0 : index
    %get3A_100 = arith.constant 0 : index
    %get3A_101 = vector.load %arg12[%get3A_99, %get3A_100] : memref<1x128xf32, #tpu.memory_space<vmem>>, vector<1x128xf32>
    %reduce_sum3A_102 = arith.constant dense<0.000000e+00> : vector<2000xf32>
    %reduce_sum3A_103 = vector.multi_reduction <add>, %add3A_95, %reduce_sum3A_102 [1] : vector<2000x128xf32> to vector<2000xf32>
    %broadcast_in_dim3A_104 = vector.shape_cast %reduce_sum3A_103 : vector<2000xf32> to vector<2000x1xf32>
    %div3A_105 = arith.constant 1.280000e+02 : f32
    %div3A_106 = vector.broadcast %div3A_105 : f32 to vector<2000x1xf32>
    %div3A_107 = arith.divf %broadcast_in_dim3A_104, %div3A_106 : vector<2000x1xf32>
    %jit3A_108 = arith.constant 0 : i32
    %reduce_sum3A_109 = arith.constant dense<0.000000e+00> : vector<2000xf32>
    %reduce_sum3A_110 = vector.multi_reduction <add>, %add3A_95, %reduce_sum3A_109 [1] : vector<2000x128xf32> to vector<2000xf32>
    %broadcast_in_dim3A_111 = vector.shape_cast %reduce_sum3A_110 : vector<2000xf32> to vector<2000x1xf32>
    %div3A_112 = arith.constant 1.280000e+02 : f32
    %div3A_113 = vector.broadcast %div3A_112 : f32 to vector<2000x1xf32>
    %div3A_114 = arith.divf %broadcast_in_dim3A_111, %div3A_113 : vector<2000x1xf32>
    %sub3A_115 = vector.broadcast %div3A_114 : vector<2000x1xf32> to vector<2000x128xf32>
    %sub3A_116 = arith.subf %add3A_95, %sub3A_115 : vector<2000x128xf32>
    %square3A_117 = arith.mulf %sub3A_116, %sub3A_116 : vector<2000x128xf32>
    %convert_element_type3A_118 = arith.sitofp %jit3A_108 : i32 to f32
    %sub3A_119 = arith.constant 1.280000e+02 : f32
    %sub3A_120 = arith.subf %sub3A_119, %convert_element_type3A_118 : f32
    %reduce_sum3A_121 = arith.constant dense<0.000000e+00> : vector<2000xf32>
    %reduce_sum3A_122 = vector.multi_reduction <add>, %square3A_117, %reduce_sum3A_121 [1] : vector<2000x128xf32> to vector<2000xf32>
    %broadcast_in_dim3A_123 = vector.shape_cast %reduce_sum3A_122 : vector<2000xf32> to vector<2000x1xf32>
    %div3A_124 = vector.broadcast %sub3A_120 : f32 to vector<2000x1xf32>
    %div3A_125 = arith.divf %broadcast_in_dim3A_123, %div3A_124 : vector<2000x1xf32>
    %gt3A_126 = arith.constant 0.000000e+00 : f32
    %gt3A_127 = arith.cmpf ogt, %sub3A_120, %gt3A_126 : f32
    %jit3A_128 = arith.constant 0x7FC00000 : f32
    %broadcast_in_dim3A_129 = vector.broadcast %jit3A_128 : f32 to vector<2000x1xf32>
    %select_n3A_130 = arith.select %gt3A_127, %div3A_125, %broadcast_in_dim3A_129 : vector<2000x1xf32>
    %sub3A_131 = vector.broadcast %div3A_107 : vector<2000x1xf32> to vector<2000x128xf32>
    %sub3A_132 = arith.subf %add3A_95, %sub3A_131 : vector<2000x128xf32>
    %add3A_133 = arith.constant 9.99999974E-6 : f32
    %add3A_134 = vector.broadcast %add3A_133 : f32 to vector<2000x1xf32>
    %add3A_135 = arith.addf %select_n3A_130, %add3A_134 : vector<2000x1xf32>
    %sqrt3A_136 = math.sqrt %add3A_135 : vector<2000x1xf32>
    %div3A_137 = vector.broadcast %sqrt3A_136 : vector<2000x1xf32> to vector<2000x128xf32>
    %div3A_138 = arith.divf %sub3A_132, %div3A_137 : vector<2000x128xf32>
    %mul3A_139 = vector.broadcast %get3A_98 : vector<1x128xf32> to vector<2000x128xf32>
    %mul3A_140 = arith.mulf %div3A_138, %mul3A_139 : vector<2000x128xf32>
    %add3A_141 = vector.broadcast %get3A_101 : vector<1x128xf32> to vector<2000x128xf32>
    %add3A_142 = arith.addf %mul3A_140, %add3A_141 : vector<2000x128xf32>
    %swap3A = arith.constant 0 : index
    %swap3A_143 = arith.constant 0 : index
    %swap3A_144 = vector.load %arg13[%swap3A, %swap3A_143] : memref<2000x128xf32, #tpu.memory_space<vmem>>, vector<2000x128xf32>
    tpu.vector_store %arg13[%swap3A, %swap3A_143], %add3A_142 {strides = array<i32>} : memref<2000x128xf32, #tpu.memory_space<vmem>>, vector<2000x128xf32>,
    return
  }
  func.func @transform_0(%arg0: i32) -> (i32, i32) {
    %c0_i32 = arith.constant 0 : i32
    %c0_i32_0 = arith.constant 0 : i32
    return %arg0, %c0_i32 : i32, i32
  }
  func.func @transform_1(%arg0: i32) -> (i32, i32, i32) {
    %c0_i32 = arith.constant 0 : i32
    %c0_i32_0 = arith.constant 0 : i32
    %c0_i32_1 = arith.constant 0 : i32
    return %c0_i32, %arg0, %c0_i32_0 : i32, i32, i32
  }
  func.func @transform_2(%arg0: i32) -> (i32, i32) {
    %c0_i32 = arith.constant 0 : i32
    %c0_i32_0 = arith.constant 0 : i32
    return %arg0, %c0_i32 : i32, i32
  }
  func.func @transform_3(%arg0: i32) -> (i32, i32) {
    %c0_i32 = arith.constant 0 : i32
    %c0_i32_0 = arith.constant 0 : i32
    return %arg0, %c0_i32 : i32, i32
  }
  func.func @transform_4(%arg0: i32) -> (i32, i32) {
    %c0_i32 = arith.constant 0 : i32
    %c0_i32_0 = arith.constant 0 : i32
    %c0_i32_1 = arith.constant 0 : i32
    return %c0_i32, %c0_i32_0 : i32, i32
  }
  func.func @transform_5(%arg0: i32) -> (i32, i32) {
    %c0_i32 = arith.constant 0 : i32
    %c0_i32_0 = arith.constant 0 : i32
    %c0_i32_1 = arith.constant 0 : i32
    return %c0_i32, %c0_i32_0 : i32, i32
  }
  func.func @transform_6(%arg0: i32) -> (i32, i32) {
    %c0_i32 = arith.constant 0 : i32
    %c0_i32_0 = arith.constant 0 : i32
    %c0_i32_1 = arith.constant 0 : i32
    return %c0_i32, %c0_i32_0 : i32, i32
  }
  func.func @transform_7(%arg0: i32) -> (i32, i32) {
    %c0_i32 = arith.constant 0 : i32
    %c0_i32_0 = arith.constant 0 : i32
    %c0_i32_1 = arith.constant 0 : i32
    return %c0_i32, %c0_i32_0 : i32, i32
  }
  func.func @transform_8(%arg0: i32) -> (i32, i32) {
    %c0_i32 = arith.constant 0 : i32
    %c0_i32_0 = arith.constant 0 : i32
    %c0_i32_1 = arith.constant 0 : i32
    return %c0_i32, %c0_i32_0 : i32, i32
  }
  func.func @transform_9(%arg0: i32) -> (i32, i32) {
    %c0_i32 = arith.constant 0 : i32
    %c0_i32_0 = arith.constant 0 : i32
    %c0_i32_1 = arith.constant 0 : i32
    return %c0_i32, %c0_i32_0 : i32, i32
  }
  func.func @transform_10(%arg0: i32) -> (i32, i32) {
    %c0_i32 = arith.constant 0 : i32
    %c0_i32_0 = arith.constant 0 : i32
    %c0_i32_1 = arith.constant 0 : i32
    return %c0_i32, %c0_i32_0 : i32, i32
  }
  func.func @transform_11(%arg0: i32) -> (i32, i32) {
    %c0_i32 = arith.constant 0 : i32
    %c0_i32_0 = arith.constant 0 : i32
    %c0_i32_1 = arith.constant 0 : i32
    return %c0_i32, %c0_i32_0 : i32, i32
  }
  func.func @transform_12(%arg0: i32) -> (i32, i32) {
    %c0_i32 = arith.constant 0 : i32
    %c0_i32_0 = arith.constant 0 : i32
    return %arg0, %c0_i32 : i32, i32
  }
}

module attributes {stable_mosaic.version = 14 : i64} {
  func.func @_dec_body(%arg0: i32, %arg1: memref<2000x128xf32, #tpu.memory_space<vmem>>, %arg2: memref<2000x70xf32, #tpu.memory_space<vmem>>, %arg3: memref<128x128xf32, #tpu.memory_space<vmem>>, %arg4: memref<1x128xf32, #tpu.memory_space<vmem>>, %arg5: memref<1x128xf32, #tpu.memory_space<vmem>>, %arg6: memref<1x128xf32, #tpu.memory_space<vmem>>, %arg7: memref<128x70xf32, #tpu.memory_space<vmem>>, %arg8: memref<1x70xf32, #tpu.memory_space<vmem>>, %arg9: memref<70x70xf32, #tpu.memory_space<vmem>>, %arg10: memref<1x70xf32, #tpu.memory_space<vmem>>, %arg11: memref<2000x70xf32, #tpu.memory_space<vmem>>) attributes {dimension_semantics = [#tpu.dimension_semantics<arbitrary>], iteration_bounds = array<i64: 50>, scalar_prefetch = 0 : i64, scratch_operands = 0 : i64, tpu.core_type = #tpu.core_type<tc>, window_params = [{transform_indices = @transform_0, window_bounds = array<i64: 2000, 128>}, {transform_indices = @transform_1, window_bounds = array<i64: 2000, 70>}, {pipeline_mode = #tpu.pipeline_mode<synchronous>, transform_indices = @transform_2, window_bounds = array<i64: 128, 128>}, {pipeline_mode = #tpu.pipeline_mode<synchronous>, transform_indices = @transform_3, window_bounds = array<i64: 1, 128>}, {pipeline_mode = #tpu.pipeline_mode<synchronous>, transform_indices = @transform_4, window_bounds = array<i64: 1, 128>}, {pipeline_mode = #tpu.pipeline_mode<synchronous>, transform_indices = @transform_5, window_bounds = array<i64: 1, 128>}, {pipeline_mode = #tpu.pipeline_mode<synchronous>, transform_indices = @transform_6, window_bounds = array<i64: 128, 70>}, {pipeline_mode = #tpu.pipeline_mode<synchronous>, transform_indices = @transform_7, window_bounds = array<i64: 1, 70>}, {pipeline_mode = #tpu.pipeline_mode<synchronous>, transform_indices = @transform_8, window_bounds = array<i64: 70, 70>}, {pipeline_mode = #tpu.pipeline_mode<synchronous>, transform_indices = @transform_9, window_bounds = array<i64: 1, 70>}, {transform_indices = @transform_10, window_bounds = array<i64: 2000, 70>}]} {
    %get3A = arith.constant 0 : index
    %get3A_0 = arith.constant 0 : index
    %get3A_1 = vector.load %arg1[%get3A, %get3A_0] : memref<2000x128xf32, #tpu.memory_space<vmem>>, vector<2000x128xf32>
    %get3A_2 = arith.constant 0 : index
    %get3A_3 = arith.constant 0 : index
    %get3A_4 = vector.load %arg3[%get3A_2, %get3A_3] : memref<128x128xf32, #tpu.memory_space<vmem>>, vector<128x128xf32>
    %dot_general3A = arith.constant dense<0.000000e+00> : vector<2000x128xf32>
    %dot_general3A_5 = tpu.matmul %get3A_1, %get3A_4, %dot_general3A {dimension_numbers = #tpu.dot_dimension_numbers<[1], [0], [0], [1], [0, 0, 1, 1], [], []>, transpose_lhs_hint = false} : vector<2000x128xf32>, vector<128x128xf32>, vector<2000x128xf32> -> vector<2000x128xf32>
    %get3A_6 = arith.constant 0 : index
    %get3A_7 = arith.constant 0 : index
    %get3A_8 = vector.load %arg4[%get3A_6, %get3A_7] : memref<1x128xf32, #tpu.memory_space<vmem>>, vector<1x128xf32>
    %add3A = vector.broadcast %get3A_8 : vector<1x128xf32> to vector<2000x128xf32>
    %add3A_9 = arith.addf %dot_general3A_5, %add3A : vector<2000x128xf32>
    %get3A_10 = arith.constant 0 : index
    %get3A_11 = arith.constant 0 : index
    %get3A_12 = vector.load %arg5[%get3A_10, %get3A_11] : memref<1x128xf32, #tpu.memory_space<vmem>>, vector<1x128xf32>
    %get3A_13 = arith.constant 0 : index
    %get3A_14 = arith.constant 0 : index
    %get3A_15 = vector.load %arg6[%get3A_13, %get3A_14] : memref<1x128xf32, #tpu.memory_space<vmem>>, vector<1x128xf32>
    %reduce_sum3A = arith.constant dense<0.000000e+00> : vector<2000xf32>
    %reduce_sum3A_16 = vector.multi_reduction <add>, %add3A_9, %reduce_sum3A [1] : vector<2000x128xf32> to vector<2000xf32>
    %broadcast_in_dim3A = vector.shape_cast %reduce_sum3A_16 : vector<2000xf32> to vector<2000x1xf32>
    %div3A = arith.constant 1.280000e+02 : f32
    %div3A_17 = vector.broadcast %div3A : f32 to vector<2000x1xf32>
    %div3A_18 = arith.divf %broadcast_in_dim3A, %div3A_17 : vector<2000x1xf32>
    %jit3A = arith.constant 0 : i32
    %reduce_sum3A_19 = arith.constant dense<0.000000e+00> : vector<2000xf32>
    %reduce_sum3A_20 = vector.multi_reduction <add>, %add3A_9, %reduce_sum3A_19 [1] : vector<2000x128xf32> to vector<2000xf32>
    %broadcast_in_dim3A_21 = vector.shape_cast %reduce_sum3A_20 : vector<2000xf32> to vector<2000x1xf32>
    %div3A_22 = arith.constant 1.280000e+02 : f32
    %div3A_23 = vector.broadcast %div3A_22 : f32 to vector<2000x1xf32>
    %div3A_24 = arith.divf %broadcast_in_dim3A_21, %div3A_23 : vector<2000x1xf32>
    %sub3A = vector.broadcast %div3A_24 : vector<2000x1xf32> to vector<2000x128xf32>
    %sub3A_25 = arith.subf %add3A_9, %sub3A : vector<2000x128xf32>
    %square3A = arith.mulf %sub3A_25, %sub3A_25 : vector<2000x128xf32>
    %convert_element_type3A = arith.sitofp %jit3A : i32 to f32
    %sub3A_26 = arith.constant 1.280000e+02 : f32
    %sub3A_27 = arith.subf %sub3A_26, %convert_element_type3A : f32
    %reduce_sum3A_28 = arith.constant dense<0.000000e+00> : vector<2000xf32>
    %reduce_sum3A_29 = vector.multi_reduction <add>, %square3A, %reduce_sum3A_28 [1] : vector<2000x128xf32> to vector<2000xf32>
    %broadcast_in_dim3A_30 = vector.shape_cast %reduce_sum3A_29 : vector<2000xf32> to vector<2000x1xf32>
    %div3A_31 = vector.broadcast %sub3A_27 : f32 to vector<2000x1xf32>
    %div3A_32 = arith.divf %broadcast_in_dim3A_30, %div3A_31 : vector<2000x1xf32>
    %gt3A = arith.constant 0.000000e+00 : f32
    %gt3A_33 = arith.cmpf ogt, %sub3A_27, %gt3A : f32
    %jit3A_34 = arith.constant 0x7FC00000 : f32
    %broadcast_in_dim3A_35 = vector.broadcast %jit3A_34 : f32 to vector<2000x1xf32>
    %select_n3A = arith.select %gt3A_33, %div3A_32, %broadcast_in_dim3A_35 : vector<2000x1xf32>
    %sub3A_36 = vector.broadcast %div3A_18 : vector<2000x1xf32> to vector<2000x128xf32>
    %sub3A_37 = arith.subf %add3A_9, %sub3A_36 : vector<2000x128xf32>
    %add3A_38 = arith.constant 9.99999974E-6 : f32
    %add3A_39 = vector.broadcast %add3A_38 : f32 to vector<2000x1xf32>
    %add3A_40 = arith.addf %select_n3A, %add3A_39 : vector<2000x1xf32>
    %sqrt3A = math.sqrt %add3A_40 : vector<2000x1xf32>
    %div3A_41 = vector.broadcast %sqrt3A : vector<2000x1xf32> to vector<2000x128xf32>
    %div3A_42 = arith.divf %sub3A_37, %div3A_41 : vector<2000x128xf32>
    %mul3A = vector.broadcast %get3A_12 : vector<1x128xf32> to vector<2000x128xf32>
    %mul3A_43 = arith.mulf %div3A_42, %mul3A : vector<2000x128xf32>
    %add3A_44 = vector.broadcast %get3A_15 : vector<1x128xf32> to vector<2000x128xf32>
    %add3A_45 = arith.addf %mul3A_43, %add3A_44 : vector<2000x128xf32>
    %logistic3A = arith.negf %add3A_45 : vector<2000x128xf32>
    %logistic3A_46 = math.exp %logistic3A : vector<2000x128xf32>
    %logistic3A_47 = arith.constant 1.000000e+00 : f32
    %logistic3A_48 = vector.broadcast %logistic3A_47 : f32 to vector<2000x128xf32>
    %logistic3A_49 = arith.addf %logistic3A_48, %logistic3A_46 : vector<2000x128xf32>
    %logistic3A_50 = arith.divf %logistic3A_48, %logistic3A_49 : vector<2000x128xf32>
    %mul3A_51 = arith.mulf %add3A_45, %logistic3A_50 : vector<2000x128xf32>
    %get3A_52 = arith.constant 0 : index
    %get3A_53 = arith.constant 0 : index
    %get3A_54 = vector.load %arg7[%get3A_52, %get3A_53] : memref<128x70xf32, #tpu.memory_space<vmem>>, vector<128x70xf32>
    %dot_general3A_55 = arith.constant dense<0.000000e+00> : vector<2000x70xf32>
    %dot_general3A_56 = tpu.matmul %mul3A_51, %get3A_54, %dot_general3A_55 {dimension_numbers = #tpu.dot_dimension_numbers<[1], [0], [0], [1], [0, 0, 1, 1], [], []>, transpose_lhs_hint = false} : vector<2000x128xf32>, vector<128x70xf32>, vector<2000x70xf32> -> vector<2000x70xf32>
    %get3A_57 = arith.constant 0 : index
    %get3A_58 = arith.constant 0 : index
    %get3A_59 = vector.load %arg8[%get3A_57, %get3A_58] : memref<1x70xf32, #tpu.memory_space<vmem>>, vector<1x70xf32>
    %add3A_60 = vector.broadcast %get3A_59 : vector<1x70xf32> to vector<2000x70xf32>
    %add3A_61 = arith.addf %dot_general3A_56, %add3A_60 : vector<2000x70xf32>
    %get3A_62 = arith.constant 0 : index
    %get3A_63 = arith.constant 0 : index
    %get3A_64 = vector.load %arg2[%get3A_62, %get3A_63] : memref<2000x70xf32, #tpu.memory_space<vmem>>, vector<2000x70xf32>
    %get3A_65 = arith.constant 0 : index
    %get3A_66 = arith.constant 0 : index
    %get3A_67 = vector.load %arg9[%get3A_65, %get3A_66] : memref<70x70xf32, #tpu.memory_space<vmem>>, vector<70x70xf32>
    %dot_general3A_68 = arith.constant dense<0.000000e+00> : vector<2000x70xf32>
    %dot_general3A_69 = tpu.matmul %get3A_64, %get3A_67, %dot_general3A_68 {dimension_numbers = #tpu.dot_dimension_numbers<[1], [0], [0], [1], [0, 0, 1, 1], [], []>, transpose_lhs_hint = false} : vector<2000x70xf32>, vector<70x70xf32>, vector<2000x70xf32> -> vector<2000x70xf32>
    %add3A_70 = arith.addf %add3A_61, %dot_general3A_69 : vector<2000x70xf32>
    %get3A_71 = arith.constant 0 : index
    %get3A_72 = arith.constant 0 : index
    %get3A_73 = vector.load %arg10[%get3A_71, %get3A_72] : memref<1x70xf32, #tpu.memory_space<vmem>>, vector<1x70xf32>
    %add3A_74 = vector.broadcast %get3A_73 : vector<1x70xf32> to vector<2000x70xf32>
    %add3A_75 = arith.addf %add3A_70, %add3A_74 : vector<2000x70xf32>
    %swap3A = arith.constant 0 : index
    %swap3A_76 = arith.constant 0 : index
    %swap3A_77 = vector.load %arg11[%swap3A, %swap3A_76] : memref<2000x70xf32, #tpu.memory_space<vmem>>, vector<2000x70xf32>
    tpu.vector_store %arg11[%swap3A, %swap3A_76], %add3A_75 {strides = array<i32>} : memref<2000x70xf32, #tpu.memory_space<vmem>>, vector<2000x70xf32>,
    return
  }
  func.func @transform_0(%arg0: i32) -> (i32, i32) {
    %c0_i32 = arith.constant 0 : i32
    %c0_i32_0 = arith.constant 0 : i32
    return %arg0, %c0_i32 : i32, i32
  }
  func.func @transform_1(%arg0: i32) -> (i32, i32) {
    %c0_i32 = arith.constant 0 : i32
    %c0_i32_0 = arith.constant 0 : i32
    return %arg0, %c0_i32 : i32, i32
  }
  func.func @transform_2(%arg0: i32) -> (i32, i32) {
    %c0_i32 = arith.constant 0 : i32
    %c0_i32_0 = arith.constant 0 : i32
    %c0_i32_1 = arith.constant 0 : i32
    return %c0_i32, %c0_i32_0 : i32, i32
  }
  func.func @transform_3(%arg0: i32) -> (i32, i32) {
    %c0_i32 = arith.constant 0 : i32
    %c0_i32_0 = arith.constant 0 : i32
    %c0_i32_1 = arith.constant 0 : i32
    return %c0_i32, %c0_i32_0 : i32, i32
  }
  func.func @transform_4(%arg0: i32) -> (i32, i32) {
    %c0_i32 = arith.constant 0 : i32
    %c0_i32_0 = arith.constant 0 : i32
    %c0_i32_1 = arith.constant 0 : i32
    return %c0_i32, %c0_i32_0 : i32, i32
  }
  func.func @transform_5(%arg0: i32) -> (i32, i32) {
    %c0_i32 = arith.constant 0 : i32
    %c0_i32_0 = arith.constant 0 : i32
    %c0_i32_1 = arith.constant 0 : i32
    return %c0_i32, %c0_i32_0 : i32, i32
  }
  func.func @transform_6(%arg0: i32) -> (i32, i32) {
    %c0_i32 = arith.constant 0 : i32
    %c0_i32_0 = arith.constant 0 : i32
    %c0_i32_1 = arith.constant 0 : i32
    return %c0_i32, %c0_i32_0 : i32, i32
  }
  func.func @transform_7(%arg0: i32) -> (i32, i32) {
    %c0_i32 = arith.constant 0 : i32
    %c0_i32_0 = arith.constant 0 : i32
    %c0_i32_1 = arith.constant 0 : i32
    return %c0_i32, %c0_i32_0 : i32, i32
  }
  func.func @transform_8(%arg0: i32) -> (i32, i32) {
    %c0_i32 = arith.constant 0 : i32
    %c0_i32_0 = arith.constant 0 : i32
    %c0_i32_1 = arith.constant 0 : i32
    return %c0_i32, %c0_i32_0 : i32, i32
  }
  func.func @transform_9(%arg0: i32) -> (i32, i32) {
    %c0_i32 = arith.constant 0 : i32
    %c0_i32_0 = arith.constant 0 : i32
    %c0_i32_1 = arith.constant 0 : i32
    return %c0_i32, %c0_i32_0 : i32, i32
  }
  func.func @transform_10(%arg0: i32) -> (i32, i32) {
    %c0_i32 = arith.constant 0 : i32
    %c0_i32_0 = arith.constant 0 : i32
    return %arg0, %c0_i32 : i32, i32
  }
}

</mosaic_0001>

<sc_bundles>
// kernel: gather_offload_async_start.1
scs
__scs_entry_jumppad:
0x0: {  	(pc) =	sbr.rel $0x88, $3  }
0x1: {  	(tag) =	ssettag $0x0;
	lr =	simm.s32 $0x1  }
0x2: {  	[smem:$0x3F6A] =	sst lr;
	_ =	strace $0xD0000000  }
0x3: {  	_ = 	snop  }
0x4: {  	_ = 	snop  }
0x5: {  	_ = 	snop  }
0x6: {  	_ = 	snop  }
0x7: {  	_ = 	snop  }
__scs_overlays_trampoline_lowered:
0x8: {  	[smem:$0x3F79] =	sst s0  }
0x9: {  	[smem:$0x3F7A] =	sst s1  }
0xa: {  	[smem:$0x3F7B] =	sst s2  }
0xb: {  	[smem:$0x3F7C] =	sst s3  }
0xc: {  	[smem:$0x3F7D] =	sst s4  }
0xd: {  	[smem:$0x3F7E] =	sst s5  }
0xe: {  	[smem:$0x3F7F] =	sst s6  }
0xf: {  	[smem:$0x3F80] =	sst s7  }
0x10: {  	[smem:$0x3F81] =	sst s8  }
0x11: {  	[smem:$0x3F82] =	sst s9;
	s0 =	simm.s32 @!p0 $0x0  }
0x12: {  	s1 =	sld [smem:$0x3F68];
	s0 =	simm.s32 @p0 $0x1  }
0x13: {  	[smem:$0x3F83] =	sst s0;
	s0 =	simm.s32 @!p1 $0x0  }
0x14: {  	s2 =	sld [smem:$0x3F67];
	s0 =	simm.s32 @p1 $0x1  }
0x15: {  	[smem:$0x3F84] =	sst s0;
	s0 =	simm.s32 @!p2 $0x0  }
0x16: {  	s3 =	sld [smem:$0x3FDB];
	s0 =	simm.s32 @p2 $0x1  }
0x17: {  	s4 =	simm.s32 $0x1BF5;
	[smem:$0x3F86] =	sst s0  }
0x18: {  	s0 =	sld [smem:$0x3F69];
	_ =	swait.ge [sflag:s4], $0x0  }
0x19: {  	s7 =	sld [smem:$0x3F6A]  }
0x1a: {  	s8 =	sadd.s32 $0xFFFFE003, lr  }
0x1b: {  	s9 =	sadd.s32 $0xFFFFFEF7, lr;
	s5 =	simm.s32 $0xFFFFFFFF;
	p2 =	slt.u32 s8, $0xFFFFF086  }
0x1c: {  	p1 =	slt.u32 s9, $0xF7A;
	s5 =	simm.s32 @!p2 $0x0  }
0x1d: {  	s5 =	simm.s32 @p1 $0x1;
	p0 =	seq.s32 s7, s2  }
0x1e: {  	s7 =	smul.u32 @!p0 $0xF7A, s2;
	p2 =	seq.s32 @!p0 s5, $0x0  }
0x1f: {  	s9 =	smul.u32 $0xF7A, s1;
	s8 =	simm.s32 @!p0 $0x1BF5;
	p2 =	por !p2, p0  }
0x20: {  	[sflag:s8] =	ssyncset.s32 @!p0 $0xFFFFF086;
	s6 =	sadd.s32 @!p0 s3, s7;
	s7 =	simm.s32 @!p0 $0x108  }
0x21: {  	s3 =	sadd.s32 s3, s9;
	s6 =	sadd.s32 @!p0 $0x88, s6;
	s7 =	simm.s32 @p2 $0x1082  }
0x22: {  	[simem:s7], [sflag:s8] =	dma.local @!p0 [hbm:s6], $0xF7A  }
0x23: {  	s9 =	sor.u32 $0xD0000000, s2;
	s6 =	simm.s32 $0x108;
	_ =	swait.ge @!p0 [sflag:s8], $0x0  }
0x24: {  	s3 =	sadd.s32 $0x88, s3;
	s6 =	simm.s32 @!p1 $0x1082;
	[sflag:s4] =	ssyncset.s32 $0xFFFFF086  }
0x25: {  	[simem:s6], [sflag:s4] =	dma.local [hbm:s3], $0xF7A  }
0x26: {  	[smem:$0x3F6A] =	sst s1;
	(tag) =	ssettag s2;
	_ =	strace s9  }
0x27: {  	s1 =	sld [smem:$0x3F7A]  }
0x28: {  	s2 =	sld [smem:$0x3F7B]  }
0x29: {  	s4 =	sld [smem:$0x3F7D]  }
0x2a: {  	p0 =	seq.s32 s5, $0x0;
	s5 =	sld [smem:$0x3F7E]  }
0x2b: {  	s6 =	sld [smem:$0x3F7F]  }
0x2c: {  	s7 =	sld [smem:$0x3F80]  }
0x2d: {  	s3 =	simm.s32 $0x108;
	s8 =	sld [smem:$0x3F81]  }
0x2e: {  	s3 =	simm.s32 @!p0 $0x1082;
	s9 =	sld [smem:$0x3F82]  }
0x2f: {  	lr =	sadd.s32 s0, s3;
	s0 =	sld [smem:$0x3F79]  }
0x30: {  	s3 =	sld [smem:$0x3F7C]  }
0x31: {  	[smem:$0x3F85] =	sst s10  }
0x32: {  	s10 =	sld [smem:$0x3F83];
	_ =	sdelay $0x3  }
0x33: {  	p0 =	seq.s32 s10, $0x1;
	s10 =	sld [smem:$0x3F85];
	_ =	sdelay $0x3  }
0x34: {  	[smem:$0x3F85] =	sst s10  }
0x35: {  	s10 =	sld [smem:$0x3F84];
	_ =	sdelay $0x3  }
0x36: {  	p1 =	seq.s32 s10, $0x1;
	s10 =	sld [smem:$0x3F85];
	_ =	sdelay $0x3  }
0x37: {  	[smem:$0x3F85] =	sst s10  }
0x38: {  	s10 =	sld [smem:$0x3F86]  }
0x39: {  	_ = 	snop;
	(pc) =	sbr.ind lr, $3  }
0x3a: {  	_ = 	snop  }
0x3b: {  	_ = 	snop  }
0x3c: {  	p2 =	seq.s32 s10, $0x1;
	s10 =	sld [smem:$0x3F85]  }
0x3d: {  	_ =	shalt  }
0x3e: {  	_ =	shalt  }
0x3f: {  	_ =	shalt  }
0x40: {  	_ =	shalt  }
0x41: {  	_ =	shalt  }
0x42: {  	_ =	shalt  }
0x43: {  	_ =	shalt  }
0x44: {  	_ =	shalt  }
0x45: {  	_ =	shalt  }
0x46: {  	_ =	shalt  }
0x47: {  	_ =	shalt  }
0x48: {  	_ =	shalt  }
0x49: {  	_ =	shalt  }
0x4a: {  	_ =	shalt  }
0x4b: {  	_ =	shalt  }
0x4c: {  	_ =	shalt  }
0x4d: {  	_ =	shalt  }
0x4e: {  	_ =	shalt  }
0x4f: {  	_ =	shalt  }
0x50: {  	_ =	shalt  }
0x51: {  	_ =	shalt  }
0x52: {  	_ =	shalt  }
0x53: {  	_ =	shalt  }
0x54: {  	_ =	shalt  }
0x55: {  	_ =	shalt  }
0x56: {  	_ =	shalt  }
0x57: {  	_ =	shalt  }
0x58: {  	_ =	shalt  }
0x59: {  	_ =	shalt  }
0x5a: {  	_ =	shalt  }
0x5b: {  	_ =	shalt  }
0x5c: {  	_ =	shalt  }
0x5d: {  	_ =	shalt  }
0x5e: {  	_ =	shalt  }
0x5f: {  	_ =	shalt  }
0x60: {  	_ =	shalt  }
0x61: {  	_ =	shalt  }
0x62: {  	_ =	shalt  }
0x63: {  	_ =	shalt  }
0x64: {  	_ =	shalt  }
0x65: {  	_ =	shalt  }
0x66: {  	_ =	shalt  }
0x67: {  	_ =	shalt  }
0x68: {  	_ =	shalt  }
0x69: {  	_ =	shalt  }
0x6a: {  	_ =	shalt  }
0x6b: {  	_ =	shalt  }
0x6c: {  	_ =	shalt  }
0x6d: {  	_ =	shalt  }
0x6e: {  	_ =	shalt  }
0x6f: {  	_ =	shalt  }
0x70: {  	_ =	shalt  }
0x71: {  	_ =	shalt  }
0x72: {  	_ =	shalt  }
0x73: {  	_ =	shalt  }
0x74: {  	_ =	shalt  }
0x75: {  	_ =	shalt  }
0x76: {  	_ =	shalt  }
0x77: {  	_ =	shalt  }
0x78: {  	_ =	shalt  }
0x79: {  	_ =	shalt  }
0x7a: {  	_ =	shalt  }
0x7b: {  	_ =	shalt  }
0x7c: {  	_ =	shalt  }
0x7d: {  	_ =	shalt  }
0x7e: {  	_ =	shalt  }
0x7f: {  	_ =	shalt  }
0x80: {  	_ =	shalt  }
0x81: {  	_ =	shalt  }
0x82: {  	_ =	shalt  }
0x83: {  	_ =	shalt  }
0x84: {  	_ =	shalt  }
0x85: {  	_ =	shalt  }
0x86: {  	_ =	shalt  }
0x87: {  	_ =	shalt  }
.Lfunc_end0:
.L_simem_size_0:
called_computation.1_lowered:
.L_overlay_start_0:
0x88: {  	s2 =	sld [smem:$0x3FD9]  }
0x89: {  	s3 =	sld [smem:$0x3FFE];
	_ =	sdelay $0x1  }
0x8a: {  	s1 =	srdreg.scid  }
0x8b: {  	s0 =	sand.u32 $0x1, s1  }
0x8c: {  	s17 =	sshll.u32 s0, $0xA;
	s2 =	sadd.s32 s3, s2  }
0x8d: {  	s2 =	sadd.s32 s2, s17  }
0x8e: {  	[smem:$0x3F91] =	sst s2  }
0x8f: {  	_ = 	snop  }
0x90: {  	s2 =	sld [smem:$0x3FD0];
	(tm) =	ssettm $0x1  }
0x91: {  	s18 =	sld [smem:$0x3FFB];
	_ =	sdelay $0x3  }
0x92: {  	_ =	strace s18  }
0x93: {  	s3 =	sld [smem:$0x3FFC];
	_ =	sdelay $0x3  }
0x94: {  	_ =	strace s3  }
0x95: {  	s3 =	sld [smem:$0x3FFD];
	_ =	sdelay $0x3  }
0x96: {  	_ =	strace s3  }
0x97: {  	_ =	strace $0x8FFFFFFF  }
0x98: {  	s19 =	sld [smem:$0x3FDB];
	_ =	sdelay $0x1  }
0x99: {  	s4 =	simm.s32 $_scs_section_size  }
0x9a: {  	s5 =	simm.s32 $_size__tile_overlayer_lowered;
	s6 =	simm.s32 $_tile_overlayer_lowered  }
0x9b: {  	s22 =	simm.s32 $0x1BFF;
	s21 =	sshll.u32 s6, $0x1;
	s3 =	sadd.s32 s4, s19  }
0x9c: {  	s7 =	simm.s32 $0x0;
	s20 =	sshll.u32 s5, $0x1;
	s5 =	sadd.s32 s21, s3  }
0x9d: {  	[timem:s7], [sflag:s22] =	dma.local [hbm:s5], s20  }
0x9e: {  	_ =	swait.ge [sflag:s22], s20  }
0x9f: {  	s4 =	ssub.s32 $0x0, s20;
	[sflag:s22] =	ssyncset.done $0x0  }
0xa0: {  	[sflag:s22] =	ssyncadd.s32 s4;
	_ =	sdelay $0x1  }
0xa1: {  	s23 =	simm.s32 $0x1B8B  }
0xa2: {  	_ =	swait.ge [sflag:s23], $0x1  }
0xa3: {  	[sflag:s23] =	ssyncset.done $0x0  }
0xa4: {  	s25 =	simm.s32 $0x1B8E;
	s24 =	sld [smem:$0x3FFE];
	[sflag:s23] =	ssyncadd.s32 $0xFFFFFFFF  }
0xa5: {  	s26 =	simm.s32 $execute0_lowered;
	[smem:$0x3FD2] =	sst s25  }
0xa6: {  	s5 =	sshll.u32 s26, $0x1;
	_ =	strace $0x80000046;
	[dreg:$0x1] =	wrdreg $0xFFFFFFFF  }
0xa7: {  	s28 =	simm.s32 $_size_execute0_lowered;
	s3 =	sadd.s32 s3, s5;
	[dreg:$0x0] =	wrdreg $0x0  }
0xa8: {  	s5 =	sshll.u32 s28, $0x1;
	[dreg:$0x2] =	wrdreg s3  }
0xa9: {  	[dreg:$0x3] =	wrdreg s5  }
0xaa: {  	[dreg:$0x4] =	wrdreg $0xC0  }
0xab: {  	_ =	task [dreg:s7], $0x5FFFF  }
0xac: {  	[dreg:$0x1] =	wrdreg $0xFFFFFFFF  }
0xad: {  	[dreg:$0x0] =	wrdreg $0x60  }
0xae: {  	[dreg:$0x2] =	wrdreg s2  }
0xaf: {  	[dreg:$0x3] =	wrdreg s24  }
0xb0: {  	[dreg:$0x4] =	wrdreg $0xB  }
0xb1: {  	_ =	task.clear_ibuf [dreg:s7], $0x5FFFF;
	_ =	strace $0x90000046  }
0xb2: {  	s29 =	simm.s32 $0xB;
	_ =	strace $0x80000048  }
0xb3: {  	_ =	swait.ge [sflag:s29], $0x1  }
0xb4: {  	[sflag:s29] =	ssyncadd.s32 $0xFFFFFFFF  }
0xb5: {  	_ =	strace $0x90000048  }
0xb6: {  	_ =	sfence  }
0xb7: {  	s30 =	sld [smem:$0x0];
	_ =	sdelay $0x2  }
0xb8: {  	s31 =	sshll.u32 s1, $0xD;
	s1 =	sshrl.u32 s1, $0x2  }
0xb9: {  	s3 =	sand.u32 $0x4000, s31;
	s1 =	sadd.s32 s1, s30  }
0xba: {  	s0 =	sor.u32 s3, s0;
	s1 =	sshll.u32 s1, $0x11  }
0xbb: {  	s0 =	sor.u32 s1, s0  }
0xbc: {  	s0 =	sadd.s32 $0x8F2B, s0  }
0xbd: {  	[sflag:s0] =	ssyncadd.remote.s32 $0x1  }
0xbe: {  	_ =	sfence.sel $0xFFFF  }
0xbf: {  	[dreg:$0x0] =	wrdreg $0xFFFFFFFF;
	(pc) =	sbr.abs _section_cstart, $3  }
0xc0: {  	[dreg:$0x1] =	wrdreg $0xFFFFFFFF  }
0xc1: {  	_ =	task.clear_ibuf [dreg:s7], $0x2FFFF;
	_ =	strace $0x9FFFFFFF  }
0xc2: {  	(tm) =	ssettm $0x7FFFFFFF  }
0xc3: {  	_ =	shalt  }
tec
execute0_lowered:
.L_overlay_start_1:
0x0: {  	(tag) =	ssettag $0x1  }
0x1: {  	s2 =	rddreg [dreg:$0x0]  }
0x2: {  	s8 =	rddreg [dreg:$0x1]  }
0x3: {  	s0 =	rddreg [dreg:$0x2];
	s1 =	stileid.u32  }
0x4: {  	s3 =	srdreg.scid;
	_ =	strace $0x80000047;
	s4 =	simm.s32 $0x1  }
0x5: {  	s7 =	simm.s32 $0x1;
	s9 =	simm.s32 $0x1;
	s10 =	simm.s32 $0x3  }
0x6: {  	s13 =	simm.s32 $0x0;
	s5 =	sand.u32 $0x1, s3;
	s6 =	sshll.u32 s1, $0x1  }
0x7: {  	s12 =	simm.s32 $0x0;
	s3 =	sadd.s32 $0xD200, s8;
	s5 =	sor.u32 s6, s5  }
.Ltmp0:
0x8: {  	[sflag:s4] =	ssyncpa.u1 $0x0;
	p0 =	slt.u32 s5, $0x13;
	(pc) =	sbr.rel .LBB2_1-.Ltmp0, $4  }
0x9: {  	s6 =	simm.s32 $0x2;
	s7 =	simm.s32 @!p0 $0x0;
	p0 =	sne.s32 s5, $0x12  }
0xa: {  	[sflag:s6] =	ssyncpa.u1 $0x0;
	s5 =	smul.u32 $0x7D0, s5;
	s9 =	simm.s32 @!p0 $0x0  }
0xb: {  	s8 =	sadd.s32 $0x10400, s8;
	[sflag:s10] =	ssyncpa.u1 $0x0;
	s7 =	sadd.s32 s9, s7  }
0xc: {  	vm0 =	vmmov $0xffff;
	s10 =	simm.s32 $0x0;
	s11 =	smov.u32 s5;
	s9 =	sadd.s32 $0x1, s7  }
.LBB2_4:
0xd: {  	v2 =	vnsel vm1, $0x0, v2  }
0xe: {  	vm1 =	vgt.s32 v0, $0x0;
	v2 =	vmin.u32 v2, $0x1869F  }
0xf: {  	v0 =	vnsel vm1, $0x0, v0  }
0x10: {  	v0 =	vmin.u32 v0, $0x1869F  }
0x11: {  	[tilespmem:s18], [sflag:$0x1] =	stream.indirect_vreg.gather [hbm4b:s2+s10], $0x1, v1, vm0, $0x4038;
	[tilespmem:$0x1F40] =	vst v63  }
0x12: {  	(ifvalue) =	ssetifvalue $0x7FFFFFFF  }
0x13: {  	[tilespmem:s15], [sflag:$0x1] =	stream.indirect_vreg.gather [hbm4b:s2+s10], $0x1, v2, vm0, $0x4038;
	[tilespmem:$0x1F40] =	vst v63  }
0x14: {  	s29 =	sadd.s32 $0x10, s15;
	(ifvalue) =	ssetifvalue $0x7FFFFFFF  }
0x15: {  	[tilespmem:s29], [sflag:$0x1] =	stream.indirect_vreg.gather [hbm4b:s2+s10], $0x1, v0, vm0, $0x4038;
	[tilespmem:$0x1F40] =	vst v63  }
0x16: {  	_ =	swait.ge [sflag:s4], $0x7D0  }
0x17: {  	s30 =	sshrl.u32 s13, $0x3;
	[sflag:s4] =	ssyncset.done $0x0  }
0x18: {  	s31 =	sand.u32 $0x7, s13;
	s15 =	sadd.s32 s8, s30;
	[sflag:s4] =	ssyncadd.s32 $0xFFFFF830  }
0x19: {  	[hbm4b:s15+s31] =	stream.linear.scatter [tilespmem:s14], [sflag:$0x3], $0x7D0, $0x38;
	[tilespmem:$0x1F40] =	vst v63  }
.LBB2_5:
0x1a: {  	s15 =	sadd.s32 $0xFA00, s11  }
0x1b: {  	p1 =	sgt.s32 s15, $0x1869F  }
0x1c: {  	s15 =	smov.u32 @p1 s5;
	p1 =	sne.s32 s12, s9  }
.Ltmp1:
0x1d: {  	p0 =	slt.u32 s12, $0x2;
	(pc) =	sbr.rel @!p1 .LBB2_6-.Ltmp1, $4  }
0x1e: {  	s14 =	simm.s32 @!p0 $0x3  }
0x1f: {  	_ =	swait.ge @!p0 [sflag:s14], $0x7D0  }
0x20: {  	s16 =	sadd.s32 $0x1, s12;
	s13 =	smov.u32 s11;
	[sflag:s14] =	ssyncset.done @!p0 $0x0  }
0x21: {  	s12 =	smov.u32 s16;
	s11 =	smov.u32 s15;
	[sflag:s14] =	ssyncadd.s32 @!p0 $0xFFFFF830  }
.LBB2_1:
0x22: {  	p0 =	sge.u32 s12, s7  }
0x23: {  	s14 =	sxor.u32 @!p0 $0x1, s12  }
0x24: {  	s14 =	smul.u32 @!p0 $0x1F40, s14  }
0x25: {  	s31 =	sadd.s32 $0xFFFFFFFF, s12;
	s15 =	sshrl.u32 @!p0 s11, $0x3  }
0x26: {  	s16 =	sand.u32 @!p0 $0x7, s11;
	s15 =	sadd.s32 @!p0 s3, s15;
	s14 =	sshra.s32 @!p0 s14, $0x2  }
0x27: {  	[tilespmem:s14], [sflag:$0x2] =	stream.linear.gather @!p0 [hbm4b:s15+s16], $0x7D0, $0x38;
	[tilespmem:$0x1F40] =	vst v63  }
0x28: {  	p0 =	sge.u32 s31, s7  }
.Ltmp2:
0x29: {  	_ = 	snop;
	(pc) =	sbr.rel @p0 .LBB2_5-.Ltmp2, $1  }
0x2a: {  	_ =	sdelay $0x3  }
0x2b: {  	s14 =	sand.u32 $0x1, s12  }
0x2c: {  	_ =	swait.ge [sflag:s6], $0x7D0;
	p0 =	seq.s32 s14, $0x1;
	s14 =	simm.s32 $0x7D0  }
0x2d: {  	[sflag:s6] =	ssyncset.done $0x0;
	s14 =	simm.s32 @!p0 $0x0  }
0x2e: {  	[sflag:s6] =	ssyncadd.s32 $0xFFFFF830;
	(ifvalue) =	ssetifvalue $0x7FFFFFFF;
	v0 =	vld.msk [tilespmem:s14+$0x0 ss:$0x1], $0xffff;
	_ =	sdelay $0x4  }
0x2f: {  	s15 =	sadd.s32 $0x10, s14;
	vm1 =	vgt.s32 v0, $0x0  }
0x30: {  	v2 =	vld.msk [tilespmem:s15+$0x0 ss:$0x1], $0xffff;
	v1 =	vnsel vm1, $0x0, v0  }
0x31: {  	v1 =	vmin.u32 v1, $0x1869F;
	_ =	sdelay $0x2  }
0x32: {  	s17 =	simm.s32 $0x20;
	s14 =	sadd.s32 $0xFA0, s14;
	s16 =	sadd.s32 $0x10, s15  }
0x33: {  	s15 =	sadd.s32 $0x10, s14;
	s18 =	smov.u32 s14;
	v0 =	vld.msk [tilespmem:s16+$0x0 ss:$0x1], $0xffff;
	vm1 =	vgt.s32 v2, $0x0;
	(ifvalue) =	ssetifvalue $0x7FFFFFFF  }
.LBB2_3:
0x34: {  	[tilespmem:s18], [sflag:$0x1] =	stream.indirect_vreg.gather [hbm4b:s2+s10], $0x1, v1, vm0, $0x4038;
	[tilespmem:$0x1F40] =	vst v63  }
0x35: {  	s17 =	sadd.s32 $0x10, s17  }
0x36: {  	v2 =	vnsel vm1, $0x0, v2;
	p0 =	slt.u32 s17, $0x7C0  }
.Ltmp3:
0x37: {  	s18 =	smov.u32 s15;
	v1 =	vmin.u32 v2, $0x1869F;
	(pc) =	sbr.rel @p0 .LBB2_3-.Ltmp3, $3  }
0x38: {  	_ =	sdelay $0x1  }
0x39: {  	s16 =	sadd.s32 $0x10, s16  }
0x3a: {  	vm1 =	vgt.s32 v0, $0x0;
	s15 =	sadd.s32 $0x10, s15;
	v2 =	vmov v0;
	(ifvalue) =	ssetifvalue $0x7FFFFFFF;
	v0 =	vld.msk [tilespmem:s16+$0x0 ss:$0x1], $0xffff  }
.Ltmp4:
0x3b: {  	_ = 	snop;
	(pc) =	sbr.rel .LBB2_4-.Ltmp4, $1  }
0x3c: {  	_ =	sdelay $0x3  }
.LBB2_6:
0x3d: {  	_ =	sfence.sel $0x180000  }
0x3e: {  	s2 =	simm.s32 $0x2;
	[bflag:$0x0] =	sbarrier.arrive $0xFFFF  }
0x3f: {  	s30 =	simm.s32 $0x3;
	[sflag:s2] =	ssyncpa.u1 $0x1  }
0x40: {  	s31 =	simm.s32 $0x1;
	[sflag:s30] =	ssyncpa.u1 $0x1  }
0x41: {  	[sflag:s31] =	ssyncpa.u1 $0x1  }
0x42: {  	p0 =	sne.s32 s1, $0x0;
	_ =	strace $0x90000047  }
0x43: {  	s0 =	sadd.s32 @!p0 $0x100000, s0;
	[bflag:$0x2] =	sbarrier.arrive $0xFFFF  }
0x44: {  	[sflag:s0] =	ssyncadd.tile.s32 @!p0 $0x1;
	_ =	shalt  }
.Lfunc_end2:
_tile_overlayer_lowered:
.L_overlay_start_2:
0x45: {  	(tag) =	ssettag $0x2  }
0x46: {  	s0 =	rddreg [dreg:$0x0];
	s2 =	stileid.u32  }
0x47: {  	s1 =	rddreg [dreg:$0x1];
	p0 =	sne.s32 s2, $0x0  }
0x48: {  	s3 =	rddreg [dreg:$0x2];
	[bflag:$0x3] =	sbarrier.arrive $0xFFFF;
	s2 =	simm.s32 @!p0 $0x1C01  }
0x49: {  	[timem:s3], [sflag:s2] =	dma.local @!p0 [hbm:s0], s1  }
0x4a: {  	s0 =	simm.s32 @!p0 $0x1  }
0x4b: {  	_ =	swait.ge @!p0 [sflag:s0], s1  }
0x4c: {  	s1 =	ssub.s32 @!p0 $0x0, s1;
	[sflag:s0] =	ssyncset.done @!p0 $0x0  }
0x4d: {  	[sflag:s0] =	ssyncadd.s32 @!p0 s1  }
0x4e: {  	[bflag:$0x3] =	sbarrier.arrive $0xFFFF  }
0x4f: {  	_ =	shalt  }

// kernel: gather_offload_async_start.2
scs
__scs_entry_jumppad:
0x0: {  	(pc) =	sbr.rel $0x88, $3  }
0x1: {  	(tag) =	ssettag $0x0;
	lr =	simm.s32 $0x1  }
0x2: {  	[smem:$0x3F6A] =	sst lr;
	_ =	strace $0xD0000000  }
0x3: {  	_ = 	snop  }
0x4: {  	_ = 	snop  }
0x5: {  	_ = 	snop  }
0x6: {  	_ = 	snop  }
0x7: {  	_ = 	snop  }
__scs_overlays_trampoline_lowered:
0x8: {  	[smem:$0x3F79] =	sst s0  }
0x9: {  	[smem:$0x3F7A] =	sst s1  }
0xa: {  	[smem:$0x3F7B] =	sst s2  }
0xb: {  	[smem:$0x3F7C] =	sst s3  }
0xc: {  	[smem:$0x3F7D] =	sst s4  }
0xd: {  	[smem:$0x3F7E] =	sst s5  }
0xe: {  	[smem:$0x3F7F] =	sst s6  }
0xf: {  	[smem:$0x3F80] =	sst s7  }
0x10: {  	[smem:$0x3F81] =	sst s8  }
0x11: {  	[smem:$0x3F82] =	sst s9;
	s0 =	simm.s32 @!p0 $0x0  }
0x12: {  	s1 =	sld [smem:$0x3F68];
	s0 =	simm.s32 @p0 $0x1  }
0x13: {  	[smem:$0x3F83] =	sst s0;
	s0 =	simm.s32 @!p1 $0x0  }
0x14: {  	s2 =	sld [smem:$0x3F67];
	s0 =	simm.s32 @p1 $0x1  }
0x15: {  	[smem:$0x3F84] =	sst s0;
	s0 =	simm.s32 @!p2 $0x0  }
0x16: {  	s3 =	sld [smem:$0x3FDB];
	s0 =	simm.s32 @p2 $0x1  }
0x17: {  	s4 =	simm.s32 $0x1BF5;
	[smem:$0x3F86] =	sst s0  }
0x18: {  	s0 =	sld [smem:$0x3F69];
	_ =	swait.ge [sflag:s4], $0x0  }
0x19: {  	s7 =	sld [smem:$0x3F6A]  }
0x1a: {  	s8 =	sadd.s32 $0xFFFFE003, lr  }
0x1b: {  	s9 =	sadd.s32 $0xFFFFFEF7, lr;
	s5 =	simm.s32 $0xFFFFFFFF;
	p2 =	slt.u32 s8, $0xFFFFF086  }
0x1c: {  	p1 =	slt.u32 s9, $0xF7A;
	s5 =	simm.s32 @!p2 $0x0  }
0x1d: {  	s5 =	simm.s32 @p1 $0x1;
	p0 =	seq.s32 s7, s2  }
0x1e: {  	s7 =	smul.u32 @!p0 $0xF7A, s2;
	p2 =	seq.s32 @!p0 s5, $0x0  }
0x1f: {  	s9 =	smul.u32 $0xF7A, s1;
	s8 =	simm.s32 @!p0 $0x1BF5;
	p2 =	por !p2, p0  }
0x20: {  	[sflag:s8] =	ssyncset.s32 @!p0 $0xFFFFF086;
	s6 =	sadd.s32 @!p0 s3, s7;
	s7 =	simm.s32 @!p0 $0x108  }
0x21: {  	s3 =	sadd.s32 s3, s9;
	s6 =	sadd.s32 @!p0 $0x88, s6;
	s7 =	simm.s32 @p2 $0x1082  }
0x22: {  	[simem:s7], [sflag:s8] =	dma.local @!p0 [hbm:s6], $0xF7A  }
0x23: {  	s9 =	sor.u32 $0xD0000000, s2;
	s6 =	simm.s32 $0x108;
	_ =	swait.ge @!p0 [sflag:s8], $0x0  }
0x24: {  	s3 =	sadd.s32 $0x88, s3;
	s6 =	simm.s32 @!p1 $0x1082;
	[sflag:s4] =	ssyncset.s32 $0xFFFFF086  }
0x25: {  	[simem:s6], [sflag:s4] =	dma.local [hbm:s3], $0xF7A  }
0x26: {  	[smem:$0x3F6A] =	sst s1;
	(tag) =	ssettag s2;
	_ =	strace s9  }
0x27: {  	s1 =	sld [smem:$0x3F7A]  }
0x28: {  	s2 =	sld [smem:$0x3F7B]  }
0x29: {  	s4 =	sld [smem:$0x3F7D]  }
0x2a: {  	p0 =	seq.s32 s5, $0x0;
	s5 =	sld [smem:$0x3F7E]  }
0x2b: {  	s6 =	sld [smem:$0x3F7F]  }
0x2c: {  	s7 =	sld [smem:$0x3F80]  }
0x2d: {  	s3 =	simm.s32 $0x108;
	s8 =	sld [smem:$0x3F81]  }
0x2e: {  	s3 =	simm.s32 @!p0 $0x1082;
	s9 =	sld [smem:$0x3F82]  }
0x2f: {  	lr =	sadd.s32 s0, s3;
	s0 =	sld [smem:$0x3F79]  }
0x30: {  	s3 =	sld [smem:$0x3F7C]  }
0x31: {  	[smem:$0x3F85] =	sst s10  }
0x32: {  	s10 =	sld [smem:$0x3F83];
	_ =	sdelay $0x3  }
0x33: {  	p0 =	seq.s32 s10, $0x1;
	s10 =	sld [smem:$0x3F85];
	_ =	sdelay $0x3  }
0x34: {  	[smem:$0x3F85] =	sst s10  }
0x35: {  	s10 =	sld [smem:$0x3F84];
	_ =	sdelay $0x3  }
0x36: {  	p1 =	seq.s32 s10, $0x1;
	s10 =	sld [smem:$0x3F85];
	_ =	sdelay $0x3  }
0x37: {  	[smem:$0x3F85] =	sst s10  }
0x38: {  	s10 =	sld [smem:$0x3F86]  }
0x39: {  	_ = 	snop;
	(pc) =	sbr.ind lr, $3  }
0x3a: {  	_ = 	snop  }
0x3b: {  	_ = 	snop  }
0x3c: {  	p2 =	seq.s32 s10, $0x1;
	s10 =	sld [smem:$0x3F85]  }
0x3d: {  	_ =	shalt  }
0x3e: {  	_ =	shalt  }
0x3f: {  	_ =	shalt  }
0x40: {  	_ =	shalt  }
0x41: {  	_ =	shalt  }
0x42: {  	_ =	shalt  }
0x43: {  	_ =	shalt  }
0x44: {  	_ =	shalt  }
0x45: {  	_ =	shalt  }
0x46: {  	_ =	shalt  }
0x47: {  	_ =	shalt  }
0x48: {  	_ =	shalt  }
0x49: {  	_ =	shalt  }
0x4a: {  	_ =	shalt  }
0x4b: {  	_ =	shalt  }
0x4c: {  	_ =	shalt  }
0x4d: {  	_ =	shalt  }
0x4e: {  	_ =	shalt  }
0x4f: {  	_ =	shalt  }
0x50: {  	_ =	shalt  }
0x51: {  	_ =	shalt  }
0x52: {  	_ =	shalt  }
0x53: {  	_ =	shalt  }
0x54: {  	_ =	shalt  }
0x55: {  	_ =	shalt  }
0x56: {  	_ =	shalt  }
0x57: {  	_ =	shalt  }
0x58: {  	_ =	shalt  }
0x59: {  	_ =	shalt  }
0x5a: {  	_ =	shalt  }
0x5b: {  	_ =	shalt  }
0x5c: {  	_ =	shalt  }
0x5d: {  	_ =	shalt  }
0x5e: {  	_ =	shalt  }
0x5f: {  	_ =	shalt  }
0x60: {  	_ =	shalt  }
0x61: {  	_ =	shalt  }
0x62: {  	_ =	shalt  }
0x63: {  	_ =	shalt  }
0x64: {  	_ =	shalt  }
0x65: {  	_ =	shalt  }
0x66: {  	_ =	shalt  }
0x67: {  	_ =	shalt  }
0x68: {  	_ =	shalt  }
0x69: {  	_ =	shalt  }
0x6a: {  	_ =	shalt  }
0x6b: {  	_ =	shalt  }
0x6c: {  	_ =	shalt  }
0x6d: {  	_ =	shalt  }
0x6e: {  	_ =	shalt  }
0x6f: {  	_ =	shalt  }
0x70: {  	_ =	shalt  }
0x71: {  	_ =	shalt  }
0x72: {  	_ =	shalt  }
0x73: {  	_ =	shalt  }
0x74: {  	_ =	shalt  }
0x75: {  	_ =	shalt  }
0x76: {  	_ =	shalt  }
0x77: {  	_ =	shalt  }
0x78: {  	_ =	shalt  }
0x79: {  	_ =	shalt  }
0x7a: {  	_ =	shalt  }
0x7b: {  	_ =	shalt  }
0x7c: {  	_ =	shalt  }
0x7d: {  	_ =	shalt  }
0x7e: {  	_ =	shalt  }
0x7f: {  	_ =	shalt  }
0x80: {  	_ =	shalt  }
0x81: {  	_ =	shalt  }
0x82: {  	_ =	shalt  }
0x83: {  	_ =	shalt  }
0x84: {  	_ =	shalt  }
0x85: {  	_ =	shalt  }
0x86: {  	_ =	shalt  }
0x87: {  	_ =	shalt  }
.Lfunc_end0:
.L_simem_size_0:
called_computation.2_lowered:
.L_overlay_start_0:
0x88: {  	s2 =	sld [smem:$0x3FD9]  }
0x89: {  	s3 =	sld [smem:$0x3FFE];
	_ =	sdelay $0x1  }
0x8a: {  	s1 =	srdreg.scid  }
0x8b: {  	s0 =	sand.u32 $0x1, s1  }
0x8c: {  	s17 =	sshll.u32 s0, $0xA;
	s2 =	sadd.s32 s3, s2  }
0x8d: {  	s2 =	sadd.s32 s2, s17  }
0x8e: {  	[smem:$0x3F91] =	sst s2  }
0x8f: {  	_ = 	snop  }
0x90: {  	(tm) =	ssettm $0x1  }
0x91: {  	s18 =	sld [smem:$0x3FFB];
	_ =	sdelay $0x3  }
0x92: {  	_ =	strace s18  }
0x93: {  	s2 =	sld [smem:$0x3FFC];
	_ =	sdelay $0x3  }
0x94: {  	_ =	strace s2  }
0x95: {  	s2 =	sld [smem:$0x3FFD];
	_ =	sdelay $0x3  }
0x96: {  	_ =	strace s2  }
0x97: {  	_ =	strace $0x8FFFFFFF  }
0x98: {  	s19 =	sld [smem:$0x3FDB];
	_ =	sdelay $0x1  }
0x99: {  	s20 =	simm.s32 $_scs_section_size  }
0x9a: {  	s4 =	simm.s32 $_size__tile_overlayer_lowered;
	s5 =	simm.s32 $_tile_overlayer_lowered  }
0x9b: {  	s6 =	simm.s32 $0x1BFF;
	s21 =	sshll.u32 s5, $0x1;
	s3 =	sadd.s32 s20, s19  }
0x9c: {  	s22 =	simm.s32 $0x0;
	s4 =	sshll.u32 s4, $0x1;
	s5 =	sadd.s32 s21, s3  }
0x9d: {  	[timem:s22], [sflag:s6] =	dma.local [hbm:s5], s4  }
0x9e: {  	_ =	swait.ge [sflag:s6], s4  }
0x9f: {  	s4 =	ssub.s32 $0x0, s4;
	[sflag:s6] =	ssyncset.done $0x0  }
0xa0: {  	[sflag:s6] =	ssyncadd.s32 s4;
	_ =	sdelay $0x1  }
0xa1: {  	s23 =	simm.s32 $0x1B8B  }
0xa2: {  	_ =	swait.ge [sflag:s23], $0x1  }
0xa3: {  	[sflag:s23] =	ssyncset.done $0x0  }
0xa4: {  	[sflag:s23] =	ssyncadd.s32 $0xFFFFFFFF  }
0xa5: {  	s4 =	sld [smem:$0x0]  }
0xa6: {  	s5 =	sand.u32 $0xFFFFFFFE, s1  }
0xa7: {  	p0 =	sne.s32 s1, s5  }
0xa8: {  	s5 =	sshll.u32 @p0 s5, $0xE  }
0xa9: {  	s5 =	sadd.s32 @p0 $0x11B8D, s5;
	s6 =	sshll.u32 @p0 s4, $0x11  }
0xaa: {  	s5 =	sor.u32 @p0 s6, s5  }
0xab: {  	[sflag:s5] =	ssyncadd.remote.s32 @p0 $0x1;
	_ =	sdelay $0x1  }
0xac: {  	s5 =	simm.s32 @p0 $0x1B8D  }
0xad: {  	_ =	swait.eq @p0 [sflag:s5], $0x1  }
0xae: {  	[sflag:s5] =	ssyncadd.s32 @p0 $0xFFFFFFFF  }
0xaf: {  	s6 =	sshll.u32 @!p0 s1, $0xE  }
0xb0: {  	s6 =	sor.u32 @!p0 $0x4000, s6;
	s5 =	simm.s32 @!p0 $0x1B8D  }
0xb1: {  	s4 =	sshll.u32 @!p0 s4, $0x11;
	s6 =	sadd.s32 @!p0 $0x11B8D, s6;
	_ =	swait.eq @!p0 [sflag:s5], $0x1  }
0xb2: {  	s4 =	sor.u32 @!p0 s4, s6;
	[sflag:s5] =	ssyncadd.s32 @!p0 $0xFFFFFFFF  }
0xb3: {  	s25 =	simm.s32 $0x1B8E;
	s24 =	sld [smem:$0x3FFE];
	[sflag:s4] =	ssyncadd.remote.s32 @!p0 $0x1  }
0xb4: {  	s26 =	simm.s32 $execute0_lowered;
	[smem:$0x3FD2] =	sst s25  }
0xb5: {  	s5 =	sshll.u32 s26, $0x1;
	_ =	strace $0x8000004C;
	[dreg:$0x1] =	wrdreg $0xFFFFFFFF  }
0xb6: {  	s28 =	simm.s32 $_size_execute0_lowered;
	s3 =	sadd.s32 s3, s5;
	[dreg:$0x0] =	wrdreg $0x0  }
0xb7: {  	s5 =	sshll.u32 s28, $0x1;
	[dreg:$0x2] =	wrdreg s3  }
0xb8: {  	[dreg:$0x3] =	wrdreg s5  }
0xb9: {  	[dreg:$0x4] =	wrdreg $0xC0  }
0xba: {  	_ =	task [dreg:s22], $0x5FFFF  }
0xbb: {  	[dreg:$0x1] =	wrdreg $0xFFFFFFFF  }
0xbc: {  	[dreg:$0x0] =	wrdreg $0x60  }
0xbd: {  	[dreg:$0x2] =	wrdreg s24  }
0xbe: {  	[dreg:$0x3] =	wrdreg $0xA  }
0xbf: {  	_ =	task.clear_ibuf [dreg:s22], $0x4FFFF;
	_ =	strace $0x9000004C  }
0xc0: {  	s29 =	simm.s32 $0xA;
	_ =	strace $0x8000004E  }
0xc1: {  	_ =	swait.ge [sflag:s29], $0x1  }
0xc2: {  	[sflag:s29] =	ssyncadd.s32 $0xFFFFFFFF  }
0xc3: {  	_ =	strace $0x9000004E  }
0xc4: {  	_ =	sfence  }
0xc5: {  	s30 =	sld [smem:$0x0];
	_ =	sdelay $0x2  }
0xc6: {  	s31 =	sshll.u32 s1, $0xD;
	s1 =	sshrl.u32 s1, $0x2  }
0xc7: {  	s4 =	sand.u32 $0x4000, s31;
	s1 =	sadd.s32 s1, s30  }
0xc8: {  	s0 =	sor.u32 s4, s0;
	s1 =	sshll.u32 s1, $0x11  }
0xc9: {  	s0 =	sor.u32 s1, s0  }
0xca: {  	s0 =	sadd.s32 $0x8F2B, s0  }
0xcb: {  	[sflag:s0] =	ssyncadd.remote.s32 $0x1  }
0xcc: {  	_ =	sfence.sel $0xFFFF  }
0xcd: {  	[dreg:$0x0] =	wrdreg $0xFFFFFFFF;
	(pc) =	sbr.abs _section_cstart, $3  }
0xce: {  	[dreg:$0x1] =	wrdreg $0xFFFFFFFF  }
0xcf: {  	_ =	task.clear_ibuf [dreg:s22], $0x2FFFF;
	_ =	strace $0x9FFFFFFF  }
0xd0: {  	(tm) =	ssettm $0x7FFFFFFF  }
0xd1: {  	_ =	shalt  }
tec
execute0_lowered:
.L_overlay_start_1:
0x0: {  	(tag) =	ssettag $0x1  }
0x1: {  	s0 =	srdreg.scid  }
0x2: {  	s1 =	sshll.u32 s0, $0x4  }
0x3: {  	s0 =	stileid.u32;
	s1 =	sand.u32 $0x10, s1  }
0x4: {  	s1 =	sor.u32 s0, s1  }
0x5: {  	s2 =	smul.u32 $0x7, s1  }
0x6: {  	s3 =	smin.u32 s1, $0x1A  }
0x7: {  	s2 =	sadd.s32 s3, s2  }
0x8: {  	p0 =	slt.u32 s1, $0x1A;
	s1 =	simm.s32 $0xC80;
	s2 =	smul.u32 $0x190, s2  }
0x9: {  	s1 =	simm.s32 @!p0 $0xAF0  }
0xa: {  	s1 =	sadd.s32 s1, s2  }
0xb: {  	s3 =	smin.u32 s1, $0x186A0  }
0xc: {  	s7 =	ssub.s32 s3, s2  }
0xd: {  	p0 =	sgt.s32 s7, $0x0  }
0xe: {  	s7 =	simm.s32 @!p0 $0x0  }
0xf: {  	s31 =	smulhi.u32 $0x51EB851F, s7  }
0x10: {  	s9 =	rddreg [dreg:$0x0];
	s6 =	simm.s32 $0x1;
	s11 =	simm.s32 $0x3  }
0x11: {  	s13 =	simm.s32 $0x0;
	s12 =	simm.s32 $0x0;
	s8 =	sshrl.u32 s31, $0x7  }
0x12: {  	s4 =	sadd.s32 $0x16800, s9;
	s5 =	sadd.s32 $0xD200, s9;
	s10 =	smul.u32 $0x190, s8  }
.Ltmp0:
0x13: {  	s9 =	sadd.s32 $0x19D200, s9;
	s1 =	rddreg [dreg:$0x1];
	(pc) =	sbr.rel .LBB2_1-.Ltmp0, $4  }
0x14: {  	_ =	strace $0x8000004D;
	p0 =	sne.s32 s7, s10;
	s10 =	simm.s32 $0x1  }
0x15: {  	[sflag:s6] =	ssyncpa.u1 $0x0;
	s7 =	simm.s32 $0x2;
	s10 =	simm.s32 @!p0 $0x0  }
0x16: {  	[sflag:s7] =	ssyncpa.u1 $0x0;
	p0 =	por $0x0, $0x0;
	s8 =	sadd.s32 s10, s8  }
0x17: {  	vm0 =	vmmov $0xff;
	vm1 =	vcmask $0x3F20;
	[sflag:s11] =	ssyncpa.u1 $0x0;
	s11 =	smov.u32 s2;
	s10 =	sadd.s32 $0x1, s8  }
.LBB2_6:
0x18: {  	[hbm:s17] =	stream.linear.scatter [tilespmem:s14], [sflag:$0x3], $0x400, $0x38;
	[tilespmem:$0x19320] =	vst v63  }
.LBB2_7:
0x19: {  	s13 =	sadd.s32 $0x190, s11  }
0x1a: {  	s15 =	smov.u32 s2;
	p2 =	slt.s32 s13, s3  }
0x1b: {  	s15 =	smov.u32 @p2 s13;
	p2 =	sne.s32 s12, s10  }
.Ltmp1:
0x1c: {  	p1 =	slt.u32 s12, $0x2;
	(pc) =	sbr.rel @!p2 .LBB2_8-.Ltmp1, $4  }
0x1d: {  	s14 =	simm.s32 @!p1 $0x3  }
0x1e: {  	s16 =	sadd.s32 $0x1, s12;
	_ =	swait.ge @!p1 [sflag:s14], $0xC800  }
0x1f: {  	p0 =	por !p0, !p0;
	s13 =	smov.u32 s11;
	[sflag:s14] =	ssyncset.done @!p1 $0x0  }
0x20: {  	s12 =	smov.u32 s16;
	s11 =	smov.u32 s15;
	[sflag:s14] =	ssyncadd.s32 @!p1 $0xFFFF3800  }
.LBB2_1:
0x21: {  	p1 =	sge.u32 s12, s8  }
0x22: {  	s14 =	sxor.u32 @!p1 $0xFFFFFFFF, s12  }
0x23: {  	s14 =	sand.u32 @!p1 $0x1, s14  }
0x24: {  	s14 =	smul.u32 @!p1 $0x640, s14  }
0x25: {  	s31 =	sadd.s32 $0xFFFFFFFF, s12;
	s15 =	sshrl.u32 @!p1 s11, $0x3  }
0x26: {  	s16 =	sand.u32 @!p1 $0x7, s11;
	s15 =	sadd.s32 @!p1 s5, s15;
	s14 =	sshrl.u32 @!p1 s14, $0x2  }
0x27: {  	[tilespmem:s14], [sflag:$0x2] =	stream.linear.gather @!p1 [hbm4b:s15+s16], $0x190, $0x38;
	[tilespmem:$0x19320] =	vst v63  }
0x28: {  	p1 =	sge.u32 s31, s8  }
.Ltmp2:
0x29: {  	_ = 	snop;
	(pc) =	sbr.rel @p1 .LBB2_7-.Ltmp2, $1  }
0x2a: {  	_ =	sdelay $0x3  }
0x2b: {  	s14 =	simm.s32 $0x1  }
0x2c: {  	s14 =	simm.s32 @!p0 $0x0  }
0x2d: {  	s15 =	smul.u32 $0x640, s14  }
0x2e: {  	_ =	swait.ge [sflag:s7], $0x190  }
0x2f: {  	[sflag:s7] =	ssyncset.done $0x0;
	s16 =	sshrl.u32 s15, $0x2  }
0x30: {  	[sflag:s7] =	ssyncadd.s32 $0xFFFFFE70;
	s15 =	sadd.s32 $0x0, s16  }
0x31: {  	v0 =	vld.msk [tilespmem:s15+$0x0 ss:$0x1], $0xffff;
	_ =	sdelay $0x4  }
0x32: {  	vm2 =	vgt.s32 v0, $0x0  }
0x33: {  	v0 =	vnsel vm2, $0x0, v0  }
0x34: {  	v0 =	vmin.u32 v0, $0x1869F  }
0x35: {  	v0 =	vshll.u32 v0, $0x4  }
0x36: {  	s14 =	smul.u32 $0x32000, s14;
	_ =	sdelay $0x1  }
0x37: {  	s14 =	sshrl.u32 s14, $0x2  }
0x38: {  	s14 =	sor.u32 $0x320, s14  }
0x39: {  	[tilespmem:s14], [sflag:$0x1] =	stream.indirect_vreg.gather [hbm:s4], $0x80, v0, vm0, $0x38;
	[tilespmem:$0x19320] =	vst v63  }
0x3a: {  	s17 =	sadd.s32 $0x10, s16;
	s15 =	sadd.s32 $0x400, s14  }
0x3b: {  	[tilespmem:s15], [sflag:$0x1] =	stream.indirect_vreg.gather [hbm:s4], $0x80, v0, vm1, $0x38;
	[tilespmem:$0x19320] =	vst v63  }
0x3c: {  	s18 =	simm.s32 $0x80;
	v0 =	vld.msk [tilespmem:s17+$0x0 ss:$0x1], $0xffff;
	s17 =	smov.u32 s14  }
.LBB2_3:
0x3d: {  	p1 =	sne.s32 s18, $0x600;
	_ =	sdelay $0x4  }
0x3e: {  	vm2 =	vgt.s32 v0, $0x0  }
0x3f: {  	v0 =	vnsel vm2, $0x0, v0  }
0x40: {  	v0 =	vmin.u32 v0, $0x1869F  }
0x41: {  	v0 =	vshll.u32 v0, $0x4;
	_ =	sdelay $0x3  }
.Ltmp3:
0x42: {  	s19 =	sshra.s32 s18, $0x2;
	s17 =	sadd.s32 $0x800, s17;
	(pc) =	sbr.rel @p1 .LBB2_3-.Ltmp3, $4  }
0x43: {  	[tilespmem:s17], [sflag:$0x1] =	stream.indirect_vreg.gather [hbm:s4], $0x80, v0, vm0, $0x38;
	[tilespmem:$0x19320] =	vst v63  }
0x44: {  	s19 =	sadd.s32 s19, s16;
	s20 =	sadd.s32 $0x400, s17  }
0x45: {  	[tilespmem:s20], [sflag:$0x1] =	stream.indirect_vreg.gather [hbm:s4], $0x80, v0, vm1, $0x38;
	[tilespmem:$0x19320] =	vst v63  }
0x46: {  	s18 =	sadd.s32 $0x40, s18;
	v0 =	vld.msk [tilespmem:s19+$0x0 ss:$0x1], $0xffff  }
0x47: {  	_ =	sdelay $0x3  }
0x48: {  	vm2 =	vgt.s32 v0, $0x0  }
0x49: {  	v0 =	vnsel vm2, $0x0, v0  }
0x4a: {  	v0 =	vmin.u32 v0, $0x1869F  }
0x4b: {  	v0 =	vshll.u32 v0, $0x4;
	_ =	sdelay $0x3  }
0x4c: {  	s16 =	sadd.s32 $0x800, s17  }
0x4d: {  	[tilespmem:s16], [sflag:$0x1] =	stream.indirect_vreg.gather [hbm:s4], $0x80, v0, vm0, $0x38;
	[tilespmem:$0x19320] =	vst v63  }
0x4e: {  	s16 =	sadd.s32 $0x400, s16  }
0x4f: {  	[tilespmem:s16], [sflag:$0x1] =	stream.indirect_vreg.gather [hbm:s4], $0x80, v0, vm1, $0x38;
	[tilespmem:$0x19320] =	vst v63  }
0x50: {  	s13 =	sshll.u32 s13, $0x4;
	_ =	swait.ge [sflag:s6], $0xC800  }
0x51: {  	s13 =	sadd.s32 s13, s9;
	[sflag:s6] =	ssyncset.done $0x0  }
0x52: {  	s17 =	sadd.s32 $0x0, s13;
	s16 =	simm.s32 $0x80;
	[sflag:s6] =	ssyncadd.s32 $0xFFFF3800  }
.LBB2_5:
0x53: {  	[hbm:s17] =	stream.linear.scatter [tilespmem:s14], [sflag:$0x3], $0x400, $0x38;
	[tilespmem:$0x19320] =	vst v63  }
0x54: {  	s17 =	smov.u32 s16;
	s14 =	smov.u32 s15;
	p1 =	sne.s32 s16, $0x1880  }
.Ltmp4:
0x55: {  	s16 =	sadd.s32 $0x80, s16;
	(pc) =	sbr.rel @p1 .LBB2_5-.Ltmp4, $2  }
0x56: {  	_ =	sdelay $0x2  }
0x57: {  	s15 =	sadd.s32 $0x400, s15;
	s17 =	sadd.s32 s17, s13  }
.Ltmp5:
0x58: {  	_ = 	snop;
	(pc) =	sbr.rel .LBB2_6-.Ltmp5, $1  }
0x59: {  	_ =	sdelay $0x3  }
.LBB2_8:
0x5a: {  	_ =	sfence.sel $0x180000  }
0x5b: {  	s2 =	simm.s32 $0x2;
	[bflag:$0x0] =	sbarrier.arrive $0xFFFF  }
0x5c: {  	s30 =	simm.s32 $0x3;
	[sflag:s2] =	ssyncpa.u1 $0x1  }
0x5d: {  	s31 =	simm.s32 $0x1;
	[sflag:s30] =	ssyncpa.u1 $0x1  }
0x5e: {  	[sflag:s31] =	ssyncpa.u1 $0x1  }
0x5f: {  	p0 =	sne.s32 s0, $0x0;
	_ =	strace $0x9000004D  }
0x60: {  	s0 =	sadd.s32 @!p0 $0x100000, s1;
	[bflag:$0x2] =	sbarrier.arrive $0xFFFF  }
0x61: {  	[sflag:s0] =	ssyncadd.tile.s32 @!p0 $0x1;
	_ =	shalt  }
.Lfunc_end2:
_tile_overlayer_lowered:
.L_overlay_start_2:
0x62: {  	(tag) =	ssettag $0x2  }
0x63: {  	s0 =	rddreg [dreg:$0x0];
	s2 =	stileid.u32  }
0x64: {  	s1 =	rddreg [dreg:$0x1];
	p0 =	sne.s32 s2, $0x0  }
0x65: {  	s3 =	rddreg [dreg:$0x2];
	[bflag:$0x3] =	sbarrier.arrive $0xFFFF;
	s2 =	simm.s32 @!p0 $0x1C01  }
0x66: {  	[timem:s3], [sflag:s2] =	dma.local @!p0 [hbm:s0], s1  }
0x67: {  	s0 =	simm.s32 @!p0 $0x1  }
0x68: {  	_ =	swait.ge @!p0 [sflag:s0], s1  }
0x69: {  	s1 =	ssub.s32 @!p0 $0x0, s1;
	[sflag:s0] =	ssyncset.done @!p0 $0x0  }
0x6a: {  	[sflag:s0] =	ssyncadd.s32 @!p0 s1  }
0x6b: {  	[bflag:$0x3] =	sbarrier.arrive $0xFFFF  }
0x6c: {  	_ =	shalt  }

// kernel: gather_offload_async_start
scs
__scs_entry_jumppad:
0x0: {  	(pc) =	sbr.rel $0x88, $3  }
0x1: {  	(tag) =	ssettag $0x0;
	lr =	simm.s32 $0x1  }
0x2: {  	[smem:$0x3F6A] =	sst lr;
	_ =	strace $0xD0000000  }
0x3: {  	_ = 	snop  }
0x4: {  	_ = 	snop  }
0x5: {  	_ = 	snop  }
0x6: {  	_ = 	snop  }
0x7: {  	_ = 	snop  }
__scs_overlays_trampoline_lowered:
0x8: {  	[smem:$0x3F79] =	sst s0  }
0x9: {  	[smem:$0x3F7A] =	sst s1  }
0xa: {  	[smem:$0x3F7B] =	sst s2  }
0xb: {  	[smem:$0x3F7C] =	sst s3  }
0xc: {  	[smem:$0x3F7D] =	sst s4  }
0xd: {  	[smem:$0x3F7E] =	sst s5  }
0xe: {  	[smem:$0x3F7F] =	sst s6  }
0xf: {  	[smem:$0x3F80] =	sst s7  }
0x10: {  	[smem:$0x3F81] =	sst s8  }
0x11: {  	[smem:$0x3F82] =	sst s9;
	s0 =	simm.s32 @!p0 $0x0  }
0x12: {  	s1 =	sld [smem:$0x3F68];
	s0 =	simm.s32 @p0 $0x1  }
0x13: {  	[smem:$0x3F83] =	sst s0;
	s0 =	simm.s32 @!p1 $0x0  }
0x14: {  	s2 =	sld [smem:$0x3F67];
	s0 =	simm.s32 @p1 $0x1  }
0x15: {  	[smem:$0x3F84] =	sst s0;
	s0 =	simm.s32 @!p2 $0x0  }
0x16: {  	s3 =	sld [smem:$0x3FDB];
	s0 =	simm.s32 @p2 $0x1  }
0x17: {  	s4 =	simm.s32 $0x1BF5;
	[smem:$0x3F86] =	sst s0  }
0x18: {  	s0 =	sld [smem:$0x3F69];
	_ =	swait.ge [sflag:s4], $0x0  }
0x19: {  	s7 =	sld [smem:$0x3F6A]  }
0x1a: {  	s8 =	sadd.s32 $0xFFFFE003, lr  }
0x1b: {  	s9 =	sadd.s32 $0xFFFFFEF7, lr;
	s5 =	simm.s32 $0xFFFFFFFF;
	p2 =	slt.u32 s8, $0xFFFFF086  }
0x1c: {  	p1 =	slt.u32 s9, $0xF7A;
	s5 =	simm.s32 @!p2 $0x0  }
0x1d: {  	s5 =	simm.s32 @p1 $0x1;
	p0 =	seq.s32 s7, s2  }
0x1e: {  	s7 =	smul.u32 @!p0 $0xF7A, s2;
	p2 =	seq.s32 @!p0 s5, $0x0  }
0x1f: {  	s9 =	smul.u32 $0xF7A, s1;
	s8 =	simm.s32 @!p0 $0x1BF5;
	p2 =	por !p2, p0  }
0x20: {  	[sflag:s8] =	ssyncset.s32 @!p0 $0xFFFFF086;
	s6 =	sadd.s32 @!p0 s3, s7;
	s7 =	simm.s32 @!p0 $0x108  }
0x21: {  	s3 =	sadd.s32 s3, s9;
	s6 =	sadd.s32 @!p0 $0x88, s6;
	s7 =	simm.s32 @p2 $0x1082  }
0x22: {  	[simem:s7], [sflag:s8] =	dma.local @!p0 [hbm:s6], $0xF7A  }
0x23: {  	s9 =	sor.u32 $0xD0000000, s2;
	s6 =	simm.s32 $0x108;
	_ =	swait.ge @!p0 [sflag:s8], $0x0  }
0x24: {  	s3 =	sadd.s32 $0x88, s3;
	s6 =	simm.s32 @!p1 $0x1082;
	[sflag:s4] =	ssyncset.s32 $0xFFFFF086  }
0x25: {  	[simem:s6], [sflag:s4] =	dma.local [hbm:s3], $0xF7A  }
0x26: {  	[smem:$0x3F6A] =	sst s1;
	(tag) =	ssettag s2;
	_ =	strace s9  }
0x27: {  	s1 =	sld [smem:$0x3F7A]  }
0x28: {  	s2 =	sld [smem:$0x3F7B]  }
0x29: {  	s4 =	sld [smem:$0x3F7D]  }
0x2a: {  	p0 =	seq.s32 s5, $0x0;
	s5 =	sld [smem:$0x3F7E]  }
0x2b: {  	s6 =	sld [smem:$0x3F7F]  }
0x2c: {  	s7 =	sld [smem:$0x3F80]  }
0x2d: {  	s3 =	simm.s32 $0x108;
	s8 =	sld [smem:$0x3F81]  }
0x2e: {  	s3 =	simm.s32 @!p0 $0x1082;
	s9 =	sld [smem:$0x3F82]  }
0x2f: {  	lr =	sadd.s32 s0, s3;
	s0 =	sld [smem:$0x3F79]  }
0x30: {  	s3 =	sld [smem:$0x3F7C]  }
0x31: {  	[smem:$0x3F85] =	sst s10  }
0x32: {  	s10 =	sld [smem:$0x3F83];
	_ =	sdelay $0x3  }
0x33: {  	p0 =	seq.s32 s10, $0x1;
	s10 =	sld [smem:$0x3F85];
	_ =	sdelay $0x3  }
0x34: {  	[smem:$0x3F85] =	sst s10  }
0x35: {  	s10 =	sld [smem:$0x3F84];
	_ =	sdelay $0x3  }
0x36: {  	p1 =	seq.s32 s10, $0x1;
	s10 =	sld [smem:$0x3F85];
	_ =	sdelay $0x3  }
0x37: {  	[smem:$0x3F85] =	sst s10  }
0x38: {  	s10 =	sld [smem:$0x3F86]  }
0x39: {  	_ = 	snop;
	(pc) =	sbr.ind lr, $3  }
0x3a: {  	_ = 	snop  }
0x3b: {  	_ = 	snop  }
0x3c: {  	p2 =	seq.s32 s10, $0x1;
	s10 =	sld [smem:$0x3F85]  }
0x3d: {  	_ =	shalt  }
0x3e: {  	_ =	shalt  }
0x3f: {  	_ =	shalt  }
0x40: {  	_ =	shalt  }
0x41: {  	_ =	shalt  }
0x42: {  	_ =	shalt  }
0x43: {  	_ =	shalt  }
0x44: {  	_ =	shalt  }
0x45: {  	_ =	shalt  }
0x46: {  	_ =	shalt  }
0x47: {  	_ =	shalt  }
0x48: {  	_ =	shalt  }
0x49: {  	_ =	shalt  }
0x4a: {  	_ =	shalt  }
0x4b: {  	_ =	shalt  }
0x4c: {  	_ =	shalt  }
0x4d: {  	_ =	shalt  }
0x4e: {  	_ =	shalt  }
0x4f: {  	_ =	shalt  }
0x50: {  	_ =	shalt  }
0x51: {  	_ =	shalt  }
0x52: {  	_ =	shalt  }
0x53: {  	_ =	shalt  }
0x54: {  	_ =	shalt  }
0x55: {  	_ =	shalt  }
0x56: {  	_ =	shalt  }
0x57: {  	_ =	shalt  }
0x58: {  	_ =	shalt  }
0x59: {  	_ =	shalt  }
0x5a: {  	_ =	shalt  }
0x5b: {  	_ =	shalt  }
0x5c: {  	_ =	shalt  }
0x5d: {  	_ =	shalt  }
0x5e: {  	_ =	shalt  }
0x5f: {  	_ =	shalt  }
0x60: {  	_ =	shalt  }
0x61: {  	_ =	shalt  }
0x62: {  	_ =	shalt  }
0x63: {  	_ =	shalt  }
0x64: {  	_ =	shalt  }
0x65: {  	_ =	shalt  }
0x66: {  	_ =	shalt  }
0x67: {  	_ =	shalt  }
0x68: {  	_ =	shalt  }
0x69: {  	_ =	shalt  }
0x6a: {  	_ =	shalt  }
0x6b: {  	_ =	shalt  }
0x6c: {  	_ =	shalt  }
0x6d: {  	_ =	shalt  }
0x6e: {  	_ =	shalt  }
0x6f: {  	_ =	shalt  }
0x70: {  	_ =	shalt  }
0x71: {  	_ =	shalt  }
0x72: {  	_ =	shalt  }
0x73: {  	_ =	shalt  }
0x74: {  	_ =	shalt  }
0x75: {  	_ =	shalt  }
0x76: {  	_ =	shalt  }
0x77: {  	_ =	shalt  }
0x78: {  	_ =	shalt  }
0x79: {  	_ =	shalt  }
0x7a: {  	_ =	shalt  }
0x7b: {  	_ =	shalt  }
0x7c: {  	_ =	shalt  }
0x7d: {  	_ =	shalt  }
0x7e: {  	_ =	shalt  }
0x7f: {  	_ =	shalt  }
0x80: {  	_ =	shalt  }
0x81: {  	_ =	shalt  }
0x82: {  	_ =	shalt  }
0x83: {  	_ =	shalt  }
0x84: {  	_ =	shalt  }
0x85: {  	_ =	shalt  }
0x86: {  	_ =	shalt  }
0x87: {  	_ =	shalt  }
.Lfunc_end0:
.L_simem_size_0:
called_computation_lowered:
.L_overlay_start_0:
0x88: {  	s2 =	sld [smem:$0x3FD9]  }
0x89: {  	s3 =	sld [smem:$0x3FFE];
	_ =	sdelay $0x1  }
0x8a: {  	s1 =	srdreg.scid  }
0x8b: {  	s0 =	sand.u32 $0x1, s1  }
0x8c: {  	s17 =	sshll.u32 s0, $0xA;
	s2 =	sadd.s32 s3, s2  }
0x8d: {  	s2 =	sadd.s32 s2, s17  }
0x8e: {  	[smem:$0x3F91] =	sst s2  }
0x8f: {  	_ = 	snop  }
0x90: {  	(tm) =	ssettm $0x1  }
0x91: {  	s18 =	sld [smem:$0x3FFB];
	_ =	sdelay $0x3  }
0x92: {  	_ =	strace s18  }
0x93: {  	s2 =	sld [smem:$0x3FFC];
	_ =	sdelay $0x3  }
0x94: {  	_ =	strace s2  }
0x95: {  	s2 =	sld [smem:$0x3FFD];
	_ =	sdelay $0x3  }
0x96: {  	_ =	strace s2  }
0x97: {  	_ =	strace $0x8FFFFFFF  }
0x98: {  	s19 =	sld [smem:$0x3FDB];
	_ =	sdelay $0x1  }
0x99: {  	s20 =	simm.s32 $_scs_section_size  }
0x9a: {  	s4 =	simm.s32 $_size__tile_overlayer_lowered;
	s5 =	simm.s32 $_tile_overlayer_lowered  }
0x9b: {  	s6 =	simm.s32 $0x1BFF;
	s21 =	sshll.u32 s5, $0x1;
	s3 =	sadd.s32 s20, s19  }
0x9c: {  	s22 =	simm.s32 $0x0;
	s4 =	sshll.u32 s4, $0x1;
	s5 =	sadd.s32 s21, s3  }
0x9d: {  	[timem:s22], [sflag:s6] =	dma.local [hbm:s5], s4  }
0x9e: {  	_ =	swait.ge [sflag:s6], s4  }
0x9f: {  	s4 =	ssub.s32 $0x0, s4;
	[sflag:s6] =	ssyncset.done $0x0  }
0xa0: {  	[sflag:s6] =	ssyncadd.s32 s4;
	_ =	sdelay $0x1  }
0xa1: {  	s23 =	simm.s32 $0x1B8B  }
0xa2: {  	_ =	swait.ge [sflag:s23], $0x1  }
0xa3: {  	[sflag:s23] =	ssyncset.done $0x0  }
0xa4: {  	[sflag:s23] =	ssyncadd.s32 $0xFFFFFFFF  }
0xa5: {  	s4 =	sld [smem:$0x0]  }
0xa6: {  	s5 =	sand.u32 $0xFFFFFFFE, s1  }
0xa7: {  	p0 =	sne.s32 s1, s5  }
0xa8: {  	s5 =	sshll.u32 @p0 s5, $0xE  }
0xa9: {  	s5 =	sadd.s32 @p0 $0x11B8D, s5;
	s6 =	sshll.u32 @p0 s4, $0x11  }
0xaa: {  	s5 =	sor.u32 @p0 s6, s5  }
0xab: {  	[sflag:s5] =	ssyncadd.remote.s32 @p0 $0x1;
	_ =	sdelay $0x1  }
0xac: {  	s5 =	simm.s32 @p0 $0x1B8D  }
0xad: {  	_ =	swait.eq @p0 [sflag:s5], $0x1  }
0xae: {  	[sflag:s5] =	ssyncadd.s32 @p0 $0xFFFFFFFF  }
0xaf: {  	s6 =	sshll.u32 @!p0 s1, $0xE  }
0xb0: {  	s6 =	sor.u32 @!p0 $0x4000, s6;
	s5 =	simm.s32 @!p0 $0x1B8D  }
0xb1: {  	s4 =	sshll.u32 @!p0 s4, $0x11;
	s6 =	sadd.s32 @!p0 $0x11B8D, s6;
	_ =	swait.eq @!p0 [sflag:s5], $0x1  }
0xb2: {  	s4 =	sor.u32 @!p0 s4, s6;
	[sflag:s5] =	ssyncadd.s32 @!p0 $0xFFFFFFFF  }
0xb3: {  	s25 =	simm.s32 $0x1B8E;
	s24 =	sld [smem:$0x3FFE];
	[sflag:s4] =	ssyncadd.remote.s32 @!p0 $0x1  }
0xb4: {  	s26 =	simm.s32 $execute0_lowered;
	[smem:$0x3FD2] =	sst s25  }
0xb5: {  	s5 =	sshll.u32 s26, $0x1;
	_ =	strace $0x80000049;
	[dreg:$0x1] =	wrdreg $0xFFFFFFFF  }
0xb6: {  	s28 =	simm.s32 $_size_execute0_lowered;
	s3 =	sadd.s32 s3, s5;
	[dreg:$0x0] =	wrdreg $0x0  }
0xb7: {  	s5 =	sshll.u32 s28, $0x1;
	[dreg:$0x2] =	wrdreg s3  }
0xb8: {  	[dreg:$0x3] =	wrdreg s5  }
0xb9: {  	[dreg:$0x4] =	wrdreg $0xC0  }
0xba: {  	_ =	task [dreg:s22], $0x5FFFF  }
0xbb: {  	[dreg:$0x1] =	wrdreg $0xFFFFFFFF  }
0xbc: {  	[dreg:$0x0] =	wrdreg $0x60  }
0xbd: {  	[dreg:$0x2] =	wrdreg s24  }
0xbe: {  	[dreg:$0x3] =	wrdreg $0x9  }
0xbf: {  	_ =	task.clear_ibuf [dreg:s22], $0x4FFFF;
	_ =	strace $0x90000049  }
0xc0: {  	s29 =	simm.s32 $0x9;
	_ =	strace $0x8000004B  }
0xc1: {  	_ =	swait.ge [sflag:s29], $0x1  }
0xc2: {  	[sflag:s29] =	ssyncadd.s32 $0xFFFFFFFF  }
0xc3: {  	_ =	strace $0x9000004B  }
0xc4: {  	_ =	sfence  }
0xc5: {  	s30 =	sld [smem:$0x0];
	_ =	sdelay $0x2  }
0xc6: {  	s31 =	sshll.u32 s1, $0xD;
	s1 =	sshrl.u32 s1, $0x2  }
0xc7: {  	s4 =	sand.u32 $0x4000, s31;
	s1 =	sadd.s32 s1, s30  }
0xc8: {  	s0 =	sor.u32 s4, s0;
	s1 =	sshll.u32 s1, $0x11  }
0xc9: {  	s0 =	sor.u32 s1, s0  }
0xca: {  	s0 =	sadd.s32 $0x8F2B, s0  }
0xcb: {  	[sflag:s0] =	ssyncadd.remote.s32 $0x1  }
0xcc: {  	_ =	sfence.sel $0xFFFF  }
0xcd: {  	[dreg:$0x0] =	wrdreg $0xFFFFFFFF;
	(pc) =	sbr.abs _section_cstart, $3  }
0xce: {  	[dreg:$0x1] =	wrdreg $0xFFFFFFFF  }
0xcf: {  	_ =	task.clear_ibuf [dreg:s22], $0x2FFFF;
	_ =	strace $0x9FFFFFFF  }
0xd0: {  	(tm) =	ssettm $0x7FFFFFFF  }
0xd1: {  	_ =	shalt  }
tec
execute0_lowered:
.L_overlay_start_1:
0x0: {  	(tag) =	ssettag $0x1  }
0x1: {  	s8 =	rddreg [dreg:$0x0]  }
0x2: {  	s0 =	rddreg [dreg:$0x1];
	_ =	strace $0x8000004A;
	s1 =	stileid.u32  }
0x3: {  	s3 =	srdreg.scid;
	s4 =	simm.s32 $0x1;
	s7 =	simm.s32 $0x1  }
0x4: {  	s9 =	simm.s32 $0x1;
	s10 =	simm.s32 $0x3;
	s13 =	simm.s32 $0x0  }
0x5: {  	s12 =	simm.s32 $0x0;
	s5 =	sand.u32 $0x1, s3;
	s6 =	sshll.u32 s1, $0x1  }
0x6: {  	s2 =	sadd.s32 $0xA000, s8;
	s3 =	sadd.s32 $0xD200, s8;
	s5 =	sor.u32 s6, s5  }
.Ltmp0:
0x7: {  	[sflag:s4] =	ssyncpa.u1 $0x0;
	p0 =	slt.u32 s5, $0x13;
	(pc) =	sbr.rel .LBB2_1-.Ltmp0, $4  }
0x8: {  	s6 =	simm.s32 $0x2;
	s7 =	simm.s32 @!p0 $0x0;
	p0 =	sne.s32 s5, $0x12  }
0x9: {  	[sflag:s6] =	ssyncpa.u1 $0x0;
	s5 =	smul.u32 $0x7D0, s5;
	s9 =	simm.s32 @!p0 $0x0  }
0xa: {  	s8 =	sadd.s32 $0x13600, s8;
	[sflag:s10] =	ssyncpa.u1 $0x0;
	s7 =	sadd.s32 s9, s7  }
0xb: {  	vm0 =	vmmov $0xffff;
	s10 =	simm.s32 $0x0;
	s11 =	smov.u32 s5;
	s9 =	sadd.s32 $0x1, s7  }
.LBB2_4:
0xc: {  	v2 =	vnsel vm1, $0x0, v2  }
0xd: {  	vm1 =	vgt.s32 v0, $0x0;
	v2 =	vmin.u32 v2, $0x1869F  }
0xe: {  	v0 =	vnsel vm1, $0x0, v0  }
0xf: {  	v0 =	vmin.u32 v0, $0x1869F  }
0x10: {  	[tilespmem:s18], [sflag:$0x1] =	stream.indirect_vreg.gather [hbm4b:s2+s10], $0x1, v1, vm0, $0x4038;
	[tilespmem:$0x1F40] =	vst v63  }
0x11: {  	(ifvalue) =	ssetifvalue $0x7FFFFFFF  }
0x12: {  	[tilespmem:s15], [sflag:$0x1] =	stream.indirect_vreg.gather [hbm4b:s2+s10], $0x1, v2, vm0, $0x4038;
	[tilespmem:$0x1F40] =	vst v63  }
0x13: {  	s29 =	sadd.s32 $0x10, s15;
	(ifvalue) =	ssetifvalue $0x7FFFFFFF  }
0x14: {  	[tilespmem:s29], [sflag:$0x1] =	stream.indirect_vreg.gather [hbm4b:s2+s10], $0x1, v0, vm0, $0x4038;
	[tilespmem:$0x1F40] =	vst v63  }
0x15: {  	_ =	swait.ge [sflag:s4], $0x7D0  }
0x16: {  	s30 =	sshrl.u32 s13, $0x3;
	[sflag:s4] =	ssyncset.done $0x0  }
0x17: {  	s31 =	sand.u32 $0x7, s13;
	s15 =	sadd.s32 s8, s30;
	[sflag:s4] =	ssyncadd.s32 $0xFFFFF830  }
0x18: {  	[hbm4b:s15+s31] =	stream.linear.scatter [tilespmem:s14], [sflag:$0x3], $0x7D0, $0x38;
	[tilespmem:$0x1F40] =	vst v63  }
.LBB2_5:
0x19: {  	s15 =	sadd.s32 $0xFA00, s11  }
0x1a: {  	p1 =	sgt.s32 s15, $0x1869F  }
0x1b: {  	s15 =	smov.u32 @p1 s5;
	p1 =	sne.s32 s12, s9  }
.Ltmp1:
0x1c: {  	p0 =	slt.u32 s12, $0x2;
	(pc) =	sbr.rel @!p1 .LBB2_6-.Ltmp1, $4  }
0x1d: {  	s14 =	simm.s32 @!p0 $0x3  }
0x1e: {  	_ =	swait.ge @!p0 [sflag:s14], $0x7D0  }
0x1f: {  	s16 =	sadd.s32 $0x1, s12;
	s13 =	smov.u32 s11;
	[sflag:s14] =	ssyncset.done @!p0 $0x0  }
0x20: {  	s12 =	smov.u32 s16;
	s11 =	smov.u32 s15;
	[sflag:s14] =	ssyncadd.s32 @!p0 $0xFFFFF830  }
.LBB2_1:
0x21: {  	p0 =	sge.u32 s12, s7  }
0x22: {  	s14 =	sxor.u32 @!p0 $0x1, s12  }
0x23: {  	s14 =	smul.u32 @!p0 $0x1F40, s14  }
0x24: {  	s31 =	sadd.s32 $0xFFFFFFFF, s12;
	s15 =	sshrl.u32 @!p0 s11, $0x3  }
0x25: {  	s16 =	sand.u32 @!p0 $0x7, s11;
	s15 =	sadd.s32 @!p0 s3, s15;
	s14 =	sshra.s32 @!p0 s14, $0x2  }
0x26: {  	[tilespmem:s14], [sflag:$0x2] =	stream.linear.gather @!p0 [hbm4b:s15+s16], $0x7D0, $0x38;
	[tilespmem:$0x1F40] =	vst v63  }
0x27: {  	p0 =	sge.u32 s31, s7  }
.Ltmp2:
0x28: {  	_ = 	snop;
	(pc) =	sbr.rel @p0 .LBB2_5-.Ltmp2, $1  }
0x29: {  	_ =	sdelay $0x3  }
0x2a: {  	s14 =	sand.u32 $0x1, s12  }
0x2b: {  	_ =	swait.ge [sflag:s6], $0x7D0;
	p0 =	seq.s32 s14, $0x1;
	s14 =	simm.s32 $0x7D0  }
0x2c: {  	[sflag:s6] =	ssyncset.done $0x0;
	s14 =	simm.s32 @!p0 $0x0  }
0x2d: {  	[sflag:s6] =	ssyncadd.s32 $0xFFFFF830;
	(ifvalue) =	ssetifvalue $0x7FFFFFFF;
	v0 =	vld.msk [tilespmem:s14+$0x0 ss:$0x1], $0xffff;
	_ =	sdelay $0x4  }
0x2e: {  	s15 =	sadd.s32 $0x10, s14;
	vm1 =	vgt.s32 v0, $0x0  }
0x2f: {  	v2 =	vld.msk [tilespmem:s15+$0x0 ss:$0x1], $0xffff;
	v1 =	vnsel vm1, $0x0, v0  }
0x30: {  	v1 =	vmin.u32 v1, $0x1869F;
	_ =	sdelay $0x2  }
0x31: {  	s17 =	simm.s32 $0x20;
	s14 =	sadd.s32 $0xFA0, s14;
	s16 =	sadd.s32 $0x10, s15  }
0x32: {  	s15 =	sadd.s32 $0x10, s14;
	s18 =	smov.u32 s14;
	v0 =	vld.msk [tilespmem:s16+$0x0 ss:$0x1], $0xffff;
	vm1 =	vgt.s32 v2, $0x0;
	(ifvalue) =	ssetifvalue $0x7FFFFFFF  }
.LBB2_3:
0x33: {  	[tilespmem:s18], [sflag:$0x1] =	stream.indirect_vreg.gather [hbm4b:s2+s10], $0x1, v1, vm0, $0x4038;
	[tilespmem:$0x1F40] =	vst v63  }
0x34: {  	s17 =	sadd.s32 $0x10, s17  }
0x35: {  	v2 =	vnsel vm1, $0x0, v2;
	p0 =	slt.u32 s17, $0x7C0  }
.Ltmp3:
0x36: {  	s18 =	smov.u32 s15;
	v1 =	vmin.u32 v2, $0x1869F;
	(pc) =	sbr.rel @p0 .LBB2_3-.Ltmp3, $3  }
0x37: {  	_ =	sdelay $0x1  }
0x38: {  	s16 =	sadd.s32 $0x10, s16  }
0x39: {  	vm1 =	vgt.s32 v0, $0x0;
	s15 =	sadd.s32 $0x10, s15;
	v2 =	vmov v0;
	(ifvalue) =	ssetifvalue $0x7FFFFFFF;
	v0 =	vld.msk [tilespmem:s16+$0x0 ss:$0x1], $0xffff  }
.Ltmp4:
0x3a: {  	_ = 	snop;
	(pc) =	sbr.rel .LBB2_4-.Ltmp4, $1  }
0x3b: {  	_ =	sdelay $0x3  }
.LBB2_6:
0x3c: {  	_ =	sfence.sel $0x180000  }
0x3d: {  	s2 =	simm.s32 $0x2;
	[bflag:$0x0] =	sbarrier.arrive $0xFFFF  }
0x3e: {  	s30 =	simm.s32 $0x3;
	[sflag:s2] =	ssyncpa.u1 $0x1  }
0x3f: {  	s31 =	simm.s32 $0x1;
	[sflag:s30] =	ssyncpa.u1 $0x1  }
0x40: {  	[sflag:s31] =	ssyncpa.u1 $0x1  }
0x41: {  	p0 =	sne.s32 s1, $0x0;
	_ =	strace $0x9000004A  }
0x42: {  	s0 =	sadd.s32 @!p0 $0x100000, s0;
	[bflag:$0x2] =	sbarrier.arrive $0xFFFF  }
0x43: {  	[sflag:s0] =	ssyncadd.tile.s32 @!p0 $0x1;
	_ =	shalt  }
.Lfunc_end2:
_tile_overlayer_lowered:
.L_overlay_start_2:
0x44: {  	(tag) =	ssettag $0x2  }
0x45: {  	s0 =	rddreg [dreg:$0x0];
	s2 =	stileid.u32  }
0x46: {  	s1 =	rddreg [dreg:$0x1];
	p0 =	sne.s32 s2, $0x0  }
0x47: {  	s3 =	rddreg [dreg:$0x2];
	[bflag:$0x3] =	sbarrier.arrive $0xFFFF;
	s2 =	simm.s32 @!p0 $0x1C01  }
0x48: {  	[timem:s3], [sflag:s2] =	dma.local @!p0 [hbm:s0], s1  }
0x49: {  	s0 =	simm.s32 @!p0 $0x1  }
0x4a: {  	_ =	swait.ge @!p0 [sflag:s0], s1  }
0x4b: {  	s1 =	ssub.s32 @!p0 $0x0, s1;
	[sflag:s0] =	ssyncset.done @!p0 $0x0  }
0x4c: {  	[sflag:s0] =	ssyncadd.s32 @!p0 s1  }
0x4d: {  	[bflag:$0x3] =	sbarrier.arrive $0xFFFF  }
0x4e: {  	_ =	shalt  }

// kernel: kernel.24.cloned.1.call-start
scs
__scs_entry_jumppad:
0x0: {  	(pc) =	sbr.rel $0x88, $3  }
0x1: {  	(tag) =	ssettag $0x0;
	lr =	simm.s32 $0x1  }
0x2: {  	[smem:$0x3F6A] =	sst lr;
	_ =	strace $0xD0000000  }
0x3: {  	_ = 	snop  }
0x4: {  	_ = 	snop  }
0x5: {  	_ = 	snop  }
0x6: {  	_ = 	snop  }
0x7: {  	_ = 	snop  }
__scs_overlays_trampoline_lowered:
0x8: {  	[smem:$0x3F79] =	sst s0  }
0x9: {  	[smem:$0x3F7A] =	sst s1  }
0xa: {  	[smem:$0x3F7B] =	sst s2  }
0xb: {  	[smem:$0x3F7C] =	sst s3  }
0xc: {  	[smem:$0x3F7D] =	sst s4  }
0xd: {  	[smem:$0x3F7E] =	sst s5  }
0xe: {  	[smem:$0x3F7F] =	sst s6  }
0xf: {  	[smem:$0x3F80] =	sst s7  }
0x10: {  	[smem:$0x3F81] =	sst s8  }
0x11: {  	[smem:$0x3F82] =	sst s9;
	s0 =	simm.s32 @!p0 $0x0  }
0x12: {  	s1 =	sld [smem:$0x3F68];
	s0 =	simm.s32 @p0 $0x1  }
0x13: {  	[smem:$0x3F83] =	sst s0;
	s0 =	simm.s32 @!p1 $0x0  }
0x14: {  	s2 =	sld [smem:$0x3F67];
	s0 =	simm.s32 @p1 $0x1  }
0x15: {  	[smem:$0x3F84] =	sst s0;
	s0 =	simm.s32 @!p2 $0x0  }
0x16: {  	s3 =	sld [smem:$0x3FDB];
	s0 =	simm.s32 @p2 $0x1  }
0x17: {  	s4 =	simm.s32 $0x1BF5;
	[smem:$0x3F86] =	sst s0  }
0x18: {  	s0 =	sld [smem:$0x3F69];
	_ =	swait.ge [sflag:s4], $0x0  }
0x19: {  	s7 =	sld [smem:$0x3F6A]  }
0x1a: {  	s8 =	sadd.s32 $0xFFFFE003, lr  }
0x1b: {  	s9 =	sadd.s32 $0xFFFFFEF7, lr;
	s5 =	simm.s32 $0xFFFFFFFF;
	p2 =	slt.u32 s8, $0xFFFFF086  }
0x1c: {  	p1 =	slt.u32 s9, $0xF7A;
	s5 =	simm.s32 @!p2 $0x0  }
0x1d: {  	s5 =	simm.s32 @p1 $0x1;
	p0 =	seq.s32 s7, s2  }
0x1e: {  	s7 =	smul.u32 @!p0 $0xF7A, s2;
	p2 =	seq.s32 @!p0 s5, $0x0  }
0x1f: {  	s9 =	smul.u32 $0xF7A, s1;
	s8 =	simm.s32 @!p0 $0x1BF5;
	p2 =	por !p2, p0  }
0x20: {  	[sflag:s8] =	ssyncset.s32 @!p0 $0xFFFFF086;
	s6 =	sadd.s32 @!p0 s3, s7;
	s7 =	simm.s32 @!p0 $0x108  }
0x21: {  	s3 =	sadd.s32 s3, s9;
	s6 =	sadd.s32 @!p0 $0x88, s6;
	s7 =	simm.s32 @p2 $0x1082  }
0x22: {  	[simem:s7], [sflag:s8] =	dma.local @!p0 [hbm:s6], $0xF7A  }
0x23: {  	s9 =	sor.u32 $0xD0000000, s2;
	s6 =	simm.s32 $0x108;
	_ =	swait.ge @!p0 [sflag:s8], $0x0  }
0x24: {  	s3 =	sadd.s32 $0x88, s3;
	s6 =	simm.s32 @!p1 $0x1082;
	[sflag:s4] =	ssyncset.s32 $0xFFFFF086  }
0x25: {  	[simem:s6], [sflag:s4] =	dma.local [hbm:s3], $0xF7A  }
0x26: {  	[smem:$0x3F6A] =	sst s1;
	(tag) =	ssettag s2;
	_ =	strace s9  }
0x27: {  	s1 =	sld [smem:$0x3F7A]  }
0x28: {  	s2 =	sld [smem:$0x3F7B]  }
0x29: {  	s4 =	sld [smem:$0x3F7D]  }
0x2a: {  	p0 =	seq.s32 s5, $0x0;
	s5 =	sld [smem:$0x3F7E]  }
0x2b: {  	s6 =	sld [smem:$0x3F7F]  }
0x2c: {  	s7 =	sld [smem:$0x3F80]  }
0x2d: {  	s3 =	simm.s32 $0x108;
	s8 =	sld [smem:$0x3F81]  }
0x2e: {  	s3 =	simm.s32 @!p0 $0x1082;
	s9 =	sld [smem:$0x3F82]  }
0x2f: {  	lr =	sadd.s32 s0, s3;
	s0 =	sld [smem:$0x3F79]  }
0x30: {  	s3 =	sld [smem:$0x3F7C]  }
0x31: {  	[smem:$0x3F85] =	sst s10  }
0x32: {  	s10 =	sld [smem:$0x3F83];
	_ =	sdelay $0x3  }
0x33: {  	p0 =	seq.s32 s10, $0x1;
	s10 =	sld [smem:$0x3F85];
	_ =	sdelay $0x3  }
0x34: {  	[smem:$0x3F85] =	sst s10  }
0x35: {  	s10 =	sld [smem:$0x3F84];
	_ =	sdelay $0x3  }
0x36: {  	p1 =	seq.s32 s10, $0x1;
	s10 =	sld [smem:$0x3F85];
	_ =	sdelay $0x3  }
0x37: {  	[smem:$0x3F85] =	sst s10  }
0x38: {  	s10 =	sld [smem:$0x3F86]  }
0x39: {  	_ = 	snop;
	(pc) =	sbr.ind lr, $3  }
0x3a: {  	_ = 	snop  }
0x3b: {  	_ = 	snop  }
0x3c: {  	p2 =	seq.s32 s10, $0x1;
	s10 =	sld [smem:$0x3F85]  }
0x3d: {  	_ =	shalt  }
0x3e: {  	_ =	shalt  }
0x3f: {  	_ =	shalt  }
0x40: {  	_ =	shalt  }
0x41: {  	_ =	shalt  }
0x42: {  	_ =	shalt  }
0x43: {  	_ =	shalt  }
0x44: {  	_ =	shalt  }
0x45: {  	_ =	shalt  }
0x46: {  	_ =	shalt  }
0x47: {  	_ =	shalt  }
0x48: {  	_ =	shalt  }
0x49: {  	_ =	shalt  }
0x4a: {  	_ =	shalt  }
0x4b: {  	_ =	shalt  }
0x4c: {  	_ =	shalt  }
0x4d: {  	_ =	shalt  }
0x4e: {  	_ =	shalt  }
0x4f: {  	_ =	shalt  }
0x50: {  	_ =	shalt  }
0x51: {  	_ =	shalt  }
0x52: {  	_ =	shalt  }
0x53: {  	_ =	shalt  }
0x54: {  	_ =	shalt  }
0x55: {  	_ =	shalt  }
0x56: {  	_ =	shalt  }
0x57: {  	_ =	shalt  }
0x58: {  	_ =	shalt  }
0x59: {  	_ =	shalt  }
0x5a: {  	_ =	shalt  }
0x5b: {  	_ =	shalt  }
0x5c: {  	_ =	shalt  }
0x5d: {  	_ =	shalt  }
0x5e: {  	_ =	shalt  }
0x5f: {  	_ =	shalt  }
0x60: {  	_ =	shalt  }
0x61: {  	_ =	shalt  }
0x62: {  	_ =	shalt  }
0x63: {  	_ =	shalt  }
0x64: {  	_ =	shalt  }
0x65: {  	_ =	shalt  }
0x66: {  	_ =	shalt  }
0x67: {  	_ =	shalt  }
0x68: {  	_ =	shalt  }
0x69: {  	_ =	shalt  }
0x6a: {  	_ =	shalt  }
0x6b: {  	_ =	shalt  }
0x6c: {  	_ =	shalt  }
0x6d: {  	_ =	shalt  }
0x6e: {  	_ =	shalt  }
0x6f: {  	_ =	shalt  }
0x70: {  	_ =	shalt  }
0x71: {  	_ =	shalt  }
0x72: {  	_ =	shalt  }
0x73: {  	_ =	shalt  }
0x74: {  	_ =	shalt  }
0x75: {  	_ =	shalt  }
0x76: {  	_ =	shalt  }
0x77: {  	_ =	shalt  }
0x78: {  	_ =	shalt  }
0x79: {  	_ =	shalt  }
0x7a: {  	_ =	shalt  }
0x7b: {  	_ =	shalt  }
0x7c: {  	_ =	shalt  }
0x7d: {  	_ =	shalt  }
0x7e: {  	_ =	shalt  }
0x7f: {  	_ =	shalt  }
0x80: {  	_ =	shalt  }
0x81: {  	_ =	shalt  }
0x82: {  	_ =	shalt  }
0x83: {  	_ =	shalt  }
0x84: {  	_ =	shalt  }
0x85: {  	_ =	shalt  }
0x86: {  	_ =	shalt  }
0x87: {  	_ =	shalt  }
.Lfunc_end0:
.L_simem_size_0:
called_computation.3_lowered:
.L_overlay_start_0:
0x88: {  	s2 =	sld [smem:$0x3FD9]  }
0x89: {  	s3 =	sld [smem:$0x3FFE];
	_ =	sdelay $0x1  }
0x8a: {  	s1 =	srdreg.scid  }
0x8b: {  	s0 =	sand.u32 $0x1, s1  }
0x8c: {  	s17 =	sshll.u32 s0, $0xA;
	s2 =	sadd.s32 s3, s2  }
0x8d: {  	s2 =	sadd.s32 s2, s17  }
0x8e: {  	[smem:$0x3F91] =	sst s2  }
0x8f: {  	_ = 	snop  }
0x90: {  	(tm) =	ssettm $0x1  }
0x91: {  	s18 =	sld [smem:$0x3FFB];
	_ =	sdelay $0x3  }
0x92: {  	_ =	strace s18  }
0x93: {  	s2 =	sld [smem:$0x3FFC];
	_ =	sdelay $0x3  }
0x94: {  	_ =	strace s2  }
0x95: {  	s2 =	sld [smem:$0x3FFD];
	_ =	sdelay $0x3  }
0x96: {  	_ =	strace s2  }
0x97: {  	_ =	strace $0x8FFFFFFF  }
0x98: {  	s19 =	sld [smem:$0x3FDB];
	_ =	sdelay $0x1  }
0x99: {  	s20 =	simm.s32 $_scs_section_size  }
0x9a: {  	s4 =	simm.s32 $_size__tile_overlayer_lowered;
	s5 =	simm.s32 $_tile_overlayer_lowered  }
0x9b: {  	s6 =	simm.s32 $0x1BFF;
	s21 =	sshll.u32 s5, $0x1;
	s3 =	sadd.s32 s20, s19  }
0x9c: {  	s22 =	simm.s32 $0x0;
	s4 =	sshll.u32 s4, $0x1;
	s5 =	sadd.s32 s21, s3  }
0x9d: {  	[timem:s22], [sflag:s6] =	dma.local [hbm:s5], s4  }
0x9e: {  	_ =	swait.ge [sflag:s6], s4  }
0x9f: {  	s4 =	ssub.s32 $0x0, s4;
	[sflag:s6] =	ssyncset.done $0x0  }
0xa0: {  	[sflag:s6] =	ssyncadd.s32 s4;
	_ =	sdelay $0x1  }
0xa1: {  	s23 =	simm.s32 $0x1B8B  }
0xa2: {  	_ =	swait.ge [sflag:s23], $0x1  }
0xa3: {  	[sflag:s23] =	ssyncset.done $0x0  }
0xa4: {  	[sflag:s23] =	ssyncadd.s32 $0xFFFFFFFF  }
0xa5: {  	s4 =	sld [smem:$0x0]  }
0xa6: {  	s5 =	sand.u32 $0xFFFFFFFE, s1  }
0xa7: {  	p0 =	sne.s32 s1, s5  }
0xa8: {  	s5 =	sshll.u32 @p0 s5, $0xE  }
0xa9: {  	s5 =	sadd.s32 @p0 $0x11B8D, s5;
	s6 =	sshll.u32 @p0 s4, $0x11  }
0xaa: {  	s5 =	sor.u32 @p0 s6, s5  }
0xab: {  	[sflag:s5] =	ssyncadd.remote.s32 @p0 $0x1;
	_ =	sdelay $0x1  }
0xac: {  	s5 =	simm.s32 @p0 $0x1B8D  }
0xad: {  	_ =	swait.eq @p0 [sflag:s5], $0x1  }
0xae: {  	[sflag:s5] =	ssyncadd.s32 @p0 $0xFFFFFFFF  }
0xaf: {  	s6 =	sshll.u32 @!p0 s1, $0xE  }
0xb0: {  	s6 =	sor.u32 @!p0 $0x4000, s6;
	s5 =	simm.s32 @!p0 $0x1B8D  }
0xb1: {  	s4 =	sshll.u32 @!p0 s4, $0x11;
	s6 =	sadd.s32 @!p0 $0x11B8D, s6;
	_ =	swait.eq @!p0 [sflag:s5], $0x1  }
0xb2: {  	s4 =	sor.u32 @!p0 s4, s6;
	[sflag:s5] =	ssyncadd.s32 @!p0 $0xFFFFFFFF  }
0xb3: {  	s25 =	simm.s32 $0x1B8E;
	s24 =	sld [smem:$0x3FFE];
	[sflag:s4] =	ssyncadd.remote.s32 @!p0 $0x1  }
0xb4: {  	s26 =	simm.s32 $execute0_lowered;
	[smem:$0x3FD2] =	sst s25  }
0xb5: {  	s5 =	sshll.u32 s26, $0x1;
	_ =	strace $0x8000004F;
	[dreg:$0x1] =	wrdreg $0xFFFFFFFF  }
0xb6: {  	s28 =	simm.s32 $_size_execute0_lowered;
	s3 =	sadd.s32 s3, s5;
	[dreg:$0x0] =	wrdreg $0x0  }
0xb7: {  	s5 =	sshll.u32 s28, $0x1;
	[dreg:$0x2] =	wrdreg s3  }
0xb8: {  	[dreg:$0x3] =	wrdreg s5  }
0xb9: {  	[dreg:$0x4] =	wrdreg $0xC0  }
0xba: {  	_ =	task [dreg:s22], $0x5FFFF  }
0xbb: {  	[dreg:$0x1] =	wrdreg $0xFFFFFFFF  }
0xbc: {  	[dreg:$0x0] =	wrdreg $0x60  }
0xbd: {  	[dreg:$0x2] =	wrdreg s24  }
0xbe: {  	[dreg:$0x3] =	wrdreg $0xB  }
0xbf: {  	_ =	task.clear_ibuf [dreg:s22], $0x4FFFF;
	_ =	strace $0x9000004F  }
0xc0: {  	s29 =	simm.s32 $0xB;
	_ =	strace $0x80000051  }
0xc1: {  	_ =	swait.ge [sflag:s29], $0x1  }
0xc2: {  	[sflag:s29] =	ssyncadd.s32 $0xFFFFFFFF  }
0xc3: {  	_ =	strace $0x90000051  }
0xc4: {  	_ =	sfence  }
0xc5: {  	s30 =	sld [smem:$0x0];
	_ =	sdelay $0x2  }
0xc6: {  	s31 =	sshll.u32 s1, $0xD;
	s1 =	sshrl.u32 s1, $0x2  }
0xc7: {  	s4 =	sand.u32 $0x4000, s31;
	s1 =	sadd.s32 s1, s30  }
0xc8: {  	s0 =	sor.u32 s4, s0;
	s1 =	sshll.u32 s1, $0x11  }
0xc9: {  	s0 =	sor.u32 s1, s0  }
0xca: {  	s0 =	sadd.s32 $0x8F2B, s0  }
0xcb: {  	[sflag:s0] =	ssyncadd.remote.s32 $0x1  }
0xcc: {  	_ =	sfence.sel $0xFFFF  }
0xcd: {  	[dreg:$0x0] =	wrdreg $0xFFFFFFFF;
	(pc) =	sbr.abs _section_cstart, $3  }
0xce: {  	[dreg:$0x1] =	wrdreg $0xFFFFFFFF  }
0xcf: {  	_ =	task.clear_ibuf [dreg:s22], $0x2FFFF;
	_ =	strace $0x9FFFFFFF  }
0xd0: {  	(tm) =	ssettm $0x7FFFFFFF  }
0xd1: {  	_ =	shalt  }
tec
execute0_lowered:
.L_overlay_start_1:
0x0: {  	(tag) =	ssettag $0x1  }
0x1: {  	s4 =	rddreg [dreg:$0x0]  }
0x2: {  	s0 =	rddreg [dreg:$0x1];
	s2 =	simm.s32 $0x0;
	s1 =	stileid.u32  }
0x3: {  	s3 =	srdreg.scid;
	s10 =	simm.s32 $0x0;
	s6 =	smul.u32 $0x1900, s1  }
0x4: {  	[smem:$0x7FF] =	sst s2;
	s5 =	sand.u32 $0x1, s3;
	s8 =	smul.u32 $0x19000, s1  }
0x5: {  	s3 =	sadd.s32 $0x4AA600, s4;
	s7 =	smul.u32 $0xC80, s5;
	s9 =	ssub.s32 $0x2, s5  }
0x6: {  	_ =	strace $0x80000050;
	s5 =	smul.u32 $0xC800, s5;
	s31 =	sshrl.u32 s9, $0x1  }
0x7: {  	s8 =	sadd.s32 s8, s4;
	s6 =	sadd.s32 s7, s6;
	s7 =	ssub.s32 s9, s31  }
0x8: {  	s5 =	sadd.s32 s5, s8;
	s8 =	simm.s32 $0x80;
	s6 =	sshrl.u32 s6, $0x3  }
0x9: {  	s9 =	simm.s32 $0x1;
	s5 =	sadd.s32 $0x634200, s5;
	s6 =	sadd.s32 s6, s4  }
0xa: {  	s4 =	smax.u32 s7, $0x1;
	s7 =	simm.s32 $0x2;
	s6 =	sadd.s32 $0x631000, s6  }
.LBB2_1:
0xb: {  	s11 =	sadd.s32 $0x0, s6  }
0xc: {  	[tilespmem:s2], [sflag:$0x2] =	stream.linear.gather [hbm4b:s11+s2], $0x80, $0x38;
	[tilespmem:$0x4080] =	vst v63  }
0xd: {  	_ =	swait.ge [sflag:s7], $0x80  }
0xe: {  	[sflag:s7] =	ssyncset.done $0x0  }
0xf: {  	[sflag:s7] =	ssyncadd.s32 $0xFFFFFF80  }
0x10: {  	[tilespmem:s8], [sflag:$0x1] =	stream.indirect.gather [hbm4b:s3+s8], $0x80, s2, s8, $0xb8;
	[tilespmem:$0x4080] =	vst v63  }
0x11: {  	_ =	swait.ge [sflag:s9], $0x4000  }
0x12: {  	[sflag:s9] =	ssyncset.done $0x0  }
0x13: {  	[sflag:s9] =	ssyncadd.s32 $0xFFFFC000  }
0x14: {  	[hbm4b:s5+s2] =	stream.linear.scatter [tilespmem:s8], [sflag:$0x2], $0x4000, $0x38;
	[tilespmem:$0x4080] =	vst v63  }
0x15: {  	s12 =	simm.s32 $0x10;
	_ =	swait.ge [sflag:s7], $0x4000  }
0x16: {  	s13 =	simm.s32 $0x20;
	s11 =	sadd.s32 $0x800, s5;
	[sflag:s7] =	ssyncset.done $0x0  }
.LBB2_2:
0x17: {  	s14 =	sadd.s32 s12, s6  }
0x18: {  	[sflag:s7] =	ssyncadd.s32 $0xFFFFC000;
	s12 =	smov.u32 s13;
	s15 =	sadd.s32 $0x10, s13  }
0x19: {  	[tilespmem:s2], [sflag:$0x2] =	stream.linear.gather [hbm4b:s14+s2], $0x80, $0x38;
	[tilespmem:$0x4080] =	vst v63  }
0x1a: {  	p0 =	sne.s32 s13, $0x180;
	_ =	swait.ge [sflag:s7], $0x80  }
0x1b: {  	[sflag:s7] =	ssyncset.done $0x0  }
0x1c: {  	[sflag:s7] =	ssyncadd.s32 $0xFFFFFF80  }
0x1d: {  	[tilespmem:s8], [sflag:$0x1] =	stream.indirect.gather [hbm4b:s3+s8], $0x80, s2, s8, $0xb8;
	[tilespmem:$0x4080] =	vst v63  }
0x1e: {  	_ =	swait.ge [sflag:s9], $0x4000  }
.Ltmp0:
0x1f: {  	[sflag:s9] =	ssyncset.done $0x0;
	(pc) =	sbr.rel @p0 .LBB2_2-.Ltmp0, $4  }
0x20: {  	[sflag:s9] =	ssyncadd.s32 $0xFFFFC000  }
0x21: {  	[hbm4b:s11+s2] =	stream.linear.scatter [tilespmem:s8], [sflag:$0x2], $0x4000, $0x38;
	[tilespmem:$0x4080] =	vst v63  }
0x22: {  	_ =	swait.ge [sflag:s7], $0x4000  }
0x23: {  	s13 =	smov.u32 s15;
	s11 =	sadd.s32 $0x800, s11;
	[sflag:s7] =	ssyncset.done $0x0  }
0x24: {  	s12 =	sadd.s32 s12, s6;
	[sflag:s7] =	ssyncadd.s32 $0xFFFFC000  }
0x25: {  	[tilespmem:s2], [sflag:$0x2] =	stream.linear.gather [hbm4b:s12+s2], $0x80, $0x38;
	[tilespmem:$0x4080] =	vst v63  }
0x26: {  	_ =	swait.ge [sflag:s7], $0x80  }
0x27: {  	[sflag:s7] =	ssyncset.done $0x0  }
0x28: {  	[sflag:s7] =	ssyncadd.s32 $0xFFFFFF80  }
0x29: {  	[tilespmem:s8], [sflag:$0x1] =	stream.indirect.gather [hbm4b:s3+s8], $0x80, s2, s8, $0xb8;
	[tilespmem:$0x4080] =	vst v63  }
0x2a: {  	s10 =	sadd.s32 $0x1, s10;
	_ =	swait.ge [sflag:s9], $0x4000  }
0x2b: {  	p0 =	sne.s32 s10, s4;
	[sflag:s9] =	ssyncset.done $0x0  }
.Ltmp1:
0x2c: {  	[sflag:s9] =	ssyncadd.s32 $0xFFFFC000;
	(pc) =	sbr.rel @p0 .LBB2_1-.Ltmp1, $4  }
0x2d: {  	[hbm4b:s11+s2] =	stream.linear.scatter [tilespmem:s8], [sflag:$0x2], $0x4000, $0x38;
	[tilespmem:$0x4080] =	vst v63  }
0x2e: {  	_ =	swait.ge [sflag:s7], $0x4000  }
0x2f: {  	[sflag:s7] =	ssyncset.done $0x0  }
0x30: {  	[sflag:s7] =	ssyncadd.s32 $0xFFFFC000  }
0x31: {  	_ =	sfence.sel $0x180000  }
0x32: {  	[bflag:$0x0] =	sbarrier.arrive $0xFFFF  }
0x33: {  	p0 =	sne.s32 s1, $0x0;
	_ =	strace $0x90000050  }
0x34: {  	s0 =	sadd.s32 @!p0 $0x100000, s0;
	[bflag:$0x2] =	sbarrier.arrive $0xFFFF  }
0x35: {  	[sflag:s0] =	ssyncadd.tile.s32 @!p0 $0x1;
	_ =	shalt  }
.Lfunc_end2:
_tile_overlayer_lowered:
.L_overlay_start_2:
0x36: {  	(tag) =	ssettag $0x2  }
0x37: {  	s0 =	rddreg [dreg:$0x0];
	s2 =	stileid.u32  }
0x38: {  	s1 =	rddreg [dreg:$0x1];
	p0 =	sne.s32 s2, $0x0  }
0x39: {  	s3 =	rddreg [dreg:$0x2];
	[bflag:$0x3] =	sbarrier.arrive $0xFFFF;
	s2 =	simm.s32 @!p0 $0x1C02  }
0x3a: {  	[timem:s3], [sflag:s2] =	dma.local @!p0 [hbm:s0], s1  }
0x3b: {  	s0 =	simm.s32 @!p0 $0x2  }
0x3c: {  	_ =	swait.ge @!p0 [sflag:s0], s1  }
0x3d: {  	s1 =	ssub.s32 @!p0 $0x0, s1;
	[sflag:s0] =	ssyncset.done @!p0 $0x0  }
0x3e: {  	[sflag:s0] =	ssyncadd.s32 @!p0 s1  }
0x3f: {  	[bflag:$0x3] =	sbarrier.arrive $0xFFFF  }
0x40: {  	_ =	shalt  }

// kernel: kernel.27.cloned.1.call-start
scs
__scs_entry_jumppad:
0x0: {  	(pc) =	sbr.rel $0x88, $3  }
0x1: {  	(tag) =	ssettag $0x0;
	lr =	simm.s32 $0x1  }
0x2: {  	[smem:$0x3F6A] =	sst lr;
	_ =	strace $0xD0000000  }
0x3: {  	_ = 	snop  }
0x4: {  	_ = 	snop  }
0x5: {  	_ = 	snop  }
0x6: {  	_ = 	snop  }
0x7: {  	_ = 	snop  }
__scs_overlays_trampoline_lowered:
0x8: {  	[smem:$0x3F79] =	sst s0  }
0x9: {  	[smem:$0x3F7A] =	sst s1  }
0xa: {  	[smem:$0x3F7B] =	sst s2  }
0xb: {  	[smem:$0x3F7C] =	sst s3  }
0xc: {  	[smem:$0x3F7D] =	sst s4  }
0xd: {  	[smem:$0x3F7E] =	sst s5  }
0xe: {  	[smem:$0x3F7F] =	sst s6  }
0xf: {  	[smem:$0x3F80] =	sst s7  }
0x10: {  	[smem:$0x3F81] =	sst s8  }
0x11: {  	[smem:$0x3F82] =	sst s9;
	s0 =	simm.s32 @!p0 $0x0  }
0x12: {  	s1 =	sld [smem:$0x3F68];
	s0 =	simm.s32 @p0 $0x1  }
0x13: {  	[smem:$0x3F83] =	sst s0;
	s0 =	simm.s32 @!p1 $0x0  }
0x14: {  	s2 =	sld [smem:$0x3F67];
	s0 =	simm.s32 @p1 $0x1  }
0x15: {  	[smem:$0x3F84] =	sst s0;
	s0 =	simm.s32 @!p2 $0x0  }
0x16: {  	s3 =	sld [smem:$0x3FDB];
	s0 =	simm.s32 @p2 $0x1  }
0x17: {  	s4 =	simm.s32 $0x1BF5;
	[smem:$0x3F86] =	sst s0  }
0x18: {  	s0 =	sld [smem:$0x3F69];
	_ =	swait.ge [sflag:s4], $0x0  }
0x19: {  	s7 =	sld [smem:$0x3F6A]  }
0x1a: {  	s8 =	sadd.s32 $0xFFFFE003, lr  }
0x1b: {  	s9 =	sadd.s32 $0xFFFFFEF7, lr;
	s5 =	simm.s32 $0xFFFFFFFF;
	p2 =	slt.u32 s8, $0xFFFFF086  }
0x1c: {  	p1 =	slt.u32 s9, $0xF7A;
	s5 =	simm.s32 @!p2 $0x0  }
0x1d: {  	s5 =	simm.s32 @p1 $0x1;
	p0 =	seq.s32 s7, s2  }
0x1e: {  	s7 =	smul.u32 @!p0 $0xF7A, s2;
	p2 =	seq.s32 @!p0 s5, $0x0  }
0x1f: {  	s9 =	smul.u32 $0xF7A, s1;
	s8 =	simm.s32 @!p0 $0x1BF5;
	p2 =	por !p2, p0  }
0x20: {  	[sflag:s8] =	ssyncset.s32 @!p0 $0xFFFFF086;
	s6 =	sadd.s32 @!p0 s3, s7;
	s7 =	simm.s32 @!p0 $0x108  }
0x21: {  	s3 =	sadd.s32 s3, s9;
	s6 =	sadd.s32 @!p0 $0x88, s6;
	s7 =	simm.s32 @p2 $0x1082  }
0x22: {  	[simem:s7], [sflag:s8] =	dma.local @!p0 [hbm:s6], $0xF7A  }
0x23: {  	s9 =	sor.u32 $0xD0000000, s2;
	s6 =	simm.s32 $0x108;
	_ =	swait.ge @!p0 [sflag:s8], $0x0  }
0x24: {  	s3 =	sadd.s32 $0x88, s3;
	s6 =	simm.s32 @!p1 $0x1082;
	[sflag:s4] =	ssyncset.s32 $0xFFFFF086  }
0x25: {  	[simem:s6], [sflag:s4] =	dma.local [hbm:s3], $0xF7A  }
0x26: {  	[smem:$0x3F6A] =	sst s1;
	(tag) =	ssettag s2;
	_ =	strace s9  }
0x27: {  	s1 =	sld [smem:$0x3F7A]  }
0x28: {  	s2 =	sld [smem:$0x3F7B]  }
0x29: {  	s4 =	sld [smem:$0x3F7D]  }
0x2a: {  	p0 =	seq.s32 s5, $0x0;
	s5 =	sld [smem:$0x3F7E]  }
0x2b: {  	s6 =	sld [smem:$0x3F7F]  }
0x2c: {  	s7 =	sld [smem:$0x3F80]  }
0x2d: {  	s3 =	simm.s32 $0x108;
	s8 =	sld [smem:$0x3F81]  }
0x2e: {  	s3 =	simm.s32 @!p0 $0x1082;
	s9 =	sld [smem:$0x3F82]  }
0x2f: {  	lr =	sadd.s32 s0, s3;
	s0 =	sld [smem:$0x3F79]  }
0x30: {  	s3 =	sld [smem:$0x3F7C]  }
0x31: {  	[smem:$0x3F85] =	sst s10  }
0x32: {  	s10 =	sld [smem:$0x3F83];
	_ =	sdelay $0x3  }
0x33: {  	p0 =	seq.s32 s10, $0x1;
	s10 =	sld [smem:$0x3F85];
	_ =	sdelay $0x3  }
0x34: {  	[smem:$0x3F85] =	sst s10  }
0x35: {  	s10 =	sld [smem:$0x3F84];
	_ =	sdelay $0x3  }
0x36: {  	p1 =	seq.s32 s10, $0x1;
	s10 =	sld [smem:$0x3F85];
	_ =	sdelay $0x3  }
0x37: {  	[smem:$0x3F85] =	sst s10  }
0x38: {  	s10 =	sld [smem:$0x3F86]  }
0x39: {  	_ = 	snop;
	(pc) =	sbr.ind lr, $3  }
0x3a: {  	_ = 	snop  }
0x3b: {  	_ = 	snop  }
0x3c: {  	p2 =	seq.s32 s10, $0x1;
	s10 =	sld [smem:$0x3F85]  }
0x3d: {  	_ =	shalt  }
0x3e: {  	_ =	shalt  }
0x3f: {  	_ =	shalt  }
0x40: {  	_ =	shalt  }
0x41: {  	_ =	shalt  }
0x42: {  	_ =	shalt  }
0x43: {  	_ =	shalt  }
0x44: {  	_ =	shalt  }
0x45: {  	_ =	shalt  }
0x46: {  	_ =	shalt  }
0x47: {  	_ =	shalt  }
0x48: {  	_ =	shalt  }
0x49: {  	_ =	shalt  }
0x4a: {  	_ =	shalt  }
0x4b: {  	_ =	shalt  }
0x4c: {  	_ =	shalt  }
0x4d: {  	_ =	shalt  }
0x4e: {  	_ =	shalt  }
0x4f: {  	_ =	shalt  }
0x50: {  	_ =	shalt  }
0x51: {  	_ =	shalt  }
0x52: {  	_ =	shalt  }
0x53: {  	_ =	shalt  }
0x54: {  	_ =	shalt  }
0x55: {  	_ =	shalt  }
0x56: {  	_ =	shalt  }
0x57: {  	_ =	shalt  }
0x58: {  	_ =	shalt  }
0x59: {  	_ =	shalt  }
0x5a: {  	_ =	shalt  }
0x5b: {  	_ =	shalt  }
0x5c: {  	_ =	shalt  }
0x5d: {  	_ =	shalt  }
0x5e: {  	_ =	shalt  }
0x5f: {  	_ =	shalt  }
0x60: {  	_ =	shalt  }
0x61: {  	_ =	shalt  }
0x62: {  	_ =	shalt  }
0x63: {  	_ =	shalt  }
0x64: {  	_ =	shalt  }
0x65: {  	_ =	shalt  }
0x66: {  	_ =	shalt  }
0x67: {  	_ =	shalt  }
0x68: {  	_ =	shalt  }
0x69: {  	_ =	shalt  }
0x6a: {  	_ =	shalt  }
0x6b: {  	_ =	shalt  }
0x6c: {  	_ =	shalt  }
0x6d: {  	_ =	shalt  }
0x6e: {  	_ =	shalt  }
0x6f: {  	_ =	shalt  }
0x70: {  	_ =	shalt  }
0x71: {  	_ =	shalt  }
0x72: {  	_ =	shalt  }
0x73: {  	_ =	shalt  }
0x74: {  	_ =	shalt  }
0x75: {  	_ =	shalt  }
0x76: {  	_ =	shalt  }
0x77: {  	_ =	shalt  }
0x78: {  	_ =	shalt  }
0x79: {  	_ =	shalt  }
0x7a: {  	_ =	shalt  }
0x7b: {  	_ =	shalt  }
0x7c: {  	_ =	shalt  }
0x7d: {  	_ =	shalt  }
0x7e: {  	_ =	shalt  }
0x7f: {  	_ =	shalt  }
0x80: {  	_ =	shalt  }
0x81: {  	_ =	shalt  }
0x82: {  	_ =	shalt  }
0x83: {  	_ =	shalt  }
0x84: {  	_ =	shalt  }
0x85: {  	_ =	shalt  }
0x86: {  	_ =	shalt  }
0x87: {  	_ =	shalt  }
.Lfunc_end0:
.L_simem_size_0:
called_computation.4_lowered:
.L_overlay_start_0:
0x88: {  	s2 =	sld [smem:$0x3FD9]  }
0x89: {  	s3 =	sld [smem:$0x3FFE];
	_ =	sdelay $0x1  }
0x8a: {  	s1 =	srdreg.scid  }
0x8b: {  	s0 =	sand.u32 $0x1, s1  }
0x8c: {  	s16 =	sshll.u32 s0, $0xA;
	s2 =	sadd.s32 s3, s2  }
0x8d: {  	s2 =	sadd.s32 s2, s16  }
0x8e: {  	[smem:$0x3F91] =	sst s2  }
0x8f: {  	_ = 	snop  }
0x90: {  	(tm) =	ssettm $0x1  }
0x91: {  	s17 =	sld [smem:$0x3FFB];
	_ =	sdelay $0x3  }
0x92: {  	_ =	strace s17  }
0x93: {  	s2 =	sld [smem:$0x3FFC];
	_ =	sdelay $0x3  }
0x94: {  	_ =	strace s2  }
0x95: {  	s2 =	sld [smem:$0x3FFD];
	_ =	sdelay $0x3  }
0x96: {  	_ =	strace s2  }
0x97: {  	_ =	strace $0x8FFFFFFF  }
0x98: {  	s18 =	sld [smem:$0x3FDB];
	_ =	sdelay $0x1  }
0x99: {  	s19 =	simm.s32 $_scs_section_size  }
0x9a: {  	s4 =	simm.s32 $_size__tile_overlayer_lowered;
	s5 =	simm.s32 $_tile_overlayer_lowered  }
0x9b: {  	s22 =	simm.s32 $0x1BFF;
	s21 =	sshll.u32 s5, $0x1;
	s2 =	sadd.s32 s19, s18  }
0x9c: {  	s6 =	simm.s32 $0x0;
	s20 =	sshll.u32 s4, $0x1;
	s4 =	sadd.s32 s21, s2  }
0x9d: {  	[timem:s6], [sflag:s22] =	dma.local [hbm:s4], s20  }
0x9e: {  	_ =	swait.ge [sflag:s22], s20  }
0x9f: {  	s3 =	ssub.s32 $0x0, s20;
	[sflag:s22] =	ssyncset.done $0x0  }
0xa0: {  	[sflag:s22] =	ssyncadd.s32 s3;
	_ =	sdelay $0x1  }
0xa1: {  	s23 =	simm.s32 $0x1B8B  }
0xa2: {  	_ =	swait.ge [sflag:s23], $0x1  }
0xa3: {  	[sflag:s23] =	ssyncset.done $0x0  }
0xa4: {  	s25 =	simm.s32 $0x1B8E;
	s24 =	sld [smem:$0x3FFE];
	[sflag:s23] =	ssyncadd.s32 $0xFFFFFFFF  }
0xa5: {  	s26 =	simm.s32 $execute0_lowered;
	[smem:$0x3FD2] =	sst s25  }
0xa6: {  	s4 =	sshll.u32 s26, $0x1;
	_ =	strace $0x80000052;
	[dreg:$0x1] =	wrdreg $0xFFFFFFFF  }
0xa7: {  	s28 =	simm.s32 $_size_execute0_lowered;
	s2 =	sadd.s32 s2, s4;
	[dreg:$0x0] =	wrdreg $0x0  }
0xa8: {  	s4 =	sshll.u32 s28, $0x1;
	[dreg:$0x2] =	wrdreg s2  }
0xa9: {  	[dreg:$0x3] =	wrdreg s4  }
0xaa: {  	[dreg:$0x4] =	wrdreg $0xC0  }
0xab: {  	_ =	task [dreg:s6], $0x5FFFF  }
0xac: {  	[dreg:$0x1] =	wrdreg $0xFFFFFFFF  }
0xad: {  	[dreg:$0x0] =	wrdreg $0x60  }
0xae: {  	[dreg:$0x2] =	wrdreg s24  }
0xaf: {  	[dreg:$0x3] =	wrdreg $0x9  }
0xb0: {  	_ =	task.clear_ibuf [dreg:s6], $0x4FFFF;
	_ =	strace $0x90000052  }
0xb1: {  	s29 =	simm.s32 $0x9;
	_ =	strace $0x80000054  }
0xb2: {  	_ =	swait.ge [sflag:s29], $0x1  }
0xb3: {  	[sflag:s29] =	ssyncadd.s32 $0xFFFFFFFF  }
0xb4: {  	_ =	strace $0x90000054  }
0xb5: {  	_ =	sfence  }
0xb6: {  	s30 =	sld [smem:$0x0];
	_ =	sdelay $0x2  }
0xb7: {  	s31 =	sshll.u32 s1, $0xD;
	s1 =	sshrl.u32 s1, $0x2  }
0xb8: {  	s3 =	sand.u32 $0x4000, s31;
	s1 =	sadd.s32 s1, s30  }
0xb9: {  	s0 =	sor.u32 s3, s0;
	s1 =	sshll.u32 s1, $0x11  }
0xba: {  	s0 =	sor.u32 s1, s0  }
0xbb: {  	s0 =	sadd.s32 $0x8F2B, s0  }
0xbc: {  	[sflag:s0] =	ssyncadd.remote.s32 $0x1  }
0xbd: {  	_ =	sfence.sel $0xFFFF  }
0xbe: {  	[dreg:$0x0] =	wrdreg $0xFFFFFFFF;
	(pc) =	sbr.abs _section_cstart, $3  }
0xbf: {  	[dreg:$0x1] =	wrdreg $0xFFFFFFFF  }
0xc0: {  	_ =	task.clear_ibuf [dreg:s6], $0x2FFFF;
	_ =	strace $0x9FFFFFFF  }
0xc1: {  	(tm) =	ssettm $0x7FFFFFFF  }
tec
execute0_lowered:
.L_overlay_start_1:
0x0: {  	(tag) =	ssettag $0x1  }
0x1: {  	s4 =	rddreg [dreg:$0x0]  }
0x2: {  	s0 =	rddreg [dreg:$0x1]  }
0x3: {  	s3 =	srdreg.scid;
	s1 =	stileid.u32;
	s2 =	simm.s32 $0x0  }
0x4: {  	s10 =	simm.s32 $0x1;
	s11 =	simm.s32 $0x0;
	s6 =	smul.u32 $0x1900, s1  }
0x5: {  	s5 =	sand.u32 $0x1, s3;
	[smem:$0x7FF] =	sst s2;
	s8 =	smul.u32 $0x19000, s1  }
0x6: {  	s3 =	sadd.s32 $0x634200, s4;
	s7 =	smul.u32 $0xC80, s5;
	s9 =	ssub.s32 $0x2, s5  }
0x7: {  	_ =	strace $0x80000053;
	s5 =	smul.u32 $0xC800, s5;
	s31 =	sshrl.u32 s9, $0x1  }
0x8: {  	s30 =	sadd.s32 s8, s4;
	s6 =	sadd.s32 s7, s6;
	s8 =	ssub.s32 s9, s31  }
0x9: {  	s7 =	sadd.s32 s5, s30;
	s9 =	simm.s32 $0x80;
	s6 =	sshrl.u32 s6, $0x2  }
0xa: {  	s5 =	sadd.s32 $0x95A600, s7;
	s7 =	sadd.s32 $0xAEA600, s7;
	s6 =	sadd.s32 s6, s4  }
0xb: {  	s4 =	smax.u32 s8, $0x1;
	s8 =	simm.s32 $0x2;
	s6 =	sadd.s32 $0x7C4200, s6  }
.LBB2_1:
0xc: {  	s12 =	sadd.s32 $0x0, s6  }
0xd: {  	[tilespmem:s2], [sflag:$0x2] =	stream.linear.gather [hbm4b:s12+s2], $0x80, $0x38;
	[tilespmem:$0x4080] =	vst v63  }
0xe: {  	_ =	swait.ge [sflag:s8], $0x80  }
0xf: {  	[sflag:s8] =	ssyncset.done $0x0  }
0x10: {  	[sflag:s8] =	ssyncadd.s32 $0xFFFFFF80  }
0x11: {  	[tilespmem:s9], [sflag:$0x1] =	stream.indirect.gather [hbm4b:s3+s9], $0x80, s2, s9, $0xb8;
	[tilespmem:$0x4080] =	vst v63  }
0x12: {  	_ =	swait.ge [sflag:s10], $0x4000  }
0x13: {  	[sflag:s10] =	ssyncset.done $0x0  }
0x14: {  	[sflag:s10] =	ssyncadd.s32 $0xFFFFC000  }
0x15: {  	[hbm4b:s5+s2] =	stream.linear.scatter [tilespmem:s9], [sflag:$0x2], $0x4000, $0x38;
	[tilespmem:$0x4080] =	vst v63  }
0x16: {  	s13 =	simm.s32 $0x20;
	_ =	swait.ge [sflag:s8], $0x4000  }
0x17: {  	s14 =	simm.s32 $0x40;
	s12 =	sadd.s32 $0x800, s5;
	[sflag:s8] =	ssyncset.done $0x0  }
.LBB2_2:
0x18: {  	s15 =	sadd.s32 s13, s6  }
0x19: {  	[sflag:s8] =	ssyncadd.s32 $0xFFFFC000;
	s13 =	smov.u32 s14;
	s16 =	sadd.s32 $0x20, s14  }
0x1a: {  	[tilespmem:s2], [sflag:$0x2] =	stream.linear.gather [hbm4b:s15+s2], $0x80, $0x38;
	[tilespmem:$0x4080] =	vst v63  }
0x1b: {  	p0 =	sne.s32 s14, $0x300;
	_ =	swait.ge [sflag:s8], $0x80  }
0x1c: {  	[sflag:s8] =	ssyncset.done $0x0  }
0x1d: {  	[sflag:s8] =	ssyncadd.s32 $0xFFFFFF80  }
0x1e: {  	[tilespmem:s9], [sflag:$0x1] =	stream.indirect.gather [hbm4b:s3+s9], $0x80, s2, s9, $0xb8;
	[tilespmem:$0x4080] =	vst v63  }
0x1f: {  	_ =	swait.ge [sflag:s10], $0x4000  }
.Ltmp0:
0x20: {  	[sflag:s10] =	ssyncset.done $0x0;
	(pc) =	sbr.rel @p0 .LBB2_2-.Ltmp0, $4  }
0x21: {  	[sflag:s10] =	ssyncadd.s32 $0xFFFFC000  }
0x22: {  	[hbm4b:s12+s2] =	stream.linear.scatter [tilespmem:s9], [sflag:$0x2], $0x4000, $0x38;
	[tilespmem:$0x4080] =	vst v63  }
0x23: {  	_ =	swait.ge [sflag:s8], $0x4000  }
0x24: {  	s14 =	smov.u32 s16;
	s12 =	sadd.s32 $0x800, s12;
	[sflag:s8] =	ssyncset.done $0x0  }
0x25: {  	s13 =	sadd.s32 s13, s6;
	[sflag:s8] =	ssyncadd.s32 $0xFFFFC000  }
0x26: {  	[tilespmem:s2], [sflag:$0x2] =	stream.linear.gather [hbm4b:s13+s2], $0x80, $0x38;
	[tilespmem:$0x4080] =	vst v63  }
0x27: {  	_ =	swait.ge [sflag:s8], $0x80  }
0x28: {  	[sflag:s8] =	ssyncset.done $0x0  }
0x29: {  	[sflag:s8] =	ssyncadd.s32 $0xFFFFFF80  }
0x2a: {  	[tilespmem:s9], [sflag:$0x1] =	stream.indirect.gather [hbm4b:s3+s9], $0x80, s2, s9, $0xb8;
	[tilespmem:$0x4080] =	vst v63  }
0x2b: {  	_ =	swait.ge [sflag:s10], $0x4000  }
0x2c: {  	[sflag:s10] =	ssyncset.done $0x0  }
0x2d: {  	[sflag:s10] =	ssyncadd.s32 $0xFFFFC000  }
0x2e: {  	[hbm4b:s12+s2] =	stream.linear.scatter [tilespmem:s9], [sflag:$0x2], $0x4000, $0x38;
	[tilespmem:$0x4080] =	vst v63  }
0x2f: {  	_ =	swait.ge [sflag:s8], $0x4000  }
0x30: {  	[sflag:s8] =	ssyncset.done $0x0  }
0x31: {  	s31 =	sadd.s32 $0x10, s6;
	[sflag:s8] =	ssyncadd.s32 $0xFFFFC000  }
0x32: {  	[tilespmem:s2], [sflag:$0x2] =	stream.linear.gather [hbm4b:s31+s2], $0x80, $0x38;
	[tilespmem:$0x4080] =	vst v63  }
0x33: {  	_ =	swait.ge [sflag:s8], $0x80  }
0x34: {  	[sflag:s8] =	ssyncset.done $0x0  }
0x35: {  	[sflag:s8] =	ssyncadd.s32 $0xFFFFFF80  }
0x36: {  	[tilespmem:s9], [sflag:$0x1] =	stream.indirect.gather [hbm4b:s3+s9], $0x80, s2, s9, $0xb8;
	[tilespmem:$0x4080] =	vst v63  }
0x37: {  	_ =	swait.ge [sflag:s10], $0x4000  }
0x38: {  	[sflag:s10] =	ssyncset.done $0x0  }
0x39: {  	[sflag:s10] =	ssyncadd.s32 $0xFFFFC000  }
0x3a: {  	[hbm4b:s7+s2] =	stream.linear.scatter [tilespmem:s9], [sflag:$0x2], $0x4000, $0x38;
	[tilespmem:$0x4080] =	vst v63  }
0x3b: {  	s14 =	simm.s32 $0x50;
	_ =	swait.ge [sflag:s8], $0x4000  }
0x3c: {  	s13 =	simm.s32 $0x30;
	s12 =	sadd.s32 $0x800, s7;
	[sflag:s8] =	ssyncset.done $0x0  }
.LBB2_4:
0x3d: {  	s15 =	sadd.s32 s13, s6  }
0x3e: {  	[sflag:s8] =	ssyncadd.s32 $0xFFFFC000;
	s13 =	smov.u32 s14;
	s16 =	sadd.s32 $0x20, s14  }
0x3f: {  	[tilespmem:s2], [sflag:$0x2] =	stream.linear.gather [hbm4b:s15+s2], $0x80, $0x38;
	[tilespmem:$0x4080] =	vst v63  }
0x40: {  	p0 =	sne.s32 s14, $0x310;
	_ =	swait.ge [sflag:s8], $0x80  }
0x41: {  	[sflag:s8] =	ssyncset.done $0x0  }
0x42: {  	[sflag:s8] =	ssyncadd.s32 $0xFFFFFF80  }
0x43: {  	[tilespmem:s9], [sflag:$0x1] =	stream.indirect.gather [hbm4b:s3+s9], $0x80, s2, s9, $0xb8;
	[tilespmem:$0x4080] =	vst v63  }
0x44: {  	_ =	swait.ge [sflag:s10], $0x4000  }
.Ltmp1:
0x45: {  	[sflag:s10] =	ssyncset.done $0x0;
	(pc) =	sbr.rel @p0 .LBB2_4-.Ltmp1, $4  }
0x46: {  	[sflag:s10] =	ssyncadd.s32 $0xFFFFC000  }
0x47: {  	[hbm4b:s12+s2] =	stream.linear.scatter [tilespmem:s9], [sflag:$0x2], $0x4000, $0x38;
	[tilespmem:$0x4080] =	vst v63  }
0x48: {  	_ =	swait.ge [sflag:s8], $0x4000  }
0x49: {  	s14 =	smov.u32 s16;
	s12 =	sadd.s32 $0x800, s12;
	[sflag:s8] =	ssyncset.done $0x0  }
0x4a: {  	s13 =	sadd.s32 s13, s6;
	[sflag:s8] =	ssyncadd.s32 $0xFFFFC000  }
0x4b: {  	[tilespmem:s2], [sflag:$0x2] =	stream.linear.gather [hbm4b:s13+s2], $0x80, $0x38;
	[tilespmem:$0x4080] =	vst v63  }
0x4c: {  	_ =	swait.ge [sflag:s8], $0x80  }
0x4d: {  	[sflag:s8] =	ssyncset.done $0x0  }
0x4e: {  	[sflag:s8] =	ssyncadd.s32 $0xFFFFFF80  }
0x4f: {  	[tilespmem:s9], [sflag:$0x1] =	stream.indirect.gather [hbm4b:s3+s9], $0x80, s2, s9, $0xb8;
	[tilespmem:$0x4080] =	vst v63  }
0x50: {  	s11 =	sadd.s32 $0x1, s11;
	_ =	swait.ge [sflag:s10], $0x4000  }
0x51: {  	p0 =	sne.s32 s11, s4;
	[sflag:s10] =	ssyncset.done $0x0  }
.Ltmp2:
0x52: {  	[sflag:s10] =	ssyncadd.s32 $0xFFFFC000;
	(pc) =	sbr.rel @p0 .LBB2_1-.Ltmp2, $4  }
0x53: {  	[hbm4b:s12+s2] =	stream.linear.scatter [tilespmem:s9], [sflag:$0x2], $0x4000, $0x38;
	[tilespmem:$0x4080] =	vst v63  }
0x54: {  	_ =	swait.ge [sflag:s8], $0x4000  }
0x55: {  	[sflag:s8] =	ssyncset.done $0x0  }
0x56: {  	[sflag:s8] =	ssyncadd.s32 $0xFFFFC000  }
0x57: {  	_ =	sfence.sel $0x180000  }
0x58: {  	[bflag:$0x0] =	sbarrier.arrive $0xFFFF  }
0x59: {  	p0 =	sne.s32 s1, $0x0;
	_ =	strace $0x90000053  }
0x5a: {  	s0 =	sadd.s32 @!p0 $0x100000, s0;
	[bflag:$0x2] =	sbarrier.arrive $0xFFFF  }
0x5b: {  	[sflag:s0] =	ssyncadd.tile.s32 @!p0 $0x1;
	_ =	shalt  }
.Lfunc_end2:
_tile_overlayer_lowered:
.L_overlay_start_2:
0x5c: {  	(tag) =	ssettag $0x2  }
0x5d: {  	s0 =	rddreg [dreg:$0x0];
	s2 =	stileid.u32  }
0x5e: {  	s1 =	rddreg [dreg:$0x1];
	p0 =	sne.s32 s2, $0x0  }
0x5f: {  	s3 =	rddreg [dreg:$0x2];
	[bflag:$0x3] =	sbarrier.arrive $0xFFFF;
	s2 =	simm.s32 @!p0 $0x1C02  }
0x60: {  	[timem:s3], [sflag:s2] =	dma.local @!p0 [hbm:s0], s1  }
0x61: {  	s0 =	simm.s32 @!p0 $0x2  }
0x62: {  	_ =	swait.ge @!p0 [sflag:s0], s1  }
0x63: {  	s1 =	ssub.s32 @!p0 $0x0, s1;
	[sflag:s0] =	ssyncset.done @!p0 $0x0  }
0x64: {  	[sflag:s0] =	ssyncadd.s32 @!p0 s1  }
0x65: {  	[bflag:$0x3] =	sbarrier.arrive $0xFFFF  }
0x66: {  	_ =	shalt  }

// kernel: kernel.30.cloned.1.call-start
scs
__scs_entry_jumppad:
0x0: {  	(pc) =	sbr.rel $0x88, $3  }
0x1: {  	(tag) =	ssettag $0x0;
	lr =	simm.s32 $0x1  }
0x2: {  	[smem:$0x3F6A] =	sst lr;
	_ =	strace $0xD0000000  }
0x3: {  	_ = 	snop  }
0x4: {  	_ = 	snop  }
0x5: {  	_ = 	snop  }
0x6: {  	_ = 	snop  }
0x7: {  	_ = 	snop  }
__scs_overlays_trampoline_lowered:
0x8: {  	[smem:$0x3F79] =	sst s0  }
0x9: {  	[smem:$0x3F7A] =	sst s1  }
0xa: {  	[smem:$0x3F7B] =	sst s2  }
0xb: {  	[smem:$0x3F7C] =	sst s3  }
0xc: {  	[smem:$0x3F7D] =	sst s4  }
0xd: {  	[smem:$0x3F7E] =	sst s5  }
0xe: {  	[smem:$0x3F7F] =	sst s6  }
0xf: {  	[smem:$0x3F80] =	sst s7  }
0x10: {  	[smem:$0x3F81] =	sst s8  }
0x11: {  	[smem:$0x3F82] =	sst s9;
	s0 =	simm.s32 @!p0 $0x0  }
0x12: {  	s1 =	sld [smem:$0x3F68];
	s0 =	simm.s32 @p0 $0x1  }
0x13: {  	[smem:$0x3F83] =	sst s0;
	s0 =	simm.s32 @!p1 $0x0  }
0x14: {  	s2 =	sld [smem:$0x3F67];
	s0 =	simm.s32 @p1 $0x1  }
0x15: {  	[smem:$0x3F84] =	sst s0;
	s0 =	simm.s32 @!p2 $0x0  }
0x16: {  	s3 =	sld [smem:$0x3FDB];
	s0 =	simm.s32 @p2 $0x1  }
0x17: {  	s4 =	simm.s32 $0x1BF5;
	[smem:$0x3F86] =	sst s0  }
0x18: {  	s0 =	sld [smem:$0x3F69];
	_ =	swait.ge [sflag:s4], $0x0  }
0x19: {  	s7 =	sld [smem:$0x3F6A]  }
0x1a: {  	s8 =	sadd.s32 $0xFFFFE003, lr  }
0x1b: {  	s9 =	sadd.s32 $0xFFFFFEF7, lr;
	s5 =	simm.s32 $0xFFFFFFFF;
	p2 =	slt.u32 s8, $0xFFFFF086  }
0x1c: {  	p1 =	slt.u32 s9, $0xF7A;
	s5 =	simm.s32 @!p2 $0x0  }
0x1d: {  	s5 =	simm.s32 @p1 $0x1;
	p0 =	seq.s32 s7, s2  }
0x1e: {  	s7 =	smul.u32 @!p0 $0xF7A, s2;
	p2 =	seq.s32 @!p0 s5, $0x0  }
0x1f: {  	s9 =	smul.u32 $0xF7A, s1;
	s8 =	simm.s32 @!p0 $0x1BF5;
	p2 =	por !p2, p0  }
0x20: {  	[sflag:s8] =	ssyncset.s32 @!p0 $0xFFFFF086;
	s6 =	sadd.s32 @!p0 s3, s7;
	s7 =	simm.s32 @!p0 $0x108  }
0x21: {  	s3 =	sadd.s32 s3, s9;
	s6 =	sadd.s32 @!p0 $0x88, s6;
	s7 =	simm.s32 @p2 $0x1082  }
0x22: {  	[simem:s7], [sflag:s8] =	dma.local @!p0 [hbm:s6], $0xF7A  }
0x23: {  	s9 =	sor.u32 $0xD0000000, s2;
	s6 =	simm.s32 $0x108;
	_ =	swait.ge @!p0 [sflag:s8], $0x0  }
0x24: {  	s3 =	sadd.s32 $0x88, s3;
	s6 =	simm.s32 @!p1 $0x1082;
	[sflag:s4] =	ssyncset.s32 $0xFFFFF086  }
0x25: {  	[simem:s6], [sflag:s4] =	dma.local [hbm:s3], $0xF7A  }
0x26: {  	[smem:$0x3F6A] =	sst s1;
	(tag) =	ssettag s2;
	_ =	strace s9  }
0x27: {  	s1 =	sld [smem:$0x3F7A]  }
0x28: {  	s2 =	sld [smem:$0x3F7B]  }
0x29: {  	s4 =	sld [smem:$0x3F7D]  }
0x2a: {  	p0 =	seq.s32 s5, $0x0;
	s5 =	sld [smem:$0x3F7E]  }
0x2b: {  	s6 =	sld [smem:$0x3F7F]  }
0x2c: {  	s7 =	sld [smem:$0x3F80]  }
0x2d: {  	s3 =	simm.s32 $0x108;
	s8 =	sld [smem:$0x3F81]  }
0x2e: {  	s3 =	simm.s32 @!p0 $0x1082;
	s9 =	sld [smem:$0x3F82]  }
0x2f: {  	lr =	sadd.s32 s0, s3;
	s0 =	sld [smem:$0x3F79]  }
0x30: {  	s3 =	sld [smem:$0x3F7C]  }
0x31: {  	[smem:$0x3F85] =	sst s10  }
0x32: {  	s10 =	sld [smem:$0x3F83];
	_ =	sdelay $0x3  }
0x33: {  	p0 =	seq.s32 s10, $0x1;
	s10 =	sld [smem:$0x3F85];
	_ =	sdelay $0x3  }
0x34: {  	[smem:$0x3F85] =	sst s10  }
0x35: {  	s10 =	sld [smem:$0x3F84];
	_ =	sdelay $0x3  }
0x36: {  	p1 =	seq.s32 s10, $0x1;
	s10 =	sld [smem:$0x3F85];
	_ =	sdelay $0x3  }
0x37: {  	[smem:$0x3F85] =	sst s10  }
0x38: {  	s10 =	sld [smem:$0x3F86]  }
0x39: {  	_ = 	snop;
	(pc) =	sbr.ind lr, $3  }
0x3a: {  	_ = 	snop  }
0x3b: {  	_ = 	snop  }
0x3c: {  	p2 =	seq.s32 s10, $0x1;
	s10 =	sld [smem:$0x3F85]  }
0x3d: {  	_ =	shalt  }
0x3e: {  	_ =	shalt  }
0x3f: {  	_ =	shalt  }
0x40: {  	_ =	shalt  }
0x41: {  	_ =	shalt  }
0x42: {  	_ =	shalt  }
0x43: {  	_ =	shalt  }
0x44: {  	_ =	shalt  }
0x45: {  	_ =	shalt  }
0x46: {  	_ =	shalt  }
0x47: {  	_ =	shalt  }
0x48: {  	_ =	shalt  }
0x49: {  	_ =	shalt  }
0x4a: {  	_ =	shalt  }
0x4b: {  	_ =	shalt  }
0x4c: {  	_ =	shalt  }
0x4d: {  	_ =	shalt  }
0x4e: {  	_ =	shalt  }
0x4f: {  	_ =	shalt  }
0x50: {  	_ =	shalt  }
0x51: {  	_ =	shalt  }
0x52: {  	_ =	shalt  }
0x53: {  	_ =	shalt  }
0x54: {  	_ =	shalt  }
0x55: {  	_ =	shalt  }
0x56: {  	_ =	shalt  }
0x57: {  	_ =	shalt  }
0x58: {  	_ =	shalt  }
0x59: {  	_ =	shalt  }
0x5a: {  	_ =	shalt  }
0x5b: {  	_ =	shalt  }
0x5c: {  	_ =	shalt  }
0x5d: {  	_ =	shalt  }
0x5e: {  	_ =	shalt  }
0x5f: {  	_ =	shalt  }
0x60: {  	_ =	shalt  }
0x61: {  	_ =	shalt  }
0x62: {  	_ =	shalt  }
0x63: {  	_ =	shalt  }
0x64: {  	_ =	shalt  }
0x65: {  	_ =	shalt  }
0x66: {  	_ =	shalt  }
0x67: {  	_ =	shalt  }
0x68: {  	_ =	shalt  }
0x69: {  	_ =	shalt  }
0x6a: {  	_ =	shalt  }
0x6b: {  	_ =	shalt  }
0x6c: {  	_ =	shalt  }
0x6d: {  	_ =	shalt  }
0x6e: {  	_ =	shalt  }
0x6f: {  	_ =	shalt  }
0x70: {  	_ =	shalt  }
0x71: {  	_ =	shalt  }
0x72: {  	_ =	shalt  }
0x73: {  	_ =	shalt  }
0x74: {  	_ =	shalt  }
0x75: {  	_ =	shalt  }
0x76: {  	_ =	shalt  }
0x77: {  	_ =	shalt  }
0x78: {  	_ =	shalt  }
0x79: {  	_ =	shalt  }
0x7a: {  	_ =	shalt  }
0x7b: {  	_ =	shalt  }
0x7c: {  	_ =	shalt  }
0x7d: {  	_ =	shalt  }
0x7e: {  	_ =	shalt  }
0x7f: {  	_ =	shalt  }
0x80: {  	_ =	shalt  }
0x81: {  	_ =	shalt  }
0x82: {  	_ =	shalt  }
0x83: {  	_ =	shalt  }
0x84: {  	_ =	shalt  }
0x85: {  	_ =	shalt  }
0x86: {  	_ =	shalt  }
0x87: {  	_ =	shalt  }
.Lfunc_end0:
.L_simem_size_0:
called_computation.5_lowered:
.L_overlay_start_0:
0x88: {  	s2 =	sld [smem:$0x3FD9]  }
0x89: {  	s3 =	sld [smem:$0x3FFE];
	_ =	sdelay $0x1  }
0x8a: {  	s1 =	srdreg.scid  }
0x8b: {  	s0 =	sand.u32 $0x1, s1  }
0x8c: {  	s16 =	sshll.u32 s0, $0xA;
	s2 =	sadd.s32 s3, s2  }
0x8d: {  	s2 =	sadd.s32 s2, s16  }
0x8e: {  	[smem:$0x3F91] =	sst s2  }
0x8f: {  	_ = 	snop  }
0x90: {  	(tm) =	ssettm $0x1  }
0x91: {  	s17 =	sld [smem:$0x3FFB];
	_ =	sdelay $0x3  }
0x92: {  	_ =	strace s17  }
0x93: {  	s2 =	sld [smem:$0x3FFC];
	_ =	sdelay $0x3  }
0x94: {  	_ =	strace s2  }
0x95: {  	s2 =	sld [smem:$0x3FFD];
	_ =	sdelay $0x3  }
0x96: {  	_ =	strace s2  }
0x97: {  	_ =	strace $0x8FFFFFFF  }
0x98: {  	s18 =	sld [smem:$0x3FDB];
	_ =	sdelay $0x1  }
0x99: {  	s19 =	simm.s32 $_scs_section_size  }
0x9a: {  	s4 =	simm.s32 $_size__tile_overlayer_lowered;
	s5 =	simm.s32 $_tile_overlayer_lowered  }
0x9b: {  	s22 =	simm.s32 $0x1BFF;
	s21 =	sshll.u32 s5, $0x1;
	s2 =	sadd.s32 s19, s18  }
0x9c: {  	s6 =	simm.s32 $0x0;
	s20 =	sshll.u32 s4, $0x1;
	s4 =	sadd.s32 s21, s2  }
0x9d: {  	[timem:s6], [sflag:s22] =	dma.local [hbm:s4], s20  }
0x9e: {  	_ =	swait.ge [sflag:s22], s20  }
0x9f: {  	s3 =	ssub.s32 $0x0, s20;
	[sflag:s22] =	ssyncset.done $0x0  }
0xa0: {  	[sflag:s22] =	ssyncadd.s32 s3;
	_ =	sdelay $0x1  }
0xa1: {  	s23 =	simm.s32 $0x1B8B  }
0xa2: {  	_ =	swait.ge [sflag:s23], $0x1  }
0xa3: {  	[sflag:s23] =	ssyncset.done $0x0  }
0xa4: {  	s25 =	simm.s32 $0x1B8E;
	s24 =	sld [smem:$0x3FFE];
	[sflag:s23] =	ssyncadd.s32 $0xFFFFFFFF  }
0xa5: {  	s26 =	simm.s32 $execute0_lowered;
	[smem:$0x3FD2] =	sst s25  }
0xa6: {  	s4 =	sshll.u32 s26, $0x1;
	_ =	strace $0x80000055;
	[dreg:$0x1] =	wrdreg $0xFFFFFFFF  }
0xa7: {  	s28 =	simm.s32 $_size_execute0_lowered;
	s2 =	sadd.s32 s2, s4;
	[dreg:$0x0] =	wrdreg $0x0  }
0xa8: {  	s4 =	sshll.u32 s28, $0x1;
	[dreg:$0x2] =	wrdreg s2  }
0xa9: {  	[dreg:$0x3] =	wrdreg s4  }
0xaa: {  	[dreg:$0x4] =	wrdreg $0xC0  }
0xab: {  	_ =	task [dreg:s6], $0x5FFFF  }
0xac: {  	[dreg:$0x1] =	wrdreg $0xFFFFFFFF  }
0xad: {  	[dreg:$0x0] =	wrdreg $0x60  }
0xae: {  	[dreg:$0x2] =	wrdreg s24  }
0xaf: {  	[dreg:$0x3] =	wrdreg $0x9  }
0xb0: {  	_ =	task.clear_ibuf [dreg:s6], $0x4FFFF;
	_ =	strace $0x90000055  }
0xb1: {  	s29 =	simm.s32 $0x9;
	_ =	strace $0x80000057  }
0xb2: {  	_ =	swait.ge [sflag:s29], $0x1  }
0xb3: {  	[sflag:s29] =	ssyncadd.s32 $0xFFFFFFFF  }
0xb4: {  	_ =	strace $0x90000057  }
0xb5: {  	_ =	sfence  }
0xb6: {  	s30 =	sld [smem:$0x0];
	_ =	sdelay $0x2  }
0xb7: {  	s31 =	sshll.u32 s1, $0xD;
	s1 =	sshrl.u32 s1, $0x2  }
0xb8: {  	s3 =	sand.u32 $0x4000, s31;
	s1 =	sadd.s32 s1, s30  }
0xb9: {  	s0 =	sor.u32 s3, s0;
	s1 =	sshll.u32 s1, $0x11  }
0xba: {  	s0 =	sor.u32 s1, s0  }
0xbb: {  	s0 =	sadd.s32 $0x8F2B, s0  }
0xbc: {  	[sflag:s0] =	ssyncadd.remote.s32 $0x1  }
0xbd: {  	_ =	sfence.sel $0xFFFF  }
0xbe: {  	[dreg:$0x0] =	wrdreg $0xFFFFFFFF;
	(pc) =	sbr.abs _section_cstart, $3  }
0xbf: {  	[dreg:$0x1] =	wrdreg $0xFFFFFFFF  }
0xc0: {  	_ =	task.clear_ibuf [dreg:s6], $0x2FFFF;
	_ =	strace $0x9FFFFFFF  }
0xc1: {  	(tm) =	ssettm $0x7FFFFFFF  }
tec
execute0_lowered:
.L_overlay_start_1:
0x0: {  	(tag) =	ssettag $0x1  }
0x1: {  	s4 =	rddreg [dreg:$0x0]  }
0x2: {  	s0 =	rddreg [dreg:$0x1];
	s2 =	simm.s32 $0x0;
	s1 =	stileid.u32  }
0x3: {  	s3 =	srdreg.scid;
	s10 =	simm.s32 $0x0;
	s6 =	smul.u32 $0x1900, s1  }
0x4: {  	[smem:$0x7FF] =	sst s2;
	s5 =	sand.u32 $0x1, s3;
	s8 =	smul.u32 $0x19000, s1  }
0x5: {  	s3 =	sadd.s32 $0x634200, s4;
	s7 =	smul.u32 $0xC80, s5;
	s9 =	ssub.s32 $0x2, s5  }
0x6: {  	_ =	strace $0x80000056;
	s5 =	smul.u32 $0xC800, s5;
	s31 =	sshrl.u32 s9, $0x1  }
0x7: {  	s8 =	sadd.s32 s8, s4;
	s6 =	sadd.s32 s7, s6;
	s7 =	ssub.s32 s9, s31  }
0x8: {  	s5 =	sadd.s32 s5, s8;
	s8 =	simm.s32 $0x80;
	s6 =	sshrl.u32 s6, $0x3  }
0x9: {  	s9 =	simm.s32 $0x1;
	s5 =	sadd.s32 $0x95A600, s5;
	s6 =	sadd.s32 s6, s4  }
0xa: {  	s4 =	smax.u32 s7, $0x1;
	s7 =	simm.s32 $0x2;
	s6 =	sadd.s32 $0x631000, s6  }
.LBB2_1:
0xb: {  	s11 =	sadd.s32 $0x0, s6  }
0xc: {  	[tilespmem:s2], [sflag:$0x2] =	stream.linear.gather [hbm4b:s11+s2], $0x80, $0x38;
	[tilespmem:$0x4080] =	vst v63  }
0xd: {  	_ =	swait.ge [sflag:s7], $0x80  }
0xe: {  	[sflag:s7] =	ssyncset.done $0x0  }
0xf: {  	[sflag:s7] =	ssyncadd.s32 $0xFFFFFF80  }
0x10: {  	[tilespmem:s8], [sflag:$0x1] =	stream.indirect.gather [hbm4b:s3+s8], $0x80, s2, s8, $0xb8;
	[tilespmem:$0x4080] =	vst v63  }
0x11: {  	_ =	swait.ge [sflag:s9], $0x4000  }
0x12: {  	[sflag:s9] =	ssyncset.done $0x0  }
0x13: {  	[sflag:s9] =	ssyncadd.s32 $0xFFFFC000  }
0x14: {  	[hbm4b:s5+s2] =	stream.linear.scatter [tilespmem:s8], [sflag:$0x2], $0x4000, $0x38;
	[tilespmem:$0x4080] =	vst v63  }
0x15: {  	s12 =	simm.s32 $0x10;
	_ =	swait.ge [sflag:s7], $0x4000  }
0x16: {  	s13 =	simm.s32 $0x20;
	s11 =	sadd.s32 $0x800, s5;
	[sflag:s7] =	ssyncset.done $0x0  }
.LBB2_2:
0x17: {  	s14 =	sadd.s32 s12, s6  }
0x18: {  	[sflag:s7] =	ssyncadd.s32 $0xFFFFC000;
	s12 =	smov.u32 s13;
	s15 =	sadd.s32 $0x10, s13  }
0x19: {  	[tilespmem:s2], [sflag:$0x2] =	stream.linear.gather [hbm4b:s14+s2], $0x80, $0x38;
	[tilespmem:$0x4080] =	vst v63  }
0x1a: {  	p0 =	sne.s32 s13, $0x180;
	_ =	swait.ge [sflag:s7], $0x80  }
0x1b: {  	[sflag:s7] =	ssyncset.done $0x0  }
0x1c: {  	[sflag:s7] =	ssyncadd.s32 $0xFFFFFF80  }
0x1d: {  	[tilespmem:s8], [sflag:$0x1] =	stream.indirect.gather [hbm4b:s3+s8], $0x80, s2, s8, $0xb8;
	[tilespmem:$0x4080] =	vst v63  }
0x1e: {  	_ =	swait.ge [sflag:s9], $0x4000  }
.Ltmp0:
0x1f: {  	[sflag:s9] =	ssyncset.done $0x0;
	(pc) =	sbr.rel @p0 .LBB2_2-.Ltmp0, $4  }
0x20: {  	[sflag:s9] =	ssyncadd.s32 $0xFFFFC000  }
0x21: {  	[hbm4b:s11+s2] =	stream.linear.scatter [tilespmem:s8], [sflag:$0x2], $0x4000, $0x38;
	[tilespmem:$0x4080] =	vst v63  }
0x22: {  	_ =	swait.ge [sflag:s7], $0x4000  }
0x23: {  	s13 =	smov.u32 s15;
	s11 =	sadd.s32 $0x800, s11;
	[sflag:s7] =	ssyncset.done $0x0  }
0x24: {  	s12 =	sadd.s32 s12, s6;
	[sflag:s7] =	ssyncadd.s32 $0xFFFFC000  }
0x25: {  	[tilespmem:s2], [sflag:$0x2] =	stream.linear.gather [hbm4b:s12+s2], $0x80, $0x38;
	[tilespmem:$0x4080] =	vst v63  }
0x26: {  	_ =	swait.ge [sflag:s7], $0x80  }
0x27: {  	[sflag:s7] =	ssyncset.done $0x0  }
0x28: {  	[sflag:s7] =	ssyncadd.s32 $0xFFFFFF80  }
0x29: {  	[tilespmem:s8], [sflag:$0x1] =	stream.indirect.gather [hbm4b:s3+s8], $0x80, s2, s8, $0xb8;
	[tilespmem:$0x4080] =	vst v63  }
0x2a: {  	s10 =	sadd.s32 $0x1, s10;
	_ =	swait.ge [sflag:s9], $0x4000  }
0x2b: {  	p0 =	sne.s32 s10, s4;
	[sflag:s9] =	ssyncset.done $0x0  }
.Ltmp1:
0x2c: {  	[sflag:s9] =	ssyncadd.s32 $0xFFFFC000;
	(pc) =	sbr.rel @p0 .LBB2_1-.Ltmp1, $4  }
0x2d: {  	[hbm4b:s11+s2] =	stream.linear.scatter [tilespmem:s8], [sflag:$0x2], $0x4000, $0x38;
	[tilespmem:$0x4080] =	vst v63  }
0x2e: {  	_ =	swait.ge [sflag:s7], $0x4000  }
0x2f: {  	[sflag:s7] =	ssyncset.done $0x0  }
0x30: {  	[sflag:s7] =	ssyncadd.s32 $0xFFFFC000  }
0x31: {  	_ =	sfence.sel $0x180000  }
0x32: {  	[bflag:$0x0] =	sbarrier.arrive $0xFFFF  }
0x33: {  	p0 =	sne.s32 s1, $0x0;
	_ =	strace $0x90000056  }
0x34: {  	s0 =	sadd.s32 @!p0 $0x100000, s0;
	[bflag:$0x2] =	sbarrier.arrive $0xFFFF  }
0x35: {  	[sflag:s0] =	ssyncadd.tile.s32 @!p0 $0x1;
	_ =	shalt  }
.Lfunc_end2:
_tile_overlayer_lowered:
.L_overlay_start_2:
0x36: {  	(tag) =	ssettag $0x2  }
0x37: {  	s0 =	rddreg [dreg:$0x0];
	s2 =	stileid.u32  }
0x38: {  	s1 =	rddreg [dreg:$0x1];
	p0 =	sne.s32 s2, $0x0  }
0x39: {  	s3 =	rddreg [dreg:$0x2];
	[bflag:$0x3] =	sbarrier.arrive $0xFFFF;
	s2 =	simm.s32 @!p0 $0x1C02  }
0x3a: {  	[timem:s3], [sflag:s2] =	dma.local @!p0 [hbm:s0], s1  }
0x3b: {  	s0 =	simm.s32 @!p0 $0x2  }
0x3c: {  	_ =	swait.ge @!p0 [sflag:s0], s1  }
0x3d: {  	s1 =	ssub.s32 @!p0 $0x0, s1;
	[sflag:s0] =	ssyncset.done @!p0 $0x0  }
0x3e: {  	[sflag:s0] =	ssyncadd.s32 @!p0 s1  }
0x3f: {  	[bflag:$0x3] =	sbarrier.arrive $0xFFFF  }
0x40: {  	_ =	shalt  }

// kernel: kernel.33.cloned.1.call-start
scs
__scs_entry_jumppad:
0x0: {  	(pc) =	sbr.rel $0x88, $3  }
0x1: {  	(tag) =	ssettag $0x0;
	lr =	simm.s32 $0x1  }
0x2: {  	[smem:$0x3F6A] =	sst lr;
	_ =	strace $0xD0000000  }
0x3: {  	_ = 	snop  }
0x4: {  	_ = 	snop  }
0x5: {  	_ = 	snop  }
0x6: {  	_ = 	snop  }
0x7: {  	_ = 	snop  }
__scs_overlays_trampoline_lowered:
0x8: {  	[smem:$0x3F79] =	sst s0  }
0x9: {  	[smem:$0x3F7A] =	sst s1  }
0xa: {  	[smem:$0x3F7B] =	sst s2  }
0xb: {  	[smem:$0x3F7C] =	sst s3  }
0xc: {  	[smem:$0x3F7D] =	sst s4  }
0xd: {  	[smem:$0x3F7E] =	sst s5  }
0xe: {  	[smem:$0x3F7F] =	sst s6  }
0xf: {  	[smem:$0x3F80] =	sst s7  }
0x10: {  	[smem:$0x3F81] =	sst s8  }
0x11: {  	[smem:$0x3F82] =	sst s9;
	s0 =	simm.s32 @!p0 $0x0  }
0x12: {  	s1 =	sld [smem:$0x3F68];
	s0 =	simm.s32 @p0 $0x1  }
0x13: {  	[smem:$0x3F83] =	sst s0;
	s0 =	simm.s32 @!p1 $0x0  }
0x14: {  	s2 =	sld [smem:$0x3F67];
	s0 =	simm.s32 @p1 $0x1  }
0x15: {  	[smem:$0x3F84] =	sst s0;
	s0 =	simm.s32 @!p2 $0x0  }
0x16: {  	s3 =	sld [smem:$0x3FDB];
	s0 =	simm.s32 @p2 $0x1  }
0x17: {  	s4 =	simm.s32 $0x1BF5;
	[smem:$0x3F86] =	sst s0  }
0x18: {  	s0 =	sld [smem:$0x3F69];
	_ =	swait.ge [sflag:s4], $0x0  }
0x19: {  	s7 =	sld [smem:$0x3F6A]  }
0x1a: {  	s8 =	sadd.s32 $0xFFFFE003, lr  }
0x1b: {  	s9 =	sadd.s32 $0xFFFFFEF7, lr;
	s5 =	simm.s32 $0xFFFFFFFF;
	p2 =	slt.u32 s8, $0xFFFFF086  }
0x1c: {  	p1 =	slt.u32 s9, $0xF7A;
	s5 =	simm.s32 @!p2 $0x0  }
0x1d: {  	s5 =	simm.s32 @p1 $0x1;
	p0 =	seq.s32 s7, s2  }
0x1e: {  	s7 =	smul.u32 @!p0 $0xF7A, s2;
	p2 =	seq.s32 @!p0 s5, $0x0  }
0x1f: {  	s9 =	smul.u32 $0xF7A, s1;
	s8 =	simm.s32 @!p0 $0x1BF5;
	p2 =	por !p2, p0  }
0x20: {  	[sflag:s8] =	ssyncset.s32 @!p0 $0xFFFFF086;
	s6 =	sadd.s32 @!p0 s3, s7;
	s7 =	simm.s32 @!p0 $0x108  }
0x21: {  	s3 =	sadd.s32 s3, s9;
	s6 =	sadd.s32 @!p0 $0x88, s6;
	s7 =	simm.s32 @p2 $0x1082  }
0x22: {  	[simem:s7], [sflag:s8] =	dma.local @!p0 [hbm:s6], $0xF7A  }
0x23: {  	s9 =	sor.u32 $0xD0000000, s2;
	s6 =	simm.s32 $0x108;
	_ =	swait.ge @!p0 [sflag:s8], $0x0  }
0x24: {  	s3 =	sadd.s32 $0x88, s3;
	s6 =	simm.s32 @!p1 $0x1082;
	[sflag:s4] =	ssyncset.s32 $0xFFFFF086  }
0x25: {  	[simem:s6], [sflag:s4] =	dma.local [hbm:s3], $0xF7A  }
0x26: {  	[smem:$0x3F6A] =	sst s1;
	(tag) =	ssettag s2;
	_ =	strace s9  }
0x27: {  	s1 =	sld [smem:$0x3F7A]  }
0x28: {  	s2 =	sld [smem:$0x3F7B]  }
0x29: {  	s4 =	sld [smem:$0x3F7D]  }
0x2a: {  	p0 =	seq.s32 s5, $0x0;
	s5 =	sld [smem:$0x3F7E]  }
0x2b: {  	s6 =	sld [smem:$0x3F7F]  }
0x2c: {  	s7 =	sld [smem:$0x3F80]  }
0x2d: {  	s3 =	simm.s32 $0x108;
	s8 =	sld [smem:$0x3F81]  }
0x2e: {  	s3 =	simm.s32 @!p0 $0x1082;
	s9 =	sld [smem:$0x3F82]  }
0x2f: {  	lr =	sadd.s32 s0, s3;
	s0 =	sld [smem:$0x3F79]  }
0x30: {  	s3 =	sld [smem:$0x3F7C]  }
0x31: {  	[smem:$0x3F85] =	sst s10  }
0x32: {  	s10 =	sld [smem:$0x3F83];
	_ =	sdelay $0x3  }
0x33: {  	p0 =	seq.s32 s10, $0x1;
	s10 =	sld [smem:$0x3F85];
	_ =	sdelay $0x3  }
0x34: {  	[smem:$0x3F85] =	sst s10  }
0x35: {  	s10 =	sld [smem:$0x3F84];
	_ =	sdelay $0x3  }
0x36: {  	p1 =	seq.s32 s10, $0x1;
	s10 =	sld [smem:$0x3F85];
	_ =	sdelay $0x3  }
0x37: {  	[smem:$0x3F85] =	sst s10  }
0x38: {  	s10 =	sld [smem:$0x3F86]  }
0x39: {  	_ = 	snop;
	(pc) =	sbr.ind lr, $3  }
0x3a: {  	_ = 	snop  }
0x3b: {  	_ = 	snop  }
0x3c: {  	p2 =	seq.s32 s10, $0x1;
	s10 =	sld [smem:$0x3F85]  }
0x3d: {  	_ =	shalt  }
0x3e: {  	_ =	shalt  }
0x3f: {  	_ =	shalt  }
0x40: {  	_ =	shalt  }
0x41: {  	_ =	shalt  }
0x42: {  	_ =	shalt  }
0x43: {  	_ =	shalt  }
0x44: {  	_ =	shalt  }
0x45: {  	_ =	shalt  }
0x46: {  	_ =	shalt  }
0x47: {  	_ =	shalt  }
0x48: {  	_ =	shalt  }
0x49: {  	_ =	shalt  }
0x4a: {  	_ =	shalt  }
0x4b: {  	_ =	shalt  }
0x4c: {  	_ =	shalt  }
0x4d: {  	_ =	shalt  }
0x4e: {  	_ =	shalt  }
0x4f: {  	_ =	shalt  }
0x50: {  	_ =	shalt  }
0x51: {  	_ =	shalt  }
0x52: {  	_ =	shalt  }
0x53: {  	_ =	shalt  }
0x54: {  	_ =	shalt  }
0x55: {  	_ =	shalt  }
0x56: {  	_ =	shalt  }
0x57: {  	_ =	shalt  }
0x58: {  	_ =	shalt  }
0x59: {  	_ =	shalt  }
0x5a: {  	_ =	shalt  }
0x5b: {  	_ =	shalt  }
0x5c: {  	_ =	shalt  }
0x5d: {  	_ =	shalt  }
0x5e: {  	_ =	shalt  }
0x5f: {  	_ =	shalt  }
0x60: {  	_ =	shalt  }
0x61: {  	_ =	shalt  }
0x62: {  	_ =	shalt  }
0x63: {  	_ =	shalt  }
0x64: {  	_ =	shalt  }
0x65: {  	_ =	shalt  }
0x66: {  	_ =	shalt  }
0x67: {  	_ =	shalt  }
0x68: {  	_ =	shalt  }
0x69: {  	_ =	shalt  }
0x6a: {  	_ =	shalt  }
0x6b: {  	_ =	shalt  }
0x6c: {  	_ =	shalt  }
0x6d: {  	_ =	shalt  }
0x6e: {  	_ =	shalt  }
0x6f: {  	_ =	shalt  }
0x70: {  	_ =	shalt  }
0x71: {  	_ =	shalt  }
0x72: {  	_ =	shalt  }
0x73: {  	_ =	shalt  }
0x74: {  	_ =	shalt  }
0x75: {  	_ =	shalt  }
0x76: {  	_ =	shalt  }
0x77: {  	_ =	shalt  }
0x78: {  	_ =	shalt  }
0x79: {  	_ =	shalt  }
0x7a: {  	_ =	shalt  }
0x7b: {  	_ =	shalt  }
0x7c: {  	_ =	shalt  }
0x7d: {  	_ =	shalt  }
0x7e: {  	_ =	shalt  }
0x7f: {  	_ =	shalt  }
0x80: {  	_ =	shalt  }
0x81: {  	_ =	shalt  }
0x82: {  	_ =	shalt  }
0x83: {  	_ =	shalt  }
0x84: {  	_ =	shalt  }
0x85: {  	_ =	shalt  }
0x86: {  	_ =	shalt  }
0x87: {  	_ =	shalt  }
.Lfunc_end0:
.L_simem_size_0:
called_computation.6_lowered:
.L_overlay_start_0:
0x88: {  	s2 =	sld [smem:$0x3FD9]  }
0x89: {  	s3 =	sld [smem:$0x3FFE];
	_ =	sdelay $0x1  }
0x8a: {  	s1 =	srdreg.scid  }
0x8b: {  	s0 =	sand.u32 $0x1, s1  }
0x8c: {  	s16 =	sshll.u32 s0, $0xA;
	s2 =	sadd.s32 s3, s2  }
0x8d: {  	s2 =	sadd.s32 s2, s16  }
0x8e: {  	[smem:$0x3F91] =	sst s2  }
0x8f: {  	_ = 	snop  }
0x90: {  	(tm) =	ssettm $0x1  }
0x91: {  	s17 =	sld [smem:$0x3FFB];
	_ =	sdelay $0x3  }
0x92: {  	_ =	strace s17  }
0x93: {  	s2 =	sld [smem:$0x3FFC];
	_ =	sdelay $0x3  }
0x94: {  	_ =	strace s2  }
0x95: {  	s2 =	sld [smem:$0x3FFD];
	_ =	sdelay $0x3  }
0x96: {  	_ =	strace s2  }
0x97: {  	_ =	strace $0x8FFFFFFF  }
0x98: {  	s18 =	sld [smem:$0x3FDB];
	_ =	sdelay $0x1  }
0x99: {  	s19 =	simm.s32 $_scs_section_size  }
0x9a: {  	s4 =	simm.s32 $_size__tile_overlayer_lowered;
	s5 =	simm.s32 $_tile_overlayer_lowered  }
0x9b: {  	s22 =	simm.s32 $0x1BFF;
	s21 =	sshll.u32 s5, $0x1;
	s2 =	sadd.s32 s19, s18  }
0x9c: {  	s6 =	simm.s32 $0x0;
	s20 =	sshll.u32 s4, $0x1;
	s4 =	sadd.s32 s21, s2  }
0x9d: {  	[timem:s6], [sflag:s22] =	dma.local [hbm:s4], s20  }
0x9e: {  	_ =	swait.ge [sflag:s22], s20  }
0x9f: {  	s3 =	ssub.s32 $0x0, s20;
	[sflag:s22] =	ssyncset.done $0x0  }
0xa0: {  	[sflag:s22] =	ssyncadd.s32 s3;
	_ =	sdelay $0x1  }
0xa1: {  	s23 =	simm.s32 $0x1B8B  }
0xa2: {  	_ =	swait.ge [sflag:s23], $0x1  }
0xa3: {  	[sflag:s23] =	ssyncset.done $0x0  }
0xa4: {  	s25 =	simm.s32 $0x1B8E;
	s24 =	sld [smem:$0x3FFE];
	[sflag:s23] =	ssyncadd.s32 $0xFFFFFFFF  }
0xa5: {  	s26 =	simm.s32 $execute0_lowered;
	[smem:$0x3FD2] =	sst s25  }
0xa6: {  	s4 =	sshll.u32 s26, $0x1;
	_ =	strace $0x80000058;
	[dreg:$0x1] =	wrdreg $0xFFFFFFFF  }
0xa7: {  	s28 =	simm.s32 $_size_execute0_lowered;
	s2 =	sadd.s32 s2, s4;
	[dreg:$0x0] =	wrdreg $0x0  }
0xa8: {  	s4 =	sshll.u32 s28, $0x1;
	[dreg:$0x2] =	wrdreg s2  }
0xa9: {  	[dreg:$0x3] =	wrdreg s4  }
0xaa: {  	[dreg:$0x4] =	wrdreg $0xC0  }
0xab: {  	_ =	task [dreg:s6], $0x5FFFF  }
0xac: {  	[dreg:$0x1] =	wrdreg $0xFFFFFFFF  }
0xad: {  	[dreg:$0x0] =	wrdreg $0x60  }
0xae: {  	[dreg:$0x2] =	wrdreg s24  }
0xaf: {  	[dreg:$0x3] =	wrdreg $0x9  }
0xb0: {  	_ =	task.clear_ibuf [dreg:s6], $0x4FFFF;
	_ =	strace $0x90000058  }
0xb1: {  	s29 =	simm.s32 $0x9;
	_ =	strace $0x8000005A  }
0xb2: {  	_ =	swait.ge [sflag:s29], $0x1  }
0xb3: {  	[sflag:s29] =	ssyncadd.s32 $0xFFFFFFFF  }
0xb4: {  	_ =	strace $0x9000005A  }
0xb5: {  	_ =	sfence  }
0xb6: {  	s30 =	sld [smem:$0x0];
	_ =	sdelay $0x2  }
0xb7: {  	s31 =	sshll.u32 s1, $0xD;
	s1 =	sshrl.u32 s1, $0x2  }
0xb8: {  	s3 =	sand.u32 $0x4000, s31;
	s1 =	sadd.s32 s1, s30  }
0xb9: {  	s0 =	sor.u32 s3, s0;
	s1 =	sshll.u32 s1, $0x11  }
0xba: {  	s0 =	sor.u32 s1, s0  }
0xbb: {  	s0 =	sadd.s32 $0x8F2B, s0  }
0xbc: {  	[sflag:s0] =	ssyncadd.remote.s32 $0x1  }
0xbd: {  	_ =	sfence.sel $0xFFFF  }
0xbe: {  	[dreg:$0x0] =	wrdreg $0xFFFFFFFF;
	(pc) =	sbr.abs _section_cstart, $3  }
0xbf: {  	[dreg:$0x1] =	wrdreg $0xFFFFFFFF  }
0xc0: {  	_ =	task.clear_ibuf [dreg:s6], $0x2FFFF;
	_ =	strace $0x9FFFFFFF  }
0xc1: {  	(tm) =	ssettm $0x7FFFFFFF  }
tec
execute0_lowered:
.L_overlay_start_1:
0x0: {  	(tag) =	ssettag $0x1  }
0x1: {  	s4 =	rddreg [dreg:$0x0]  }
0x2: {  	s0 =	rddreg [dreg:$0x1]  }
0x3: {  	s3 =	srdreg.scid;
	s1 =	stileid.u32;
	s2 =	simm.s32 $0x0  }
0x4: {  	s10 =	simm.s32 $0x1;
	s11 =	simm.s32 $0x0;
	s6 =	smul.u32 $0x1900, s1  }
0x5: {  	s5 =	sand.u32 $0x1, s3;
	[smem:$0x7FF] =	sst s2;
	s8 =	smul.u32 $0x19000, s1  }
0x6: {  	s3 =	sadd.s32 $0x95A600, s4;
	s7 =	smul.u32 $0xC80, s5;
	s9 =	ssub.s32 $0x2, s5  }
0x7: {  	_ =	strace $0x80000059;
	s5 =	smul.u32 $0xC800, s5;
	s31 =	sshrl.u32 s9, $0x1  }
0x8: {  	s30 =	sadd.s32 s8, s4;
	s6 =	sadd.s32 s7, s6;
	s8 =	ssub.s32 s9, s31  }
0x9: {  	s7 =	sadd.s32 s5, s30;
	s9 =	simm.s32 $0x80;
	s6 =	sshrl.u32 s6, $0x2  }
0xa: {  	s5 =	sadd.s32 $0xAEA600, s7;
	s7 =	sadd.s32 $0xC7A600, s7;
	s6 =	sadd.s32 s6, s4  }
0xb: {  	s4 =	smax.u32 s8, $0x1;
	s8 =	simm.s32 $0x2;
	s6 =	sadd.s32 $0x7C4200, s6  }
.LBB2_1:
0xc: {  	s12 =	sadd.s32 $0x0, s6  }
0xd: {  	[tilespmem:s2], [sflag:$0x2] =	stream.linear.gather [hbm4b:s12+s2], $0x80, $0x38;
	[tilespmem:$0x4080] =	vst v63  }
0xe: {  	_ =	swait.ge [sflag:s8], $0x80  }
0xf: {  	[sflag:s8] =	ssyncset.done $0x0  }
0x10: {  	[sflag:s8] =	ssyncadd.s32 $0xFFFFFF80  }
0x11: {  	[tilespmem:s9], [sflag:$0x1] =	stream.indirect.gather [hbm4b:s3+s9], $0x80, s2, s9, $0xb8;
	[tilespmem:$0x4080] =	vst v63  }
0x12: {  	_ =	swait.ge [sflag:s10], $0x4000  }
0x13: {  	[sflag:s10] =	ssyncset.done $0x0  }
0x14: {  	[sflag:s10] =	ssyncadd.s32 $0xFFFFC000  }
0x15: {  	[hbm4b:s5+s2] =	stream.linear.scatter [tilespmem:s9], [sflag:$0x2], $0x4000, $0x38;
	[tilespmem:$0x4080] =	vst v63  }
0x16: {  	s13 =	simm.s32 $0x20;
	_ =	swait.ge [sflag:s8], $0x4000  }
0x17: {  	s14 =	simm.s32 $0x40;
	s12 =	sadd.s32 $0x800, s5;
	[sflag:s8] =	ssyncset.done $0x0  }
.LBB2_2:
0x18: {  	s15 =	sadd.s32 s13, s6  }
0x19: {  	[sflag:s8] =	ssyncadd.s32 $0xFFFFC000;
	s13 =	smov.u32 s14;
	s16 =	sadd.s32 $0x20, s14  }
0x1a: {  	[tilespmem:s2], [sflag:$0x2] =	stream.linear.gather [hbm4b:s15+s2], $0x80, $0x38;
	[tilespmem:$0x4080] =	vst v63  }
0x1b: {  	p0 =	sne.s32 s14, $0x300;
	_ =	swait.ge [sflag:s8], $0x80  }
0x1c: {  	[sflag:s8] =	ssyncset.done $0x0  }
0x1d: {  	[sflag:s8] =	ssyncadd.s32 $0xFFFFFF80  }
0x1e: {  	[tilespmem:s9], [sflag:$0x1] =	stream.indirect.gather [hbm4b:s3+s9], $0x80, s2, s9, $0xb8;
	[tilespmem:$0x4080] =	vst v63  }
0x1f: {  	_ =	swait.ge [sflag:s10], $0x4000  }
.Ltmp0:
0x20: {  	[sflag:s10] =	ssyncset.done $0x0;
	(pc) =	sbr.rel @p0 .LBB2_2-.Ltmp0, $4  }
0x21: {  	[sflag:s10] =	ssyncadd.s32 $0xFFFFC000  }
0x22: {  	[hbm4b:s12+s2] =	stream.linear.scatter [tilespmem:s9], [sflag:$0x2], $0x4000, $0x38;
	[tilespmem:$0x4080] =	vst v63  }
0x23: {  	_ =	swait.ge [sflag:s8], $0x4000  }
0x24: {  	s14 =	smov.u32 s16;
	s12 =	sadd.s32 $0x800, s12;
	[sflag:s8] =	ssyncset.done $0x0  }
0x25: {  	s13 =	sadd.s32 s13, s6;
	[sflag:s8] =	ssyncadd.s32 $0xFFFFC000  }
0x26: {  	[tilespmem:s2], [sflag:$0x2] =	stream.linear.gather [hbm4b:s13+s2], $0x80, $0x38;
	[tilespmem:$0x4080] =	vst v63  }
0x27: {  	_ =	swait.ge [sflag:s8], $0x80  }
0x28: {  	[sflag:s8] =	ssyncset.done $0x0  }
0x29: {  	[sflag:s8] =	ssyncadd.s32 $0xFFFFFF80  }
0x2a: {  	[tilespmem:s9], [sflag:$0x1] =	stream.indirect.gather [hbm4b:s3+s9], $0x80, s2, s9, $0xb8;
	[tilespmem:$0x4080] =	vst v63  }
0x2b: {  	_ =	swait.ge [sflag:s10], $0x4000  }
0x2c: {  	[sflag:s10] =	ssyncset.done $0x0  }
0x2d: {  	[sflag:s10] =	ssyncadd.s32 $0xFFFFC000  }
0x2e: {  	[hbm4b:s12+s2] =	stream.linear.scatter [tilespmem:s9], [sflag:$0x2], $0x4000, $0x38;
	[tilespmem:$0x4080] =	vst v63  }
0x2f: {  	_ =	swait.ge [sflag:s8], $0x4000  }
0x30: {  	[sflag:s8] =	ssyncset.done $0x0  }
0x31: {  	s31 =	sadd.s32 $0x10, s6;
	[sflag:s8] =	ssyncadd.s32 $0xFFFFC000  }
0x32: {  	[tilespmem:s2], [sflag:$0x2] =	stream.linear.gather [hbm4b:s31+s2], $0x80, $0x38;
	[tilespmem:$0x4080] =	vst v63  }
0x33: {  	_ =	swait.ge [sflag:s8], $0x80  }
0x34: {  	[sflag:s8] =	ssyncset.done $0x0  }
0x35: {  	[sflag:s8] =	ssyncadd.s32 $0xFFFFFF80  }
0x36: {  	[tilespmem:s9], [sflag:$0x1] =	stream.indirect.gather [hbm4b:s3+s9], $0x80, s2, s9, $0xb8;
	[tilespmem:$0x4080] =	vst v63  }
0x37: {  	_ =	swait.ge [sflag:s10], $0x4000  }
0x38: {  	[sflag:s10] =	ssyncset.done $0x0  }
0x39: {  	[sflag:s10] =	ssyncadd.s32 $0xFFFFC000  }
0x3a: {  	[hbm4b:s7+s2] =	stream.linear.scatter [tilespmem:s9], [sflag:$0x2], $0x4000, $0x38;
	[tilespmem:$0x4080] =	vst v63  }
0x3b: {  	s14 =	simm.s32 $0x50;
	_ =	swait.ge [sflag:s8], $0x4000  }
0x3c: {  	s13 =	simm.s32 $0x30;
	s12 =	sadd.s32 $0x800, s7;
	[sflag:s8] =	ssyncset.done $0x0  }
.LBB2_4:
0x3d: {  	s15 =	sadd.s32 s13, s6  }
0x3e: {  	[sflag:s8] =	ssyncadd.s32 $0xFFFFC000;
	s13 =	smov.u32 s14;
	s16 =	sadd.s32 $0x20, s14  }
0x3f: {  	[tilespmem:s2], [sflag:$0x2] =	stream.linear.gather [hbm4b:s15+s2], $0x80, $0x38;
	[tilespmem:$0x4080] =	vst v63  }
0x40: {  	p0 =	sne.s32 s14, $0x310;
	_ =	swait.ge [sflag:s8], $0x80  }
0x41: {  	[sflag:s8] =	ssyncset.done $0x0  }
0x42: {  	[sflag:s8] =	ssyncadd.s32 $0xFFFFFF80  }
0x43: {  	[tilespmem:s9], [sflag:$0x1] =	stream.indirect.gather [hbm4b:s3+s9], $0x80, s2, s9, $0xb8;
	[tilespmem:$0x4080] =	vst v63  }
0x44: {  	_ =	swait.ge [sflag:s10], $0x4000  }
.Ltmp1:
0x45: {  	[sflag:s10] =	ssyncset.done $0x0;
	(pc) =	sbr.rel @p0 .LBB2_4-.Ltmp1, $4  }
0x46: {  	[sflag:s10] =	ssyncadd.s32 $0xFFFFC000  }
0x47: {  	[hbm4b:s12+s2] =	stream.linear.scatter [tilespmem:s9], [sflag:$0x2], $0x4000, $0x38;
	[tilespmem:$0x4080] =	vst v63  }
0x48: {  	_ =	swait.ge [sflag:s8], $0x4000  }
0x49: {  	s14 =	smov.u32 s16;
	s12 =	sadd.s32 $0x800, s12;
	[sflag:s8] =	ssyncset.done $0x0  }
0x4a: {  	s13 =	sadd.s32 s13, s6;
	[sflag:s8] =	ssyncadd.s32 $0xFFFFC000  }
0x4b: {  	[tilespmem:s2], [sflag:$0x2] =	stream.linear.gather [hbm4b:s13+s2], $0x80, $0x38;
	[tilespmem:$0x4080] =	vst v63  }
0x4c: {  	_ =	swait.ge [sflag:s8], $0x80  }
0x4d: {  	[sflag:s8] =	ssyncset.done $0x0  }
0x4e: {  	[sflag:s8] =	ssyncadd.s32 $0xFFFFFF80  }
0x4f: {  	[tilespmem:s9], [sflag:$0x1] =	stream.indirect.gather [hbm4b:s3+s9], $0x80, s2, s9, $0xb8;
	[tilespmem:$0x4080] =	vst v63  }
0x50: {  	s11 =	sadd.s32 $0x1, s11;
	_ =	swait.ge [sflag:s10], $0x4000  }
0x51: {  	p0 =	sne.s32 s11, s4;
	[sflag:s10] =	ssyncset.done $0x0  }
.Ltmp2:
0x52: {  	[sflag:s10] =	ssyncadd.s32 $0xFFFFC000;
	(pc) =	sbr.rel @p0 .LBB2_1-.Ltmp2, $4  }
0x53: {  	[hbm4b:s12+s2] =	stream.linear.scatter [tilespmem:s9], [sflag:$0x2], $0x4000, $0x38;
	[tilespmem:$0x4080] =	vst v63  }
0x54: {  	_ =	swait.ge [sflag:s8], $0x4000  }
0x55: {  	[sflag:s8] =	ssyncset.done $0x0  }
0x56: {  	[sflag:s8] =	ssyncadd.s32 $0xFFFFC000  }
0x57: {  	_ =	sfence.sel $0x180000  }
0x58: {  	[bflag:$0x0] =	sbarrier.arrive $0xFFFF  }
0x59: {  	p0 =	sne.s32 s1, $0x0;
	_ =	strace $0x90000059  }
0x5a: {  	s0 =	sadd.s32 @!p0 $0x100000, s0;
	[bflag:$0x2] =	sbarrier.arrive $0xFFFF  }
0x5b: {  	[sflag:s0] =	ssyncadd.tile.s32 @!p0 $0x1;
	_ =	shalt  }
.Lfunc_end2:
_tile_overlayer_lowered:
.L_overlay_start_2:
0x5c: {  	(tag) =	ssettag $0x2  }
0x5d: {  	s0 =	rddreg [dreg:$0x0];
	s2 =	stileid.u32  }
0x5e: {  	s1 =	rddreg [dreg:$0x1];
	p0 =	sne.s32 s2, $0x0  }
0x5f: {  	s3 =	rddreg [dreg:$0x2];
	[bflag:$0x3] =	sbarrier.arrive $0xFFFF;
	s2 =	simm.s32 @!p0 $0x1C02  }
0x60: {  	[timem:s3], [sflag:s2] =	dma.local @!p0 [hbm:s0], s1  }
0x61: {  	s0 =	simm.s32 @!p0 $0x2  }
0x62: {  	_ =	swait.ge @!p0 [sflag:s0], s1  }
0x63: {  	s1 =	ssub.s32 @!p0 $0x0, s1;
	[sflag:s0] =	ssyncset.done @!p0 $0x0  }
0x64: {  	[sflag:s0] =	ssyncadd.s32 @!p0 s1  }
0x65: {  	[bflag:$0x3] =	sbarrier.arrive $0xFFFF  }
0x66: {  	_ =	shalt  }

// kernel: kernel.36.cloned.1.call-start
scs
__scs_entry_jumppad:
0x0: {  	(pc) =	sbr.rel $0x88, $3  }
0x1: {  	(tag) =	ssettag $0x0;
	lr =	simm.s32 $0x1  }
0x2: {  	[smem:$0x3F6A] =	sst lr;
	_ =	strace $0xD0000000  }
0x3: {  	_ = 	snop  }
0x4: {  	_ = 	snop  }
0x5: {  	_ = 	snop  }
0x6: {  	_ = 	snop  }
0x7: {  	_ = 	snop  }
__scs_overlays_trampoline_lowered:
0x8: {  	[smem:$0x3F79] =	sst s0  }
0x9: {  	[smem:$0x3F7A] =	sst s1  }
0xa: {  	[smem:$0x3F7B] =	sst s2  }
0xb: {  	[smem:$0x3F7C] =	sst s3  }
0xc: {  	[smem:$0x3F7D] =	sst s4  }
0xd: {  	[smem:$0x3F7E] =	sst s5  }
0xe: {  	[smem:$0x3F7F] =	sst s6  }
0xf: {  	[smem:$0x3F80] =	sst s7  }
0x10: {  	[smem:$0x3F81] =	sst s8  }
0x11: {  	[smem:$0x3F82] =	sst s9;
	s0 =	simm.s32 @!p0 $0x0  }
0x12: {  	s1 =	sld [smem:$0x3F68];
	s0 =	simm.s32 @p0 $0x1  }
0x13: {  	[smem:$0x3F83] =	sst s0;
	s0 =	simm.s32 @!p1 $0x0  }
0x14: {  	s2 =	sld [smem:$0x3F67];
	s0 =	simm.s32 @p1 $0x1  }
0x15: {  	[smem:$0x3F84] =	sst s0;
	s0 =	simm.s32 @!p2 $0x0  }
0x16: {  	s3 =	sld [smem:$0x3FDB];
	s0 =	simm.s32 @p2 $0x1  }
0x17: {  	s4 =	simm.s32 $0x1BF5;
	[smem:$0x3F86] =	sst s0  }
0x18: {  	s0 =	sld [smem:$0x3F69];
	_ =	swait.ge [sflag:s4], $0x0  }
0x19: {  	s7 =	sld [smem:$0x3F6A]  }
0x1a: {  	s8 =	sadd.s32 $0xFFFFE003, lr  }
0x1b: {  	s9 =	sadd.s32 $0xFFFFFEF7, lr;
	s5 =	simm.s32 $0xFFFFFFFF;
	p2 =	slt.u32 s8, $0xFFFFF086  }
0x1c: {  	p1 =	slt.u32 s9, $0xF7A;
	s5 =	simm.s32 @!p2 $0x0  }
0x1d: {  	s5 =	simm.s32 @p1 $0x1;
	p0 =	seq.s32 s7, s2  }
0x1e: {  	s7 =	smul.u32 @!p0 $0xF7A, s2;
	p2 =	seq.s32 @!p0 s5, $0x0  }
0x1f: {  	s9 =	smul.u32 $0xF7A, s1;
	s8 =	simm.s32 @!p0 $0x1BF5;
	p2 =	por !p2, p0  }
0x20: {  	[sflag:s8] =	ssyncset.s32 @!p0 $0xFFFFF086;
	s6 =	sadd.s32 @!p0 s3, s7;
	s7 =	simm.s32 @!p0 $0x108  }
0x21: {  	s3 =	sadd.s32 s3, s9;
	s6 =	sadd.s32 @!p0 $0x88, s6;
	s7 =	simm.s32 @p2 $0x1082  }
0x22: {  	[simem:s7], [sflag:s8] =	dma.local @!p0 [hbm:s6], $0xF7A  }
0x23: {  	s9 =	sor.u32 $0xD0000000, s2;
	s6 =	simm.s32 $0x108;
	_ =	swait.ge @!p0 [sflag:s8], $0x0  }
0x24: {  	s3 =	sadd.s32 $0x88, s3;
	s6 =	simm.s32 @!p1 $0x1082;
	[sflag:s4] =	ssyncset.s32 $0xFFFFF086  }
0x25: {  	[simem:s6], [sflag:s4] =	dma.local [hbm:s3], $0xF7A  }
0x26: {  	[smem:$0x3F6A] =	sst s1;
	(tag) =	ssettag s2;
	_ =	strace s9  }
0x27: {  	s1 =	sld [smem:$0x3F7A]  }
0x28: {  	s2 =	sld [smem:$0x3F7B]  }
0x29: {  	s4 =	sld [smem:$0x3F7D]  }
0x2a: {  	p0 =	seq.s32 s5, $0x0;
	s5 =	sld [smem:$0x3F7E]  }
0x2b: {  	s6 =	sld [smem:$0x3F7F]  }
0x2c: {  	s7 =	sld [smem:$0x3F80]  }
0x2d: {  	s3 =	simm.s32 $0x108;
	s8 =	sld [smem:$0x3F81]  }
0x2e: {  	s3 =	simm.s32 @!p0 $0x1082;
	s9 =	sld [smem:$0x3F82]  }
0x2f: {  	lr =	sadd.s32 s0, s3;
	s0 =	sld [smem:$0x3F79]  }
0x30: {  	s3 =	sld [smem:$0x3F7C]  }
0x31: {  	[smem:$0x3F85] =	sst s10  }
0x32: {  	s10 =	sld [smem:$0x3F83];
	_ =	sdelay $0x3  }
0x33: {  	p0 =	seq.s32 s10, $0x1;
	s10 =	sld [smem:$0x3F85];
	_ =	sdelay $0x3  }
0x34: {  	[smem:$0x3F85] =	sst s10  }
0x35: {  	s10 =	sld [smem:$0x3F84];
	_ =	sdelay $0x3  }
0x36: {  	p1 =	seq.s32 s10, $0x1;
	s10 =	sld [smem:$0x3F85];
	_ =	sdelay $0x3  }
0x37: {  	[smem:$0x3F85] =	sst s10  }
0x38: {  	s10 =	sld [smem:$0x3F86]  }
0x39: {  	_ = 	snop;
	(pc) =	sbr.ind lr, $3  }
0x3a: {  	_ = 	snop  }
0x3b: {  	_ = 	snop  }
0x3c: {  	p2 =	seq.s32 s10, $0x1;
	s10 =	sld [smem:$0x3F85]  }
0x3d: {  	_ =	shalt  }
0x3e: {  	_ =	shalt  }
0x3f: {  	_ =	shalt  }
0x40: {  	_ =	shalt  }
0x41: {  	_ =	shalt  }
0x42: {  	_ =	shalt  }
0x43: {  	_ =	shalt  }
0x44: {  	_ =	shalt  }
0x45: {  	_ =	shalt  }
0x46: {  	_ =	shalt  }
0x47: {  	_ =	shalt  }
0x48: {  	_ =	shalt  }
0x49: {  	_ =	shalt  }
0x4a: {  	_ =	shalt  }
0x4b: {  	_ =	shalt  }
0x4c: {  	_ =	shalt  }
0x4d: {  	_ =	shalt  }
0x4e: {  	_ =	shalt  }
0x4f: {  	_ =	shalt  }
0x50: {  	_ =	shalt  }
0x51: {  	_ =	shalt  }
0x52: {  	_ =	shalt  }
0x53: {  	_ =	shalt  }
0x54: {  	_ =	shalt  }
0x55: {  	_ =	shalt  }
0x56: {  	_ =	shalt  }
0x57: {  	_ =	shalt  }
0x58: {  	_ =	shalt  }
0x59: {  	_ =	shalt  }
0x5a: {  	_ =	shalt  }
0x5b: {  	_ =	shalt  }
0x5c: {  	_ =	shalt  }
0x5d: {  	_ =	shalt  }
0x5e: {  	_ =	shalt  }
0x5f: {  	_ =	shalt  }
0x60: {  	_ =	shalt  }
0x61: {  	_ =	shalt  }
0x62: {  	_ =	shalt  }
0x63: {  	_ =	shalt  }
0x64: {  	_ =	shalt  }
0x65: {  	_ =	shalt  }
0x66: {  	_ =	shalt  }
0x67: {  	_ =	shalt  }
0x68: {  	_ =	shalt  }
0x69: {  	_ =	shalt  }
0x6a: {  	_ =	shalt  }
0x6b: {  	_ =	shalt  }
0x6c: {  	_ =	shalt  }
0x6d: {  	_ =	shalt  }
0x6e: {  	_ =	shalt  }
0x6f: {  	_ =	shalt  }
0x70: {  	_ =	shalt  }
0x71: {  	_ =	shalt  }
0x72: {  	_ =	shalt  }
0x73: {  	_ =	shalt  }
0x74: {  	_ =	shalt  }
0x75: {  	_ =	shalt  }
0x76: {  	_ =	shalt  }
0x77: {  	_ =	shalt  }
0x78: {  	_ =	shalt  }
0x79: {  	_ =	shalt  }
0x7a: {  	_ =	shalt  }
0x7b: {  	_ =	shalt  }
0x7c: {  	_ =	shalt  }
0x7d: {  	_ =	shalt  }
0x7e: {  	_ =	shalt  }
0x7f: {  	_ =	shalt  }
0x80: {  	_ =	shalt  }
0x81: {  	_ =	shalt  }
0x82: {  	_ =	shalt  }
0x83: {  	_ =	shalt  }
0x84: {  	_ =	shalt  }
0x85: {  	_ =	shalt  }
0x86: {  	_ =	shalt  }
0x87: {  	_ =	shalt  }
.Lfunc_end0:
.L_simem_size_0:
called_computation.7_lowered:
.L_overlay_start_0:
0x88: {  	s2 =	sld [smem:$0x3FD9]  }
0x89: {  	s3 =	sld [smem:$0x3FFE];
	_ =	sdelay $0x1  }
0x8a: {  	s1 =	srdreg.scid  }
0x8b: {  	s0 =	sand.u32 $0x1, s1  }
0x8c: {  	s16 =	sshll.u32 s0, $0xA;
	s2 =	sadd.s32 s3, s2  }
0x8d: {  	s2 =	sadd.s32 s2, s16  }
0x8e: {  	[smem:$0x3F91] =	sst s2  }
0x8f: {  	_ = 	snop  }
0x90: {  	(tm) =	ssettm $0x1  }
0x91: {  	s17 =	sld [smem:$0x3FFB];
	_ =	sdelay $0x3  }
0x92: {  	_ =	strace s17  }
0x93: {  	s2 =	sld [smem:$0x3FFC];
	_ =	sdelay $0x3  }
0x94: {  	_ =	strace s2  }
0x95: {  	s2 =	sld [smem:$0x3FFD];
	_ =	sdelay $0x3  }
0x96: {  	_ =	strace s2  }
0x97: {  	_ =	strace $0x8FFFFFFF  }
0x98: {  	s18 =	sld [smem:$0x3FDB];
	_ =	sdelay $0x1  }
0x99: {  	s19 =	simm.s32 $_scs_section_size  }
0x9a: {  	s4 =	simm.s32 $_size__tile_overlayer_lowered;
	s5 =	simm.s32 $_tile_overlayer_lowered  }
0x9b: {  	s22 =	simm.s32 $0x1BFF;
	s21 =	sshll.u32 s5, $0x1;
	s2 =	sadd.s32 s19, s18  }
0x9c: {  	s6 =	simm.s32 $0x0;
	s20 =	sshll.u32 s4, $0x1;
	s4 =	sadd.s32 s21, s2  }
0x9d: {  	[timem:s6], [sflag:s22] =	dma.local [hbm:s4], s20  }
0x9e: {  	_ =	swait.ge [sflag:s22], s20  }
0x9f: {  	s3 =	ssub.s32 $0x0, s20;
	[sflag:s22] =	ssyncset.done $0x0  }
0xa0: {  	[sflag:s22] =	ssyncadd.s32 s3;
	_ =	sdelay $0x1  }
0xa1: {  	s23 =	simm.s32 $0x1B8B  }
0xa2: {  	_ =	swait.ge [sflag:s23], $0x1  }
0xa3: {  	[sflag:s23] =	ssyncset.done $0x0  }
0xa4: {  	s25 =	simm.s32 $0x1B8E;
	s24 =	sld [smem:$0x3FFE];
	[sflag:s23] =	ssyncadd.s32 $0xFFFFFFFF  }
0xa5: {  	s26 =	simm.s32 $execute0_lowered;
	[smem:$0x3FD2] =	sst s25  }
0xa6: {  	s4 =	sshll.u32 s26, $0x1;
	_ =	strace $0x8000005B;
	[dreg:$0x1] =	wrdreg $0xFFFFFFFF  }
0xa7: {  	s28 =	simm.s32 $_size_execute0_lowered;
	s2 =	sadd.s32 s2, s4;
	[dreg:$0x0] =	wrdreg $0x0  }
0xa8: {  	s4 =	sshll.u32 s28, $0x1;
	[dreg:$0x2] =	wrdreg s2  }
0xa9: {  	[dreg:$0x3] =	wrdreg s4  }
0xaa: {  	[dreg:$0x4] =	wrdreg $0xC0  }
0xab: {  	_ =	task [dreg:s6], $0x5FFFF  }
0xac: {  	[dreg:$0x1] =	wrdreg $0xFFFFFFFF  }
0xad: {  	[dreg:$0x0] =	wrdreg $0x60  }
0xae: {  	[dreg:$0x2] =	wrdreg s24  }
0xaf: {  	[dreg:$0x3] =	wrdreg $0x9  }
0xb0: {  	_ =	task.clear_ibuf [dreg:s6], $0x4FFFF;
	_ =	strace $0x9000005B  }
0xb1: {  	s29 =	simm.s32 $0x9;
	_ =	strace $0x8000005D  }
0xb2: {  	_ =	swait.ge [sflag:s29], $0x1  }
0xb3: {  	[sflag:s29] =	ssyncadd.s32 $0xFFFFFFFF  }
0xb4: {  	_ =	strace $0x9000005D  }
0xb5: {  	_ =	sfence  }
0xb6: {  	s30 =	sld [smem:$0x0];
	_ =	sdelay $0x2  }
0xb7: {  	s31 =	sshll.u32 s1, $0xD;
	s1 =	sshrl.u32 s1, $0x2  }
0xb8: {  	s3 =	sand.u32 $0x4000, s31;
	s1 =	sadd.s32 s1, s30  }
0xb9: {  	s0 =	sor.u32 s3, s0;
	s1 =	sshll.u32 s1, $0x11  }
0xba: {  	s0 =	sor.u32 s1, s0  }
0xbb: {  	s0 =	sadd.s32 $0x8F2B, s0  }
0xbc: {  	[sflag:s0] =	ssyncadd.remote.s32 $0x1  }
0xbd: {  	_ =	sfence.sel $0xFFFF  }
0xbe: {  	[dreg:$0x0] =	wrdreg $0xFFFFFFFF;
	(pc) =	sbr.abs _section_cstart, $3  }
0xbf: {  	[dreg:$0x1] =	wrdreg $0xFFFFFFFF  }
0xc0: {  	_ =	task.clear_ibuf [dreg:s6], $0x2FFFF;
	_ =	strace $0x9FFFFFFF  }
0xc1: {  	(tm) =	ssettm $0x7FFFFFFF  }
tec
execute0_lowered:
.L_overlay_start_1:
0x0: {  	(tag) =	ssettag $0x1  }
0x1: {  	s4 =	rddreg [dreg:$0x0]  }
0x2: {  	s0 =	rddreg [dreg:$0x1];
	s2 =	simm.s32 $0x0;
	s1 =	stileid.u32  }
0x3: {  	s3 =	srdreg.scid;
	s10 =	simm.s32 $0x0;
	s6 =	smul.u32 $0x1900, s1  }
0x4: {  	[smem:$0x7FF] =	sst s2;
	s5 =	sand.u32 $0x1, s3;
	s8 =	smul.u32 $0x19000, s1  }
0x5: {  	s3 =	sadd.s32 $0x4AA600, s4;
	s7 =	smul.u32 $0xC80, s5;
	s9 =	ssub.s32 $0x2, s5  }
0x6: {  	_ =	strace $0x8000005C;
	s5 =	smul.u32 $0xC800, s5;
	s31 =	sshrl.u32 s9, $0x1  }
0x7: {  	s8 =	sadd.s32 s8, s4;
	s6 =	sadd.s32 s7, s6;
	s7 =	ssub.s32 s9, s31  }
0x8: {  	s5 =	sadd.s32 s5, s8;
	s8 =	simm.s32 $0x80;
	s6 =	sshrl.u32 s6, $0x3  }
0x9: {  	s9 =	simm.s32 $0x1;
	s5 =	sadd.s32 $0x634200, s5;
	s6 =	sadd.s32 s6, s4  }
0xa: {  	s4 =	smax.u32 s7, $0x1;
	s7 =	simm.s32 $0x2;
	s6 =	sadd.s32 $0x631000, s6  }
.LBB2_1:
0xb: {  	s11 =	sadd.s32 $0x0, s6  }
0xc: {  	[tilespmem:s2], [sflag:$0x2] =	stream.linear.gather [hbm4b:s11+s2], $0x80, $0x38;
	[tilespmem:$0x4080] =	vst v63  }
0xd: {  	_ =	swait.ge [sflag:s7], $0x80  }
0xe: {  	[sflag:s7] =	ssyncset.done $0x0  }
0xf: {  	[sflag:s7] =	ssyncadd.s32 $0xFFFFFF80  }
0x10: {  	[tilespmem:s8], [sflag:$0x1] =	stream.indirect.gather [hbm4b:s3+s8], $0x80, s2, s8, $0xb8;
	[tilespmem:$0x4080] =	vst v63  }
0x11: {  	_ =	swait.ge [sflag:s9], $0x4000  }
0x12: {  	[sflag:s9] =	ssyncset.done $0x0  }
0x13: {  	[sflag:s9] =	ssyncadd.s32 $0xFFFFC000  }
0x14: {  	[hbm4b:s5+s2] =	stream.linear.scatter [tilespmem:s8], [sflag:$0x2], $0x4000, $0x38;
	[tilespmem:$0x4080] =	vst v63  }
0x15: {  	s12 =	simm.s32 $0x10;
	_ =	swait.ge [sflag:s7], $0x4000  }
0x16: {  	s13 =	simm.s32 $0x20;
	s11 =	sadd.s32 $0x800, s5;
	[sflag:s7] =	ssyncset.done $0x0  }
.LBB2_2:
0x17: {  	s14 =	sadd.s32 s12, s6  }
0x18: {  	[sflag:s7] =	ssyncadd.s32 $0xFFFFC000;
	s12 =	smov.u32 s13;
	s15 =	sadd.s32 $0x10, s13  }
0x19: {  	[tilespmem:s2], [sflag:$0x2] =	stream.linear.gather [hbm4b:s14+s2], $0x80, $0x38;
	[tilespmem:$0x4080] =	vst v63  }
0x1a: {  	p0 =	sne.s32 s13, $0x180;
	_ =	swait.ge [sflag:s7], $0x80  }
0x1b: {  	[sflag:s7] =	ssyncset.done $0x0  }
0x1c: {  	[sflag:s7] =	ssyncadd.s32 $0xFFFFFF80  }
0x1d: {  	[tilespmem:s8], [sflag:$0x1] =	stream.indirect.gather [hbm4b:s3+s8], $0x80, s2, s8, $0xb8;
	[tilespmem:$0x4080] =	vst v63  }
0x1e: {  	_ =	swait.ge [sflag:s9], $0x4000  }
.Ltmp0:
0x1f: {  	[sflag:s9] =	ssyncset.done $0x0;
	(pc) =	sbr.rel @p0 .LBB2_2-.Ltmp0, $4  }
0x20: {  	[sflag:s9] =	ssyncadd.s32 $0xFFFFC000  }
0x21: {  	[hbm4b:s11+s2] =	stream.linear.scatter [tilespmem:s8], [sflag:$0x2], $0x4000, $0x38;
	[tilespmem:$0x4080] =	vst v63  }
0x22: {  	_ =	swait.ge [sflag:s7], $0x4000  }
0x23: {  	s13 =	smov.u32 s15;
	s11 =	sadd.s32 $0x800, s11;
	[sflag:s7] =	ssyncset.done $0x0  }
0x24: {  	s12 =	sadd.s32 s12, s6;
	[sflag:s7] =	ssyncadd.s32 $0xFFFFC000  }
0x25: {  	[tilespmem:s2], [sflag:$0x2] =	stream.linear.gather [hbm4b:s12+s2], $0x80, $0x38;
	[tilespmem:$0x4080] =	vst v63  }
0x26: {  	_ =	swait.ge [sflag:s7], $0x80  }
0x27: {  	[sflag:s7] =	ssyncset.done $0x0  }
0x28: {  	[sflag:s7] =	ssyncadd.s32 $0xFFFFFF80  }
0x29: {  	[tilespmem:s8], [sflag:$0x1] =	stream.indirect.gather [hbm4b:s3+s8], $0x80, s2, s8, $0xb8;
	[tilespmem:$0x4080] =	vst v63  }
0x2a: {  	s10 =	sadd.s32 $0x1, s10;
	_ =	swait.ge [sflag:s9], $0x4000  }
0x2b: {  	p0 =	sne.s32 s10, s4;
	[sflag:s9] =	ssyncset.done $0x0  }
.Ltmp1:
0x2c: {  	[sflag:s9] =	ssyncadd.s32 $0xFFFFC000;
	(pc) =	sbr.rel @p0 .LBB2_1-.Ltmp1, $4  }
0x2d: {  	[hbm4b:s11+s2] =	stream.linear.scatter [tilespmem:s8], [sflag:$0x2], $0x4000, $0x38;
	[tilespmem:$0x4080] =	vst v63  }
0x2e: {  	_ =	swait.ge [sflag:s7], $0x4000  }
0x2f: {  	[sflag:s7] =	ssyncset.done $0x0  }
0x30: {  	[sflag:s7] =	ssyncadd.s32 $0xFFFFC000  }
0x31: {  	_ =	sfence.sel $0x180000  }
0x32: {  	[bflag:$0x0] =	sbarrier.arrive $0xFFFF  }
0x33: {  	p0 =	sne.s32 s1, $0x0;
	_ =	strace $0x9000005C  }
0x34: {  	s0 =	sadd.s32 @!p0 $0x100000, s0;
	[bflag:$0x2] =	sbarrier.arrive $0xFFFF  }
0x35: {  	[sflag:s0] =	ssyncadd.tile.s32 @!p0 $0x1;
	_ =	shalt  }
.Lfunc_end2:
_tile_overlayer_lowered:
.L_overlay_start_2:
0x36: {  	(tag) =	ssettag $0x2  }
0x37: {  	s0 =	rddreg [dreg:$0x0];
	s2 =	stileid.u32  }
0x38: {  	s1 =	rddreg [dreg:$0x1];
	p0 =	sne.s32 s2, $0x0  }
0x39: {  	s3 =	rddreg [dreg:$0x2];
	[bflag:$0x3] =	sbarrier.arrive $0xFFFF;
	s2 =	simm.s32 @!p0 $0x1C02  }
0x3a: {  	[timem:s3], [sflag:s2] =	dma.local @!p0 [hbm:s0], s1  }
0x3b: {  	s0 =	simm.s32 @!p0 $0x2  }
0x3c: {  	_ =	swait.ge @!p0 [sflag:s0], s1  }
0x3d: {  	s1 =	ssub.s32 @!p0 $0x0, s1;
	[sflag:s0] =	ssyncset.done @!p0 $0x0  }
0x3e: {  	[sflag:s0] =	ssyncadd.s32 @!p0 s1  }
0x3f: {  	[bflag:$0x3] =	sbarrier.arrive $0xFFFF  }
0x40: {  	_ =	shalt  }

// kernel: kernel.39.cloned.1.call-start
scs
__scs_entry_jumppad:
0x0: {  	(pc) =	sbr.rel $0x88, $3  }
0x1: {  	(tag) =	ssettag $0x0;
	lr =	simm.s32 $0x1  }
0x2: {  	[smem:$0x3F6A] =	sst lr;
	_ =	strace $0xD0000000  }
0x3: {  	_ = 	snop  }
0x4: {  	_ = 	snop  }
0x5: {  	_ = 	snop  }
0x6: {  	_ = 	snop  }
0x7: {  	_ = 	snop  }
__scs_overlays_trampoline_lowered:
0x8: {  	[smem:$0x3F79] =	sst s0  }
0x9: {  	[smem:$0x3F7A] =	sst s1  }
0xa: {  	[smem:$0x3F7B] =	sst s2  }
0xb: {  	[smem:$0x3F7C] =	sst s3  }
0xc: {  	[smem:$0x3F7D] =	sst s4  }
0xd: {  	[smem:$0x3F7E] =	sst s5  }
0xe: {  	[smem:$0x3F7F] =	sst s6  }
0xf: {  	[smem:$0x3F80] =	sst s7  }
0x10: {  	[smem:$0x3F81] =	sst s8  }
0x11: {  	[smem:$0x3F82] =	sst s9;
	s0 =	simm.s32 @!p0 $0x0  }
0x12: {  	s1 =	sld [smem:$0x3F68];
	s0 =	simm.s32 @p0 $0x1  }
0x13: {  	[smem:$0x3F83] =	sst s0;
	s0 =	simm.s32 @!p1 $0x0  }
0x14: {  	s2 =	sld [smem:$0x3F67];
	s0 =	simm.s32 @p1 $0x1  }
0x15: {  	[smem:$0x3F84] =	sst s0;
	s0 =	simm.s32 @!p2 $0x0  }
0x16: {  	s3 =	sld [smem:$0x3FDB];
	s0 =	simm.s32 @p2 $0x1  }
0x17: {  	s4 =	simm.s32 $0x1BF5;
	[smem:$0x3F86] =	sst s0  }
0x18: {  	s0 =	sld [smem:$0x3F69];
	_ =	swait.ge [sflag:s4], $0x0  }
0x19: {  	s7 =	sld [smem:$0x3F6A]  }
0x1a: {  	s8 =	sadd.s32 $0xFFFFE003, lr  }
0x1b: {  	s9 =	sadd.s32 $0xFFFFFEF7, lr;
	s5 =	simm.s32 $0xFFFFFFFF;
	p2 =	slt.u32 s8, $0xFFFFF086  }
0x1c: {  	p1 =	slt.u32 s9, $0xF7A;
	s5 =	simm.s32 @!p2 $0x0  }
0x1d: {  	s5 =	simm.s32 @p1 $0x1;
	p0 =	seq.s32 s7, s2  }
0x1e: {  	s7 =	smul.u32 @!p0 $0xF7A, s2;
	p2 =	seq.s32 @!p0 s5, $0x0  }
0x1f: {  	s9 =	smul.u32 $0xF7A, s1;
	s8 =	simm.s32 @!p0 $0x1BF5;
	p2 =	por !p2, p0  }
0x20: {  	[sflag:s8] =	ssyncset.s32 @!p0 $0xFFFFF086;
	s6 =	sadd.s32 @!p0 s3, s7;
	s7 =	simm.s32 @!p0 $0x108  }
0x21: {  	s3 =	sadd.s32 s3, s9;
	s6 =	sadd.s32 @!p0 $0x88, s6;
	s7 =	simm.s32 @p2 $0x1082  }
0x22: {  	[simem:s7], [sflag:s8] =	dma.local @!p0 [hbm:s6], $0xF7A  }
0x23: {  	s9 =	sor.u32 $0xD0000000, s2;
	s6 =	simm.s32 $0x108;
	_ =	swait.ge @!p0 [sflag:s8], $0x0  }
0x24: {  	s3 =	sadd.s32 $0x88, s3;
	s6 =	simm.s32 @!p1 $0x1082;
	[sflag:s4] =	ssyncset.s32 $0xFFFFF086  }
0x25: {  	[simem:s6], [sflag:s4] =	dma.local [hbm:s3], $0xF7A  }
0x26: {  	[smem:$0x3F6A] =	sst s1;
	(tag) =	ssettag s2;
	_ =	strace s9  }
0x27: {  	s1 =	sld [smem:$0x3F7A]  }
0x28: {  	s2 =	sld [smem:$0x3F7B]  }
0x29: {  	s4 =	sld [smem:$0x3F7D]  }
0x2a: {  	p0 =	seq.s32 s5, $0x0;
	s5 =	sld [smem:$0x3F7E]  }
0x2b: {  	s6 =	sld [smem:$0x3F7F]  }
0x2c: {  	s7 =	sld [smem:$0x3F80]  }
0x2d: {  	s3 =	simm.s32 $0x108;
	s8 =	sld [smem:$0x3F81]  }
0x2e: {  	s3 =	simm.s32 @!p0 $0x1082;
	s9 =	sld [smem:$0x3F82]  }
0x2f: {  	lr =	sadd.s32 s0, s3;
	s0 =	sld [smem:$0x3F79]  }
0x30: {  	s3 =	sld [smem:$0x3F7C]  }
0x31: {  	[smem:$0x3F85] =	sst s10  }
0x32: {  	s10 =	sld [smem:$0x3F83];
	_ =	sdelay $0x3  }
0x33: {  	p0 =	seq.s32 s10, $0x1;
	s10 =	sld [smem:$0x3F85];
	_ =	sdelay $0x3  }
0x34: {  	[smem:$0x3F85] =	sst s10  }
0x35: {  	s10 =	sld [smem:$0x3F84];
	_ =	sdelay $0x3  }
0x36: {  	p1 =	seq.s32 s10, $0x1;
	s10 =	sld [smem:$0x3F85];
	_ =	sdelay $0x3  }
0x37: {  	[smem:$0x3F85] =	sst s10  }
0x38: {  	s10 =	sld [smem:$0x3F86]  }
0x39: {  	_ = 	snop;
	(pc) =	sbr.ind lr, $3  }
0x3a: {  	_ = 	snop  }
0x3b: {  	_ = 	snop  }
0x3c: {  	p2 =	seq.s32 s10, $0x1;
	s10 =	sld [smem:$0x3F85]  }
0x3d: {  	_ =	shalt  }
0x3e: {  	_ =	shalt  }
0x3f: {  	_ =	shalt  }
0x40: {  	_ =	shalt  }
0x41: {  	_ =	shalt  }
0x42: {  	_ =	shalt  }
0x43: {  	_ =	shalt  }
0x44: {  	_ =	shalt  }
0x45: {  	_ =	shalt  }
0x46: {  	_ =	shalt  }
0x47: {  	_ =	shalt  }
0x48: {  	_ =	shalt  }
0x49: {  	_ =	shalt  }
0x4a: {  	_ =	shalt  }
0x4b: {  	_ =	shalt  }
0x4c: {  	_ =	shalt  }
0x4d: {  	_ =	shalt  }
0x4e: {  	_ =	shalt  }
0x4f: {  	_ =	shalt  }
0x50: {  	_ =	shalt  }
0x51: {  	_ =	shalt  }
0x52: {  	_ =	shalt  }
0x53: {  	_ =	shalt  }
0x54: {  	_ =	shalt  }
0x55: {  	_ =	shalt  }
0x56: {  	_ =	shalt  }
0x57: {  	_ =	shalt  }
0x58: {  	_ =	shalt  }
0x59: {  	_ =	shalt  }
0x5a: {  	_ =	shalt  }
0x5b: {  	_ =	shalt  }
0x5c: {  	_ =	shalt  }
0x5d: {  	_ =	shalt  }
0x5e: {  	_ =	shalt  }
0x5f: {  	_ =	shalt  }
0x60: {  	_ =	shalt  }
0x61: {  	_ =	shalt  }
0x62: {  	_ =	shalt  }
0x63: {  	_ =	shalt  }
0x64: {  	_ =	shalt  }
0x65: {  	_ =	shalt  }
0x66: {  	_ =	shalt  }
0x67: {  	_ =	shalt  }
0x68: {  	_ =	shalt  }
0x69: {  	_ =	shalt  }
0x6a: {  	_ =	shalt  }
0x6b: {  	_ =	shalt  }
0x6c: {  	_ =	shalt  }
0x6d: {  	_ =	shalt  }
0x6e: {  	_ =	shalt  }
0x6f: {  	_ =	shalt  }
0x70: {  	_ =	shalt  }
0x71: {  	_ =	shalt  }
0x72: {  	_ =	shalt  }
0x73: {  	_ =	shalt  }
0x74: {  	_ =	shalt  }
0x75: {  	_ =	shalt  }
0x76: {  	_ =	shalt  }
0x77: {  	_ =	shalt  }
0x78: {  	_ =	shalt  }
0x79: {  	_ =	shalt  }
0x7a: {  	_ =	shalt  }
0x7b: {  	_ =	shalt  }
0x7c: {  	_ =	shalt  }
0x7d: {  	_ =	shalt  }
0x7e: {  	_ =	shalt  }
0x7f: {  	_ =	shalt  }
0x80: {  	_ =	shalt  }
0x81: {  	_ =	shalt  }
0x82: {  	_ =	shalt  }
0x83: {  	_ =	shalt  }
0x84: {  	_ =	shalt  }
0x85: {  	_ =	shalt  }
0x86: {  	_ =	shalt  }
0x87: {  	_ =	shalt  }
.Lfunc_end0:
.L_simem_size_0:
called_computation.8_lowered:
.L_overlay_start_0:
0x88: {  	s2 =	sld [smem:$0x3FD9]  }
0x89: {  	s3 =	sld [smem:$0x3FFE];
	_ =	sdelay $0x1  }
0x8a: {  	s1 =	srdreg.scid  }
0x8b: {  	s0 =	sand.u32 $0x1, s1  }
0x8c: {  	s16 =	sshll.u32 s0, $0xA;
	s2 =	sadd.s32 s3, s2  }
0x8d: {  	s2 =	sadd.s32 s2, s16  }
0x8e: {  	[smem:$0x3F91] =	sst s2  }
0x8f: {  	_ = 	snop  }
0x90: {  	(tm) =	ssettm $0x1  }
0x91: {  	s17 =	sld [smem:$0x3FFB];
	_ =	sdelay $0x3  }
0x92: {  	_ =	strace s17  }
0x93: {  	s2 =	sld [smem:$0x3FFC];
	_ =	sdelay $0x3  }
0x94: {  	_ =	strace s2  }
0x95: {  	s2 =	sld [smem:$0x3FFD];
	_ =	sdelay $0x3  }
0x96: {  	_ =	strace s2  }
0x97: {  	_ =	strace $0x8FFFFFFF  }
0x98: {  	s18 =	sld [smem:$0x3FDB];
	_ =	sdelay $0x1  }
0x99: {  	s19 =	simm.s32 $_scs_section_size  }
0x9a: {  	s4 =	simm.s32 $_size__tile_overlayer_lowered;
	s5 =	simm.s32 $_tile_overlayer_lowered  }
0x9b: {  	s22 =	simm.s32 $0x1BFF;
	s21 =	sshll.u32 s5, $0x1;
	s2 =	sadd.s32 s19, s18  }
0x9c: {  	s6 =	simm.s32 $0x0;
	s20 =	sshll.u32 s4, $0x1;
	s4 =	sadd.s32 s21, s2  }
0x9d: {  	[timem:s6], [sflag:s22] =	dma.local [hbm:s4], s20  }
0x9e: {  	_ =	swait.ge [sflag:s22], s20  }
0x9f: {  	s3 =	ssub.s32 $0x0, s20;
	[sflag:s22] =	ssyncset.done $0x0  }
0xa0: {  	[sflag:s22] =	ssyncadd.s32 s3;
	_ =	sdelay $0x1  }
0xa1: {  	s23 =	simm.s32 $0x1B8B  }
0xa2: {  	_ =	swait.ge [sflag:s23], $0x1  }
0xa3: {  	[sflag:s23] =	ssyncset.done $0x0  }
0xa4: {  	s25 =	simm.s32 $0x1B8E;
	s24 =	sld [smem:$0x3FFE];
	[sflag:s23] =	ssyncadd.s32 $0xFFFFFFFF  }
0xa5: {  	s26 =	simm.s32 $execute0_lowered;
	[smem:$0x3FD2] =	sst s25  }
0xa6: {  	s4 =	sshll.u32 s26, $0x1;
	_ =	strace $0x8000005E;
	[dreg:$0x1] =	wrdreg $0xFFFFFFFF  }
0xa7: {  	s28 =	simm.s32 $_size_execute0_lowered;
	s2 =	sadd.s32 s2, s4;
	[dreg:$0x0] =	wrdreg $0x0  }
0xa8: {  	s4 =	sshll.u32 s28, $0x1;
	[dreg:$0x2] =	wrdreg s2  }
0xa9: {  	[dreg:$0x3] =	wrdreg s4  }
0xaa: {  	[dreg:$0x4] =	wrdreg $0xC0  }
0xab: {  	_ =	task [dreg:s6], $0x5FFFF  }
0xac: {  	[dreg:$0x1] =	wrdreg $0xFFFFFFFF  }
0xad: {  	[dreg:$0x0] =	wrdreg $0x60  }
0xae: {  	[dreg:$0x2] =	wrdreg s24  }
0xaf: {  	[dreg:$0x3] =	wrdreg $0x9  }
0xb0: {  	_ =	task.clear_ibuf [dreg:s6], $0x4FFFF;
	_ =	strace $0x9000005E  }
0xb1: {  	s29 =	simm.s32 $0x9;
	_ =	strace $0x80000060  }
0xb2: {  	_ =	swait.ge [sflag:s29], $0x1  }
0xb3: {  	[sflag:s29] =	ssyncadd.s32 $0xFFFFFFFF  }
0xb4: {  	_ =	strace $0x90000060  }
0xb5: {  	_ =	sfence  }
0xb6: {  	s30 =	sld [smem:$0x0];
	_ =	sdelay $0x2  }
0xb7: {  	s31 =	sshll.u32 s1, $0xD;
	s1 =	sshrl.u32 s1, $0x2  }
0xb8: {  	s3 =	sand.u32 $0x4000, s31;
	s1 =	sadd.s32 s1, s30  }
0xb9: {  	s0 =	sor.u32 s3, s0;
	s1 =	sshll.u32 s1, $0x11  }
0xba: {  	s0 =	sor.u32 s1, s0  }
0xbb: {  	s0 =	sadd.s32 $0x8F2B, s0  }
0xbc: {  	[sflag:s0] =	ssyncadd.remote.s32 $0x1  }
0xbd: {  	_ =	sfence.sel $0xFFFF  }
0xbe: {  	[dreg:$0x0] =	wrdreg $0xFFFFFFFF;
	(pc) =	sbr.abs _section_cstart, $3  }
0xbf: {  	[dreg:$0x1] =	wrdreg $0xFFFFFFFF  }
0xc0: {  	_ =	task.clear_ibuf [dreg:s6], $0x2FFFF;
	_ =	strace $0x9FFFFFFF  }
0xc1: {  	(tm) =	ssettm $0x7FFFFFFF  }
tec
execute0_lowered:
.L_overlay_start_1:
0x0: {  	(tag) =	ssettag $0x1  }
0x1: {  	s4 =	rddreg [dreg:$0x0]  }
0x2: {  	s0 =	rddreg [dreg:$0x1]  }
0x3: {  	s3 =	srdreg.scid;
	s1 =	stileid.u32;
	s2 =	simm.s32 $0x0  }
0x4: {  	s10 =	simm.s32 $0x1;
	s11 =	simm.s32 $0x0;
	s6 =	smul.u32 $0x1900, s1  }
0x5: {  	s5 =	sand.u32 $0x1, s3;
	[smem:$0x7FF] =	sst s2;
	s8 =	smul.u32 $0x19000, s1  }
0x6: {  	s3 =	sadd.s32 $0x634200, s4;
	s7 =	smul.u32 $0xC80, s5;
	s9 =	ssub.s32 $0x2, s5  }
0x7: {  	_ =	strace $0x8000005F;
	s5 =	smul.u32 $0xC800, s5;
	s31 =	sshrl.u32 s9, $0x1  }
0x8: {  	s30 =	sadd.s32 s8, s4;
	s6 =	sadd.s32 s7, s6;
	s8 =	ssub.s32 s9, s31  }
0x9: {  	s7 =	sadd.s32 s5, s30;
	s9 =	simm.s32 $0x80;
	s6 =	sshrl.u32 s6, $0x2  }
0xa: {  	s5 =	sadd.s32 $0x95A600, s7;
	s7 =	sadd.s32 $0xAEA600, s7;
	s6 =	sadd.s32 s6, s4  }
0xb: {  	s4 =	smax.u32 s8, $0x1;
	s8 =	simm.s32 $0x2;
	s6 =	sadd.s32 $0x7C4200, s6  }
.LBB2_1:
0xc: {  	s12 =	sadd.s32 $0x0, s6  }
0xd: {  	[tilespmem:s2], [sflag:$0x2] =	stream.linear.gather [hbm4b:s12+s2], $0x80, $0x38;
	[tilespmem:$0x4080] =	vst v63  }
0xe: {  	_ =	swait.ge [sflag:s8], $0x80  }
0xf: {  	[sflag:s8] =	ssyncset.done $0x0  }
0x10: {  	[sflag:s8] =	ssyncadd.s32 $0xFFFFFF80  }
0x11: {  	[tilespmem:s9], [sflag:$0x1] =	stream.indirect.gather [hbm4b:s3+s9], $0x80, s2, s9, $0xb8;
	[tilespmem:$0x4080] =	vst v63  }
0x12: {  	_ =	swait.ge [sflag:s10], $0x4000  }
0x13: {  	[sflag:s10] =	ssyncset.done $0x0  }
0x14: {  	[sflag:s10] =	ssyncadd.s32 $0xFFFFC000  }
0x15: {  	[hbm4b:s5+s2] =	stream.linear.scatter [tilespmem:s9], [sflag:$0x2], $0x4000, $0x38;
	[tilespmem:$0x4080] =	vst v63  }
0x16: {  	s13 =	simm.s32 $0x20;
	_ =	swait.ge [sflag:s8], $0x4000  }
0x17: {  	s14 =	simm.s32 $0x40;
	s12 =	sadd.s32 $0x800, s5;
	[sflag:s8] =	ssyncset.done $0x0  }
.LBB2_2:
0x18: {  	s15 =	sadd.s32 s13, s6  }
0x19: {  	[sflag:s8] =	ssyncadd.s32 $0xFFFFC000;
	s13 =	smov.u32 s14;
	s16 =	sadd.s32 $0x20, s14  }
0x1a: {  	[tilespmem:s2], [sflag:$0x2] =	stream.linear.gather [hbm4b:s15+s2], $0x80, $0x38;
	[tilespmem:$0x4080] =	vst v63  }
0x1b: {  	p0 =	sne.s32 s14, $0x300;
	_ =	swait.ge [sflag:s8], $0x80  }
0x1c: {  	[sflag:s8] =	ssyncset.done $0x0  }
0x1d: {  	[sflag:s8] =	ssyncadd.s32 $0xFFFFFF80  }
0x1e: {  	[tilespmem:s9], [sflag:$0x1] =	stream.indirect.gather [hbm4b:s3+s9], $0x80, s2, s9, $0xb8;
	[tilespmem:$0x4080] =	vst v63  }
0x1f: {  	_ =	swait.ge [sflag:s10], $0x4000  }
.Ltmp0:
0x20: {  	[sflag:s10] =	ssyncset.done $0x0;
	(pc) =	sbr.rel @p0 .LBB2_2-.Ltmp0, $4  }
0x21: {  	[sflag:s10] =	ssyncadd.s32 $0xFFFFC000  }
0x22: {  	[hbm4b:s12+s2] =	stream.linear.scatter [tilespmem:s9], [sflag:$0x2], $0x4000, $0x38;
	[tilespmem:$0x4080] =	vst v63  }
0x23: {  	_ =	swait.ge [sflag:s8], $0x4000  }
0x24: {  	s14 =	smov.u32 s16;
	s12 =	sadd.s32 $0x800, s12;
	[sflag:s8] =	ssyncset.done $0x0  }
0x25: {  	s13 =	sadd.s32 s13, s6;
	[sflag:s8] =	ssyncadd.s32 $0xFFFFC000  }
0x26: {  	[tilespmem:s2], [sflag:$0x2] =	stream.linear.gather [hbm4b:s13+s2], $0x80, $0x38;
	[tilespmem:$0x4080] =	vst v63  }
0x27: {  	_ =	swait.ge [sflag:s8], $0x80  }
0x28: {  	[sflag:s8] =	ssyncset.done $0x0  }
0x29: {  	[sflag:s8] =	ssyncadd.s32 $0xFFFFFF80  }
0x2a: {  	[tilespmem:s9], [sflag:$0x1] =	stream.indirect.gather [hbm4b:s3+s9], $0x80, s2, s9, $0xb8;
	[tilespmem:$0x4080] =	vst v63  }
0x2b: {  	_ =	swait.ge [sflag:s10], $0x4000  }
0x2c: {  	[sflag:s10] =	ssyncset.done $0x0  }
0x2d: {  	[sflag:s10] =	ssyncadd.s32 $0xFFFFC000  }
0x2e: {  	[hbm4b:s12+s2] =	stream.linear.scatter [tilespmem:s9], [sflag:$0x2], $0x4000, $0x38;
	[tilespmem:$0x4080] =	vst v63  }
0x2f: {  	_ =	swait.ge [sflag:s8], $0x4000  }
0x30: {  	[sflag:s8] =	ssyncset.done $0x0  }
0x31: {  	s31 =	sadd.s32 $0x10, s6;
	[sflag:s8] =	ssyncadd.s32 $0xFFFFC000  }
0x32: {  	[tilespmem:s2], [sflag:$0x2] =	stream.linear.gather [hbm4b:s31+s2], $0x80, $0x38;
	[tilespmem:$0x4080] =	vst v63  }
0x33: {  	_ =	swait.ge [sflag:s8], $0x80  }
0x34: {  	[sflag:s8] =	ssyncset.done $0x0  }
0x35: {  	[sflag:s8] =	ssyncadd.s32 $0xFFFFFF80  }
0x36: {  	[tilespmem:s9], [sflag:$0x1] =	stream.indirect.gather [hbm4b:s3+s9], $0x80, s2, s9, $0xb8;
	[tilespmem:$0x4080] =	vst v63  }
0x37: {  	_ =	swait.ge [sflag:s10], $0x4000  }
0x38: {  	[sflag:s10] =	ssyncset.done $0x0  }
0x39: {  	[sflag:s10] =	ssyncadd.s32 $0xFFFFC000  }
0x3a: {  	[hbm4b:s7+s2] =	stream.linear.scatter [tilespmem:s9], [sflag:$0x2], $0x4000, $0x38;
	[tilespmem:$0x4080] =	vst v63  }
0x3b: {  	s14 =	simm.s32 $0x50;
	_ =	swait.ge [sflag:s8], $0x4000  }
0x3c: {  	s13 =	simm.s32 $0x30;
	s12 =	sadd.s32 $0x800, s7;
	[sflag:s8] =	ssyncset.done $0x0  }
.LBB2_4:
0x3d: {  	s15 =	sadd.s32 s13, s6  }
0x3e: {  	[sflag:s8] =	ssyncadd.s32 $0xFFFFC000;
	s13 =	smov.u32 s14;
	s16 =	sadd.s32 $0x20, s14  }
0x3f: {  	[tilespmem:s2], [sflag:$0x2] =	stream.linear.gather [hbm4b:s15+s2], $0x80, $0x38;
	[tilespmem:$0x4080] =	vst v63  }
0x40: {  	p0 =	sne.s32 s14, $0x310;
	_ =	swait.ge [sflag:s8], $0x80  }
0x41: {  	[sflag:s8] =	ssyncset.done $0x0  }
0x42: {  	[sflag:s8] =	ssyncadd.s32 $0xFFFFFF80  }
0x43: {  	[tilespmem:s9], [sflag:$0x1] =	stream.indirect.gather [hbm4b:s3+s9], $0x80, s2, s9, $0xb8;
	[tilespmem:$0x4080] =	vst v63  }
0x44: {  	_ =	swait.ge [sflag:s10], $0x4000  }
.Ltmp1:
0x45: {  	[sflag:s10] =	ssyncset.done $0x0;
	(pc) =	sbr.rel @p0 .LBB2_4-.Ltmp1, $4  }
0x46: {  	[sflag:s10] =	ssyncadd.s32 $0xFFFFC000  }
0x47: {  	[hbm4b:s12+s2] =	stream.linear.scatter [tilespmem:s9], [sflag:$0x2], $0x4000, $0x38;
	[tilespmem:$0x4080] =	vst v63  }
0x48: {  	_ =	swait.ge [sflag:s8], $0x4000  }
0x49: {  	s14 =	smov.u32 s16;
	s12 =	sadd.s32 $0x800, s12;
	[sflag:s8] =	ssyncset.done $0x0  }
0x4a: {  	s13 =	sadd.s32 s13, s6;
	[sflag:s8] =	ssyncadd.s32 $0xFFFFC000  }
0x4b: {  	[tilespmem:s2], [sflag:$0x2] =	stream.linear.gather [hbm4b:s13+s2], $0x80, $0x38;
	[tilespmem:$0x4080] =	vst v63  }
0x4c: {  	_ =	swait.ge [sflag:s8], $0x80  }
0x4d: {  	[sflag:s8] =	ssyncset.done $0x0  }
0x4e: {  	[sflag:s8] =	ssyncadd.s32 $0xFFFFFF80  }
0x4f: {  	[tilespmem:s9], [sflag:$0x1] =	stream.indirect.gather [hbm4b:s3+s9], $0x80, s2, s9, $0xb8;
	[tilespmem:$0x4080] =	vst v63  }
0x50: {  	s11 =	sadd.s32 $0x1, s11;
	_ =	swait.ge [sflag:s10], $0x4000  }
0x51: {  	p0 =	sne.s32 s11, s4;
	[sflag:s10] =	ssyncset.done $0x0  }
.Ltmp2:
0x52: {  	[sflag:s10] =	ssyncadd.s32 $0xFFFFC000;
	(pc) =	sbr.rel @p0 .LBB2_1-.Ltmp2, $4  }
0x53: {  	[hbm4b:s12+s2] =	stream.linear.scatter [tilespmem:s9], [sflag:$0x2], $0x4000, $0x38;
	[tilespmem:$0x4080] =	vst v63  }
0x54: {  	_ =	swait.ge [sflag:s8], $0x4000  }
0x55: {  	[sflag:s8] =	ssyncset.done $0x0  }
0x56: {  	[sflag:s8] =	ssyncadd.s32 $0xFFFFC000  }
0x57: {  	_ =	sfence.sel $0x180000  }
0x58: {  	[bflag:$0x0] =	sbarrier.arrive $0xFFFF  }
0x59: {  	p0 =	sne.s32 s1, $0x0;
	_ =	strace $0x9000005F  }
0x5a: {  	s0 =	sadd.s32 @!p0 $0x100000, s0;
	[bflag:$0x2] =	sbarrier.arrive $0xFFFF  }
0x5b: {  	[sflag:s0] =	ssyncadd.tile.s32 @!p0 $0x1;
	_ =	shalt  }
.Lfunc_end2:
_tile_overlayer_lowered:
.L_overlay_start_2:
0x5c: {  	(tag) =	ssettag $0x2  }
0x5d: {  	s0 =	rddreg [dreg:$0x0];
	s2 =	stileid.u32  }
0x5e: {  	s1 =	rddreg [dreg:$0x1];
	p0 =	sne.s32 s2, $0x0  }
0x5f: {  	s3 =	rddreg [dreg:$0x2];
	[bflag:$0x3] =	sbarrier.arrive $0xFFFF;
	s2 =	simm.s32 @!p0 $0x1C02  }
0x60: {  	[timem:s3], [sflag:s2] =	dma.local @!p0 [hbm:s0], s1  }
0x61: {  	s0 =	simm.s32 @!p0 $0x2  }
0x62: {  	_ =	swait.ge @!p0 [sflag:s0], s1  }
0x63: {  	s1 =	ssub.s32 @!p0 $0x0, s1;
	[sflag:s0] =	ssyncset.done @!p0 $0x0  }
0x64: {  	[sflag:s0] =	ssyncadd.s32 @!p0 s1  }
0x65: {  	[bflag:$0x3] =	sbarrier.arrive $0xFFFF  }
0x66: {  	_ =	shalt  }

// kernel: kernel.42.cloned.1.call-start
scs
__scs_entry_jumppad:
0x0: {  	(pc) =	sbr.rel $0x88, $3  }
0x1: {  	(tag) =	ssettag $0x0;
	lr =	simm.s32 $0x1  }
0x2: {  	[smem:$0x3F6A] =	sst lr;
	_ =	strace $0xD0000000  }
0x3: {  	_ = 	snop  }
0x4: {  	_ = 	snop  }
0x5: {  	_ = 	snop  }
0x6: {  	_ = 	snop  }
0x7: {  	_ = 	snop  }
__scs_overlays_trampoline_lowered:
0x8: {  	[smem:$0x3F79] =	sst s0  }
0x9: {  	[smem:$0x3F7A] =	sst s1  }
0xa: {  	[smem:$0x3F7B] =	sst s2  }
0xb: {  	[smem:$0x3F7C] =	sst s3  }
0xc: {  	[smem:$0x3F7D] =	sst s4  }
0xd: {  	[smem:$0x3F7E] =	sst s5  }
0xe: {  	[smem:$0x3F7F] =	sst s6  }
0xf: {  	[smem:$0x3F80] =	sst s7  }
0x10: {  	[smem:$0x3F81] =	sst s8  }
0x11: {  	[smem:$0x3F82] =	sst s9;
	s0 =	simm.s32 @!p0 $0x0  }
0x12: {  	s1 =	sld [smem:$0x3F68];
	s0 =	simm.s32 @p0 $0x1  }
0x13: {  	[smem:$0x3F83] =	sst s0;
	s0 =	simm.s32 @!p1 $0x0  }
0x14: {  	s2 =	sld [smem:$0x3F67];
	s0 =	simm.s32 @p1 $0x1  }
0x15: {  	[smem:$0x3F84] =	sst s0;
	s0 =	simm.s32 @!p2 $0x0  }
0x16: {  	s3 =	sld [smem:$0x3FDB];
	s0 =	simm.s32 @p2 $0x1  }
0x17: {  	s4 =	simm.s32 $0x1BF5;
	[smem:$0x3F86] =	sst s0  }
0x18: {  	s0 =	sld [smem:$0x3F69];
	_ =	swait.ge [sflag:s4], $0x0  }
0x19: {  	s7 =	sld [smem:$0x3F6A]  }
0x1a: {  	s8 =	sadd.s32 $0xFFFFE003, lr  }
0x1b: {  	s9 =	sadd.s32 $0xFFFFFEF7, lr;
	s5 =	simm.s32 $0xFFFFFFFF;
	p2 =	slt.u32 s8, $0xFFFFF086  }
0x1c: {  	p1 =	slt.u32 s9, $0xF7A;
	s5 =	simm.s32 @!p2 $0x0  }
0x1d: {  	s5 =	simm.s32 @p1 $0x1;
	p0 =	seq.s32 s7, s2  }
0x1e: {  	s7 =	smul.u32 @!p0 $0xF7A, s2;
	p2 =	seq.s32 @!p0 s5, $0x0  }
0x1f: {  	s9 =	smul.u32 $0xF7A, s1;
	s8 =	simm.s32 @!p0 $0x1BF5;
	p2 =	por !p2, p0  }
0x20: {  	[sflag:s8] =	ssyncset.s32 @!p0 $0xFFFFF086;
	s6 =	sadd.s32 @!p0 s3, s7;
	s7 =	simm.s32 @!p0 $0x108  }
0x21: {  	s3 =	sadd.s32 s3, s9;
	s6 =	sadd.s32 @!p0 $0x88, s6;
	s7 =	simm.s32 @p2 $0x1082  }
0x22: {  	[simem:s7], [sflag:s8] =	dma.local @!p0 [hbm:s6], $0xF7A  }
0x23: {  	s9 =	sor.u32 $0xD0000000, s2;
	s6 =	simm.s32 $0x108;
	_ =	swait.ge @!p0 [sflag:s8], $0x0  }
0x24: {  	s3 =	sadd.s32 $0x88, s3;
	s6 =	simm.s32 @!p1 $0x1082;
	[sflag:s4] =	ssyncset.s32 $0xFFFFF086  }
0x25: {  	[simem:s6], [sflag:s4] =	dma.local [hbm:s3], $0xF7A  }
0x26: {  	[smem:$0x3F6A] =	sst s1;
	(tag) =	ssettag s2;
	_ =	strace s9  }
0x27: {  	s1 =	sld [smem:$0x3F7A]  }
0x28: {  	s2 =	sld [smem:$0x3F7B]  }
0x29: {  	s4 =	sld [smem:$0x3F7D]  }
0x2a: {  	p0 =	seq.s32 s5, $0x0;
	s5 =	sld [smem:$0x3F7E]  }
0x2b: {  	s6 =	sld [smem:$0x3F7F]  }
0x2c: {  	s7 =	sld [smem:$0x3F80]  }
0x2d: {  	s3 =	simm.s32 $0x108;
	s8 =	sld [smem:$0x3F81]  }
0x2e: {  	s3 =	simm.s32 @!p0 $0x1082;
	s9 =	sld [smem:$0x3F82]  }
0x2f: {  	lr =	sadd.s32 s0, s3;
	s0 =	sld [smem:$0x3F79]  }
0x30: {  	s3 =	sld [smem:$0x3F7C]  }
0x31: {  	[smem:$0x3F85] =	sst s10  }
0x32: {  	s10 =	sld [smem:$0x3F83];
	_ =	sdelay $0x3  }
0x33: {  	p0 =	seq.s32 s10, $0x1;
	s10 =	sld [smem:$0x3F85];
	_ =	sdelay $0x3  }
0x34: {  	[smem:$0x3F85] =	sst s10  }
0x35: {  	s10 =	sld [smem:$0x3F84];
	_ =	sdelay $0x3  }
0x36: {  	p1 =	seq.s32 s10, $0x1;
	s10 =	sld [smem:$0x3F85];
	_ =	sdelay $0x3  }
0x37: {  	[smem:$0x3F85] =	sst s10  }
0x38: {  	s10 =	sld [smem:$0x3F86]  }
0x39: {  	_ = 	snop;
	(pc) =	sbr.ind lr, $3  }
0x3a: {  	_ = 	snop  }
0x3b: {  	_ = 	snop  }
0x3c: {  	p2 =	seq.s32 s10, $0x1;
	s10 =	sld [smem:$0x3F85]  }
0x3d: {  	_ =	shalt  }
0x3e: {  	_ =	shalt  }
0x3f: {  	_ =	shalt  }
0x40: {  	_ =	shalt  }
0x41: {  	_ =	shalt  }
0x42: {  	_ =	shalt  }
0x43: {  	_ =	shalt  }
0x44: {  	_ =	shalt  }
0x45: {  	_ =	shalt  }
0x46: {  	_ =	shalt  }
0x47: {  	_ =	shalt  }
0x48: {  	_ =	shalt  }
0x49: {  	_ =	shalt  }
0x4a: {  	_ =	shalt  }
0x4b: {  	_ =	shalt  }
0x4c: {  	_ =	shalt  }
0x4d: {  	_ =	shalt  }
0x4e: {  	_ =	shalt  }
0x4f: {  	_ =	shalt  }
0x50: {  	_ =	shalt  }
0x51: {  	_ =	shalt  }
0x52: {  	_ =	shalt  }
0x53: {  	_ =	shalt  }
0x54: {  	_ =	shalt  }
0x55: {  	_ =	shalt  }
0x56: {  	_ =	shalt  }
0x57: {  	_ =	shalt  }
0x58: {  	_ =	shalt  }
0x59: {  	_ =	shalt  }
0x5a: {  	_ =	shalt  }
0x5b: {  	_ =	shalt  }
0x5c: {  	_ =	shalt  }
0x5d: {  	_ =	shalt  }
0x5e: {  	_ =	shalt  }
0x5f: {  	_ =	shalt  }
0x60: {  	_ =	shalt  }
0x61: {  	_ =	shalt  }
0x62: {  	_ =	shalt  }
0x63: {  	_ =	shalt  }
0x64: {  	_ =	shalt  }
0x65: {  	_ =	shalt  }
0x66: {  	_ =	shalt  }
0x67: {  	_ =	shalt  }
0x68: {  	_ =	shalt  }
0x69: {  	_ =	shalt  }
0x6a: {  	_ =	shalt  }
0x6b: {  	_ =	shalt  }
0x6c: {  	_ =	shalt  }
0x6d: {  	_ =	shalt  }
0x6e: {  	_ =	shalt  }
0x6f: {  	_ =	shalt  }
0x70: {  	_ =	shalt  }
0x71: {  	_ =	shalt  }
0x72: {  	_ =	shalt  }
0x73: {  	_ =	shalt  }
0x74: {  	_ =	shalt  }
0x75: {  	_ =	shalt  }
0x76: {  	_ =	shalt  }
0x77: {  	_ =	shalt  }
0x78: {  	_ =	shalt  }
0x79: {  	_ =	shalt  }
0x7a: {  	_ =	shalt  }
0x7b: {  	_ =	shalt  }
0x7c: {  	_ =	shalt  }
0x7d: {  	_ =	shalt  }
0x7e: {  	_ =	shalt  }
0x7f: {  	_ =	shalt  }
0x80: {  	_ =	shalt  }
0x81: {  	_ =	shalt  }
0x82: {  	_ =	shalt  }
0x83: {  	_ =	shalt  }
0x84: {  	_ =	shalt  }
0x85: {  	_ =	shalt  }
0x86: {  	_ =	shalt  }
0x87: {  	_ =	shalt  }
.Lfunc_end0:
.L_simem_size_0:
called_computation.9_lowered:
.L_overlay_start_0:
0x88: {  	s2 =	sld [smem:$0x3FD9]  }
0x89: {  	s3 =	sld [smem:$0x3FFE];
	_ =	sdelay $0x1  }
0x8a: {  	s1 =	srdreg.scid  }
0x8b: {  	s0 =	sand.u32 $0x1, s1  }
0x8c: {  	s16 =	sshll.u32 s0, $0xA;
	s2 =	sadd.s32 s3, s2  }
0x8d: {  	s2 =	sadd.s32 s2, s16  }
0x8e: {  	[smem:$0x3F91] =	sst s2  }
0x8f: {  	_ = 	snop  }
0x90: {  	(tm) =	ssettm $0x1  }
0x91: {  	s17 =	sld [smem:$0x3FFB];
	_ =	sdelay $0x3  }
0x92: {  	_ =	strace s17  }
0x93: {  	s2 =	sld [smem:$0x3FFC];
	_ =	sdelay $0x3  }
0x94: {  	_ =	strace s2  }
0x95: {  	s2 =	sld [smem:$0x3FFD];
	_ =	sdelay $0x3  }
0x96: {  	_ =	strace s2  }
0x97: {  	_ =	strace $0x8FFFFFFF  }
0x98: {  	s18 =	sld [smem:$0x3FDB];
	_ =	sdelay $0x1  }
0x99: {  	s19 =	simm.s32 $_scs_section_size  }
0x9a: {  	s4 =	simm.s32 $_size__tile_overlayer_lowered;
	s5 =	simm.s32 $_tile_overlayer_lowered  }
0x9b: {  	s22 =	simm.s32 $0x1BFF;
	s21 =	sshll.u32 s5, $0x1;
	s2 =	sadd.s32 s19, s18  }
0x9c: {  	s6 =	simm.s32 $0x0;
	s20 =	sshll.u32 s4, $0x1;
	s4 =	sadd.s32 s21, s2  }
0x9d: {  	[timem:s6], [sflag:s22] =	dma.local [hbm:s4], s20  }
0x9e: {  	_ =	swait.ge [sflag:s22], s20  }
0x9f: {  	s3 =	ssub.s32 $0x0, s20;
	[sflag:s22] =	ssyncset.done $0x0  }
0xa0: {  	[sflag:s22] =	ssyncadd.s32 s3;
	_ =	sdelay $0x1  }
0xa1: {  	s23 =	simm.s32 $0x1B8B  }
0xa2: {  	_ =	swait.ge [sflag:s23], $0x1  }
0xa3: {  	[sflag:s23] =	ssyncset.done $0x0  }
0xa4: {  	s25 =	simm.s32 $0x1B8E;
	s24 =	sld [smem:$0x3FFE];
	[sflag:s23] =	ssyncadd.s32 $0xFFFFFFFF  }
0xa5: {  	s26 =	simm.s32 $execute0_lowered;
	[smem:$0x3FD2] =	sst s25  }
0xa6: {  	s4 =	sshll.u32 s26, $0x1;
	_ =	strace $0x80000061;
	[dreg:$0x1] =	wrdreg $0xFFFFFFFF  }
0xa7: {  	s28 =	simm.s32 $_size_execute0_lowered;
	s2 =	sadd.s32 s2, s4;
	[dreg:$0x0] =	wrdreg $0x0  }
0xa8: {  	s4 =	sshll.u32 s28, $0x1;
	[dreg:$0x2] =	wrdreg s2  }
0xa9: {  	[dreg:$0x3] =	wrdreg s4  }
0xaa: {  	[dreg:$0x4] =	wrdreg $0xC0  }
0xab: {  	_ =	task [dreg:s6], $0x5FFFF  }
0xac: {  	[dreg:$0x1] =	wrdreg $0xFFFFFFFF  }
0xad: {  	[dreg:$0x0] =	wrdreg $0x60  }
0xae: {  	[dreg:$0x2] =	wrdreg s24  }
0xaf: {  	[dreg:$0x3] =	wrdreg $0x9  }
0xb0: {  	_ =	task.clear_ibuf [dreg:s6], $0x4FFFF;
	_ =	strace $0x90000061  }
0xb1: {  	s29 =	simm.s32 $0x9;
	_ =	strace $0x80000063  }
0xb2: {  	_ =	swait.ge [sflag:s29], $0x1  }
0xb3: {  	[sflag:s29] =	ssyncadd.s32 $0xFFFFFFFF  }
0xb4: {  	_ =	strace $0x90000063  }
0xb5: {  	_ =	sfence  }
0xb6: {  	s30 =	sld [smem:$0x0];
	_ =	sdelay $0x2  }
0xb7: {  	s31 =	sshll.u32 s1, $0xD;
	s1 =	sshrl.u32 s1, $0x2  }
0xb8: {  	s3 =	sand.u32 $0x4000, s31;
	s1 =	sadd.s32 s1, s30  }
0xb9: {  	s0 =	sor.u32 s3, s0;
	s1 =	sshll.u32 s1, $0x11  }
0xba: {  	s0 =	sor.u32 s1, s0  }
0xbb: {  	s0 =	sadd.s32 $0x8F2B, s0  }
0xbc: {  	[sflag:s0] =	ssyncadd.remote.s32 $0x1  }
0xbd: {  	_ =	sfence.sel $0xFFFF  }
0xbe: {  	[dreg:$0x0] =	wrdreg $0xFFFFFFFF;
	(pc) =	sbr.abs _section_cstart, $3  }
0xbf: {  	[dreg:$0x1] =	wrdreg $0xFFFFFFFF  }
0xc0: {  	_ =	task.clear_ibuf [dreg:s6], $0x2FFFF;
	_ =	strace $0x9FFFFFFF  }
0xc1: {  	(tm) =	ssettm $0x7FFFFFFF  }
tec
execute0_lowered:
.L_overlay_start_1:
0x0: {  	(tag) =	ssettag $0x1  }
0x1: {  	s4 =	rddreg [dreg:$0x0]  }
0x2: {  	s0 =	rddreg [dreg:$0x1];
	s2 =	simm.s32 $0x0;
	s1 =	stileid.u32  }
0x3: {  	s3 =	srdreg.scid;
	s10 =	simm.s32 $0x0;
	s6 =	smul.u32 $0x1900, s1  }
0x4: {  	[smem:$0x7FF] =	sst s2;
	s5 =	sand.u32 $0x1, s3;
	s8 =	smul.u32 $0x19000, s1  }
0x5: {  	s3 =	sadd.s32 $0x634200, s4;
	s7 =	smul.u32 $0xC80, s5;
	s9 =	ssub.s32 $0x2, s5  }
0x6: {  	_ =	strace $0x80000062;
	s5 =	smul.u32 $0xC800, s5;
	s31 =	sshrl.u32 s9, $0x1  }
0x7: {  	s8 =	sadd.s32 s8, s4;
	s6 =	sadd.s32 s7, s6;
	s7 =	ssub.s32 s9, s31  }
0x8: {  	s5 =	sadd.s32 s5, s8;
	s8 =	simm.s32 $0x80;
	s6 =	sshrl.u32 s6, $0x3  }
0x9: {  	s9 =	simm.s32 $0x1;
	s5 =	sadd.s32 $0x95A600, s5;
	s6 =	sadd.s32 s6, s4  }
0xa: {  	s4 =	smax.u32 s7, $0x1;
	s7 =	simm.s32 $0x2;
	s6 =	sadd.s32 $0x631000, s6  }
.LBB2_1:
0xb: {  	s11 =	sadd.s32 $0x0, s6  }
0xc: {  	[tilespmem:s2], [sflag:$0x2] =	stream.linear.gather [hbm4b:s11+s2], $0x80, $0x38;
	[tilespmem:$0x4080] =	vst v63  }
0xd: {  	_ =	swait.ge [sflag:s7], $0x80  }
0xe: {  	[sflag:s7] =	ssyncset.done $0x0  }
0xf: {  	[sflag:s7] =	ssyncadd.s32 $0xFFFFFF80  }
0x10: {  	[tilespmem:s8], [sflag:$0x1] =	stream.indirect.gather [hbm4b:s3+s8], $0x80, s2, s8, $0xb8;
	[tilespmem:$0x4080] =	vst v63  }
0x11: {  	_ =	swait.ge [sflag:s9], $0x4000  }
0x12: {  	[sflag:s9] =	ssyncset.done $0x0  }
0x13: {  	[sflag:s9] =	ssyncadd.s32 $0xFFFFC000  }
0x14: {  	[hbm4b:s5+s2] =	stream.linear.scatter [tilespmem:s8], [sflag:$0x2], $0x4000, $0x38;
	[tilespmem:$0x4080] =	vst v63  }
0x15: {  	s12 =	simm.s32 $0x10;
	_ =	swait.ge [sflag:s7], $0x4000  }
0x16: {  	s13 =	simm.s32 $0x20;
	s11 =	sadd.s32 $0x800, s5;
	[sflag:s7] =	ssyncset.done $0x0  }
.LBB2_2:
0x17: {  	s14 =	sadd.s32 s12, s6  }
0x18: {  	[sflag:s7] =	ssyncadd.s32 $0xFFFFC000;
	s12 =	smov.u32 s13;
	s15 =	sadd.s32 $0x10, s13  }
0x19: {  	[tilespmem:s2], [sflag:$0x2] =	stream.linear.gather [hbm4b:s14+s2], $0x80, $0x38;
	[tilespmem:$0x4080] =	vst v63  }
0x1a: {  	p0 =	sne.s32 s13, $0x180;
	_ =	swait.ge [sflag:s7], $0x80  }
0x1b: {  	[sflag:s7] =	ssyncset.done $0x0  }
0x1c: {  	[sflag:s7] =	ssyncadd.s32 $0xFFFFFF80  }
0x1d: {  	[tilespmem:s8], [sflag:$0x1] =	stream.indirect.gather [hbm4b:s3+s8], $0x80, s2, s8, $0xb8;
	[tilespmem:$0x4080] =	vst v63  }
0x1e: {  	_ =	swait.ge [sflag:s9], $0x4000  }
.Ltmp0:
0x1f: {  	[sflag:s9] =	ssyncset.done $0x0;
	(pc) =	sbr.rel @p0 .LBB2_2-.Ltmp0, $4  }
0x20: {  	[sflag:s9] =	ssyncadd.s32 $0xFFFFC000  }
0x21: {  	[hbm4b:s11+s2] =	stream.linear.scatter [tilespmem:s8], [sflag:$0x2], $0x4000, $0x38;
	[tilespmem:$0x4080] =	vst v63  }
0x22: {  	_ =	swait.ge [sflag:s7], $0x4000  }
0x23: {  	s13 =	smov.u32 s15;
	s11 =	sadd.s32 $0x800, s11;
	[sflag:s7] =	ssyncset.done $0x0  }
0x24: {  	s12 =	sadd.s32 s12, s6;
	[sflag:s7] =	ssyncadd.s32 $0xFFFFC000  }
0x25: {  	[tilespmem:s2], [sflag:$0x2] =	stream.linear.gather [hbm4b:s12+s2], $0x80, $0x38;
	[tilespmem:$0x4080] =	vst v63  }
0x26: {  	_ =	swait.ge [sflag:s7], $0x80  }
0x27: {  	[sflag:s7] =	ssyncset.done $0x0  }
0x28: {  	[sflag:s7] =	ssyncadd.s32 $0xFFFFFF80  }
0x29: {  	[tilespmem:s8], [sflag:$0x1] =	stream.indirect.gather [hbm4b:s3+s8], $0x80, s2, s8, $0xb8;
	[tilespmem:$0x4080] =	vst v63  }
0x2a: {  	s10 =	sadd.s32 $0x1, s10;
	_ =	swait.ge [sflag:s9], $0x4000  }
0x2b: {  	p0 =	sne.s32 s10, s4;
	[sflag:s9] =	ssyncset.done $0x0  }
.Ltmp1:
0x2c: {  	[sflag:s9] =	ssyncadd.s32 $0xFFFFC000;
	(pc) =	sbr.rel @p0 .LBB2_1-.Ltmp1, $4  }
0x2d: {  	[hbm4b:s11+s2] =	stream.linear.scatter [tilespmem:s8], [sflag:$0x2], $0x4000, $0x38;
	[tilespmem:$0x4080] =	vst v63  }
0x2e: {  	_ =	swait.ge [sflag:s7], $0x4000  }
0x2f: {  	[sflag:s7] =	ssyncset.done $0x0  }
0x30: {  	[sflag:s7] =	ssyncadd.s32 $0xFFFFC000  }
0x31: {  	_ =	sfence.sel $0x180000  }
0x32: {  	[bflag:$0x0] =	sbarrier.arrive $0xFFFF  }
0x33: {  	p0 =	sne.s32 s1, $0x0;
	_ =	strace $0x90000062  }
0x34: {  	s0 =	sadd.s32 @!p0 $0x100000, s0;
	[bflag:$0x2] =	sbarrier.arrive $0xFFFF  }
0x35: {  	[sflag:s0] =	ssyncadd.tile.s32 @!p0 $0x1;
	_ =	shalt  }
.Lfunc_end2:
_tile_overlayer_lowered:
.L_overlay_start_2:
0x36: {  	(tag) =	ssettag $0x2  }
0x37: {  	s0 =	rddreg [dreg:$0x0];
	s2 =	stileid.u32  }
0x38: {  	s1 =	rddreg [dreg:$0x1];
	p0 =	sne.s32 s2, $0x0  }
0x39: {  	s3 =	rddreg [dreg:$0x2];
	[bflag:$0x3] =	sbarrier.arrive $0xFFFF;
	s2 =	simm.s32 @!p0 $0x1C02  }
0x3a: {  	[timem:s3], [sflag:s2] =	dma.local @!p0 [hbm:s0], s1  }
0x3b: {  	s0 =	simm.s32 @!p0 $0x2  }
0x3c: {  	_ =	swait.ge @!p0 [sflag:s0], s1  }
0x3d: {  	s1 =	ssub.s32 @!p0 $0x0, s1;
	[sflag:s0] =	ssyncset.done @!p0 $0x0  }
0x3e: {  	[sflag:s0] =	ssyncadd.s32 @!p0 s1  }
0x3f: {  	[bflag:$0x3] =	sbarrier.arrive $0xFFFF  }
0x40: {  	_ =	shalt  }

// kernel: kernel.45.cloned.1.call-start
scs
__scs_entry_jumppad:
0x0: {  	(pc) =	sbr.rel $0x88, $3  }
0x1: {  	(tag) =	ssettag $0x0;
	lr =	simm.s32 $0x1  }
0x2: {  	[smem:$0x3F6A] =	sst lr;
	_ =	strace $0xD0000000  }
0x3: {  	_ = 	snop  }
0x4: {  	_ = 	snop  }
0x5: {  	_ = 	snop  }
0x6: {  	_ = 	snop  }
0x7: {  	_ = 	snop  }
__scs_overlays_trampoline_lowered:
0x8: {  	[smem:$0x3F79] =	sst s0  }
0x9: {  	[smem:$0x3F7A] =	sst s1  }
0xa: {  	[smem:$0x3F7B] =	sst s2  }
0xb: {  	[smem:$0x3F7C] =	sst s3  }
0xc: {  	[smem:$0x3F7D] =	sst s4  }
0xd: {  	[smem:$0x3F7E] =	sst s5  }
0xe: {  	[smem:$0x3F7F] =	sst s6  }
0xf: {  	[smem:$0x3F80] =	sst s7  }
0x10: {  	[smem:$0x3F81] =	sst s8  }
0x11: {  	[smem:$0x3F82] =	sst s9;
	s0 =	simm.s32 @!p0 $0x0  }
0x12: {  	s1 =	sld [smem:$0x3F68];
	s0 =	simm.s32 @p0 $0x1  }
0x13: {  	[smem:$0x3F83] =	sst s0;
	s0 =	simm.s32 @!p1 $0x0  }
0x14: {  	s2 =	sld [smem:$0x3F67];
	s0 =	simm.s32 @p1 $0x1  }
0x15: {  	[smem:$0x3F84] =	sst s0;
	s0 =	simm.s32 @!p2 $0x0  }
0x16: {  	s3 =	sld [smem:$0x3FDB];
	s0 =	simm.s32 @p2 $0x1  }
0x17: {  	s4 =	simm.s32 $0x1BF5;
	[smem:$0x3F86] =	sst s0  }
0x18: {  	s0 =	sld [smem:$0x3F69];
	_ =	swait.ge [sflag:s4], $0x0  }
0x19: {  	s7 =	sld [smem:$0x3F6A]  }
0x1a: {  	s8 =	sadd.s32 $0xFFFFE003, lr  }
0x1b: {  	s9 =	sadd.s32 $0xFFFFFEF7, lr;
	s5 =	simm.s32 $0xFFFFFFFF;
	p2 =	slt.u32 s8, $0xFFFFF086  }
0x1c: {  	p1 =	slt.u32 s9, $0xF7A;
	s5 =	simm.s32 @!p2 $0x0  }
0x1d: {  	s5 =	simm.s32 @p1 $0x1;
	p0 =	seq.s32 s7, s2  }
0x1e: {  	s7 =	smul.u32 @!p0 $0xF7A, s2;
	p2 =	seq.s32 @!p0 s5, $0x0  }
0x1f: {  	s9 =	smul.u32 $0xF7A, s1;
	s8 =	simm.s32 @!p0 $0x1BF5;
	p2 =	por !p2, p0  }
0x20: {  	[sflag:s8] =	ssyncset.s32 @!p0 $0xFFFFF086;
	s6 =	sadd.s32 @!p0 s3, s7;
	s7 =	simm.s32 @!p0 $0x108  }
0x21: {  	s3 =	sadd.s32 s3, s9;
	s6 =	sadd.s32 @!p0 $0x88, s6;
	s7 =	simm.s32 @p2 $0x1082  }
0x22: {  	[simem:s7], [sflag:s8] =	dma.local @!p0 [hbm:s6], $0xF7A  }
0x23: {  	s9 =	sor.u32 $0xD0000000, s2;
	s6 =	simm.s32 $0x108;
	_ =	swait.ge @!p0 [sflag:s8], $0x0  }
0x24: {  	s3 =	sadd.s32 $0x88, s3;
	s6 =	simm.s32 @!p1 $0x1082;
	[sflag:s4] =	ssyncset.s32 $0xFFFFF086  }
0x25: {  	[simem:s6], [sflag:s4] =	dma.local [hbm:s3], $0xF7A  }
0x26: {  	[smem:$0x3F6A] =	sst s1;
	(tag) =	ssettag s2;
	_ =	strace s9  }
0x27: {  	s1 =	sld [smem:$0x3F7A]  }
0x28: {  	s2 =	sld [smem:$0x3F7B]  }
0x29: {  	s4 =	sld [smem:$0x3F7D]  }
0x2a: {  	p0 =	seq.s32 s5, $0x0;
	s5 =	sld [smem:$0x3F7E]  }
0x2b: {  	s6 =	sld [smem:$0x3F7F]  }
0x2c: {  	s7 =	sld [smem:$0x3F80]  }
0x2d: {  	s3 =	simm.s32 $0x108;
	s8 =	sld [smem:$0x3F81]  }
0x2e: {  	s3 =	simm.s32 @!p0 $0x1082;
	s9 =	sld [smem:$0x3F82]  }
0x2f: {  	lr =	sadd.s32 s0, s3;
	s0 =	sld [smem:$0x3F79]  }
0x30: {  	s3 =	sld [smem:$0x3F7C]  }
0x31: {  	[smem:$0x3F85] =	sst s10  }
0x32: {  	s10 =	sld [smem:$0x3F83];
	_ =	sdelay $0x3  }
0x33: {  	p0 =	seq.s32 s10, $0x1;
	s10 =	sld [smem:$0x3F85];
	_ =	sdelay $0x3  }
0x34: {  	[smem:$0x3F85] =	sst s10  }
0x35: {  	s10 =	sld [smem:$0x3F84];
	_ =	sdelay $0x3  }
0x36: {  	p1 =	seq.s32 s10, $0x1;
	s10 =	sld [smem:$0x3F85];
	_ =	sdelay $0x3  }
0x37: {  	[smem:$0x3F85] =	sst s10  }
0x38: {  	s10 =	sld [smem:$0x3F86]  }
0x39: {  	_ = 	snop;
	(pc) =	sbr.ind lr, $3  }
0x3a: {  	_ = 	snop  }
0x3b: {  	_ = 	snop  }
0x3c: {  	p2 =	seq.s32 s10, $0x1;
	s10 =	sld [smem:$0x3F85]  }
0x3d: {  	_ =	shalt  }
0x3e: {  	_ =	shalt  }
0x3f: {  	_ =	shalt  }
0x40: {  	_ =	shalt  }
0x41: {  	_ =	shalt  }
0x42: {  	_ =	shalt  }
0x43: {  	_ =	shalt  }
0x44: {  	_ =	shalt  }
0x45: {  	_ =	shalt  }
0x46: {  	_ =	shalt  }
0x47: {  	_ =	shalt  }
0x48: {  	_ =	shalt  }
0x49: {  	_ =	shalt  }
0x4a: {  	_ =	shalt  }
0x4b: {  	_ =	shalt  }
0x4c: {  	_ =	shalt  }
0x4d: {  	_ =	shalt  }
0x4e: {  	_ =	shalt  }
0x4f: {  	_ =	shalt  }
0x50: {  	_ =	shalt  }
0x51: {  	_ =	shalt  }
0x52: {  	_ =	shalt  }
0x53: {  	_ =	shalt  }
0x54: {  	_ =	shalt  }
0x55: {  	_ =	shalt  }
0x56: {  	_ =	shalt  }
0x57: {  	_ =	shalt  }
0x58: {  	_ =	shalt  }
0x59: {  	_ =	shalt  }
0x5a: {  	_ =	shalt  }
0x5b: {  	_ =	shalt  }
0x5c: {  	_ =	shalt  }
0x5d: {  	_ =	shalt  }
0x5e: {  	_ =	shalt  }
0x5f: {  	_ =	shalt  }
0x60: {  	_ =	shalt  }
0x61: {  	_ =	shalt  }
0x62: {  	_ =	shalt  }
0x63: {  	_ =	shalt  }
0x64: {  	_ =	shalt  }
0x65: {  	_ =	shalt  }
0x66: {  	_ =	shalt  }
0x67: {  	_ =	shalt  }
0x68: {  	_ =	shalt  }
0x69: {  	_ =	shalt  }
0x6a: {  	_ =	shalt  }
0x6b: {  	_ =	shalt  }
0x6c: {  	_ =	shalt  }
0x6d: {  	_ =	shalt  }
0x6e: {  	_ =	shalt  }
0x6f: {  	_ =	shalt  }
0x70: {  	_ =	shalt  }
0x71: {  	_ =	shalt  }
0x72: {  	_ =	shalt  }
0x73: {  	_ =	shalt  }
0x74: {  	_ =	shalt  }
0x75: {  	_ =	shalt  }
0x76: {  	_ =	shalt  }
0x77: {  	_ =	shalt  }
0x78: {  	_ =	shalt  }
0x79: {  	_ =	shalt  }
0x7a: {  	_ =	shalt  }
0x7b: {  	_ =	shalt  }
0x7c: {  	_ =	shalt  }
0x7d: {  	_ =	shalt  }
0x7e: {  	_ =	shalt  }
0x7f: {  	_ =	shalt  }
0x80: {  	_ =	shalt  }
0x81: {  	_ =	shalt  }
0x82: {  	_ =	shalt  }
0x83: {  	_ =	shalt  }
0x84: {  	_ =	shalt  }
0x85: {  	_ =	shalt  }
0x86: {  	_ =	shalt  }
0x87: {  	_ =	shalt  }
.Lfunc_end0:
.L_simem_size_0:
called_computation.10_lowered:
.L_overlay_start_0:
0x88: {  	s2 =	sld [smem:$0x3FD9]  }
0x89: {  	s3 =	sld [smem:$0x3FFE];
	_ =	sdelay $0x1  }
0x8a: {  	s1 =	srdreg.scid  }
0x8b: {  	s0 =	sand.u32 $0x1, s1  }
0x8c: {  	s16 =	sshll.u32 s0, $0xA;
	s2 =	sadd.s32 s3, s2  }
0x8d: {  	s2 =	sadd.s32 s2, s16  }
0x8e: {  	[smem:$0x3F91] =	sst s2  }
0x8f: {  	_ = 	snop  }
0x90: {  	(tm) =	ssettm $0x1  }
0x91: {  	s17 =	sld [smem:$0x3FFB];
	_ =	sdelay $0x3  }
0x92: {  	_ =	strace s17  }
0x93: {  	s2 =	sld [smem:$0x3FFC];
	_ =	sdelay $0x3  }
0x94: {  	_ =	strace s2  }
0x95: {  	s2 =	sld [smem:$0x3FFD];
	_ =	sdelay $0x3  }
0x96: {  	_ =	strace s2  }
0x97: {  	_ =	strace $0x8FFFFFFF  }
0x98: {  	s18 =	sld [smem:$0x3FDB];
	_ =	sdelay $0x1  }
0x99: {  	s19 =	simm.s32 $_scs_section_size  }
0x9a: {  	s4 =	simm.s32 $_size__tile_overlayer_lowered;
	s5 =	simm.s32 $_tile_overlayer_lowered  }
0x9b: {  	s22 =	simm.s32 $0x1BFF;
	s21 =	sshll.u32 s5, $0x1;
	s2 =	sadd.s32 s19, s18  }
0x9c: {  	s6 =	simm.s32 $0x0;
	s20 =	sshll.u32 s4, $0x1;
	s4 =	sadd.s32 s21, s2  }
0x9d: {  	[timem:s6], [sflag:s22] =	dma.local [hbm:s4], s20  }
0x9e: {  	_ =	swait.ge [sflag:s22], s20  }
0x9f: {  	s3 =	ssub.s32 $0x0, s20;
	[sflag:s22] =	ssyncset.done $0x0  }
0xa0: {  	[sflag:s22] =	ssyncadd.s32 s3;
	_ =	sdelay $0x1  }
0xa1: {  	s23 =	simm.s32 $0x1B8B  }
0xa2: {  	_ =	swait.ge [sflag:s23], $0x1  }
0xa3: {  	[sflag:s23] =	ssyncset.done $0x0  }
0xa4: {  	s25 =	simm.s32 $0x1B8E;
	s24 =	sld [smem:$0x3FFE];
	[sflag:s23] =	ssyncadd.s32 $0xFFFFFFFF  }
0xa5: {  	s26 =	simm.s32 $execute0_lowered;
	[smem:$0x3FD2] =	sst s25  }
0xa6: {  	s4 =	sshll.u32 s26, $0x1;
	_ =	strace $0x80000064;
	[dreg:$0x1] =	wrdreg $0xFFFFFFFF  }
0xa7: {  	s28 =	simm.s32 $_size_execute0_lowered;
	s2 =	sadd.s32 s2, s4;
	[dreg:$0x0] =	wrdreg $0x0  }
0xa8: {  	s4 =	sshll.u32 s28, $0x1;
	[dreg:$0x2] =	wrdreg s2  }
0xa9: {  	[dreg:$0x3] =	wrdreg s4  }
0xaa: {  	[dreg:$0x4] =	wrdreg $0xC0  }
0xab: {  	_ =	task [dreg:s6], $0x5FFFF  }
0xac: {  	[dreg:$0x1] =	wrdreg $0xFFFFFFFF  }
0xad: {  	[dreg:$0x0] =	wrdreg $0x60  }
0xae: {  	[dreg:$0x2] =	wrdreg s24  }
0xaf: {  	[dreg:$0x3] =	wrdreg $0x9  }
0xb0: {  	_ =	task.clear_ibuf [dreg:s6], $0x4FFFF;
	_ =	strace $0x90000064  }
0xb1: {  	s29 =	simm.s32 $0x9;
	_ =	strace $0x80000066  }
0xb2: {  	_ =	swait.ge [sflag:s29], $0x1  }
0xb3: {  	[sflag:s29] =	ssyncadd.s32 $0xFFFFFFFF  }
0xb4: {  	_ =	strace $0x90000066  }
0xb5: {  	_ =	sfence  }
0xb6: {  	s30 =	sld [smem:$0x0];
	_ =	sdelay $0x2  }
0xb7: {  	s31 =	sshll.u32 s1, $0xD;
	s1 =	sshrl.u32 s1, $0x2  }
0xb8: {  	s3 =	sand.u32 $0x4000, s31;
	s1 =	sadd.s32 s1, s30  }
0xb9: {  	s0 =	sor.u32 s3, s0;
	s1 =	sshll.u32 s1, $0x11  }
0xba: {  	s0 =	sor.u32 s1, s0  }
0xbb: {  	s0 =	sadd.s32 $0x8F2B, s0  }
0xbc: {  	[sflag:s0] =	ssyncadd.remote.s32 $0x1  }
0xbd: {  	_ =	sfence.sel $0xFFFF  }
0xbe: {  	[dreg:$0x0] =	wrdreg $0xFFFFFFFF;
	(pc) =	sbr.abs _section_cstart, $3  }
0xbf: {  	[dreg:$0x1] =	wrdreg $0xFFFFFFFF  }
0xc0: {  	_ =	task.clear_ibuf [dreg:s6], $0x2FFFF;
	_ =	strace $0x9FFFFFFF  }
0xc1: {  	(tm) =	ssettm $0x7FFFFFFF  }
tec
execute0_lowered:
.L_overlay_start_1:
0x0: {  	(tag) =	ssettag $0x1  }
0x1: {  	s4 =	rddreg [dreg:$0x0]  }
0x2: {  	s0 =	rddreg [dreg:$0x1]  }
0x3: {  	s3 =	srdreg.scid;
	s1 =	stileid.u32;
	s2 =	simm.s32 $0x0  }
0x4: {  	s10 =	simm.s32 $0x1;
	s11 =	simm.s32 $0x0;
	s6 =	smul.u32 $0x1900, s1  }
0x5: {  	s5 =	sand.u32 $0x1, s3;
	[smem:$0x7FF] =	sst s2;
	s8 =	smul.u32 $0x19000, s1  }
0x6: {  	s3 =	sadd.s32 $0x7CA600, s4;
	s7 =	smul.u32 $0xC80, s5;
	s9 =	ssub.s32 $0x2, s5  }
0x7: {  	_ =	strace $0x80000065;
	s5 =	smul.u32 $0xC800, s5;
	s31 =	sshrl.u32 s9, $0x1  }
0x8: {  	s30 =	sadd.s32 s8, s4;
	s6 =	sadd.s32 s7, s6;
	s8 =	ssub.s32 s9, s31  }
0x9: {  	s7 =	sadd.s32 s5, s30;
	s9 =	simm.s32 $0x80;
	s6 =	sshrl.u32 s6, $0x2  }
0xa: {  	s5 =	sadd.s32 $0x95A600, s7;
	s7 =	sadd.s32 $0xAEA600, s7;
	s6 =	sadd.s32 s6, s4  }
0xb: {  	s4 =	smax.u32 s8, $0x1;
	s8 =	simm.s32 $0x2;
	s6 =	sadd.s32 $0x7C4200, s6  }
.LBB2_1:
0xc: {  	s12 =	sadd.s32 $0x0, s6  }
0xd: {  	[tilespmem:s2], [sflag:$0x2] =	stream.linear.gather [hbm4b:s12+s2], $0x80, $0x38;
	[tilespmem:$0x4080] =	vst v63  }
0xe: {  	_ =	swait.ge [sflag:s8], $0x80  }
0xf: {  	[sflag:s8] =	ssyncset.done $0x0  }
0x10: {  	[sflag:s8] =	ssyncadd.s32 $0xFFFFFF80  }
0x11: {  	[tilespmem:s9], [sflag:$0x1] =	stream.indirect.gather [hbm4b:s3+s9], $0x80, s2, s9, $0xb8;
	[tilespmem:$0x4080] =	vst v63  }
0x12: {  	_ =	swait.ge [sflag:s10], $0x4000  }
0x13: {  	[sflag:s10] =	ssyncset.done $0x0  }
0x14: {  	[sflag:s10] =	ssyncadd.s32 $0xFFFFC000  }
0x15: {  	[hbm4b:s5+s2] =	stream.linear.scatter [tilespmem:s9], [sflag:$0x2], $0x4000, $0x38;
	[tilespmem:$0x4080] =	vst v63  }
0x16: {  	s13 =	simm.s32 $0x20;
	_ =	swait.ge [sflag:s8], $0x4000  }
0x17: {  	s14 =	simm.s32 $0x40;
	s12 =	sadd.s32 $0x800, s5;
	[sflag:s8] =	ssyncset.done $0x0  }
.LBB2_2:
0x18: {  	s15 =	sadd.s32 s13, s6  }
0x19: {  	[sflag:s8] =	ssyncadd.s32 $0xFFFFC000;
	s13 =	smov.u32 s14;
	s16 =	sadd.s32 $0x20, s14  }
0x1a: {  	[tilespmem:s2], [sflag:$0x2] =	stream.linear.gather [hbm4b:s15+s2], $0x80, $0x38;
	[tilespmem:$0x4080] =	vst v63  }
0x1b: {  	p0 =	sne.s32 s14, $0x300;
	_ =	swait.ge [sflag:s8], $0x80  }
0x1c: {  	[sflag:s8] =	ssyncset.done $0x0  }
0x1d: {  	[sflag:s8] =	ssyncadd.s32 $0xFFFFFF80  }
0x1e: {  	[tilespmem:s9], [sflag:$0x1] =	stream.indirect.gather [hbm4b:s3+s9], $0x80, s2, s9, $0xb8;
	[tilespmem:$0x4080] =	vst v63  }
0x1f: {  	_ =	swait.ge [sflag:s10], $0x4000  }
.Ltmp0:
0x20: {  	[sflag:s10] =	ssyncset.done $0x0;
	(pc) =	sbr.rel @p0 .LBB2_2-.Ltmp0, $4  }
0x21: {  	[sflag:s10] =	ssyncadd.s32 $0xFFFFC000  }
0x22: {  	[hbm4b:s12+s2] =	stream.linear.scatter [tilespmem:s9], [sflag:$0x2], $0x4000, $0x38;
	[tilespmem:$0x4080] =	vst v63  }
0x23: {  	_ =	swait.ge [sflag:s8], $0x4000  }
0x24: {  	s14 =	smov.u32 s16;
	s12 =	sadd.s32 $0x800, s12;
	[sflag:s8] =	ssyncset.done $0x0  }
0x25: {  	s13 =	sadd.s32 s13, s6;
	[sflag:s8] =	ssyncadd.s32 $0xFFFFC000  }
0x26: {  	[tilespmem:s2], [sflag:$0x2] =	stream.linear.gather [hbm4b:s13+s2], $0x80, $0x38;
	[tilespmem:$0x4080] =	vst v63  }
0x27: {  	_ =	swait.ge [sflag:s8], $0x80  }
0x28: {  	[sflag:s8] =	ssyncset.done $0x0  }
0x29: {  	[sflag:s8] =	ssyncadd.s32 $0xFFFFFF80  }
0x2a: {  	[tilespmem:s9], [sflag:$0x1] =	stream.indirect.gather [hbm4b:s3+s9], $0x80, s2, s9, $0xb8;
	[tilespmem:$0x4080] =	vst v63  }
0x2b: {  	_ =	swait.ge [sflag:s10], $0x4000  }
0x2c: {  	[sflag:s10] =	ssyncset.done $0x0  }
0x2d: {  	[sflag:s10] =	ssyncadd.s32 $0xFFFFC000  }
0x2e: {  	[hbm4b:s12+s2] =	stream.linear.scatter [tilespmem:s9], [sflag:$0x2], $0x4000, $0x38;
	[tilespmem:$0x4080] =	vst v63  }
0x2f: {  	_ =	swait.ge [sflag:s8], $0x4000  }
0x30: {  	[sflag:s8] =	ssyncset.done $0x0  }
0x31: {  	s31 =	sadd.s32 $0x10, s6;
	[sflag:s8] =	ssyncadd.s32 $0xFFFFC000  }
0x32: {  	[tilespmem:s2], [sflag:$0x2] =	stream.linear.gather [hbm4b:s31+s2], $0x80, $0x38;
	[tilespmem:$0x4080] =	vst v63  }
0x33: {  	_ =	swait.ge [sflag:s8], $0x80  }
0x34: {  	[sflag:s8] =	ssyncset.done $0x0  }
0x35: {  	[sflag:s8] =	ssyncadd.s32 $0xFFFFFF80  }
0x36: {  	[tilespmem:s9], [sflag:$0x1] =	stream.indirect.gather [hbm4b:s3+s9], $0x80, s2, s9, $0xb8;
	[tilespmem:$0x4080] =	vst v63  }
0x37: {  	_ =	swait.ge [sflag:s10], $0x4000  }
0x38: {  	[sflag:s10] =	ssyncset.done $0x0  }
0x39: {  	[sflag:s10] =	ssyncadd.s32 $0xFFFFC000  }
0x3a: {  	[hbm4b:s7+s2] =	stream.linear.scatter [tilespmem:s9], [sflag:$0x2], $0x4000, $0x38;
	[tilespmem:$0x4080] =	vst v63  }
0x3b: {  	s14 =	simm.s32 $0x50;
	_ =	swait.ge [sflag:s8], $0x4000  }
0x3c: {  	s13 =	simm.s32 $0x30;
	s12 =	sadd.s32 $0x800, s7;
	[sflag:s8] =	ssyncset.done $0x0  }
.LBB2_4:
0x3d: {  	s15 =	sadd.s32 s13, s6  }
0x3e: {  	[sflag:s8] =	ssyncadd.s32 $0xFFFFC000;
	s13 =	smov.u32 s14;
	s16 =	sadd.s32 $0x20, s14  }
0x3f: {  	[tilespmem:s2], [sflag:$0x2] =	stream.linear.gather [hbm4b:s15+s2], $0x80, $0x38;
	[tilespmem:$0x4080] =	vst v63  }
0x40: {  	p0 =	sne.s32 s14, $0x310;
	_ =	swait.ge [sflag:s8], $0x80  }
0x41: {  	[sflag:s8] =	ssyncset.done $0x0  }
0x42: {  	[sflag:s8] =	ssyncadd.s32 $0xFFFFFF80  }
0x43: {  	[tilespmem:s9], [sflag:$0x1] =	stream.indirect.gather [hbm4b:s3+s9], $0x80, s2, s9, $0xb8;
	[tilespmem:$0x4080] =	vst v63  }
0x44: {  	_ =	swait.ge [sflag:s10], $0x4000  }
.Ltmp1:
0x45: {  	[sflag:s10] =	ssyncset.done $0x0;
	(pc) =	sbr.rel @p0 .LBB2_4-.Ltmp1, $4  }
0x46: {  	[sflag:s10] =	ssyncadd.s32 $0xFFFFC000  }
0x47: {  	[hbm4b:s12+s2] =	stream.linear.scatter [tilespmem:s9], [sflag:$0x2], $0x4000, $0x38;
	[tilespmem:$0x4080] =	vst v63  }
0x48: {  	_ =	swait.ge [sflag:s8], $0x4000  }
0x49: {  	s14 =	smov.u32 s16;
	s12 =	sadd.s32 $0x800, s12;
	[sflag:s8] =	ssyncset.done $0x0  }
0x4a: {  	s13 =	sadd.s32 s13, s6;
	[sflag:s8] =	ssyncadd.s32 $0xFFFFC000  }
0x4b: {  	[tilespmem:s2], [sflag:$0x2] =	stream.linear.gather [hbm4b:s13+s2], $0x80, $0x38;
	[tilespmem:$0x4080] =	vst v63  }
0x4c: {  	_ =	swait.ge [sflag:s8], $0x80  }
0x4d: {  	[sflag:s8] =	ssyncset.done $0x0  }
0x4e: {  	[sflag:s8] =	ssyncadd.s32 $0xFFFFFF80  }
0x4f: {  	[tilespmem:s9], [sflag:$0x1] =	stream.indirect.gather [hbm4b:s3+s9], $0x80, s2, s9, $0xb8;
	[tilespmem:$0x4080] =	vst v63  }
0x50: {  	s11 =	sadd.s32 $0x1, s11;
	_ =	swait.ge [sflag:s10], $0x4000  }
0x51: {  	p0 =	sne.s32 s11, s4;
	[sflag:s10] =	ssyncset.done $0x0  }
.Ltmp2:
0x52: {  	[sflag:s10] =	ssyncadd.s32 $0xFFFFC000;
	(pc) =	sbr.rel @p0 .LBB2_1-.Ltmp2, $4  }
0x53: {  	[hbm4b:s12+s2] =	stream.linear.scatter [tilespmem:s9], [sflag:$0x2], $0x4000, $0x38;
	[tilespmem:$0x4080] =	vst v63  }
0x54: {  	_ =	swait.ge [sflag:s8], $0x4000  }
0x55: {  	[sflag:s8] =	ssyncset.done $0x0  }
0x56: {  	[sflag:s8] =	ssyncadd.s32 $0xFFFFC000  }
0x57: {  	_ =	sfence.sel $0x180000  }
0x58: {  	[bflag:$0x0] =	sbarrier.arrive $0xFFFF  }
0x59: {  	p0 =	sne.s32 s1, $0x0;
	_ =	strace $0x90000065  }
0x5a: {  	s0 =	sadd.s32 @!p0 $0x100000, s0;
	[bflag:$0x2] =	sbarrier.arrive $0xFFFF  }
0x5b: {  	[sflag:s0] =	ssyncadd.tile.s32 @!p0 $0x1;
	_ =	shalt  }
.Lfunc_end2:
_tile_overlayer_lowered:
.L_overlay_start_2:
0x5c: {  	(tag) =	ssettag $0x2  }
0x5d: {  	s0 =	rddreg [dreg:$0x0];
	s2 =	stileid.u32  }
0x5e: {  	s1 =	rddreg [dreg:$0x1];
	p0 =	sne.s32 s2, $0x0  }
0x5f: {  	s3 =	rddreg [dreg:$0x2];
	[bflag:$0x3] =	sbarrier.arrive $0xFFFF;
	s2 =	simm.s32 @!p0 $0x1C02  }
0x60: {  	[timem:s3], [sflag:s2] =	dma.local @!p0 [hbm:s0], s1  }
0x61: {  	s0 =	simm.s32 @!p0 $0x2  }
0x62: {  	_ =	swait.ge @!p0 [sflag:s0], s1  }
0x63: {  	s1 =	ssub.s32 @!p0 $0x0, s1;
	[sflag:s0] =	ssyncset.done @!p0 $0x0  }
0x64: {  	[sflag:s0] =	ssyncadd.s32 @!p0 s1  }
0x65: {  	[bflag:$0x3] =	sbarrier.arrive $0xFFFF  }
0x66: {  	_ =	shalt  }

</sc_bundles>
